<compile_context>
chip_gen: v7x
topology: tpu7x:2x2x1
jax: 0.10.2.dev20260603
libtpu: 0.0.44.dev20260713+nightly
codegen_flags: <defaults>
</compile_context>

<pallas_src>
import functools

import jax
import jax.numpy as jnp
from jax import lax
from jax.experimental import pallas as pl
from jax.experimental.pallas import tpu as pltpu
from jax.experimental.pallas import tpu_sc as plsc

N = 50000
E = 1600000
C = 32
EDGE_DIM = 4
H = 10

NC = 2
NS = 16
NW = NC * NS

BK = 512
SB = BK // 128
E_PAD = 1605632
EPT = E_PAD // NW
NIT = EPT // BK
E_ROWS = E_PAD // 128
RPT = EPT // 128

N_PAD = 51200
RN = N_PAD // NS

MLP_BLK = 16384
NBLK = E_PAD // MLP_BLK


def _round_bf16(v):
    return v.astype(jnp.bfloat16).astype(jnp.float32)


def _mlp_body(ea_ref, w1_ref, b1_ref, w2_ref, b2_ref, d_ref, a_ref, b_ref):
    ea = _round_bf16(ea_ref[...][:, 0])
    hs = []
    for j in range(H):
        h = b1_ref[j]
        for k in range(EDGE_DIM):
            h = h + ea[k] * _round_bf16(w1_ref[k, j])
        hs.append(_round_bf16(jnp.maximum(h, 0.0)))
    c0 = b2_ref[0]
    c1 = b2_ref[1]
    for j in range(H):
        c0 = c0 + hs[j] * _round_bf16(w2_ref[j, 0])
        c1 = c1 + hs[j] * _round_bf16(w2_ref[j, 1])
    d2 = d_ref[0] * d_ref[0]
    a_ref[...] = (jnp.tanh(c0) + d2)[None]
    b_ref[...] = (jnp.tanh(c1) - d2)[None]


def _edge_coeffs(ea_r, W1, b1, W2, b2, diff_param):
    smem = pl.BlockSpec(memory_space=pltpu.SMEM)
    return pl.pallas_call(
        _mlp_body,
        grid=(NBLK,),
        in_specs=[
            pl.BlockSpec((EDGE_DIM, 1, 8, 2048), lambda i: (0, i, 0, 0)),
            smem, smem, smem, smem, smem,
        ],
        out_specs=[
            pl.BlockSpec((1, 8, 2048), lambda i: (i, 0, 0)),
            pl.BlockSpec((1, 8, 2048), lambda i: (i, 0, 0)),
        ],
        out_shape=[
            jax.ShapeDtypeStruct((NBLK, 8, 2048), jnp.float32),
            jax.ShapeDtypeStruct((NBLK, 8, 2048), jnp.float32),
        ],
    )(ea_r, W1, b1, W2, b2, diff_param)


def _sc_body(x_hbm, src_hbm, dst_hbm, a_hbm, b_hbm, zrows_hbm, z1_hbm,
             accp_hbm, sbp_hbm,
             acc_sh, sb_sh, idx_s, idx_d, b_b, rows, a_vm, sem, sem_i, sem_s):
    cc = lax.axis_index("c")
    ss = lax.axis_index("s")
    wid = cc * NS + ss

    pltpu.sync_copy(zrows_hbm, acc_sh.at[pl.ds(ss * RN, RN)])
    pltpu.sync_copy(z1_hbm.at[pl.ds(ss * RN, RN)], sb_sh.at[pl.ds(ss * RN, RN)])
    plsc.subcore_barrier()

    R0 = 444
    R1 = 2 * RPT - R0
    base_row = lax.select(cc == 0, ss * R0, NS * R0 + ss * R1)
    nit = lax.select(cc == 0, R0 // SB, R1 // SB)
    HB = BK // 2
    HG = HB // 16

    def fire_inputs(i, p):
        r0 = base_row + i * SB
        pltpu.async_copy(src_hbm.at[pl.ds(r0, SB)], idx_s.at[p], sem_i)
        pltpu.async_copy(dst_hbm.at[pl.ds(r0, SB)], idx_d.at[p], sem_i)
        pltpu.async_copy(b_hbm.at[pl.ds(r0, SB)], b_b.at[p], sem_i)
        pltpu.async_copy(a_hbm.at[pl.ds(r0, SB)], a_vm.at[p], sem_i)

    def wait_inputs(p):
        pltpu.make_async_copy(src_hbm.at[pl.ds(0, SB)], idx_s.at[p], sem_i).wait()
        pltpu.make_async_copy(dst_hbm.at[pl.ds(0, SB)], idx_d.at[p], sem_i).wait()
        pltpu.make_async_copy(b_hbm.at[pl.ds(0, SB)], b_b.at[p], sem_i).wait()
        pltpu.make_async_copy(a_hbm.at[pl.ds(0, SB)], a_vm.at[p], sem_i).wait()

    def fire_gathers(p, h):
        for j in range(2):
            sj = h * 2 + j
            pltpu.async_copy(x_hbm.at[idx_d.at[p, sj]],
                             rows.at[pl.ds(sj * 128, 128)], sem)

    def wait_gathers(h):
        for j in range(2):
            sj = h * 2 + j
            pltpu.make_async_copy(x_hbm.at[pl.ds(0, 128)],
                                  rows.at[pl.ds(sj * 128, 128)], sem).wait()

    def scale_half(p, h):
        @plsc.parallel_loop(h * HG, (h + 1) * HG, unroll=2)
        def _(g):
            jj = g >> 3
            ll = (g & 7) * 16
            av = a_vm[p, jj, pl.ds(ll, 16)]
            base = g * 16
            for t in range(16):
                sc = av[t]
                k = base + t
                rows[k, pl.ds(0, 16)] = rows[k, pl.ds(0, 16)] * sc
                rows[k, pl.ds(16, 16)] = rows[k, pl.ds(16, 16)] * sc

    def fire_scatters(p, h):
        for j in range(2):
            sj = h * 2 + j
            pltpu.make_async_copy(b_b.at[p, sj], sb_sh.at[idx_s.at[p, sj]],
                                  sem_s).start(add=True)
            pltpu.make_async_copy(rows.at[pl.ds(sj * 128, 128)],
                                  acc_sh.at[idx_s.at[p, sj]],
                                  sem_s).start(add=True)

    def wait_scatters(p, h):
        for j in range(2):
            sj = h * 2 + j
            pltpu.make_async_copy(b_b.at[p, sj], sb_sh.at[idx_s.at[p, sj]],
                                  sem_s).wait()
            pltpu.make_async_copy(rows.at[pl.ds(sj * 128, 128)],
                                  acc_sh.at[idx_s.at[p, sj]],
                                  sem_s).wait()

    fire_inputs(0, 0)
    wait_inputs(0)
    fire_gathers(0, 0)

    def blk(i, carry):
        p = lax.rem(i, 2)
        q = lax.rem(i + 1, 2)

        @pl.when(i + 1 < nit)
        def _():
            fire_inputs(i + 1, q)

        wait_gathers(0)

        @pl.when(i >= 1)
        def _():
            wait_scatters(q, 1)

        fire_gathers(p, 1)
        scale_half(p, 0)
        fire_scatters(p, 0)

        wait_gathers(1)
        wait_scatters(p, 0)

        @pl.when(i + 1 < nit)
        def _():
            wait_inputs(q)
            fire_gathers(q, 0)

        scale_half(p, 1)
        fire_scatters(p, 1)
        return 0

    lax.fori_loop(0, nit, blk, 0)
    wait_scatters(lax.rem(nit - 1, 2), 1)
    plsc.subcore_barrier()

    pltpu.sync_copy(acc_sh.at[pl.ds(ss * RN, RN)],
                    accp_hbm.at[cc, pl.ds(ss * RN, RN)])
    pltpu.sync_copy(sb_sh.at[pl.ds(ss * RN, RN)],
                    sbp_hbm.at[cc, pl.ds(ss * RN, RN)])


_sc_scatter = functools.partial(
    pl.kernel,
    out_type=[
        jax.ShapeDtypeStruct((NC, N_PAD, C), jnp.float32),
        jax.ShapeDtypeStruct((NC, N_PAD), jnp.float32),
    ],
    mesh=plsc.VectorSubcoreMesh(core_axis_name="c", subcore_axis_name="s"),
    compiler_params=pltpu.CompilerParams(needs_layout_passes=False,
                                         use_tc_tiling_on_sc=False),
    scratch_types=[
        pltpu.VMEM_SHARED((N_PAD, C), jnp.float32),
        pltpu.VMEM_SHARED((N_PAD,), jnp.float32),
        pltpu.VMEM((2, SB, 128), jnp.int32),
        pltpu.VMEM((2, SB, 128), jnp.int32),
        pltpu.VMEM((2, SB, 128), jnp.float32),
        pltpu.VMEM((BK, C), jnp.float32),
        pltpu.VMEM((2, SB, 128), jnp.float32),
        pltpu.SemaphoreType.DMA,
        pltpu.SemaphoreType.DMA,
        pltpu.SemaphoreType.DMA,
    ],
)(_sc_body)


def _combine_body(x_ref, sb_ref, acc_ref, out_ref):
    acc = acc_ref[0] + acc_ref[1]
    r = lax.broadcasted_iota(jnp.int32, (C, C), 0)
    cidx = lax.broadcasted_iota(jnp.int32, (C, C), 1)
    eye = jnp.where(r == cidx, 1.0, 0.0).astype(jnp.float32)
    acc_t = lax.dot_general(eye, acc, (((1,), (1,)), ((), ())),
                            precision=lax.Precision.HIGHEST)
    sb = jnp.sum(sb_ref[...], axis=0, keepdims=True)
    out_ref[...] = x_ref[...] * (1.0 + sb) + acc_t


def _combine(x2, sbp, accp):
    BN = 1024
    return pl.pallas_call(
        _combine_body,
        grid=(pl.cdiv(N, BN),),
        in_specs=[
            pl.BlockSpec((C, BN), lambda i: (0, i)),
            pl.BlockSpec((NC, BN), lambda i: (0, i)),
            pl.BlockSpec((2, BN, C), lambda i: (0, i, 0)),
        ],
        out_specs=pl.BlockSpec((C, BN), lambda i: (0, i)),
        out_shape=jax.ShapeDtypeStruct((C, N), jnp.float32),
    )(x2, sbp, accp)


def kernel(x, edge_index, edge_attr, W1, b1, W2, b2, diff_param):
    x2 = x.reshape(C, N)
    x_nc = jnp.pad(x2.T, ((0, N_PAD - N), (0, 0)))

    npad = E_PAD - E
    src_p = jnp.concatenate(
        [edge_index[0], (jnp.arange(npad, dtype=jnp.int32) & 1023) + N])
    dst_p = jnp.pad(edge_index[1], (0, npad))
    src_r = src_p.reshape(E_ROWS, 128)
    dst_r = dst_p.reshape(E_ROWS, 128)

    ea_r = jnp.pad(edge_attr, ((0, npad), (0, 0))).T.reshape(
        EDGE_DIM, NBLK, 8, 2048)
    a_r, b_r = _edge_coeffs(ea_r, W1, b1, W2, b2, diff_param)
    a2 = a_r.reshape(E_ROWS, 128)
    b2_ = b_r.reshape(E_ROWS, 128)

    zrows = jnp.zeros((RN, C), jnp.float32)
    z1 = jnp.zeros((N_PAD,), jnp.float32)

    accp, sbp = _sc_scatter(x_nc, src_r, dst_r, a2, b2_, zrows, z1)

    out2 = _combine(x2, sbp, accp)
    return out2.reshape(1, C, N)

# --- scband reference (transcript-rebuilt; emitter-appended) ---
"""Pipeline reference for scband-temporal-dgmrf-32624571580590 (READ-ONLY COPY).

The authoritative reference and input builder live on the scoring server;
editing this copy changes nothing except your own understanding.
"""

import jax, jax.numpy as jnp
import numpy as np

N = 50000
E = 1600000
C = 32
EDGE_DIM = 4
H = 10


def setup_inputs(seed: int = 0) -> dict:
    key = jax.random.key(seed)
    ks = jax.random.split(key, 8)
    x = jax.random.normal(ks[0], (1, C, N), dtype=jnp.float32)
    edge_index = jax.random.randint(ks[1], (2, E), 0, N, dtype=jnp.int32)
    edge_attr = jax.random.normal(ks[2], (E, EDGE_DIM), dtype=jnp.float32)
    # edge MLP params (Linear(EDGE_DIM,10) -> ReLU -> Linear(10,2) -> Tanh)
    W1 = jax.random.normal(ks[3], (EDGE_DIM, H), dtype=jnp.float32) * (1.0 / np.sqrt(EDGE_DIM))
    b1 = jnp.zeros((H,), dtype=jnp.float32)
    W2 = jax.random.normal(ks[4], (H, 2), dtype=jnp.float32) * (1.0 / np.sqrt(H))
    b2 = jnp.zeros((2,), dtype=jnp.float32)
    diff_param = 2.0 * jax.random.uniform(ks[5], (1,), dtype=jnp.float32) - 1.0
    return {"x": x, "edge_index": edge_index, "edge_attr": edge_attr,
            "W1": W1, "b1": b1, "W2": W2, "b2": b2, "diff_param": diff_param}


def reference(x, edge_index, edge_attr, W1, b1, W2, b2, diff_param):
    # GNNAdvection.forward (transpose=False):
    #   return x + propagate(edge_index, x=x, edge_attr=edge_attr)
    # message: coeffs = Tanh(MLP(edge_attr));
    #   msg = (coeffs[:,0] + diff_coeff) * x_j + (coeffs[:,1] - diff_coeff) * x_i
    # flow='target_to_source', node_dim=-1: x_i = x[..., src], x_j = x[..., dst],
    # aggregation (sum) at src nodes.
    h = jnp.maximum(edge_attr @ W1 + b1, 0.0)
    coeffs = jnp.tanh(h @ W2 + b2)  # [E, 2]
    diff_coeff = jnp.power(diff_param[0], 2)
    src = edge_index[0]
    dst = edge_index[1]
    x_i = x[..., src]  # [1, C, E]
    x_j = x[..., dst]  # [1, C, E]
    msg = (coeffs[:, 0] + diff_coeff) * x_j + (coeffs[:, 1] - diff_coeff) * x_i  # [1, C, E]
    msg_e_first = jnp.moveaxis(msg, -1, 0)  # [E, 1, C]
    agg = jax.ops.segment_sum(msg_e_first, src, num_segments=N)  # [N, 1, C]
    agg = jnp.moveaxis(agg, 0, -1)  # [1, C, N]
    return x + agg

if __name__ == "__main__":
    import jax
    _d = setup_inputs()
    print(jax.jit(kernel)(*tuple(_d.values())))

</pallas_src>

<mosaic_0001>
#map = affine_map<(d0, d1) -> (0, 0)>
#map1 = affine_map<(d0, d1) -> (0)>
#map2 = affine_map<(d0, d1) -> (0, 0, 0)>
module attributes {stable_mosaic.version = 14 : i64} {
  func.func @_sc_body(%arg0: i32, %arg1: i32, %arg2: memref<51200x32xf32, #tpu.memory_space<hbm>>, %arg3: memref<12544x128xi32, #tpu.memory_space<hbm>>, %arg4: memref<12544x128xi32, #tpu.memory_space<hbm>>, %arg5: memref<12544x128xf32, #tpu.memory_space<hbm>>, %arg6: memref<12544x128xf32, #tpu.memory_space<hbm>>, %arg7: memref<3200x32xf32, #tpu.memory_space<hbm>>, %arg8: memref<51200xf32, #tpu.memory_space<hbm>>, %arg9: memref<2x51200x32xf32, #tpu.memory_space<hbm>>, %arg10: memref<2x51200xf32, #tpu.memory_space<hbm>>, %arg11: memref<51200x32xf32, #tpu.memory_space<vmem_shared>>, %arg12: memref<51200xf32, #tpu.memory_space<vmem_shared>>, %arg13: memref<2x4x128xi32, #tpu.memory_space<vmem>>, %arg14: memref<2x4x128xi32, #tpu.memory_space<vmem>>, %arg15: memref<2x4x128xf32, #tpu.memory_space<vmem>>, %arg16: memref<512x32xf32, #tpu.memory_space<vmem>>, %arg17: memref<2x4x128xf32, #tpu.memory_space<vmem>>, %arg18: memref<!tpu.dma_semaphore, #tpu.memory_space<semaphore_mem>>, %arg19: memref<!tpu.dma_semaphore, #tpu.memory_space<semaphore_mem>>, %arg20: memref<!tpu.dma_semaphore, #tpu.memory_space<semaphore_mem>>) attributes {dimension_semantics = [#tpu.dimension_semantics<core_parallel>, #tpu.dimension_semantics<subcore_parallel>], iteration_bounds = array<i64: 2, 16>, scalar_prefetch = 0 : i64, scratch_operands = 10 : i64, tpu.core_type = #tpu.core_type<sc_vector_subcore>, window_params = [{transform_indices = #map}, {transform_indices = #map}, {transform_indices = #map}, {transform_indices = #map}, {transform_indices = #map}, {transform_indices = #map}, {transform_indices = #map1}, {transform_indices = #map2}, {transform_indices = #map}]} {
    %mul3A = arith.constant 16 : i32
    %mul3A_0 = arith.muli %arg0, %mul3A : i32
    %add3A = arith.addi %mul3A_0, %arg1 : i32
    %mul3A_1 = arith.constant 3200 : i32
    %mul3A_2 = arith.muli %arg1, %mul3A_1 : i32
    "tpu.region"() ({
      %run_scoped3A = tpu.sem_alloc : memref<!tpu.dma_semaphore, #tpu.memory_space<semaphore_mem>>
      %dma_start3A_215 = arith.constant 0 : i32
      %dma_start3A_216 = tpu.memref_slice %arg11[%mul3A_2, %dma_start3A_215] : memref<51200x32xf32, #tpu.memory_space<vmem_shared>> -> memref<3200x32xf32, #tpu.memory_space<vmem_shared>>
      tpu.enqueue_dma source(%arg7 : memref<3200x32xf32, #tpu.memory_space<hbm>>) target(%dma_start3A_216 : memref<3200x32xf32, #tpu.memory_space<vmem_shared>>) target_semaphore(%run_scoped3A : memref<!tpu.dma_semaphore, #tpu.memory_space<semaphore_mem>>)
      %dma_wait3A_217 = arith.constant 0 : i32
      %dma_wait3A_218 = tpu.memref_slice %arg11[%mul3A_2, %dma_wait3A_217] : memref<51200x32xf32, #tpu.memory_space<vmem_shared>> -> memref<3200x32xf32, #tpu.memory_space<vmem_shared>>
      tpu.wait_dma2 semaphore(%run_scoped3A : memref<!tpu.dma_semaphore, #tpu.memory_space<semaphore_mem>>) src(%arg7 : memref<3200x32xf32, #tpu.memory_space<hbm>>) dst(%dma_wait3A_218 : memref<3200x32xf32, #tpu.memory_space<vmem_shared>>)
      tpu.yield
    }) : () -> ()
    %mul3A_3 = arith.constant 3200 : i32
    %mul3A_4 = arith.muli %arg1, %mul3A_3 : i32
    %mul3A_5 = arith.constant 3200 : i32
    %mul3A_6 = arith.muli %arg1, %mul3A_5 : i32
    "tpu.region"() ({
      %run_scoped3A = tpu.sem_alloc : memref<!tpu.dma_semaphore, #tpu.memory_space<semaphore_mem>>
      %dma_start3A_215 = tpu.memref_slice %arg12[%mul3A_6] : memref<51200xf32, #tpu.memory_space<vmem_shared>> -> memref<3200xf32, #tpu.memory_space<vmem_shared>>
      %dma_start3A_216 = tpu.memref_slice %arg8[%mul3A_4] : memref<51200xf32, #tpu.memory_space<hbm>> -> memref<3200xf32, #tpu.memory_space<hbm>>
      tpu.enqueue_dma source(%dma_start3A_216 : memref<3200xf32, #tpu.memory_space<hbm>>) target(%dma_start3A_215 : memref<3200xf32, #tpu.memory_space<vmem_shared>>) target_semaphore(%run_scoped3A : memref<!tpu.dma_semaphore, #tpu.memory_space<semaphore_mem>>)
      %dma_wait3A_217 = tpu.memref_slice %arg12[%mul3A_6] : memref<51200xf32, #tpu.memory_space<vmem_shared>> -> memref<3200xf32, #tpu.memory_space<vmem_shared>>
      %dma_wait3A_218 = tpu.memref_slice %arg8[%mul3A_4] : memref<51200xf32, #tpu.memory_space<hbm>> -> memref<3200xf32, #tpu.memory_space<hbm>>
      tpu.wait_dma2 semaphore(%run_scoped3A : memref<!tpu.dma_semaphore, #tpu.memory_space<semaphore_mem>>) src(%dma_wait3A_218 : memref<3200xf32, #tpu.memory_space<hbm>>) dst(%dma_wait3A_217 : memref<3200xf32, #tpu.memory_space<vmem_shared>>)
      tpu.yield
    }) : () -> ()
    %barrier3A = arith.constant 0 : index
    tpu.barrier barrier_id(%barrier3A)
    %eq3A = arith.constant 0 : i32
    %eq3A_7 = arith.cmpi eq, %arg0, %eq3A : i32
    %mul3A_8 = arith.constant 444 : i32
    %mul3A_9 = arith.muli %arg1, %mul3A_8 : i32
    %mul3A_10 = arith.constant 340 : i32
    %mul3A_11 = arith.muli %arg1, %mul3A_10 : i32
    %add3A_12 = arith.constant 7104 : i32
    %add3A_13 = arith.addi %add3A_12, %mul3A_11 : i32
    %select_n3A = arith.select %eq3A_7, %mul3A_9, %add3A_13 : i32
    %eq3A_14 = arith.constant 0 : i32
    %eq3A_15 = arith.cmpi eq, %arg0, %eq3A_14 : i32
    %select_n3A_16 = arith.constant 85 : i32
    %select_n3A_17 = arith.constant 111 : i32
    %select_n3A_18 = arith.select %eq3A_15, %select_n3A_17, %select_n3A_16 : i32
    %add3A_19 = arith.constant 0 : i32
    %add3A_20 = arith.addi %select_n3A, %add3A_19 : i32
    %dma_start3A = arith.constant 0 : i32
    %dma_start3A_21 = arith.constant 0 : i32
    %dma_start3A_22 = arith.constant 0 : i32
    %dma_start3A_23 = tpu.memref_slice %arg13[%dma_start3A, %dma_start3A_21, %dma_start3A_22] : memref<2x4x128xi32, #tpu.memory_space<vmem>> -> memref<1x4x128xi32, #tpu.memory_space<vmem>>
    %dma_start3A_24 = tpu.memref_squeeze %dma_start3A_23 : memref<1x4x128xi32, #tpu.memory_space<vmem>> -> memref<4x128xi32, #tpu.memory_space<vmem>>
    %dma_start3A_25 = arith.constant 0 : i32
    %dma_start3A_26 = tpu.memref_slice %arg3[%add3A_20, %dma_start3A_25] : memref<12544x128xi32, #tpu.memory_space<hbm>> -> memref<4x128xi32, #tpu.memory_space<hbm>>
    %dma_start3A_27 = arith.constant 0 : i32
    %dma_start3A_28 = arith.constant 0 : i32
    %dma_start3A_29 = tpu.memref_slice %arg13[%dma_start3A, %dma_start3A_27, %dma_start3A_28] : memref<2x4x128xi32, #tpu.memory_space<vmem>> -> memref<1x4x128xi32, #tpu.memory_space<vmem>>
    %dma_start3A_30 = tpu.memref_squeeze %dma_start3A_29 : memref<1x4x128xi32, #tpu.memory_space<vmem>> -> memref<4x128xi32, #tpu.memory_space<vmem>>
    %dma_start3A_31 = arith.constant 0 : i32
    %dma_start3A_32 = tpu.memref_slice %arg3[%add3A_20, %dma_start3A_31] : memref<12544x128xi32, #tpu.memory_space<hbm>> -> memref<4x128xi32, #tpu.memory_space<hbm>>
    tpu.enqueue_dma source(%dma_start3A_32 : memref<4x128xi32, #tpu.memory_space<hbm>>) target(%dma_start3A_30 : memref<4x128xi32, #tpu.memory_space<vmem>>) target_semaphore(%arg19 : memref<!tpu.dma_semaphore, #tpu.memory_space<semaphore_mem>>)
    %dma_start3A_33 = arith.constant 0 : i32
    %dma_start3A_34 = arith.constant 0 : i32
    %dma_start3A_35 = arith.constant 0 : i32
    %dma_start3A_36 = tpu.memref_slice %arg14[%dma_start3A_33, %dma_start3A_34, %dma_start3A_35] : memref<2x4x128xi32, #tpu.memory_space<vmem>> -> memref<1x4x128xi32, #tpu.memory_space<vmem>>
    %dma_start3A_37 = tpu.memref_squeeze %dma_start3A_36 : memref<1x4x128xi32, #tpu.memory_space<vmem>> -> memref<4x128xi32, #tpu.memory_space<vmem>>
    %dma_start3A_38 = arith.constant 0 : i32
    %dma_start3A_39 = tpu.memref_slice %arg4[%add3A_20, %dma_start3A_38] : memref<12544x128xi32, #tpu.memory_space<hbm>> -> memref<4x128xi32, #tpu.memory_space<hbm>>
    %dma_start3A_40 = arith.constant 0 : i32
    %dma_start3A_41 = arith.constant 0 : i32
    %dma_start3A_42 = tpu.memref_slice %arg14[%dma_start3A_33, %dma_start3A_40, %dma_start3A_41] : memref<2x4x128xi32, #tpu.memory_space<vmem>> -> memref<1x4x128xi32, #tpu.memory_space<vmem>>
    %dma_start3A_43 = tpu.memref_squeeze %dma_start3A_42 : memref<1x4x128xi32, #tpu.memory_space<vmem>> -> memref<4x128xi32, #tpu.memory_space<vmem>>
    %dma_start3A_44 = arith.constant 0 : i32
    %dma_start3A_45 = tpu.memref_slice %arg4[%add3A_20, %dma_start3A_44] : memref<12544x128xi32, #tpu.memory_space<hbm>> -> memref<4x128xi32, #tpu.memory_space<hbm>>
    tpu.enqueue_dma source(%dma_start3A_45 : memref<4x128xi32, #tpu.memory_space<hbm>>) target(%dma_start3A_43 : memref<4x128xi32, #tpu.memory_space<vmem>>) target_semaphore(%arg19 : memref<!tpu.dma_semaphore, #tpu.memory_space<semaphore_mem>>)
    %dma_start3A_46 = arith.constant 0 : i32
    %dma_start3A_47 = arith.constant 0 : i32
    %dma_start3A_48 = arith.constant 0 : i32
    %dma_start3A_49 = tpu.memref_slice %arg15[%dma_start3A_46, %dma_start3A_47, %dma_start3A_48] : memref<2x4x128xf32, #tpu.memory_space<vmem>> -> memref<1x4x128xf32, #tpu.memory_space<vmem>>
    %dma_start3A_50 = tpu.memref_squeeze %dma_start3A_49 : memref<1x4x128xf32, #tpu.memory_space<vmem>> -> memref<4x128xf32, #tpu.memory_space<vmem>>
    %dma_start3A_51 = arith.constant 0 : i32
    %dma_start3A_52 = tpu.memref_slice %arg6[%add3A_20, %dma_start3A_51] : memref<12544x128xf32, #tpu.memory_space<hbm>> -> memref<4x128xf32, #tpu.memory_space<hbm>>
    %dma_start3A_53 = arith.constant 0 : i32
    %dma_start3A_54 = arith.constant 0 : i32
    %dma_start3A_55 = tpu.memref_slice %arg15[%dma_start3A_46, %dma_start3A_53, %dma_start3A_54] : memref<2x4x128xf32, #tpu.memory_space<vmem>> -> memref<1x4x128xf32, #tpu.memory_space<vmem>>
    %dma_start3A_56 = tpu.memref_squeeze %dma_start3A_55 : memref<1x4x128xf32, #tpu.memory_space<vmem>> -> memref<4x128xf32, #tpu.memory_space<vmem>>
    %dma_start3A_57 = arith.constant 0 : i32
    %dma_start3A_58 = tpu.memref_slice %arg6[%add3A_20, %dma_start3A_57] : memref<12544x128xf32, #tpu.memory_space<hbm>> -> memref<4x128xf32, #tpu.memory_space<hbm>>
    tpu.enqueue_dma source(%dma_start3A_58 : memref<4x128xf32, #tpu.memory_space<hbm>>) target(%dma_start3A_56 : memref<4x128xf32, #tpu.memory_space<vmem>>) target_semaphore(%arg19 : memref<!tpu.dma_semaphore, #tpu.memory_space<semaphore_mem>>)
    %dma_start3A_59 = arith.constant 0 : i32
    %dma_start3A_60 = arith.constant 0 : i32
    %dma_start3A_61 = arith.constant 0 : i32
    %dma_start3A_62 = tpu.memref_slice %arg17[%dma_start3A_59, %dma_start3A_60, %dma_start3A_61] : memref<2x4x128xf32, #tpu.memory_space<vmem>> -> memref<1x4x128xf32, #tpu.memory_space<vmem>>
    %dma_start3A_63 = tpu.memref_squeeze %dma_start3A_62 : memref<1x4x128xf32, #tpu.memory_space<vmem>> -> memref<4x128xf32, #tpu.memory_space<vmem>>
    %dma_start3A_64 = arith.constant 0 : i32
    %dma_start3A_65 = tpu.memref_slice %arg5[%add3A_20, %dma_start3A_64] : memref<12544x128xf32, #tpu.memory_space<hbm>> -> memref<4x128xf32, #tpu.memory_space<hbm>>
    %dma_start3A_66 = arith.constant 0 : i32
    %dma_start3A_67 = arith.constant 0 : i32
    %dma_start3A_68 = tpu.memref_slice %arg17[%dma_start3A_59, %dma_start3A_66, %dma_start3A_67] : memref<2x4x128xf32, #tpu.memory_space<vmem>> -> memref<1x4x128xf32, #tpu.memory_space<vmem>>
    %dma_start3A_69 = tpu.memref_squeeze %dma_start3A_68 : memref<1x4x128xf32, #tpu.memory_space<vmem>> -> memref<4x128xf32, #tpu.memory_space<vmem>>
    %dma_start3A_70 = arith.constant 0 : i32
    %dma_start3A_71 = tpu.memref_slice %arg5[%add3A_20, %dma_start3A_70] : memref<12544x128xf32, #tpu.memory_space<hbm>> -> memref<4x128xf32, #tpu.memory_space<hbm>>
    tpu.enqueue_dma source(%dma_start3A_71 : memref<4x128xf32, #tpu.memory_space<hbm>>) target(%dma_start3A_69 : memref<4x128xf32, #tpu.memory_space<vmem>>) target_semaphore(%arg19 : memref<!tpu.dma_semaphore, #tpu.memory_space<semaphore_mem>>)
    %dma_wait3A = arith.constant 0 : i32
    %dma_wait3A_72 = arith.constant 0 : i32
    %dma_wait3A_73 = arith.constant 0 : i32
    %dma_wait3A_74 = tpu.memref_slice %arg13[%dma_wait3A, %dma_wait3A_72, %dma_wait3A_73] : memref<2x4x128xi32, #tpu.memory_space<vmem>> -> memref<1x4x128xi32, #tpu.memory_space<vmem>>
    %dma_wait3A_75 = tpu.memref_squeeze %dma_wait3A_74 : memref<1x4x128xi32, #tpu.memory_space<vmem>> -> memref<4x128xi32, #tpu.memory_space<vmem>>
    %dma_wait3A_76 = arith.constant 0 : i32
    %dma_wait3A_77 = arith.constant 0 : i32
    %dma_wait3A_78 = tpu.memref_slice %arg3[%dma_wait3A_76, %dma_wait3A_77] : memref<12544x128xi32, #tpu.memory_space<hbm>> -> memref<4x128xi32, #tpu.memory_space<hbm>>
    %dma_wait3A_79 = arith.constant 0 : i32
    %dma_wait3A_80 = arith.constant 0 : i32
    %dma_wait3A_81 = tpu.memref_slice %arg13[%dma_wait3A, %dma_wait3A_79, %dma_wait3A_80] : memref<2x4x128xi32, #tpu.memory_space<vmem>> -> memref<1x4x128xi32, #tpu.memory_space<vmem>>
    %dma_wait3A_82 = tpu.memref_squeeze %dma_wait3A_81 : memref<1x4x128xi32, #tpu.memory_space<vmem>> -> memref<4x128xi32, #tpu.memory_space<vmem>>
    %dma_wait3A_83 = arith.constant 0 : i32
    %dma_wait3A_84 = arith.constant 0 : i32
    %dma_wait3A_85 = tpu.memref_slice %arg3[%dma_wait3A_83, %dma_wait3A_84] : memref<12544x128xi32, #tpu.memory_space<hbm>> -> memref<4x128xi32, #tpu.memory_space<hbm>>
    tpu.wait_dma2 semaphore(%arg19 : memref<!tpu.dma_semaphore, #tpu.memory_space<semaphore_mem>>) src(%dma_wait3A_85 : memref<4x128xi32, #tpu.memory_space<hbm>>) dst(%dma_wait3A_82 : memref<4x128xi32, #tpu.memory_space<vmem>>)
    %dma_wait3A_86 = arith.constant 0 : i32
    %dma_wait3A_87 = arith.constant 0 : i32
    %dma_wait3A_88 = arith.constant 0 : i32
    %dma_wait3A_89 = tpu.memref_slice %arg14[%dma_wait3A_86, %dma_wait3A_87, %dma_wait3A_88] : memref<2x4x128xi32, #tpu.memory_space<vmem>> -> memref<1x4x128xi32, #tpu.memory_space<vmem>>
    %dma_wait3A_90 = tpu.memref_squeeze %dma_wait3A_89 : memref<1x4x128xi32, #tpu.memory_space<vmem>> -> memref<4x128xi32, #tpu.memory_space<vmem>>
    %dma_wait3A_91 = arith.constant 0 : i32
    %dma_wait3A_92 = arith.constant 0 : i32
    %dma_wait3A_93 = tpu.memref_slice %arg4[%dma_wait3A_91, %dma_wait3A_92] : memref<12544x128xi32, #tpu.memory_space<hbm>> -> memref<4x128xi32, #tpu.memory_space<hbm>>
    %dma_wait3A_94 = arith.constant 0 : i32
    %dma_wait3A_95 = arith.constant 0 : i32
    %dma_wait3A_96 = tpu.memref_slice %arg14[%dma_wait3A_86, %dma_wait3A_94, %dma_wait3A_95] : memref<2x4x128xi32, #tpu.memory_space<vmem>> -> memref<1x4x128xi32, #tpu.memory_space<vmem>>
    %dma_wait3A_97 = tpu.memref_squeeze %dma_wait3A_96 : memref<1x4x128xi32, #tpu.memory_space<vmem>> -> memref<4x128xi32, #tpu.memory_space<vmem>>
    %dma_wait3A_98 = arith.constant 0 : i32
    %dma_wait3A_99 = arith.constant 0 : i32
    %dma_wait3A_100 = tpu.memref_slice %arg4[%dma_wait3A_98, %dma_wait3A_99] : memref<12544x128xi32, #tpu.memory_space<hbm>> -> memref<4x128xi32, #tpu.memory_space<hbm>>
    tpu.wait_dma2 semaphore(%arg19 : memref<!tpu.dma_semaphore, #tpu.memory_space<semaphore_mem>>) src(%dma_wait3A_100 : memref<4x128xi32, #tpu.memory_space<hbm>>) dst(%dma_wait3A_97 : memref<4x128xi32, #tpu.memory_space<vmem>>)
    %dma_wait3A_101 = arith.constant 0 : i32
    %dma_wait3A_102 = arith.constant 0 : i32
    %dma_wait3A_103 = arith.constant 0 : i32
    %dma_wait3A_104 = tpu.memref_slice %arg15[%dma_wait3A_101, %dma_wait3A_102, %dma_wait3A_103] : memref<2x4x128xf32, #tpu.memory_space<vmem>> -> memref<1x4x128xf32, #tpu.memory_space<vmem>>
    %dma_wait3A_105 = tpu.memref_squeeze %dma_wait3A_104 : memref<1x4x128xf32, #tpu.memory_space<vmem>> -> memref<4x128xf32, #tpu.memory_space<vmem>>
    %dma_wait3A_106 = arith.constant 0 : i32
    %dma_wait3A_107 = arith.constant 0 : i32
    %dma_wait3A_108 = tpu.memref_slice %arg6[%dma_wait3A_106, %dma_wait3A_107] : memref<12544x128xf32, #tpu.memory_space<hbm>> -> memref<4x128xf32, #tpu.memory_space<hbm>>
    %dma_wait3A_109 = arith.constant 0 : i32
    %dma_wait3A_110 = arith.constant 0 : i32
    %dma_wait3A_111 = tpu.memref_slice %arg15[%dma_wait3A_101, %dma_wait3A_109, %dma_wait3A_110] : memref<2x4x128xf32, #tpu.memory_space<vmem>> -> memref<1x4x128xf32, #tpu.memory_space<vmem>>
    %dma_wait3A_112 = tpu.memref_squeeze %dma_wait3A_111 : memref<1x4x128xf32, #tpu.memory_space<vmem>> -> memref<4x128xf32, #tpu.memory_space<vmem>>
    %dma_wait3A_113 = arith.constant 0 : i32
    %dma_wait3A_114 = arith.constant 0 : i32
    %dma_wait3A_115 = tpu.memref_slice %arg6[%dma_wait3A_113, %dma_wait3A_114] : memref<12544x128xf32, #tpu.memory_space<hbm>> -> memref<4x128xf32, #tpu.memory_space<hbm>>
    tpu.wait_dma2 semaphore(%arg19 : memref<!tpu.dma_semaphore, #tpu.memory_space<semaphore_mem>>) src(%dma_wait3A_115 : memref<4x128xf32, #tpu.memory_space<hbm>>) dst(%dma_wait3A_112 : memref<4x128xf32, #tpu.memory_space<vmem>>)
    %dma_wait3A_116 = arith.constant 0 : i32
    %dma_wait3A_117 = arith.constant 0 : i32
    %dma_wait3A_118 = arith.constant 0 : i32
    %dma_wait3A_119 = tpu.memref_slice %arg17[%dma_wait3A_116, %dma_wait3A_117, %dma_wait3A_118] : memref<2x4x128xf32, #tpu.memory_space<vmem>> -> memref<1x4x128xf32, #tpu.memory_space<vmem>>
    %dma_wait3A_120 = tpu.memref_squeeze %dma_wait3A_119 : memref<1x4x128xf32, #tpu.memory_space<vmem>> -> memref<4x128xf32, #tpu.memory_space<vmem>>
    %dma_wait3A_121 = arith.constant 0 : i32
    %dma_wait3A_122 = arith.constant 0 : i32
    %dma_wait3A_123 = tpu.memref_slice %arg5[%dma_wait3A_121, %dma_wait3A_122] : memref<12544x128xf32, #tpu.memory_space<hbm>> -> memref<4x128xf32, #tpu.memory_space<hbm>>
    %dma_wait3A_124 = arith.constant 0 : i32
    %dma_wait3A_125 = arith.constant 0 : i32
    %dma_wait3A_126 = tpu.memref_slice %arg17[%dma_wait3A_116, %dma_wait3A_124, %dma_wait3A_125] : memref<2x4x128xf32, #tpu.memory_space<vmem>> -> memref<1x4x128xf32, #tpu.memory_space<vmem>>
    %dma_wait3A_127 = tpu.memref_squeeze %dma_wait3A_126 : memref<1x4x128xf32, #tpu.memory_space<vmem>> -> memref<4x128xf32, #tpu.memory_space<vmem>>
    %dma_wait3A_128 = arith.constant 0 : i32
    %dma_wait3A_129 = arith.constant 0 : i32
    %dma_wait3A_130 = tpu.memref_slice %arg5[%dma_wait3A_128, %dma_wait3A_129] : memref<12544x128xf32, #tpu.memory_space<hbm>> -> memref<4x128xf32, #tpu.memory_space<hbm>>
    tpu.wait_dma2 semaphore(%arg19 : memref<!tpu.dma_semaphore, #tpu.memory_space<semaphore_mem>>) src(%dma_wait3A_130 : memref<4x128xf32, #tpu.memory_space<hbm>>) dst(%dma_wait3A_127 : memref<4x128xf32, #tpu.memory_space<vmem>>)
    %dma_start3A_131 = arith.constant 0 : i32
    %dma_start3A_132 = arith.constant 0 : i32
    %dma_start3A_133 = arith.constant 0 : i32
    %dma_start3A_134 = arith.constant 0 : i32
    %dma_start3A_135 = tpu.memref_slice %arg16[%dma_start3A_133, %dma_start3A_134] : memref<512x32xf32, #tpu.memory_space<vmem>> -> memref<128x32xf32, #tpu.memory_space<vmem>>
    %dma_start3A_136 = arith.constant 0 : i32
    %dma_start3A_137 = tpu.memref_slice %arg14[%dma_start3A_131, %dma_start3A_132, %dma_start3A_136] : memref<2x4x128xi32, #tpu.memory_space<vmem>> -> memref<1x1x128xi32, #tpu.memory_space<vmem>>
    %dma_start3A_138 = tpu.memref_squeeze %dma_start3A_137 : memref<1x1x128xi32, #tpu.memory_space<vmem>> -> memref<128xi32, #tpu.memory_space<vmem>>
    %dma_start3A_139 = arith.constant 0 : i32
    %dma_start3A_140 = arith.constant 0 : i32
    %dma_start3A_141 = tpu.memref_slice %arg2[%dma_start3A_139, %dma_start3A_140] : memref<51200x32xf32, #tpu.memory_space<hbm>> -> memref<51200x32xf32, #tpu.memory_space<hbm>>
    tpu.enqueue_indirect_dma source(%dma_start3A_141 : memref<51200x32xf32, #tpu.memory_space<hbm>>) target(%dma_start3A_135 : memref<128x32xf32, #tpu.memory_space<vmem>>) offsets(%dma_start3A_138 : memref<128xi32, #tpu.memory_space<vmem>>) semaphore(%arg18 : memref<!tpu.dma_semaphore, #tpu.memory_space<semaphore_mem>>)
    %dma_start3A_142 = arith.constant 0 : i32
    %dma_start3A_143 = arith.constant 1 : i32
    %dma_start3A_144 = arith.constant 128 : i32
    %dma_start3A_145 = arith.constant 0 : i32
    %dma_start3A_146 = tpu.memref_slice %arg16[%dma_start3A_144, %dma_start3A_145] : memref<512x32xf32, #tpu.memory_space<vmem>> -> memref<128x32xf32, #tpu.memory_space<vmem>>
    %dma_start3A_147 = arith.constant 0 : i32
    %dma_start3A_148 = tpu.memref_slice %arg14[%dma_start3A_142, %dma_start3A_143, %dma_start3A_147] : memref<2x4x128xi32, #tpu.memory_space<vmem>> -> memref<1x1x128xi32, #tpu.memory_space<vmem>>
    %dma_start3A_149 = tpu.memref_squeeze %dma_start3A_148 : memref<1x1x128xi32, #tpu.memory_space<vmem>> -> memref<128xi32, #tpu.memory_space<vmem>>
    %dma_start3A_150 = arith.constant 0 : i32
    %dma_start3A_151 = arith.constant 0 : i32
    %dma_start3A_152 = tpu.memref_slice %arg2[%dma_start3A_150, %dma_start3A_151] : memref<51200x32xf32, #tpu.memory_space<hbm>> -> memref<51200x32xf32, #tpu.memory_space<hbm>>
    tpu.enqueue_indirect_dma source(%dma_start3A_152 : memref<51200x32xf32, #tpu.memory_space<hbm>>) target(%dma_start3A_146 : memref<128x32xf32, #tpu.memory_space<vmem>>) offsets(%dma_start3A_149 : memref<128xi32, #tpu.memory_space<vmem>>) semaphore(%arg18 : memref<!tpu.dma_semaphore, #tpu.memory_space<semaphore_mem>>)
    %while3A = arith.constant 0 : i32
    %while3A_153 = arith.constant 0 : i32
    %while3A_154 = arith.subi %select_n3A_18, %while3A : i32
    %while3A_155 = arith.addi %while3A, %while3A_154 : i32
    %while3A_156 = arith.constant 1 : i32
    %while3A_157 = arith.divsi %while3A_154, %while3A_156 : i32
    %while3A_158 = arith.muli %while3A_157, %while3A_156 : i32
    %while3A_159 = arith.addi %while3A, %while3A_158 : i32
    %while3A_160 = arith.constant 1 : i32
    %while3A_161 = scf.for %while3A_215 = %while3A to %while3A_159 step %while3A_160 iter_args(%while3A_216 = %while3A_153) -> (i32)  : i32 {
      %rem3A_217 = arith.constant 2 : i32
      %rem3A_218 = arith.remsi %while3A_215, %rem3A_217 : i32
      %add3A_219 = arith.constant 1 : i32
      %add3A_220 = arith.addi %while3A_215, %add3A_219 : i32
      %rem3A_221 = arith.constant 2 : i32
      %rem3A_222 = arith.remsi %add3A_220, %rem3A_221 : i32
      %add3A_223 = arith.constant 1 : i32
      %add3A_224 = arith.addi %while3A_215, %add3A_223 : i32
      %lt3A = arith.cmpi slt, %add3A_224, %select_n3A_18 : i32
      %convert_element_type3A = arith.extui %lt3A : i1 to i32
      %cond3A = arith.constant 0 : i32
      %cond3A_225 = arith.cmpi ne, %convert_element_type3A, %cond3A : i32
      scf.if %cond3A_225 {
        %add3A_430 = arith.constant 1 : i32
        %add3A_431 = arith.addi %while3A_215, %add3A_430 : i32
        %mul3A_432 = arith.constant 4 : i32
        %mul3A_433 = arith.muli %add3A_431, %mul3A_432 : i32
        %add3A_434 = arith.addi %select_n3A, %mul3A_433 : i32
        %dma_start3A_435 = arith.constant 0 : i32
        %dma_start3A_436 = arith.constant 0 : i32
        %dma_start3A_437 = tpu.memref_slice %arg13[%rem3A_222, %dma_start3A_435, %dma_start3A_436] : memref<2x4x128xi32, #tpu.memory_space<vmem>> -> memref<1x4x128xi32, #tpu.memory_space<vmem>>
        %dma_start3A_438 = tpu.memref_squeeze %dma_start3A_437 : memref<1x4x128xi32, #tpu.memory_space<vmem>> -> memref<4x128xi32, #tpu.memory_space<vmem>>
        %dma_start3A_439 = arith.constant 0 : i32
        %dma_start3A_440 = tpu.memref_slice %arg3[%add3A_434, %dma_start3A_439] : memref<12544x128xi32, #tpu.memory_space<hbm>> -> memref<4x128xi32, #tpu.memory_space<hbm>>
        %dma_start3A_441 = arith.constant 0 : i32
        %dma_start3A_442 = arith.constant 0 : i32
        %dma_start3A_443 = tpu.memref_slice %arg13[%rem3A_222, %dma_start3A_441, %dma_start3A_442] : memref<2x4x128xi32, #tpu.memory_space<vmem>> -> memref<1x4x128xi32, #tpu.memory_space<vmem>>
        %dma_start3A_444 = tpu.memref_squeeze %dma_start3A_443 : memref<1x4x128xi32, #tpu.memory_space<vmem>> -> memref<4x128xi32, #tpu.memory_space<vmem>>
        %dma_start3A_445 = arith.constant 0 : i32
        %dma_start3A_446 = tpu.memref_slice %arg3[%add3A_434, %dma_start3A_445] : memref<12544x128xi32, #tpu.memory_space<hbm>> -> memref<4x128xi32, #tpu.memory_space<hbm>>
        tpu.enqueue_dma source(%dma_start3A_446 : memref<4x128xi32, #tpu.memory_space<hbm>>) target(%dma_start3A_444 : memref<4x128xi32, #tpu.memory_space<vmem>>) target_semaphore(%arg19 : memref<!tpu.dma_semaphore, #tpu.memory_space<semaphore_mem>>)
        %dma_start3A_447 = arith.constant 0 : i32
        %dma_start3A_448 = arith.constant 0 : i32
        %dma_start3A_449 = tpu.memref_slice %arg14[%rem3A_222, %dma_start3A_447, %dma_start3A_448] : memref<2x4x128xi32, #tpu.memory_space<vmem>> -> memref<1x4x128xi32, #tpu.memory_space<vmem>>
        %dma_start3A_450 = tpu.memref_squeeze %dma_start3A_449 : memref<1x4x128xi32, #tpu.memory_space<vmem>> -> memref<4x128xi32, #tpu.memory_space<vmem>>
        %dma_start3A_451 = arith.constant 0 : i32
        %dma_start3A_452 = tpu.memref_slice %arg4[%add3A_434, %dma_start3A_451] : memref<12544x128xi32, #tpu.memory_space<hbm>> -> memref<4x128xi32, #tpu.memory_space<hbm>>
        %dma_start3A_453 = arith.constant 0 : i32
        %dma_start3A_454 = arith.constant 0 : i32
        %dma_start3A_455 = tpu.memref_slice %arg14[%rem3A_222, %dma_start3A_453, %dma_start3A_454] : memref<2x4x128xi32, #tpu.memory_space<vmem>> -> memref<1x4x128xi32, #tpu.memory_space<vmem>>
        %dma_start3A_456 = tpu.memref_squeeze %dma_start3A_455 : memref<1x4x128xi32, #tpu.memory_space<vmem>> -> memref<4x128xi32, #tpu.memory_space<vmem>>
        %dma_start3A_457 = arith.constant 0 : i32
        %dma_start3A_458 = tpu.memref_slice %arg4[%add3A_434, %dma_start3A_457] : memref<12544x128xi32, #tpu.memory_space<hbm>> -> memref<4x128xi32, #tpu.memory_space<hbm>>
        tpu.enqueue_dma source(%dma_start3A_458 : memref<4x128xi32, #tpu.memory_space<hbm>>) target(%dma_start3A_456 : memref<4x128xi32, #tpu.memory_space<vmem>>) target_semaphore(%arg19 : memref<!tpu.dma_semaphore, #tpu.memory_space<semaphore_mem>>)
        %dma_start3A_459 = arith.constant 0 : i32
        %dma_start3A_460 = arith.constant 0 : i32
        %dma_start3A_461 = tpu.memref_slice %arg15[%rem3A_222, %dma_start3A_459, %dma_start3A_460] : memref<2x4x128xf32, #tpu.memory_space<vmem>> -> memref<1x4x128xf32, #tpu.memory_space<vmem>>
        %dma_start3A_462 = tpu.memref_squeeze %dma_start3A_461 : memref<1x4x128xf32, #tpu.memory_space<vmem>> -> memref<4x128xf32, #tpu.memory_space<vmem>>
        %dma_start3A_463 = arith.constant 0 : i32
        %dma_start3A_464 = tpu.memref_slice %arg6[%add3A_434, %dma_start3A_463] : memref<12544x128xf32, #tpu.memory_space<hbm>> -> memref<4x128xf32, #tpu.memory_space<hbm>>
        %dma_start3A_465 = arith.constant 0 : i32
        %dma_start3A_466 = arith.constant 0 : i32
        %dma_start3A_467 = tpu.memref_slice %arg15[%rem3A_222, %dma_start3A_465, %dma_start3A_466] : memref<2x4x128xf32, #tpu.memory_space<vmem>> -> memref<1x4x128xf32, #tpu.memory_space<vmem>>
        %dma_start3A_468 = tpu.memref_squeeze %dma_start3A_467 : memref<1x4x128xf32, #tpu.memory_space<vmem>> -> memref<4x128xf32, #tpu.memory_space<vmem>>
        %dma_start3A_469 = arith.constant 0 : i32
        %dma_start3A_470 = tpu.memref_slice %arg6[%add3A_434, %dma_start3A_469] : memref<12544x128xf32, #tpu.memory_space<hbm>> -> memref<4x128xf32, #tpu.memory_space<hbm>>
        tpu.enqueue_dma source(%dma_start3A_470 : memref<4x128xf32, #tpu.memory_space<hbm>>) target(%dma_start3A_468 : memref<4x128xf32, #tpu.memory_space<vmem>>) target_semaphore(%arg19 : memref<!tpu.dma_semaphore, #tpu.memory_space<semaphore_mem>>)
        %dma_start3A_471 = arith.constant 0 : i32
        %dma_start3A_472 = arith.constant 0 : i32
        %dma_start3A_473 = tpu.memref_slice %arg17[%rem3A_222, %dma_start3A_471, %dma_start3A_472] : memref<2x4x128xf32, #tpu.memory_space<vmem>> -> memref<1x4x128xf32, #tpu.memory_space<vmem>>
        %dma_start3A_474 = tpu.memref_squeeze %dma_start3A_473 : memref<1x4x128xf32, #tpu.memory_space<vmem>> -> memref<4x128xf32, #tpu.memory_space<vmem>>
        %dma_start3A_475 = arith.constant 0 : i32
        %dma_start3A_476 = tpu.memref_slice %arg5[%add3A_434, %dma_start3A_475] : memref<12544x128xf32, #tpu.memory_space<hbm>> -> memref<4x128xf32, #tpu.memory_space<hbm>>
        %dma_start3A_477 = arith.constant 0 : i32
        %dma_start3A_478 = arith.constant 0 : i32
        %dma_start3A_479 = tpu.memref_slice %arg17[%rem3A_222, %dma_start3A_477, %dma_start3A_478] : memref<2x4x128xf32, #tpu.memory_space<vmem>> -> memref<1x4x128xf32, #tpu.memory_space<vmem>>
        %dma_start3A_480 = tpu.memref_squeeze %dma_start3A_479 : memref<1x4x128xf32, #tpu.memory_space<vmem>> -> memref<4x128xf32, #tpu.memory_space<vmem>>
        %dma_start3A_481 = arith.constant 0 : i32
        %dma_start3A_482 = tpu.memref_slice %arg5[%add3A_434, %dma_start3A_481] : memref<12544x128xf32, #tpu.memory_space<hbm>> -> memref<4x128xf32, #tpu.memory_space<hbm>>
        tpu.enqueue_dma source(%dma_start3A_482 : memref<4x128xf32, #tpu.memory_space<hbm>>) target(%dma_start3A_480 : memref<4x128xf32, #tpu.memory_space<vmem>>) target_semaphore(%arg19 : memref<!tpu.dma_semaphore, #tpu.memory_space<semaphore_mem>>)
      } else {
      }
      %dma_wait3A_226 = arith.constant 0 : i32
      %dma_wait3A_227 = arith.constant 0 : i32
      %dma_wait3A_228 = tpu.memref_slice %arg16[%dma_wait3A_226, %dma_wait3A_227] : memref<512x32xf32, #tpu.memory_space<vmem>> -> memref<128x32xf32, #tpu.memory_space<vmem>>
      %dma_wait3A_229 = arith.constant 0 : i32
      %dma_wait3A_230 = arith.constant 0 : i32
      %dma_wait3A_231 = tpu.memref_slice %arg2[%dma_wait3A_229, %dma_wait3A_230] : memref<51200x32xf32, #tpu.memory_space<hbm>> -> memref<128x32xf32, #tpu.memory_space<hbm>>
      %dma_wait3A_232 = arith.constant 0 : i32
      %dma_wait3A_233 = arith.constant 0 : i32
      %dma_wait3A_234 = tpu.memref_slice %arg16[%dma_wait3A_232, %dma_wait3A_233] : memref<512x32xf32, #tpu.memory_space<vmem>> -> memref<128x32xf32, #tpu.memory_space<vmem>>
      %dma_wait3A_235 = arith.constant 0 : i32
      %dma_wait3A_236 = arith.constant 0 : i32
      %dma_wait3A_237 = tpu.memref_slice %arg2[%dma_wait3A_235, %dma_wait3A_236] : memref<51200x32xf32, #tpu.memory_space<hbm>> -> memref<128x32xf32, #tpu.memory_space<hbm>>
      tpu.wait_dma2 semaphore(%arg18 : memref<!tpu.dma_semaphore, #tpu.memory_space<semaphore_mem>>) src(%dma_wait3A_237 : memref<128x32xf32, #tpu.memory_space<hbm>>) dst(%dma_wait3A_234 : memref<128x32xf32, #tpu.memory_space<vmem>>)
      %dma_wait3A_238 = arith.constant 128 : i32
      %dma_wait3A_239 = arith.constant 0 : i32
      %dma_wait3A_240 = tpu.memref_slice %arg16[%dma_wait3A_238, %dma_wait3A_239] : memref<512x32xf32, #tpu.memory_space<vmem>> -> memref<128x32xf32, #tpu.memory_space<vmem>>
      %dma_wait3A_241 = arith.constant 0 : i32
      %dma_wait3A_242 = arith.constant 0 : i32
      %dma_wait3A_243 = tpu.memref_slice %arg2[%dma_wait3A_241, %dma_wait3A_242] : memref<51200x32xf32, #tpu.memory_space<hbm>> -> memref<128x32xf32, #tpu.memory_space<hbm>>
      %dma_wait3A_244 = arith.constant 128 : i32
      %dma_wait3A_245 = arith.constant 0 : i32
      %dma_wait3A_246 = tpu.memref_slice %arg16[%dma_wait3A_244, %dma_wait3A_245] : memref<512x32xf32, #tpu.memory_space<vmem>> -> memref<128x32xf32, #tpu.memory_space<vmem>>
      %dma_wait3A_247 = arith.constant 0 : i32
      %dma_wait3A_248 = arith.constant 0 : i32
      %dma_wait3A_249 = tpu.memref_slice %arg2[%dma_wait3A_247, %dma_wait3A_248] : memref<51200x32xf32, #tpu.memory_space<hbm>> -> memref<128x32xf32, #tpu.memory_space<hbm>>
      tpu.wait_dma2 semaphore(%arg18 : memref<!tpu.dma_semaphore, #tpu.memory_space<semaphore_mem>>) src(%dma_wait3A_249 : memref<128x32xf32, #tpu.memory_space<hbm>>) dst(%dma_wait3A_246 : memref<128x32xf32, #tpu.memory_space<vmem>>)
      %ge3A = arith.constant 1 : i32
      %ge3A_250 = arith.cmpi sge, %while3A_215, %ge3A : i32
      %convert_element_type3A_251 = arith.extui %ge3A_250 : i1 to i32
      %cond3A_252 = arith.constant 0 : i32
      %cond3A_253 = arith.cmpi ne, %convert_element_type3A_251, %cond3A_252 : i32
      scf.if %cond3A_253 {
        %dma_wait3A_430 = arith.constant 2 : i32
        %dma_wait3A_431 = arith.constant 2 : i32
        %dma_wait3A_432 = arith.constant 0 : i32
        %dma_wait3A_433 = tpu.memref_slice %arg15[%rem3A_222, %dma_wait3A_430, %dma_wait3A_432] : memref<2x4x128xf32, #tpu.memory_space<vmem>> -> memref<1x1x128xf32, #tpu.memory_space<vmem>>
        %dma_wait3A_434 = tpu.memref_squeeze %dma_wait3A_433 : memref<1x1x128xf32, #tpu.memory_space<vmem>> -> memref<128xf32, #tpu.memory_space<vmem>>
        %dma_wait3A_435 = arith.constant 0 : i32
        %dma_wait3A_436 = tpu.memref_slice %arg13[%rem3A_222, %dma_wait3A_431, %dma_wait3A_435] : memref<2x4x128xi32, #tpu.memory_space<vmem>> -> memref<1x1x128xi32, #tpu.memory_space<vmem>>
        %dma_wait3A_437 = tpu.memref_squeeze %dma_wait3A_436 : memref<1x1x128xi32, #tpu.memory_space<vmem>> -> memref<128xi32, #tpu.memory_space<vmem>>
        %dma_wait3A_438 = arith.constant 0 : i32
        %dma_wait3A_439 = tpu.memref_slice %arg12[%dma_wait3A_438] : memref<51200xf32, #tpu.memory_space<vmem_shared>> -> memref<51200xf32, #tpu.memory_space<vmem_shared>>
        tpu.wait_indirect_dma semaphore(%arg20 : memref<!tpu.dma_semaphore, #tpu.memory_space<semaphore_mem>>) src(%dma_wait3A_434 : memref<128xf32, #tpu.memory_space<vmem>>) dst(%dma_wait3A_439 : memref<51200xf32, #tpu.memory_space<vmem_shared>>)
        %dma_wait3A_440 = arith.constant 2 : i32
        %dma_wait3A_441 = arith.constant 256 : i32
        %dma_wait3A_442 = arith.constant 0 : i32
        %dma_wait3A_443 = tpu.memref_slice %arg16[%dma_wait3A_441, %dma_wait3A_442] : memref<512x32xf32, #tpu.memory_space<vmem>> -> memref<128x32xf32, #tpu.memory_space<vmem>>
        %dma_wait3A_444 = arith.constant 0 : i32
        %dma_wait3A_445 = tpu.memref_slice %arg13[%rem3A_222, %dma_wait3A_440, %dma_wait3A_444] : memref<2x4x128xi32, #tpu.memory_space<vmem>> -> memref<1x1x128xi32, #tpu.memory_space<vmem>>
        %dma_wait3A_446 = tpu.memref_squeeze %dma_wait3A_445 : memref<1x1x128xi32, #tpu.memory_space<vmem>> -> memref<128xi32, #tpu.memory_space<vmem>>
        %dma_wait3A_447 = arith.constant 0 : i32
        %dma_wait3A_448 = arith.constant 0 : i32
        %dma_wait3A_449 = tpu.memref_slice %arg11[%dma_wait3A_447, %dma_wait3A_448] : memref<51200x32xf32, #tpu.memory_space<vmem_shared>> -> memref<51200x32xf32, #tpu.memory_space<vmem_shared>>
        tpu.wait_indirect_dma semaphore(%arg20 : memref<!tpu.dma_semaphore, #tpu.memory_space<semaphore_mem>>) src(%dma_wait3A_443 : memref<128x32xf32, #tpu.memory_space<vmem>>) dst(%dma_wait3A_449 : memref<51200x32xf32, #tpu.memory_space<vmem_shared>>)
        %dma_wait3A_450 = arith.constant 3 : i32
        %dma_wait3A_451 = arith.constant 3 : i32
        %dma_wait3A_452 = arith.constant 0 : i32
        %dma_wait3A_453 = tpu.memref_slice %arg15[%rem3A_222, %dma_wait3A_450, %dma_wait3A_452] : memref<2x4x128xf32, #tpu.memory_space<vmem>> -> memref<1x1x128xf32, #tpu.memory_space<vmem>>
        %dma_wait3A_454 = tpu.memref_squeeze %dma_wait3A_453 : memref<1x1x128xf32, #tpu.memory_space<vmem>> -> memref<128xf32, #tpu.memory_space<vmem>>
        %dma_wait3A_455 = arith.constant 0 : i32
        %dma_wait3A_456 = tpu.memref_slice %arg13[%rem3A_222, %dma_wait3A_451, %dma_wait3A_455] : memref<2x4x128xi32, #tpu.memory_space<vmem>> -> memref<1x1x128xi32, #tpu.memory_space<vmem>>
        %dma_wait3A_457 = tpu.memref_squeeze %dma_wait3A_456 : memref<1x1x128xi32, #tpu.memory_space<vmem>> -> memref<128xi32, #tpu.memory_space<vmem>>
        %dma_wait3A_458 = arith.constant 0 : i32
        %dma_wait3A_459 = tpu.memref_slice %arg12[%dma_wait3A_458] : memref<51200xf32, #tpu.memory_space<vmem_shared>> -> memref<51200xf32, #tpu.memory_space<vmem_shared>>
        tpu.wait_indirect_dma semaphore(%arg20 : memref<!tpu.dma_semaphore, #tpu.memory_space<semaphore_mem>>) src(%dma_wait3A_454 : memref<128xf32, #tpu.memory_space<vmem>>) dst(%dma_wait3A_459 : memref<51200xf32, #tpu.memory_space<vmem_shared>>)
        %dma_wait3A_460 = arith.constant 3 : i32
        %dma_wait3A_461 = arith.constant 384 : i32
        %dma_wait3A_462 = arith.constant 0 : i32
        %dma_wait3A_463 = tpu.memref_slice %arg16[%dma_wait3A_461, %dma_wait3A_462] : memref<512x32xf32, #tpu.memory_space<vmem>> -> memref<128x32xf32, #tpu.memory_space<vmem>>
        %dma_wait3A_464 = arith.constant 0 : i32
        %dma_wait3A_465 = tpu.memref_slice %arg13[%rem3A_222, %dma_wait3A_460, %dma_wait3A_464] : memref<2x4x128xi32, #tpu.memory_space<vmem>> -> memref<1x1x128xi32, #tpu.memory_space<vmem>>
        %dma_wait3A_466 = tpu.memref_squeeze %dma_wait3A_465 : memref<1x1x128xi32, #tpu.memory_space<vmem>> -> memref<128xi32, #tpu.memory_space<vmem>>
        %dma_wait3A_467 = arith.constant 0 : i32
        %dma_wait3A_468 = arith.constant 0 : i32
        %dma_wait3A_469 = tpu.memref_slice %arg11[%dma_wait3A_467, %dma_wait3A_468] : memref<51200x32xf32, #tpu.memory_space<vmem_shared>> -> memref<51200x32xf32, #tpu.memory_space<vmem_shared>>
        tpu.wait_indirect_dma semaphore(%arg20 : memref<!tpu.dma_semaphore, #tpu.memory_space<semaphore_mem>>) src(%dma_wait3A_463 : memref<128x32xf32, #tpu.memory_space<vmem>>) dst(%dma_wait3A_469 : memref<51200x32xf32, #tpu.memory_space<vmem_shared>>)
      } else {
      }
      %dma_start3A_254 = arith.constant 2 : i32
      %dma_start3A_255 = arith.constant 256 : i32
      %dma_start3A_256 = arith.constant 0 : i32
      %dma_start3A_257 = tpu.memref_slice %arg16[%dma_start3A_255, %dma_start3A_256] : memref<512x32xf32, #tpu.memory_space<vmem>> -> memref<128x32xf32, #tpu.memory_space<vmem>>
      %dma_start3A_258 = arith.constant 0 : i32
      %dma_start3A_259 = tpu.memref_slice %arg14[%rem3A_218, %dma_start3A_254, %dma_start3A_258] : memref<2x4x128xi32, #tpu.memory_space<vmem>> -> memref<1x1x128xi32, #tpu.memory_space<vmem>>
      %dma_start3A_260 = tpu.memref_squeeze %dma_start3A_259 : memref<1x1x128xi32, #tpu.memory_space<vmem>> -> memref<128xi32, #tpu.memory_space<vmem>>
      %dma_start3A_261 = arith.constant 0 : i32
      %dma_start3A_262 = arith.constant 0 : i32
      %dma_start3A_263 = tpu.memref_slice %arg2[%dma_start3A_261, %dma_start3A_262] : memref<51200x32xf32, #tpu.memory_space<hbm>> -> memref<51200x32xf32, #tpu.memory_space<hbm>>
      tpu.enqueue_indirect_dma source(%dma_start3A_263 : memref<51200x32xf32, #tpu.memory_space<hbm>>) target(%dma_start3A_257 : memref<128x32xf32, #tpu.memory_space<vmem>>) offsets(%dma_start3A_260 : memref<128xi32, #tpu.memory_space<vmem>>) semaphore(%arg18 : memref<!tpu.dma_semaphore, #tpu.memory_space<semaphore_mem>>)
      %dma_start3A_264 = arith.constant 3 : i32
      %dma_start3A_265 = arith.constant 384 : i32
      %dma_start3A_266 = arith.constant 0 : i32
      %dma_start3A_267 = tpu.memref_slice %arg16[%dma_start3A_265, %dma_start3A_266] : memref<512x32xf32, #tpu.memory_space<vmem>> -> memref<128x32xf32, #tpu.memory_space<vmem>>
      %dma_start3A_268 = arith.constant 0 : i32
      %dma_start3A_269 = tpu.memref_slice %arg14[%rem3A_218, %dma_start3A_264, %dma_start3A_268] : memref<2x4x128xi32, #tpu.memory_space<vmem>> -> memref<1x1x128xi32, #tpu.memory_space<vmem>>
      %dma_start3A_270 = tpu.memref_squeeze %dma_start3A_269 : memref<1x1x128xi32, #tpu.memory_space<vmem>> -> memref<128xi32, #tpu.memory_space<vmem>>
      %dma_start3A_271 = arith.constant 0 : i32
      %dma_start3A_272 = arith.constant 0 : i32
      %dma_start3A_273 = tpu.memref_slice %arg2[%dma_start3A_271, %dma_start3A_272] : memref<51200x32xf32, #tpu.memory_space<hbm>> -> memref<51200x32xf32, #tpu.memory_space<hbm>>
      tpu.enqueue_indirect_dma source(%dma_start3A_273 : memref<51200x32xf32, #tpu.memory_space<hbm>>) target(%dma_start3A_267 : memref<128x32xf32, #tpu.memory_space<vmem>>) offsets(%dma_start3A_270 : memref<128xi32, #tpu.memory_space<vmem>>) semaphore(%arg18 : memref<!tpu.dma_semaphore, #tpu.memory_space<semaphore_mem>>)
      %parallel_loop3A = arith.constant 0 : i32
      %parallel_loop3A_274 = arith.constant 16 : i32
      %parallel_loop3A_275 = arith.constant 1 : i32
      scf.for %parallel_loop3A_430 = %parallel_loop3A to %parallel_loop3A_274 step %parallel_loop3A_275  : i32 {
        %parallel_loop3A_431 = arith.constant 3 : i32
        %parallel_loop3A_432 = arith.shrsi %parallel_loop3A_430, %parallel_loop3A_431 : i32
        %parallel_loop3A_433 = arith.constant 7 : i32
        %parallel_loop3A_434 = arith.andi %parallel_loop3A_430, %parallel_loop3A_433 : i32
        %parallel_loop3A_435 = arith.constant 16 : i32
        %parallel_loop3A_436 = arith.muli %parallel_loop3A_434, %parallel_loop3A_435 : i32
        %parallel_loop3A_437 = arith.index_cast %rem3A_218 : i32 to index
        %parallel_loop3A_438 = arith.index_cast %parallel_loop3A_432 : i32 to index
        %parallel_loop3A_439 = arith.index_cast %parallel_loop3A_436 : i32 to index
        %parallel_loop3A_440 = tpu.vector_load %arg17[%parallel_loop3A_437, %parallel_loop3A_438, %parallel_loop3A_439] {strides = array<i32>} : memref<2x4x128xf32, #tpu.memory_space<vmem>>, vector<16xf32>,
        %parallel_loop3A_441 = arith.constant 16 : i32
        %parallel_loop3A_442 = arith.muli %parallel_loop3A_430, %parallel_loop3A_441 : i32
        %parallel_loop3A_443 = vector.extract_strided_slice %parallel_loop3A_440 {offsets = [0], sizes = [1], strides = [1]} : vector<16xf32> to vector<1xf32>
        %parallel_loop3A_444 = vector.extract %parallel_loop3A_443[0] : f32 from vector<1xf32>
        %parallel_loop3A_445 = arith.constant 0 : i32
        %parallel_loop3A_446 = arith.addi %parallel_loop3A_442, %parallel_loop3A_445 : i32
        %parallel_loop3A_447 = arith.index_cast %parallel_loop3A_446 : i32 to index
        %parallel_loop3A_448 = arith.constant 0 : index
        %parallel_loop3A_449 = tpu.vector_load %arg16[%parallel_loop3A_447, %parallel_loop3A_448] {strides = array<i32>} : memref<512x32xf32, #tpu.memory_space<vmem>>, vector<16xf32>,
        %parallel_loop3A_450 = vector.broadcast %parallel_loop3A_444 : f32 to vector<16xf32>
        %parallel_loop3A_451 = arith.mulf %parallel_loop3A_449, %parallel_loop3A_450 : vector<16xf32>
        %parallel_loop3A_452 = arith.index_cast %parallel_loop3A_446 : i32 to index
        %parallel_loop3A_453 = arith.constant 0 : index
        %parallel_loop3A_454 = tpu.vector_load %arg16[%parallel_loop3A_452, %parallel_loop3A_453] {strides = array<i32>} : memref<512x32xf32, #tpu.memory_space<vmem>>, vector<16xf32>,
        tpu.vector_store %arg16[%parallel_loop3A_452, %parallel_loop3A_453], %parallel_loop3A_451 {strides = array<i32>} : memref<512x32xf32, #tpu.memory_space<vmem>>, vector<16xf32>,
        %parallel_loop3A_455 = arith.index_cast %parallel_loop3A_446 : i32 to index
        %parallel_loop3A_456 = arith.constant 16 : index
        %parallel_loop3A_457 = tpu.vector_load %arg16[%parallel_loop3A_455, %parallel_loop3A_456] {strides = array<i32>} : memref<512x32xf32, #tpu.memory_space<vmem>>, vector<16xf32>,
        %parallel_loop3A_458 = vector.broadcast %parallel_loop3A_444 : f32 to vector<16xf32>
        %parallel_loop3A_459 = arith.mulf %parallel_loop3A_457, %parallel_loop3A_458 : vector<16xf32>
        %parallel_loop3A_460 = arith.index_cast %parallel_loop3A_446 : i32 to index
        %parallel_loop3A_461 = arith.constant 16 : index
        %parallel_loop3A_462 = tpu.vector_load %arg16[%parallel_loop3A_460, %parallel_loop3A_461] {strides = array<i32>} : memref<512x32xf32, #tpu.memory_space<vmem>>, vector<16xf32>,
        tpu.vector_store %arg16[%parallel_loop3A_460, %parallel_loop3A_461], %parallel_loop3A_459 {strides = array<i32>} : memref<512x32xf32, #tpu.memory_space<vmem>>, vector<16xf32>,
        %parallel_loop3A_463 = vector.extract_strided_slice %parallel_loop3A_440 {offsets = [1], sizes = [1], strides = [1]} : vector<16xf32> to vector<1xf32>
        %parallel_loop3A_464 = vector.extract %parallel_loop3A_463[0] : f32 from vector<1xf32>
        %parallel_loop3A_465 = arith.constant 1 : i32
        %parallel_loop3A_466 = arith.addi %parallel_loop3A_442, %parallel_loop3A_465 : i32
        %parallel_loop3A_467 = arith.index_cast %parallel_loop3A_466 : i32 to index
        %parallel_loop3A_468 = arith.constant 0 : index
        %parallel_loop3A_469 = tpu.vector_load %arg16[%parallel_loop3A_467, %parallel_loop3A_468] {strides = array<i32>} : memref<512x32xf32, #tpu.memory_space<vmem>>, vector<16xf32>,
        %parallel_loop3A_470 = vector.broadcast %parallel_loop3A_464 : f32 to vector<16xf32>
        %parallel_loop3A_471 = arith.mulf %parallel_loop3A_469, %parallel_loop3A_470 : vector<16xf32>
        %parallel_loop3A_472 = arith.index_cast %parallel_loop3A_466 : i32 to index
        %parallel_loop3A_473 = arith.constant 0 : index
        %parallel_loop3A_474 = tpu.vector_load %arg16[%parallel_loop3A_472, %parallel_loop3A_473] {strides = array<i32>} : memref<512x32xf32, #tpu.memory_space<vmem>>, vector<16xf32>,
        tpu.vector_store %arg16[%parallel_loop3A_472, %parallel_loop3A_473], %parallel_loop3A_471 {strides = array<i32>} : memref<512x32xf32, #tpu.memory_space<vmem>>, vector<16xf32>,
        %parallel_loop3A_475 = arith.index_cast %parallel_loop3A_466 : i32 to index
        %parallel_loop3A_476 = arith.constant 16 : index
        %parallel_loop3A_477 = tpu.vector_load %arg16[%parallel_loop3A_475, %parallel_loop3A_476] {strides = array<i32>} : memref<512x32xf32, #tpu.memory_space<vmem>>, vector<16xf32>,
        %parallel_loop3A_478 = vector.broadcast %parallel_loop3A_464 : f32 to vector<16xf32>
        %parallel_loop3A_479 = arith.mulf %parallel_loop3A_477, %parallel_loop3A_478 : vector<16xf32>
        %parallel_loop3A_480 = arith.index_cast %parallel_loop3A_466 : i32 to index
        %parallel_loop3A_481 = arith.constant 16 : index
        %parallel_loop3A_482 = tpu.vector_load %arg16[%parallel_loop3A_480, %parallel_loop3A_481] {strides = array<i32>} : memref<512x32xf32, #tpu.memory_space<vmem>>, vector<16xf32>,
        tpu.vector_store %arg16[%parallel_loop3A_480, %parallel_loop3A_481], %parallel_loop3A_479 {strides = array<i32>} : memref<512x32xf32, #tpu.memory_space<vmem>>, vector<16xf32>,
        %parallel_loop3A_483 = vector.extract_strided_slice %parallel_loop3A_440 {offsets = [2], sizes = [1], strides = [1]} : vector<16xf32> to vector<1xf32>
        %parallel_loop3A_484 = vector.extract %parallel_loop3A_483[0] : f32 from vector<1xf32>
        %parallel_loop3A_485 = arith.constant 2 : i32
        %parallel_loop3A_486 = arith.addi %parallel_loop3A_442, %parallel_loop3A_485 : i32
        %parallel_loop3A_487 = arith.index_cast %parallel_loop3A_486 : i32 to index
        %parallel_loop3A_488 = arith.constant 0 : index
        %parallel_loop3A_489 = tpu.vector_load %arg16[%parallel_loop3A_487, %parallel_loop3A_488] {strides = array<i32>} : memref<512x32xf32, #tpu.memory_space<vmem>>, vector<16xf32>,
        %parallel_loop3A_490 = vector.broadcast %parallel_loop3A_484 : f32 to vector<16xf32>
        %parallel_loop3A_491 = arith.mulf %parallel_loop3A_489, %parallel_loop3A_490 : vector<16xf32>
        %parallel_loop3A_492 = arith.index_cast %parallel_loop3A_486 : i32 to index
        %parallel_loop3A_493 = arith.constant 0 : index
        %parallel_loop3A_494 = tpu.vector_load %arg16[%parallel_loop3A_492, %parallel_loop3A_493] {strides = array<i32>} : memref<512x32xf32, #tpu.memory_space<vmem>>, vector<16xf32>,
        tpu.vector_store %arg16[%parallel_loop3A_492, %parallel_loop3A_493], %parallel_loop3A_491 {strides = array<i32>} : memref<512x32xf32, #tpu.memory_space<vmem>>, vector<16xf32>,
        %parallel_loop3A_495 = arith.index_cast %parallel_loop3A_486 : i32 to index
        %parallel_loop3A_496 = arith.constant 16 : index
        %parallel_loop3A_497 = tpu.vector_load %arg16[%parallel_loop3A_495, %parallel_loop3A_496] {strides = array<i32>} : memref<512x32xf32, #tpu.memory_space<vmem>>, vector<16xf32>,
        %parallel_loop3A_498 = vector.broadcast %parallel_loop3A_484 : f32 to vector<16xf32>
        %parallel_loop3A_499 = arith.mulf %parallel_loop3A_497, %parallel_loop3A_498 : vector<16xf32>
        %parallel_loop3A_500 = arith.index_cast %parallel_loop3A_486 : i32 to index
        %parallel_loop3A_501 = arith.constant 16 : index
        %parallel_loop3A_502 = tpu.vector_load %arg16[%parallel_loop3A_500, %parallel_loop3A_501] {strides = array<i32>} : memref<512x32xf32, #tpu.memory_space<vmem>>, vector<16xf32>,
        tpu.vector_store %arg16[%parallel_loop3A_500, %parallel_loop3A_501], %parallel_loop3A_499 {strides = array<i32>} : memref<512x32xf32, #tpu.memory_space<vmem>>, vector<16xf32>,
        %parallel_loop3A_503 = vector.extract_strided_slice %parallel_loop3A_440 {offsets = [3], sizes = [1], strides = [1]} : vector<16xf32> to vector<1xf32>
        %parallel_loop3A_504 = vector.extract %parallel_loop3A_503[0] : f32 from vector<1xf32>
        %parallel_loop3A_505 = arith.constant 3 : i32
        %parallel_loop3A_506 = arith.addi %parallel_loop3A_442, %parallel_loop3A_505 : i32
        %parallel_loop3A_507 = arith.index_cast %parallel_loop3A_506 : i32 to index
        %parallel_loop3A_508 = arith.constant 0 : index
        %parallel_loop3A_509 = tpu.vector_load %arg16[%parallel_loop3A_507, %parallel_loop3A_508] {strides = array<i32>} : memref<512x32xf32, #tpu.memory_space<vmem>>, vector<16xf32>,
        %parallel_loop3A_510 = vector.broadcast %parallel_loop3A_504 : f32 to vector<16xf32>
        %parallel_loop3A_511 = arith.mulf %parallel_loop3A_509, %parallel_loop3A_510 : vector<16xf32>
        %parallel_loop3A_512 = arith.index_cast %parallel_loop3A_506 : i32 to index
        %parallel_loop3A_513 = arith.constant 0 : index
        %parallel_loop3A_514 = tpu.vector_load %arg16[%parallel_loop3A_512, %parallel_loop3A_513] {strides = array<i32>} : memref<512x32xf32, #tpu.memory_space<vmem>>, vector<16xf32>,
        tpu.vector_store %arg16[%parallel_loop3A_512, %parallel_loop3A_513], %parallel_loop3A_511 {strides = array<i32>} : memref<512x32xf32, #tpu.memory_space<vmem>>, vector<16xf32>,
        %parallel_loop3A_515 = arith.index_cast %parallel_loop3A_506 : i32 to index
        %parallel_loop3A_516 = arith.constant 16 : index
        %parallel_loop3A_517 = tpu.vector_load %arg16[%parallel_loop3A_515, %parallel_loop3A_516] {strides = array<i32>} : memref<512x32xf32, #tpu.memory_space<vmem>>, vector<16xf32>,
        %parallel_loop3A_518 = vector.broadcast %parallel_loop3A_504 : f32 to vector<16xf32>
        %parallel_loop3A_519 = arith.mulf %parallel_loop3A_517, %parallel_loop3A_518 : vector<16xf32>
        %parallel_loop3A_520 = arith.index_cast %parallel_loop3A_506 : i32 to index
        %parallel_loop3A_521 = arith.constant 16 : index
        %parallel_loop3A_522 = tpu.vector_load %arg16[%parallel_loop3A_520, %parallel_loop3A_521] {strides = array<i32>} : memref<512x32xf32, #tpu.memory_space<vmem>>, vector<16xf32>,
        tpu.vector_store %arg16[%parallel_loop3A_520, %parallel_loop3A_521], %parallel_loop3A_519 {strides = array<i32>} : memref<512x32xf32, #tpu.memory_space<vmem>>, vector<16xf32>,
        %parallel_loop3A_523 = vector.extract_strided_slice %parallel_loop3A_440 {offsets = [4], sizes = [1], strides = [1]} : vector<16xf32> to vector<1xf32>
        %parallel_loop3A_524 = vector.extract %parallel_loop3A_523[0] : f32 from vector<1xf32>
        %parallel_loop3A_525 = arith.constant 4 : i32
        %parallel_loop3A_526 = arith.addi %parallel_loop3A_442, %parallel_loop3A_525 : i32
        %parallel_loop3A_527 = arith.index_cast %parallel_loop3A_526 : i32 to index
        %parallel_loop3A_528 = arith.constant 0 : index
        %parallel_loop3A_529 = tpu.vector_load %arg16[%parallel_loop3A_527, %parallel_loop3A_528] {strides = array<i32>} : memref<512x32xf32, #tpu.memory_space<vmem>>, vector<16xf32>,
        %parallel_loop3A_530 = vector.broadcast %parallel_loop3A_524 : f32 to vector<16xf32>
        %parallel_loop3A_531 = arith.mulf %parallel_loop3A_529, %parallel_loop3A_530 : vector<16xf32>
        %parallel_loop3A_532 = arith.index_cast %parallel_loop3A_526 : i32 to index
        %parallel_loop3A_533 = arith.constant 0 : index
        %parallel_loop3A_534 = tpu.vector_load %arg16[%parallel_loop3A_532, %parallel_loop3A_533] {strides = array<i32>} : memref<512x32xf32, #tpu.memory_space<vmem>>, vector<16xf32>,
        tpu.vector_store %arg16[%parallel_loop3A_532, %parallel_loop3A_533], %parallel_loop3A_531 {strides = array<i32>} : memref<512x32xf32, #tpu.memory_space<vmem>>, vector<16xf32>,
        %parallel_loop3A_535 = arith.index_cast %parallel_loop3A_526 : i32 to index
        %parallel_loop3A_536 = arith.constant 16 : index
        %parallel_loop3A_537 = tpu.vector_load %arg16[%parallel_loop3A_535, %parallel_loop3A_536] {strides = array<i32>} : memref<512x32xf32, #tpu.memory_space<vmem>>, vector<16xf32>,
        %parallel_loop3A_538 = vector.broadcast %parallel_loop3A_524 : f32 to vector<16xf32>
        %parallel_loop3A_539 = arith.mulf %parallel_loop3A_537, %parallel_loop3A_538 : vector<16xf32>
        %parallel_loop3A_540 = arith.index_cast %parallel_loop3A_526 : i32 to index
        %parallel_loop3A_541 = arith.constant 16 : index
        %parallel_loop3A_542 = tpu.vector_load %arg16[%parallel_loop3A_540, %parallel_loop3A_541] {strides = array<i32>} : memref<512x32xf32, #tpu.memory_space<vmem>>, vector<16xf32>,
        tpu.vector_store %arg16[%parallel_loop3A_540, %parallel_loop3A_541], %parallel_loop3A_539 {strides = array<i32>} : memref<512x32xf32, #tpu.memory_space<vmem>>, vector<16xf32>,
        %parallel_loop3A_543 = vector.extract_strided_slice %parallel_loop3A_440 {offsets = [5], sizes = [1], strides = [1]} : vector<16xf32> to vector<1xf32>
        %parallel_loop3A_544 = vector.extract %parallel_loop3A_543[0] : f32 from vector<1xf32>
        %parallel_loop3A_545 = arith.constant 5 : i32
        %parallel_loop3A_546 = arith.addi %parallel_loop3A_442, %parallel_loop3A_545 : i32
        %parallel_loop3A_547 = arith.index_cast %parallel_loop3A_546 : i32 to index
        %parallel_loop3A_548 = arith.constant 0 : index
        %parallel_loop3A_549 = tpu.vector_load %arg16[%parallel_loop3A_547, %parallel_loop3A_548] {strides = array<i32>} : memref<512x32xf32, #tpu.memory_space<vmem>>, vector<16xf32>,
        %parallel_loop3A_550 = vector.broadcast %parallel_loop3A_544 : f32 to vector<16xf32>
        %parallel_loop3A_551 = arith.mulf %parallel_loop3A_549, %parallel_loop3A_550 : vector<16xf32>
        %parallel_loop3A_552 = arith.index_cast %parallel_loop3A_546 : i32 to index
        %parallel_loop3A_553 = arith.constant 0 : index
        %parallel_loop3A_554 = tpu.vector_load %arg16[%parallel_loop3A_552, %parallel_loop3A_553] {strides = array<i32>} : memref<512x32xf32, #tpu.memory_space<vmem>>, vector<16xf32>,
        tpu.vector_store %arg16[%parallel_loop3A_552, %parallel_loop3A_553], %parallel_loop3A_551 {strides = array<i32>} : memref<512x32xf32, #tpu.memory_space<vmem>>, vector<16xf32>,
        %parallel_loop3A_555 = arith.index_cast %parallel_loop3A_546 : i32 to index
        %parallel_loop3A_556 = arith.constant 16 : index
        %parallel_loop3A_557 = tpu.vector_load %arg16[%parallel_loop3A_555, %parallel_loop3A_556] {strides = array<i32>} : memref<512x32xf32, #tpu.memory_space<vmem>>, vector<16xf32>,
        %parallel_loop3A_558 = vector.broadcast %parallel_loop3A_544 : f32 to vector<16xf32>
        %parallel_loop3A_559 = arith.mulf %parallel_loop3A_557, %parallel_loop3A_558 : vector<16xf32>
        %parallel_loop3A_560 = arith.index_cast %parallel_loop3A_546 : i32 to index
        %parallel_loop3A_561 = arith.constant 16 : index
        %parallel_loop3A_562 = tpu.vector_load %arg16[%parallel_loop3A_560, %parallel_loop3A_561] {strides = array<i32>} : memref<512x32xf32, #tpu.memory_space<vmem>>, vector<16xf32>,
        tpu.vector_store %arg16[%parallel_loop3A_560, %parallel_loop3A_561], %parallel_loop3A_559 {strides = array<i32>} : memref<512x32xf32, #tpu.memory_space<vmem>>, vector<16xf32>,
        %parallel_loop3A_563 = vector.extract_strided_slice %parallel_loop3A_440 {offsets = [6], sizes = [1], strides = [1]} : vector<16xf32> to vector<1xf32>
        %parallel_loop3A_564 = vector.extract %parallel_loop3A_563[0] : f32 from vector<1xf32>
        %parallel_loop3A_565 = arith.constant 6 : i32
        %parallel_loop3A_566 = arith.addi %parallel_loop3A_442, %parallel_loop3A_565 : i32
        %parallel_loop3A_567 = arith.index_cast %parallel_loop3A_566 : i32 to index
        %parallel_loop3A_568 = arith.constant 0 : index
        %parallel_loop3A_569 = tpu.vector_load %arg16[%parallel_loop3A_567, %parallel_loop3A_568] {strides = array<i32>} : memref<512x32xf32, #tpu.memory_space<vmem>>, vector<16xf32>,
        %parallel_loop3A_570 = vector.broadcast %parallel_loop3A_564 : f32 to vector<16xf32>
        %parallel_loop3A_571 = arith.mulf %parallel_loop3A_569, %parallel_loop3A_570 : vector<16xf32>
        %parallel_loop3A_572 = arith.index_cast %parallel_loop3A_566 : i32 to index
        %parallel_loop3A_573 = arith.constant 0 : index
        %parallel_loop3A_574 = tpu.vector_load %arg16[%parallel_loop3A_572, %parallel_loop3A_573] {strides = array<i32>} : memref<512x32xf32, #tpu.memory_space<vmem>>, vector<16xf32>,
        tpu.vector_store %arg16[%parallel_loop3A_572, %parallel_loop3A_573], %parallel_loop3A_571 {strides = array<i32>} : memref<512x32xf32, #tpu.memory_space<vmem>>, vector<16xf32>,
        %parallel_loop3A_575 = arith.index_cast %parallel_loop3A_566 : i32 to index
        %parallel_loop3A_576 = arith.constant 16 : index
        %parallel_loop3A_577 = tpu.vector_load %arg16[%parallel_loop3A_575, %parallel_loop3A_576] {strides = array<i32>} : memref<512x32xf32, #tpu.memory_space<vmem>>, vector<16xf32>,
        %parallel_loop3A_578 = vector.broadcast %parallel_loop3A_564 : f32 to vector<16xf32>
        %parallel_loop3A_579 = arith.mulf %parallel_loop3A_577, %parallel_loop3A_578 : vector<16xf32>
        %parallel_loop3A_580 = arith.index_cast %parallel_loop3A_566 : i32 to index
        %parallel_loop3A_581 = arith.constant 16 : index
        %parallel_loop3A_582 = tpu.vector_load %arg16[%parallel_loop3A_580, %parallel_loop3A_581] {strides = array<i32>} : memref<512x32xf32, #tpu.memory_space<vmem>>, vector<16xf32>,
        tpu.vector_store %arg16[%parallel_loop3A_580, %parallel_loop3A_581], %parallel_loop3A_579 {strides = array<i32>} : memref<512x32xf32, #tpu.memory_space<vmem>>, vector<16xf32>,
        %parallel_loop3A_583 = vector.extract_strided_slice %parallel_loop3A_440 {offsets = [7], sizes = [1], strides = [1]} : vector<16xf32> to vector<1xf32>
        %parallel_loop3A_584 = vector.extract %parallel_loop3A_583[0] : f32 from vector<1xf32>
        %parallel_loop3A_585 = arith.constant 7 : i32
        %parallel_loop3A_586 = arith.addi %parallel_loop3A_442, %parallel_loop3A_585 : i32
        %parallel_loop3A_587 = arith.index_cast %parallel_loop3A_586 : i32 to index
        %parallel_loop3A_588 = arith.constant 0 : index
        %parallel_loop3A_589 = tpu.vector_load %arg16[%parallel_loop3A_587, %parallel_loop3A_588] {strides = array<i32>} : memref<512x32xf32, #tpu.memory_space<vmem>>, vector<16xf32>,
        %parallel_loop3A_590 = vector.broadcast %parallel_loop3A_584 : f32 to vector<16xf32>
        %parallel_loop3A_591 = arith.mulf %parallel_loop3A_589, %parallel_loop3A_590 : vector<16xf32>
        %parallel_loop3A_592 = arith.index_cast %parallel_loop3A_586 : i32 to index
        %parallel_loop3A_593 = arith.constant 0 : index
        %parallel_loop3A_594 = tpu.vector_load %arg16[%parallel_loop3A_592, %parallel_loop3A_593] {strides = array<i32>} : memref<512x32xf32, #tpu.memory_space<vmem>>, vector<16xf32>,
        tpu.vector_store %arg16[%parallel_loop3A_592, %parallel_loop3A_593], %parallel_loop3A_591 {strides = array<i32>} : memref<512x32xf32, #tpu.memory_space<vmem>>, vector<16xf32>,
        %parallel_loop3A_595 = arith.index_cast %parallel_loop3A_586 : i32 to index
        %parallel_loop3A_596 = arith.constant 16 : index
        %parallel_loop3A_597 = tpu.vector_load %arg16[%parallel_loop3A_595, %parallel_loop3A_596] {strides = array<i32>} : memref<512x32xf32, #tpu.memory_space<vmem>>, vector<16xf32>,
        %parallel_loop3A_598 = vector.broadcast %parallel_loop3A_584 : f32 to vector<16xf32>
        %parallel_loop3A_599 = arith.mulf %parallel_loop3A_597, %parallel_loop3A_598 : vector<16xf32>
        %parallel_loop3A_600 = arith.index_cast %parallel_loop3A_586 : i32 to index
        %parallel_loop3A_601 = arith.constant 16 : index
        %parallel_loop3A_602 = tpu.vector_load %arg16[%parallel_loop3A_600, %parallel_loop3A_601] {strides = array<i32>} : memref<512x32xf32, #tpu.memory_space<vmem>>, vector<16xf32>,
        tpu.vector_store %arg16[%parallel_loop3A_600, %parallel_loop3A_601], %parallel_loop3A_599 {strides = array<i32>} : memref<512x32xf32, #tpu.memory_space<vmem>>, vector<16xf32>,
        %parallel_loop3A_603 = vector.extract_strided_slice %parallel_loop3A_440 {offsets = [8], sizes = [1], strides = [1]} : vector<16xf32> to vector<1xf32>
        %parallel_loop3A_604 = vector.extract %parallel_loop3A_603[0] : f32 from vector<1xf32>
        %parallel_loop3A_605 = arith.constant 8 : i32
        %parallel_loop3A_606 = arith.addi %parallel_loop3A_442, %parallel_loop3A_605 : i32
        %parallel_loop3A_607 = arith.index_cast %parallel_loop3A_606 : i32 to index
        %parallel_loop3A_608 = arith.constant 0 : index
        %parallel_loop3A_609 = tpu.vector_load %arg16[%parallel_loop3A_607, %parallel_loop3A_608] {strides = array<i32>} : memref<512x32xf32, #tpu.memory_space<vmem>>, vector<16xf32>,
        %parallel_loop3A_610 = vector.broadcast %parallel_loop3A_604 : f32 to vector<16xf32>
        %parallel_loop3A_611 = arith.mulf %parallel_loop3A_609, %parallel_loop3A_610 : vector<16xf32>
        %parallel_loop3A_612 = arith.index_cast %parallel_loop3A_606 : i32 to index
        %parallel_loop3A_613 = arith.constant 0 : index
        %parallel_loop3A_614 = tpu.vector_load %arg16[%parallel_loop3A_612, %parallel_loop3A_613] {strides = array<i32>} : memref<512x32xf32, #tpu.memory_space<vmem>>, vector<16xf32>,
        tpu.vector_store %arg16[%parallel_loop3A_612, %parallel_loop3A_613], %parallel_loop3A_611 {strides = array<i32>} : memref<512x32xf32, #tpu.memory_space<vmem>>, vector<16xf32>,
        %parallel_loop3A_615 = arith.index_cast %parallel_loop3A_606 : i32 to index
        %parallel_loop3A_616 = arith.constant 16 : index
        %parallel_loop3A_617 = tpu.vector_load %arg16[%parallel_loop3A_615, %parallel_loop3A_616] {strides = array<i32>} : memref<512x32xf32, #tpu.memory_space<vmem>>, vector<16xf32>,
        %parallel_loop3A_618 = vector.broadcast %parallel_loop3A_604 : f32 to vector<16xf32>
        %parallel_loop3A_619 = arith.mulf %parallel_loop3A_617, %parallel_loop3A_618 : vector<16xf32>
        %parallel_loop3A_620 = arith.index_cast %parallel_loop3A_606 : i32 to index
        %parallel_loop3A_621 = arith.constant 16 : index
        %parallel_loop3A_622 = tpu.vector_load %arg16[%parallel_loop3A_620, %parallel_loop3A_621] {strides = array<i32>} : memref<512x32xf32, #tpu.memory_space<vmem>>, vector<16xf32>,
        tpu.vector_store %arg16[%parallel_loop3A_620, %parallel_loop3A_621], %parallel_loop3A_619 {strides = array<i32>} : memref<512x32xf32, #tpu.memory_space<vmem>>, vector<16xf32>,
        %parallel_loop3A_623 = vector.extract_strided_slice %parallel_loop3A_440 {offsets = [9], sizes = [1], strides = [1]} : vector<16xf32> to vector<1xf32>
        %parallel_loop3A_624 = vector.extract %parallel_loop3A_623[0] : f32 from vector<1xf32>
        %parallel_loop3A_625 = arith.constant 9 : i32
        %parallel_loop3A_626 = arith.addi %parallel_loop3A_442, %parallel_loop3A_625 : i32
        %parallel_loop3A_627 = arith.index_cast %parallel_loop3A_626 : i32 to index
        %parallel_loop3A_628 = arith.constant 0 : index
        %parallel_loop3A_629 = tpu.vector_load %arg16[%parallel_loop3A_627, %parallel_loop3A_628] {strides = array<i32>} : memref<512x32xf32, #tpu.memory_space<vmem>>, vector<16xf32>,
        %parallel_loop3A_630 = vector.broadcast %parallel_loop3A_624 : f32 to vector<16xf32>
        %parallel_loop3A_631 = arith.mulf %parallel_loop3A_629, %parallel_loop3A_630 : vector<16xf32>
        %parallel_loop3A_632 = arith.index_cast %parallel_loop3A_626 : i32 to index
        %parallel_loop3A_633 = arith.constant 0 : index
        %parallel_loop3A_634 = tpu.vector_load %arg16[%parallel_loop3A_632, %parallel_loop3A_633] {strides = array<i32>} : memref<512x32xf32, #tpu.memory_space<vmem>>, vector<16xf32>,
        tpu.vector_store %arg16[%parallel_loop3A_632, %parallel_loop3A_633], %parallel_loop3A_631 {strides = array<i32>} : memref<512x32xf32, #tpu.memory_space<vmem>>, vector<16xf32>,
        %parallel_loop3A_635 = arith.index_cast %parallel_loop3A_626 : i32 to index
        %parallel_loop3A_636 = arith.constant 16 : index
        %parallel_loop3A_637 = tpu.vector_load %arg16[%parallel_loop3A_635, %parallel_loop3A_636] {strides = array<i32>} : memref<512x32xf32, #tpu.memory_space<vmem>>, vector<16xf32>,
        %parallel_loop3A_638 = vector.broadcast %parallel_loop3A_624 : f32 to vector<16xf32>
        %parallel_loop3A_639 = arith.mulf %parallel_loop3A_637, %parallel_loop3A_638 : vector<16xf32>
        %parallel_loop3A_640 = arith.index_cast %parallel_loop3A_626 : i32 to index
        %parallel_loop3A_641 = arith.constant 16 : index
        %parallel_loop3A_642 = tpu.vector_load %arg16[%parallel_loop3A_640, %parallel_loop3A_641] {strides = array<i32>} : memref<512x32xf32, #tpu.memory_space<vmem>>, vector<16xf32>,
        tpu.vector_store %arg16[%parallel_loop3A_640, %parallel_loop3A_641], %parallel_loop3A_639 {strides = array<i32>} : memref<512x32xf32, #tpu.memory_space<vmem>>, vector<16xf32>,
        %parallel_loop3A_643 = vector.extract_strided_slice %parallel_loop3A_440 {offsets = [10], sizes = [1], strides = [1]} : vector<16xf32> to vector<1xf32>
        %parallel_loop3A_644 = vector.extract %parallel_loop3A_643[0] : f32 from vector<1xf32>
        %parallel_loop3A_645 = arith.constant 10 : i32
        %parallel_loop3A_646 = arith.addi %parallel_loop3A_442, %parallel_loop3A_645 : i32
        %parallel_loop3A_647 = arith.index_cast %parallel_loop3A_646 : i32 to index
        %parallel_loop3A_648 = arith.constant 0 : index
        %parallel_loop3A_649 = tpu.vector_load %arg16[%parallel_loop3A_647, %parallel_loop3A_648] {strides = array<i32>} : memref<512x32xf32, #tpu.memory_space<vmem>>, vector<16xf32>,
        %parallel_loop3A_650 = vector.broadcast %parallel_loop3A_644 : f32 to vector<16xf32>
        %parallel_loop3A_651 = arith.mulf %parallel_loop3A_649, %parallel_loop3A_650 : vector<16xf32>
        %parallel_loop3A_652 = arith.index_cast %parallel_loop3A_646 : i32 to index
        %parallel_loop3A_653 = arith.constant 0 : index
        %parallel_loop3A_654 = tpu.vector_load %arg16[%parallel_loop3A_652, %parallel_loop3A_653] {strides = array<i32>} : memref<512x32xf32, #tpu.memory_space<vmem>>, vector<16xf32>,
        tpu.vector_store %arg16[%parallel_loop3A_652, %parallel_loop3A_653], %parallel_loop3A_651 {strides = array<i32>} : memref<512x32xf32, #tpu.memory_space<vmem>>, vector<16xf32>,
        %parallel_loop3A_655 = arith.index_cast %parallel_loop3A_646 : i32 to index
        %parallel_loop3A_656 = arith.constant 16 : index
        %parallel_loop3A_657 = tpu.vector_load %arg16[%parallel_loop3A_655, %parallel_loop3A_656] {strides = array<i32>} : memref<512x32xf32, #tpu.memory_space<vmem>>, vector<16xf32>,
        %parallel_loop3A_658 = vector.broadcast %parallel_loop3A_644 : f32 to vector<16xf32>
        %parallel_loop3A_659 = arith.mulf %parallel_loop3A_657, %parallel_loop3A_658 : vector<16xf32>
        %parallel_loop3A_660 = arith.index_cast %parallel_loop3A_646 : i32 to index
        %parallel_loop3A_661 = arith.constant 16 : index
        %parallel_loop3A_662 = tpu.vector_load %arg16[%parallel_loop3A_660, %parallel_loop3A_661] {strides = array<i32>} : memref<512x32xf32, #tpu.memory_space<vmem>>, vector<16xf32>,
        tpu.vector_store %arg16[%parallel_loop3A_660, %parallel_loop3A_661], %parallel_loop3A_659 {strides = array<i32>} : memref<512x32xf32, #tpu.memory_space<vmem>>, vector<16xf32>,
        %parallel_loop3A_663 = vector.extract_strided_slice %parallel_loop3A_440 {offsets = [11], sizes = [1], strides = [1]} : vector<16xf32> to vector<1xf32>
        %parallel_loop3A_664 = vector.extract %parallel_loop3A_663[0] : f32 from vector<1xf32>
        %parallel_loop3A_665 = arith.constant 11 : i32
        %parallel_loop3A_666 = arith.addi %parallel_loop3A_442, %parallel_loop3A_665 : i32
        %parallel_loop3A_667 = arith.index_cast %parallel_loop3A_666 : i32 to index
        %parallel_loop3A_668 = arith.constant 0 : index
        %parallel_loop3A_669 = tpu.vector_load %arg16[%parallel_loop3A_667, %parallel_loop3A_668] {strides = array<i32>} : memref<512x32xf32, #tpu.memory_space<vmem>>, vector<16xf32>,
        %parallel_loop3A_670 = vector.broadcast %parallel_loop3A_664 : f32 to vector<16xf32>
        %parallel_loop3A_671 = arith.mulf %parallel_loop3A_669, %parallel_loop3A_670 : vector<16xf32>
        %parallel_loop3A_672 = arith.index_cast %parallel_loop3A_666 : i32 to index
        %parallel_loop3A_673 = arith.constant 0 : index
        %parallel_loop3A_674 = tpu.vector_load %arg16[%parallel_loop3A_672, %parallel_loop3A_673] {strides = array<i32>} : memref<512x32xf32, #tpu.memory_space<vmem>>, vector<16xf32>,
        tpu.vector_store %arg16[%parallel_loop3A_672, %parallel_loop3A_673], %parallel_loop3A_671 {strides = array<i32>} : memref<512x32xf32, #tpu.memory_space<vmem>>, vector<16xf32>,
        %parallel_loop3A_675 = arith.index_cast %parallel_loop3A_666 : i32 to index
        %parallel_loop3A_676 = arith.constant 16 : index
        %parallel_loop3A_677 = tpu.vector_load %arg16[%parallel_loop3A_675, %parallel_loop3A_676] {strides = array<i32>} : memref<512x32xf32, #tpu.memory_space<vmem>>, vector<16xf32>,
        %parallel_loop3A_678 = vector.broadcast %parallel_loop3A_664 : f32 to vector<16xf32>
        %parallel_loop3A_679 = arith.mulf %parallel_loop3A_677, %parallel_loop3A_678 : vector<16xf32>
        %parallel_loop3A_680 = arith.index_cast %parallel_loop3A_666 : i32 to index
        %parallel_loop3A_681 = arith.constant 16 : index
        %parallel_loop3A_682 = tpu.vector_load %arg16[%parallel_loop3A_680, %parallel_loop3A_681] {strides = array<i32>} : memref<512x32xf32, #tpu.memory_space<vmem>>, vector<16xf32>,
        tpu.vector_store %arg16[%parallel_loop3A_680, %parallel_loop3A_681], %parallel_loop3A_679 {strides = array<i32>} : memref<512x32xf32, #tpu.memory_space<vmem>>, vector<16xf32>,
        %parallel_loop3A_683 = vector.extract_strided_slice %parallel_loop3A_440 {offsets = [12], sizes = [1], strides = [1]} : vector<16xf32> to vector<1xf32>
        %parallel_loop3A_684 = vector.extract %parallel_loop3A_683[0] : f32 from vector<1xf32>
        %parallel_loop3A_685 = arith.constant 12 : i32
        %parallel_loop3A_686 = arith.addi %parallel_loop3A_442, %parallel_loop3A_685 : i32
        %parallel_loop3A_687 = arith.index_cast %parallel_loop3A_686 : i32 to index
        %parallel_loop3A_688 = arith.constant 0 : index
        %parallel_loop3A_689 = tpu.vector_load %arg16[%parallel_loop3A_687, %parallel_loop3A_688] {strides = array<i32>} : memref<512x32xf32, #tpu.memory_space<vmem>>, vector<16xf32>,
        %parallel_loop3A_690 = vector.broadcast %parallel_loop3A_684 : f32 to vector<16xf32>
        %parallel_loop3A_691 = arith.mulf %parallel_loop3A_689, %parallel_loop3A_690 : vector<16xf32>
        %parallel_loop3A_692 = arith.index_cast %parallel_loop3A_686 : i32 to index
        %parallel_loop3A_693 = arith.constant 0 : index
        %parallel_loop3A_694 = tpu.vector_load %arg16[%parallel_loop3A_692, %parallel_loop3A_693] {strides = array<i32>} : memref<512x32xf32, #tpu.memory_space<vmem>>, vector<16xf32>,
        tpu.vector_store %arg16[%parallel_loop3A_692, %parallel_loop3A_693], %parallel_loop3A_691 {strides = array<i32>} : memref<512x32xf32, #tpu.memory_space<vmem>>, vector<16xf32>,
        %parallel_loop3A_695 = arith.index_cast %parallel_loop3A_686 : i32 to index
        %parallel_loop3A_696 = arith.constant 16 : index
        %parallel_loop3A_697 = tpu.vector_load %arg16[%parallel_loop3A_695, %parallel_loop3A_696] {strides = array<i32>} : memref<512x32xf32, #tpu.memory_space<vmem>>, vector<16xf32>,
        %parallel_loop3A_698 = vector.broadcast %parallel_loop3A_684 : f32 to vector<16xf32>
        %parallel_loop3A_699 = arith.mulf %parallel_loop3A_697, %parallel_loop3A_698 : vector<16xf32>
        %parallel_loop3A_700 = arith.index_cast %parallel_loop3A_686 : i32 to index
        %parallel_loop3A_701 = arith.constant 16 : index
        %parallel_loop3A_702 = tpu.vector_load %arg16[%parallel_loop3A_700, %parallel_loop3A_701] {strides = array<i32>} : memref<512x32xf32, #tpu.memory_space<vmem>>, vector<16xf32>,
        tpu.vector_store %arg16[%parallel_loop3A_700, %parallel_loop3A_701], %parallel_loop3A_699 {strides = array<i32>} : memref<512x32xf32, #tpu.memory_space<vmem>>, vector<16xf32>,
        %parallel_loop3A_703 = vector.extract_strided_slice %parallel_loop3A_440 {offsets = [13], sizes = [1], strides = [1]} : vector<16xf32> to vector<1xf32>
        %parallel_loop3A_704 = vector.extract %parallel_loop3A_703[0] : f32 from vector<1xf32>
        %parallel_loop3A_705 = arith.constant 13 : i32
        %parallel_loop3A_706 = arith.addi %parallel_loop3A_442, %parallel_loop3A_705 : i32
        %parallel_loop3A_707 = arith.index_cast %parallel_loop3A_706 : i32 to index
        %parallel_loop3A_708 = arith.constant 0 : index
        %parallel_loop3A_709 = tpu.vector_load %arg16[%parallel_loop3A_707, %parallel_loop3A_708] {strides = array<i32>} : memref<512x32xf32, #tpu.memory_space<vmem>>, vector<16xf32>,
        %parallel_loop3A_710 = vector.broadcast %parallel_loop3A_704 : f32 to vector<16xf32>
        %parallel_loop3A_711 = arith.mulf %parallel_loop3A_709, %parallel_loop3A_710 : vector<16xf32>
        %parallel_loop3A_712 = arith.index_cast %parallel_loop3A_706 : i32 to index
        %parallel_loop3A_713 = arith.constant 0 : index
        %parallel_loop3A_714 = tpu.vector_load %arg16[%parallel_loop3A_712, %parallel_loop3A_713] {strides = array<i32>} : memref<512x32xf32, #tpu.memory_space<vmem>>, vector<16xf32>,
        tpu.vector_store %arg16[%parallel_loop3A_712, %parallel_loop3A_713], %parallel_loop3A_711 {strides = array<i32>} : memref<512x32xf32, #tpu.memory_space<vmem>>, vector<16xf32>,
        %parallel_loop3A_715 = arith.index_cast %parallel_loop3A_706 : i32 to index
        %parallel_loop3A_716 = arith.constant 16 : index
        %parallel_loop3A_717 = tpu.vector_load %arg16[%parallel_loop3A_715, %parallel_loop3A_716] {strides = array<i32>} : memref<512x32xf32, #tpu.memory_space<vmem>>, vector<16xf32>,
        %parallel_loop3A_718 = vector.broadcast %parallel_loop3A_704 : f32 to vector<16xf32>
        %parallel_loop3A_719 = arith.mulf %parallel_loop3A_717, %parallel_loop3A_718 : vector<16xf32>
        %parallel_loop3A_720 = arith.index_cast %parallel_loop3A_706 : i32 to index
        %parallel_loop3A_721 = arith.constant 16 : index
        %parallel_loop3A_722 = tpu.vector_load %arg16[%parallel_loop3A_720, %parallel_loop3A_721] {strides = array<i32>} : memref<512x32xf32, #tpu.memory_space<vmem>>, vector<16xf32>,
        tpu.vector_store %arg16[%parallel_loop3A_720, %parallel_loop3A_721], %parallel_loop3A_719 {strides = array<i32>} : memref<512x32xf32, #tpu.memory_space<vmem>>, vector<16xf32>,
        %parallel_loop3A_723 = vector.extract_strided_slice %parallel_loop3A_440 {offsets = [14], sizes = [1], strides = [1]} : vector<16xf32> to vector<1xf32>
        %parallel_loop3A_724 = vector.extract %parallel_loop3A_723[0] : f32 from vector<1xf32>
        %parallel_loop3A_725 = arith.constant 14 : i32
        %parallel_loop3A_726 = arith.addi %parallel_loop3A_442, %parallel_loop3A_725 : i32
        %parallel_loop3A_727 = arith.index_cast %parallel_loop3A_726 : i32 to index
        %parallel_loop3A_728 = arith.constant 0 : index
        %parallel_loop3A_729 = tpu.vector_load %arg16[%parallel_loop3A_727, %parallel_loop3A_728] {strides = array<i32>} : memref<512x32xf32, #tpu.memory_space<vmem>>, vector<16xf32>,
        %parallel_loop3A_730 = vector.broadcast %parallel_loop3A_724 : f32 to vector<16xf32>
        %parallel_loop3A_731 = arith.mulf %parallel_loop3A_729, %parallel_loop3A_730 : vector<16xf32>
        %parallel_loop3A_732 = arith.index_cast %parallel_loop3A_726 : i32 to index
        %parallel_loop3A_733 = arith.constant 0 : index
        %parallel_loop3A_734 = tpu.vector_load %arg16[%parallel_loop3A_732, %parallel_loop3A_733] {strides = array<i32>} : memref<512x32xf32, #tpu.memory_space<vmem>>, vector<16xf32>,
        tpu.vector_store %arg16[%parallel_loop3A_732, %parallel_loop3A_733], %parallel_loop3A_731 {strides = array<i32>} : memref<512x32xf32, #tpu.memory_space<vmem>>, vector<16xf32>,
        %parallel_loop3A_735 = arith.index_cast %parallel_loop3A_726 : i32 to index
        %parallel_loop3A_736 = arith.constant 16 : index
        %parallel_loop3A_737 = tpu.vector_load %arg16[%parallel_loop3A_735, %parallel_loop3A_736] {strides = array<i32>} : memref<512x32xf32, #tpu.memory_space<vmem>>, vector<16xf32>,
        %parallel_loop3A_738 = vector.broadcast %parallel_loop3A_724 : f32 to vector<16xf32>
        %parallel_loop3A_739 = arith.mulf %parallel_loop3A_737, %parallel_loop3A_738 : vector<16xf32>
        %parallel_loop3A_740 = arith.index_cast %parallel_loop3A_726 : i32 to index
        %parallel_loop3A_741 = arith.constant 16 : index
        %parallel_loop3A_742 = tpu.vector_load %arg16[%parallel_loop3A_740, %parallel_loop3A_741] {strides = array<i32>} : memref<512x32xf32, #tpu.memory_space<vmem>>, vector<16xf32>,
        tpu.vector_store %arg16[%parallel_loop3A_740, %parallel_loop3A_741], %parallel_loop3A_739 {strides = array<i32>} : memref<512x32xf32, #tpu.memory_space<vmem>>, vector<16xf32>,
        %parallel_loop3A_743 = vector.extract_strided_slice %parallel_loop3A_440 {offsets = [15], sizes = [1], strides = [1]} : vector<16xf32> to vector<1xf32>
        %parallel_loop3A_744 = vector.extract %parallel_loop3A_743[0] : f32 from vector<1xf32>
        %parallel_loop3A_745 = arith.constant 15 : i32
        %parallel_loop3A_746 = arith.addi %parallel_loop3A_442, %parallel_loop3A_745 : i32
        %parallel_loop3A_747 = arith.index_cast %parallel_loop3A_746 : i32 to index
        %parallel_loop3A_748 = arith.constant 0 : index
        %parallel_loop3A_749 = tpu.vector_load %arg16[%parallel_loop3A_747, %parallel_loop3A_748] {strides = array<i32>} : memref<512x32xf32, #tpu.memory_space<vmem>>, vector<16xf32>,
        %parallel_loop3A_750 = vector.broadcast %parallel_loop3A_744 : f32 to vector<16xf32>
        %parallel_loop3A_751 = arith.mulf %parallel_loop3A_749, %parallel_loop3A_750 : vector<16xf32>
        %parallel_loop3A_752 = arith.index_cast %parallel_loop3A_746 : i32 to index
        %parallel_loop3A_753 = arith.constant 0 : index
        %parallel_loop3A_754 = tpu.vector_load %arg16[%parallel_loop3A_752, %parallel_loop3A_753] {strides = array<i32>} : memref<512x32xf32, #tpu.memory_space<vmem>>, vector<16xf32>,
        tpu.vector_store %arg16[%parallel_loop3A_752, %parallel_loop3A_753], %parallel_loop3A_751 {strides = array<i32>} : memref<512x32xf32, #tpu.memory_space<vmem>>, vector<16xf32>,
        %parallel_loop3A_755 = arith.index_cast %parallel_loop3A_746 : i32 to index
        %parallel_loop3A_756 = arith.constant 16 : index
        %parallel_loop3A_757 = tpu.vector_load %arg16[%parallel_loop3A_755, %parallel_loop3A_756] {strides = array<i32>} : memref<512x32xf32, #tpu.memory_space<vmem>>, vector<16xf32>,
        %parallel_loop3A_758 = vector.broadcast %parallel_loop3A_744 : f32 to vector<16xf32>
        %parallel_loop3A_759 = arith.mulf %parallel_loop3A_757, %parallel_loop3A_758 : vector<16xf32>
        %parallel_loop3A_760 = arith.index_cast %parallel_loop3A_746 : i32 to index
        %parallel_loop3A_761 = arith.constant 16 : index
        %parallel_loop3A_762 = tpu.vector_load %arg16[%parallel_loop3A_760, %parallel_loop3A_761] {strides = array<i32>} : memref<512x32xf32, #tpu.memory_space<vmem>>, vector<16xf32>,
        tpu.vector_store %arg16[%parallel_loop3A_760, %parallel_loop3A_761], %parallel_loop3A_759 {strides = array<i32>} : memref<512x32xf32, #tpu.memory_space<vmem>>, vector<16xf32>,
      } {sc.loop_unroll_factor = 2 : i64, sc.parallel_access}
      %dma_start3A_276 = arith.constant 0 : i32
      %dma_start3A_277 = arith.constant 0 : i32
      %dma_start3A_278 = arith.constant 0 : i32
      %dma_start3A_279 = tpu.memref_slice %arg15[%rem3A_218, %dma_start3A_276, %dma_start3A_278] : memref<2x4x128xf32, #tpu.memory_space<vmem>> -> memref<1x1x128xf32, #tpu.memory_space<vmem>>
      %dma_start3A_280 = tpu.memref_squeeze %dma_start3A_279 : memref<1x1x128xf32, #tpu.memory_space<vmem>> -> memref<128xf32, #tpu.memory_space<vmem>>
      %dma_start3A_281 = arith.constant 0 : i32
      %dma_start3A_282 = tpu.memref_slice %arg13[%rem3A_218, %dma_start3A_277, %dma_start3A_281] : memref<2x4x128xi32, #tpu.memory_space<vmem>> -> memref<1x1x128xi32, #tpu.memory_space<vmem>>
      %dma_start3A_283 = tpu.memref_squeeze %dma_start3A_282 : memref<1x1x128xi32, #tpu.memory_space<vmem>> -> memref<128xi32, #tpu.memory_space<vmem>>
      %dma_start3A_284 = arith.constant 0 : i32
      %dma_start3A_285 = tpu.memref_slice %arg12[%dma_start3A_284] : memref<51200xf32, #tpu.memory_space<vmem_shared>> -> memref<51200xf32, #tpu.memory_space<vmem_shared>>
      tpu.enqueue_indirect_dma source(%dma_start3A_280 : memref<128xf32, #tpu.memory_space<vmem>>) target(%dma_start3A_285 : memref<51200xf32, #tpu.memory_space<vmem_shared>>) offsets(%dma_start3A_283 : memref<128xi32, #tpu.memory_space<vmem>>) semaphore(%arg20 : memref<!tpu.dma_semaphore, #tpu.memory_space<semaphore_mem>>) {add = true}
      %dma_start3A_286 = arith.constant 0 : i32
      %dma_start3A_287 = arith.constant 0 : i32
      %dma_start3A_288 = arith.constant 0 : i32
      %dma_start3A_289 = tpu.memref_slice %arg16[%dma_start3A_287, %dma_start3A_288] : memref<512x32xf32, #tpu.memory_space<vmem>> -> memref<128x32xf32, #tpu.memory_space<vmem>>
      %dma_start3A_290 = arith.constant 0 : i32
      %dma_start3A_291 = tpu.memref_slice %arg13[%rem3A_218, %dma_start3A_286, %dma_start3A_290] : memref<2x4x128xi32, #tpu.memory_space<vmem>> -> memref<1x1x128xi32, #tpu.memory_space<vmem>>
      %dma_start3A_292 = tpu.memref_squeeze %dma_start3A_291 : memref<1x1x128xi32, #tpu.memory_space<vmem>> -> memref<128xi32, #tpu.memory_space<vmem>>
      %dma_start3A_293 = arith.constant 0 : i32
      %dma_start3A_294 = arith.constant 0 : i32
      %dma_start3A_295 = tpu.memref_slice %arg11[%dma_start3A_293, %dma_start3A_294] : memref<51200x32xf32, #tpu.memory_space<vmem_shared>> -> memref<51200x32xf32, #tpu.memory_space<vmem_shared>>
      tpu.enqueue_indirect_dma source(%dma_start3A_289 : memref<128x32xf32, #tpu.memory_space<vmem>>) target(%dma_start3A_295 : memref<51200x32xf32, #tpu.memory_space<vmem_shared>>) offsets(%dma_start3A_292 : memref<128xi32, #tpu.memory_space<vmem>>) semaphore(%arg20 : memref<!tpu.dma_semaphore, #tpu.memory_space<semaphore_mem>>) {add = true}
      %dma_start3A_296 = arith.constant 1 : i32
      %dma_start3A_297 = arith.constant 1 : i32
      %dma_start3A_298 = arith.constant 0 : i32
      %dma_start3A_299 = tpu.memref_slice %arg15[%rem3A_218, %dma_start3A_296, %dma_start3A_298] : memref<2x4x128xf32, #tpu.memory_space<vmem>> -> memref<1x1x128xf32, #tpu.memory_space<vmem>>
      %dma_start3A_300 = tpu.memref_squeeze %dma_start3A_299 : memref<1x1x128xf32, #tpu.memory_space<vmem>> -> memref<128xf32, #tpu.memory_space<vmem>>
      %dma_start3A_301 = arith.constant 0 : i32
      %dma_start3A_302 = tpu.memref_slice %arg13[%rem3A_218, %dma_start3A_297, %dma_start3A_301] : memref<2x4x128xi32, #tpu.memory_space<vmem>> -> memref<1x1x128xi32, #tpu.memory_space<vmem>>
      %dma_start3A_303 = tpu.memref_squeeze %dma_start3A_302 : memref<1x1x128xi32, #tpu.memory_space<vmem>> -> memref<128xi32, #tpu.memory_space<vmem>>
      %dma_start3A_304 = arith.constant 0 : i32
      %dma_start3A_305 = tpu.memref_slice %arg12[%dma_start3A_304] : memref<51200xf32, #tpu.memory_space<vmem_shared>> -> memref<51200xf32, #tpu.memory_space<vmem_shared>>
      tpu.enqueue_indirect_dma source(%dma_start3A_300 : memref<128xf32, #tpu.memory_space<vmem>>) target(%dma_start3A_305 : memref<51200xf32, #tpu.memory_space<vmem_shared>>) offsets(%dma_start3A_303 : memref<128xi32, #tpu.memory_space<vmem>>) semaphore(%arg20 : memref<!tpu.dma_semaphore, #tpu.memory_space<semaphore_mem>>) {add = true}
      %dma_start3A_306 = arith.constant 1 : i32
      %dma_start3A_307 = arith.constant 128 : i32
      %dma_start3A_308 = arith.constant 0 : i32
      %dma_start3A_309 = tpu.memref_slice %arg16[%dma_start3A_307, %dma_start3A_308] : memref<512x32xf32, #tpu.memory_space<vmem>> -> memref<128x32xf32, #tpu.memory_space<vmem>>
      %dma_start3A_310 = arith.constant 0 : i32
      %dma_start3A_311 = tpu.memref_slice %arg13[%rem3A_218, %dma_start3A_306, %dma_start3A_310] : memref<2x4x128xi32, #tpu.memory_space<vmem>> -> memref<1x1x128xi32, #tpu.memory_space<vmem>>
      %dma_start3A_312 = tpu.memref_squeeze %dma_start3A_311 : memref<1x1x128xi32, #tpu.memory_space<vmem>> -> memref<128xi32, #tpu.memory_space<vmem>>
      %dma_start3A_313 = arith.constant 0 : i32
      %dma_start3A_314 = arith.constant 0 : i32
      %dma_start3A_315 = tpu.memref_slice %arg11[%dma_start3A_313, %dma_start3A_314] : memref<51200x32xf32, #tpu.memory_space<vmem_shared>> -> memref<51200x32xf32, #tpu.memory_space<vmem_shared>>
      tpu.enqueue_indirect_dma source(%dma_start3A_309 : memref<128x32xf32, #tpu.memory_space<vmem>>) target(%dma_start3A_315 : memref<51200x32xf32, #tpu.memory_space<vmem_shared>>) offsets(%dma_start3A_312 : memref<128xi32, #tpu.memory_space<vmem>>) semaphore(%arg20 : memref<!tpu.dma_semaphore, #tpu.memory_space<semaphore_mem>>) {add = true}
      %dma_wait3A_316 = arith.constant 256 : i32
      %dma_wait3A_317 = arith.constant 0 : i32
      %dma_wait3A_318 = tpu.memref_slice %arg16[%dma_wait3A_316, %dma_wait3A_317] : memref<512x32xf32, #tpu.memory_space<vmem>> -> memref<128x32xf32, #tpu.memory_space<vmem>>
      %dma_wait3A_319 = arith.constant 0 : i32
      %dma_wait3A_320 = arith.constant 0 : i32
      %dma_wait3A_321 = tpu.memref_slice %arg2[%dma_wait3A_319, %dma_wait3A_320] : memref<51200x32xf32, #tpu.memory_space<hbm>> -> memref<128x32xf32, #tpu.memory_space<hbm>>
      %dma_wait3A_322 = arith.constant 256 : i32
      %dma_wait3A_323 = arith.constant 0 : i32
      %dma_wait3A_324 = tpu.memref_slice %arg16[%dma_wait3A_322, %dma_wait3A_323] : memref<512x32xf32, #tpu.memory_space<vmem>> -> memref<128x32xf32, #tpu.memory_space<vmem>>
      %dma_wait3A_325 = arith.constant 0 : i32
      %dma_wait3A_326 = arith.constant 0 : i32
      %dma_wait3A_327 = tpu.memref_slice %arg2[%dma_wait3A_325, %dma_wait3A_326] : memref<51200x32xf32, #tpu.memory_space<hbm>> -> memref<128x32xf32, #tpu.memory_space<hbm>>
      tpu.wait_dma2 semaphore(%arg18 : memref<!tpu.dma_semaphore, #tpu.memory_space<semaphore_mem>>) src(%dma_wait3A_327 : memref<128x32xf32, #tpu.memory_space<hbm>>) dst(%dma_wait3A_324 : memref<128x32xf32, #tpu.memory_space<vmem>>)
      %dma_wait3A_328 = arith.constant 384 : i32
      %dma_wait3A_329 = arith.constant 0 : i32
      %dma_wait3A_330 = tpu.memref_slice %arg16[%dma_wait3A_328, %dma_wait3A_329] : memref<512x32xf32, #tpu.memory_space<vmem>> -> memref<128x32xf32, #tpu.memory_space<vmem>>
      %dma_wait3A_331 = arith.constant 0 : i32
      %dma_wait3A_332 = arith.constant 0 : i32
      %dma_wait3A_333 = tpu.memref_slice %arg2[%dma_wait3A_331, %dma_wait3A_332] : memref<51200x32xf32, #tpu.memory_space<hbm>> -> memref<128x32xf32, #tpu.memory_space<hbm>>
      %dma_wait3A_334 = arith.constant 384 : i32
      %dma_wait3A_335 = arith.constant 0 : i32
      %dma_wait3A_336 = tpu.memref_slice %arg16[%dma_wait3A_334, %dma_wait3A_335] : memref<512x32xf32, #tpu.memory_space<vmem>> -> memref<128x32xf32, #tpu.memory_space<vmem>>
      %dma_wait3A_337 = arith.constant 0 : i32
      %dma_wait3A_338 = arith.constant 0 : i32
      %dma_wait3A_339 = tpu.memref_slice %arg2[%dma_wait3A_337, %dma_wait3A_338] : memref<51200x32xf32, #tpu.memory_space<hbm>> -> memref<128x32xf32, #tpu.memory_space<hbm>>
      tpu.wait_dma2 semaphore(%arg18 : memref<!tpu.dma_semaphore, #tpu.memory_space<semaphore_mem>>) src(%dma_wait3A_339 : memref<128x32xf32, #tpu.memory_space<hbm>>) dst(%dma_wait3A_336 : memref<128x32xf32, #tpu.memory_space<vmem>>)
      %dma_wait3A_340 = arith.constant 0 : i32
      %dma_wait3A_341 = arith.constant 0 : i32
      %dma_wait3A_342 = arith.constant 0 : i32
      %dma_wait3A_343 = tpu.memref_slice %arg15[%rem3A_218, %dma_wait3A_340, %dma_wait3A_342] : memref<2x4x128xf32, #tpu.memory_space<vmem>> -> memref<1x1x128xf32, #tpu.memory_space<vmem>>
      %dma_wait3A_344 = tpu.memref_squeeze %dma_wait3A_343 : memref<1x1x128xf32, #tpu.memory_space<vmem>> -> memref<128xf32, #tpu.memory_space<vmem>>
      %dma_wait3A_345 = arith.constant 0 : i32
      %dma_wait3A_346 = tpu.memref_slice %arg13[%rem3A_218, %dma_wait3A_341, %dma_wait3A_345] : memref<2x4x128xi32, #tpu.memory_space<vmem>> -> memref<1x1x128xi32, #tpu.memory_space<vmem>>
      %dma_wait3A_347 = tpu.memref_squeeze %dma_wait3A_346 : memref<1x1x128xi32, #tpu.memory_space<vmem>> -> memref<128xi32, #tpu.memory_space<vmem>>
      %dma_wait3A_348 = arith.constant 0 : i32
      %dma_wait3A_349 = tpu.memref_slice %arg12[%dma_wait3A_348] : memref<51200xf32, #tpu.memory_space<vmem_shared>> -> memref<51200xf32, #tpu.memory_space<vmem_shared>>
      tpu.wait_indirect_dma semaphore(%arg20 : memref<!tpu.dma_semaphore, #tpu.memory_space<semaphore_mem>>) src(%dma_wait3A_344 : memref<128xf32, #tpu.memory_space<vmem>>) dst(%dma_wait3A_349 : memref<51200xf32, #tpu.memory_space<vmem_shared>>)
      %dma_wait3A_350 = arith.constant 0 : i32
      %dma_wait3A_351 = arith.constant 0 : i32
      %dma_wait3A_352 = arith.constant 0 : i32
      %dma_wait3A_353 = tpu.memref_slice %arg16[%dma_wait3A_351, %dma_wait3A_352] : memref<512x32xf32, #tpu.memory_space<vmem>> -> memref<128x32xf32, #tpu.memory_space<vmem>>
      %dma_wait3A_354 = arith.constant 0 : i32
      %dma_wait3A_355 = tpu.memref_slice %arg13[%rem3A_218, %dma_wait3A_350, %dma_wait3A_354] : memref<2x4x128xi32, #tpu.memory_space<vmem>> -> memref<1x1x128xi32, #tpu.memory_space<vmem>>
      %dma_wait3A_356 = tpu.memref_squeeze %dma_wait3A_355 : memref<1x1x128xi32, #tpu.memory_space<vmem>> -> memref<128xi32, #tpu.memory_space<vmem>>
      %dma_wait3A_357 = arith.constant 0 : i32
      %dma_wait3A_358 = arith.constant 0 : i32
      %dma_wait3A_359 = tpu.memref_slice %arg11[%dma_wait3A_357, %dma_wait3A_358] : memref<51200x32xf32, #tpu.memory_space<vmem_shared>> -> memref<51200x32xf32, #tpu.memory_space<vmem_shared>>
      tpu.wait_indirect_dma semaphore(%arg20 : memref<!tpu.dma_semaphore, #tpu.memory_space<semaphore_mem>>) src(%dma_wait3A_353 : memref<128x32xf32, #tpu.memory_space<vmem>>) dst(%dma_wait3A_359 : memref<51200x32xf32, #tpu.memory_space<vmem_shared>>)
      %dma_wait3A_360 = arith.constant 1 : i32
      %dma_wait3A_361 = arith.constant 1 : i32
      %dma_wait3A_362 = arith.constant 0 : i32
      %dma_wait3A_363 = tpu.memref_slice %arg15[%rem3A_218, %dma_wait3A_360, %dma_wait3A_362] : memref<2x4x128xf32, #tpu.memory_space<vmem>> -> memref<1x1x128xf32, #tpu.memory_space<vmem>>
      %dma_wait3A_364 = tpu.memref_squeeze %dma_wait3A_363 : memref<1x1x128xf32, #tpu.memory_space<vmem>> -> memref<128xf32, #tpu.memory_space<vmem>>
      %dma_wait3A_365 = arith.constant 0 : i32
      %dma_wait3A_366 = tpu.memref_slice %arg13[%rem3A_218, %dma_wait3A_361, %dma_wait3A_365] : memref<2x4x128xi32, #tpu.memory_space<vmem>> -> memref<1x1x128xi32, #tpu.memory_space<vmem>>
      %dma_wait3A_367 = tpu.memref_squeeze %dma_wait3A_366 : memref<1x1x128xi32, #tpu.memory_space<vmem>> -> memref<128xi32, #tpu.memory_space<vmem>>
      %dma_wait3A_368 = arith.constant 0 : i32
      %dma_wait3A_369 = tpu.memref_slice %arg12[%dma_wait3A_368] : memref<51200xf32, #tpu.memory_space<vmem_shared>> -> memref<51200xf32, #tpu.memory_space<vmem_shared>>
      tpu.wait_indirect_dma semaphore(%arg20 : memref<!tpu.dma_semaphore, #tpu.memory_space<semaphore_mem>>) src(%dma_wait3A_364 : memref<128xf32, #tpu.memory_space<vmem>>) dst(%dma_wait3A_369 : memref<51200xf32, #tpu.memory_space<vmem_shared>>)
      %dma_wait3A_370 = arith.constant 1 : i32
      %dma_wait3A_371 = arith.constant 128 : i32
      %dma_wait3A_372 = arith.constant 0 : i32
      %dma_wait3A_373 = tpu.memref_slice %arg16[%dma_wait3A_371, %dma_wait3A_372] : memref<512x32xf32, #tpu.memory_space<vmem>> -> memref<128x32xf32, #tpu.memory_space<vmem>>
      %dma_wait3A_374 = arith.constant 0 : i32
      %dma_wait3A_375 = tpu.memref_slice %arg13[%rem3A_218, %dma_wait3A_370, %dma_wait3A_374] : memref<2x4x128xi32, #tpu.memory_space<vmem>> -> memref<1x1x128xi32, #tpu.memory_space<vmem>>
      %dma_wait3A_376 = tpu.memref_squeeze %dma_wait3A_375 : memref<1x1x128xi32, #tpu.memory_space<vmem>> -> memref<128xi32, #tpu.memory_space<vmem>>
      %dma_wait3A_377 = arith.constant 0 : i32
      %dma_wait3A_378 = arith.constant 0 : i32
      %dma_wait3A_379 = tpu.memref_slice %arg11[%dma_wait3A_377, %dma_wait3A_378] : memref<51200x32xf32, #tpu.memory_space<vmem_shared>> -> memref<51200x32xf32, #tpu.memory_space<vmem_shared>>
      tpu.wait_indirect_dma semaphore(%arg20 : memref<!tpu.dma_semaphore, #tpu.memory_space<semaphore_mem>>) src(%dma_wait3A_373 : memref<128x32xf32, #tpu.memory_space<vmem>>) dst(%dma_wait3A_379 : memref<51200x32xf32, #tpu.memory_space<vmem_shared>>)
      %add3A_380 = arith.constant 1 : i32
      %add3A_381 = arith.addi %while3A_215, %add3A_380 : i32
      %lt3A_382 = arith.cmpi slt, %add3A_381, %select_n3A_18 : i32
      %convert_element_type3A_383 = arith.extui %lt3A_382 : i1 to i32
      %cond3A_384 = arith.constant 0 : i32
      %cond3A_385 = arith.cmpi ne, %convert_element_type3A_383, %cond3A_384 : i32
      scf.if %cond3A_385 {
        %dma_wait3A_430 = arith.constant 0 : i32
        %dma_wait3A_431 = arith.constant 0 : i32
        %dma_wait3A_432 = tpu.memref_slice %arg13[%rem3A_222, %dma_wait3A_430, %dma_wait3A_431] : memref<2x4x128xi32, #tpu.memory_space<vmem>> -> memref<1x4x128xi32, #tpu.memory_space<vmem>>
        %dma_wait3A_433 = tpu.memref_squeeze %dma_wait3A_432 : memref<1x4x128xi32, #tpu.memory_space<vmem>> -> memref<4x128xi32, #tpu.memory_space<vmem>>
        %dma_wait3A_434 = arith.constant 0 : i32
        %dma_wait3A_435 = arith.constant 0 : i32
        %dma_wait3A_436 = tpu.memref_slice %arg3[%dma_wait3A_434, %dma_wait3A_435] : memref<12544x128xi32, #tpu.memory_space<hbm>> -> memref<4x128xi32, #tpu.memory_space<hbm>>
        %dma_wait3A_437 = arith.constant 0 : i32
        %dma_wait3A_438 = arith.constant 0 : i32
        %dma_wait3A_439 = tpu.memref_slice %arg13[%rem3A_222, %dma_wait3A_437, %dma_wait3A_438] : memref<2x4x128xi32, #tpu.memory_space<vmem>> -> memref<1x4x128xi32, #tpu.memory_space<vmem>>
        %dma_wait3A_440 = tpu.memref_squeeze %dma_wait3A_439 : memref<1x4x128xi32, #tpu.memory_space<vmem>> -> memref<4x128xi32, #tpu.memory_space<vmem>>
        %dma_wait3A_441 = arith.constant 0 : i32
        %dma_wait3A_442 = arith.constant 0 : i32
        %dma_wait3A_443 = tpu.memref_slice %arg3[%dma_wait3A_441, %dma_wait3A_442] : memref<12544x128xi32, #tpu.memory_space<hbm>> -> memref<4x128xi32, #tpu.memory_space<hbm>>
        tpu.wait_dma2 semaphore(%arg19 : memref<!tpu.dma_semaphore, #tpu.memory_space<semaphore_mem>>) src(%dma_wait3A_443 : memref<4x128xi32, #tpu.memory_space<hbm>>) dst(%dma_wait3A_440 : memref<4x128xi32, #tpu.memory_space<vmem>>)
        %dma_wait3A_444 = arith.constant 0 : i32
        %dma_wait3A_445 = arith.constant 0 : i32
        %dma_wait3A_446 = tpu.memref_slice %arg14[%rem3A_222, %dma_wait3A_444, %dma_wait3A_445] : memref<2x4x128xi32, #tpu.memory_space<vmem>> -> memref<1x4x128xi32, #tpu.memory_space<vmem>>
        %dma_wait3A_447 = tpu.memref_squeeze %dma_wait3A_446 : memref<1x4x128xi32, #tpu.memory_space<vmem>> -> memref<4x128xi32, #tpu.memory_space<vmem>>
        %dma_wait3A_448 = arith.constant 0 : i32
        %dma_wait3A_449 = arith.constant 0 : i32
        %dma_wait3A_450 = tpu.memref_slice %arg4[%dma_wait3A_448, %dma_wait3A_449] : memref<12544x128xi32, #tpu.memory_space<hbm>> -> memref<4x128xi32, #tpu.memory_space<hbm>>
        %dma_wait3A_451 = arith.constant 0 : i32
        %dma_wait3A_452 = arith.constant 0 : i32
        %dma_wait3A_453 = tpu.memref_slice %arg14[%rem3A_222, %dma_wait3A_451, %dma_wait3A_452] : memref<2x4x128xi32, #tpu.memory_space<vmem>> -> memref<1x4x128xi32, #tpu.memory_space<vmem>>
        %dma_wait3A_454 = tpu.memref_squeeze %dma_wait3A_453 : memref<1x4x128xi32, #tpu.memory_space<vmem>> -> memref<4x128xi32, #tpu.memory_space<vmem>>
        %dma_wait3A_455 = arith.constant 0 : i32
        %dma_wait3A_456 = arith.constant 0 : i32
        %dma_wait3A_457 = tpu.memref_slice %arg4[%dma_wait3A_455, %dma_wait3A_456] : memref<12544x128xi32, #tpu.memory_space<hbm>> -> memref<4x128xi32, #tpu.memory_space<hbm>>
        tpu.wait_dma2 semaphore(%arg19 : memref<!tpu.dma_semaphore, #tpu.memory_space<semaphore_mem>>) src(%dma_wait3A_457 : memref<4x128xi32, #tpu.memory_space<hbm>>) dst(%dma_wait3A_454 : memref<4x128xi32, #tpu.memory_space<vmem>>)
        %dma_wait3A_458 = arith.constant 0 : i32
        %dma_wait3A_459 = arith.constant 0 : i32
        %dma_wait3A_460 = tpu.memref_slice %arg15[%rem3A_222, %dma_wait3A_458, %dma_wait3A_459] : memref<2x4x128xf32, #tpu.memory_space<vmem>> -> memref<1x4x128xf32, #tpu.memory_space<vmem>>
        %dma_wait3A_461 = tpu.memref_squeeze %dma_wait3A_460 : memref<1x4x128xf32, #tpu.memory_space<vmem>> -> memref<4x128xf32, #tpu.memory_space<vmem>>
        %dma_wait3A_462 = arith.constant 0 : i32
        %dma_wait3A_463 = arith.constant 0 : i32
        %dma_wait3A_464 = tpu.memref_slice %arg6[%dma_wait3A_462, %dma_wait3A_463] : memref<12544x128xf32, #tpu.memory_space<hbm>> -> memref<4x128xf32, #tpu.memory_space<hbm>>
        %dma_wait3A_465 = arith.constant 0 : i32
        %dma_wait3A_466 = arith.constant 0 : i32
        %dma_wait3A_467 = tpu.memref_slice %arg15[%rem3A_222, %dma_wait3A_465, %dma_wait3A_466] : memref<2x4x128xf32, #tpu.memory_space<vmem>> -> memref<1x4x128xf32, #tpu.memory_space<vmem>>
        %dma_wait3A_468 = tpu.memref_squeeze %dma_wait3A_467 : memref<1x4x128xf32, #tpu.memory_space<vmem>> -> memref<4x128xf32, #tpu.memory_space<vmem>>
        %dma_wait3A_469 = arith.constant 0 : i32
        %dma_wait3A_470 = arith.constant 0 : i32
        %dma_wait3A_471 = tpu.memref_slice %arg6[%dma_wait3A_469, %dma_wait3A_470] : memref<12544x128xf32, #tpu.memory_space<hbm>> -> memref<4x128xf32, #tpu.memory_space<hbm>>
        tpu.wait_dma2 semaphore(%arg19 : memref<!tpu.dma_semaphore, #tpu.memory_space<semaphore_mem>>) src(%dma_wait3A_471 : memref<4x128xf32, #tpu.memory_space<hbm>>) dst(%dma_wait3A_468 : memref<4x128xf32, #tpu.memory_space<vmem>>)
        %dma_wait3A_472 = arith.constant 0 : i32
        %dma_wait3A_473 = arith.constant 0 : i32
        %dma_wait3A_474 = tpu.memref_slice %arg17[%rem3A_222, %dma_wait3A_472, %dma_wait3A_473] : memref<2x4x128xf32, #tpu.memory_space<vmem>> -> memref<1x4x128xf32, #tpu.memory_space<vmem>>
        %dma_wait3A_475 = tpu.memref_squeeze %dma_wait3A_474 : memref<1x4x128xf32, #tpu.memory_space<vmem>> -> memref<4x128xf32, #tpu.memory_space<vmem>>
        %dma_wait3A_476 = arith.constant 0 : i32
        %dma_wait3A_477 = arith.constant 0 : i32
        %dma_wait3A_478 = tpu.memref_slice %arg5[%dma_wait3A_476, %dma_wait3A_477] : memref<12544x128xf32, #tpu.memory_space<hbm>> -> memref<4x128xf32, #tpu.memory_space<hbm>>
        %dma_wait3A_479 = arith.constant 0 : i32
        %dma_wait3A_480 = arith.constant 0 : i32
        %dma_wait3A_481 = tpu.memref_slice %arg17[%rem3A_222, %dma_wait3A_479, %dma_wait3A_480] : memref<2x4x128xf32, #tpu.memory_space<vmem>> -> memref<1x4x128xf32, #tpu.memory_space<vmem>>
        %dma_wait3A_482 = tpu.memref_squeeze %dma_wait3A_481 : memref<1x4x128xf32, #tpu.memory_space<vmem>> -> memref<4x128xf32, #tpu.memory_space<vmem>>
        %dma_wait3A_483 = arith.constant 0 : i32
        %dma_wait3A_484 = arith.constant 0 : i32
        %dma_wait3A_485 = tpu.memref_slice %arg5[%dma_wait3A_483, %dma_wait3A_484] : memref<12544x128xf32, #tpu.memory_space<hbm>> -> memref<4x128xf32, #tpu.memory_space<hbm>>
        tpu.wait_dma2 semaphore(%arg19 : memref<!tpu.dma_semaphore, #tpu.memory_space<semaphore_mem>>) src(%dma_wait3A_485 : memref<4x128xf32, #tpu.memory_space<hbm>>) dst(%dma_wait3A_482 : memref<4x128xf32, #tpu.memory_space<vmem>>)
        %dma_start3A_486 = arith.constant 0 : i32
        %dma_start3A_487 = arith.constant 0 : i32
        %dma_start3A_488 = arith.constant 0 : i32
        %dma_start3A_489 = tpu.memref_slice %arg16[%dma_start3A_487, %dma_start3A_488] : memref<512x32xf32, #tpu.memory_space<vmem>> -> memref<128x32xf32, #tpu.memory_space<vmem>>
        %dma_start3A_490 = arith.constant 0 : i32
        %dma_start3A_491 = tpu.memref_slice %arg14[%rem3A_222, %dma_start3A_486, %dma_start3A_490] : memref<2x4x128xi32, #tpu.memory_space<vmem>> -> memref<1x1x128xi32, #tpu.memory_space<vmem>>
        %dma_start3A_492 = tpu.memref_squeeze %dma_start3A_491 : memref<1x1x128xi32, #tpu.memory_space<vmem>> -> memref<128xi32, #tpu.memory_space<vmem>>
        %dma_start3A_493 = arith.constant 0 : i32
        %dma_start3A_494 = arith.constant 0 : i32
        %dma_start3A_495 = tpu.memref_slice %arg2[%dma_start3A_493, %dma_start3A_494] : memref<51200x32xf32, #tpu.memory_space<hbm>> -> memref<51200x32xf32, #tpu.memory_space<hbm>>
        tpu.enqueue_indirect_dma source(%dma_start3A_495 : memref<51200x32xf32, #tpu.memory_space<hbm>>) target(%dma_start3A_489 : memref<128x32xf32, #tpu.memory_space<vmem>>) offsets(%dma_start3A_492 : memref<128xi32, #tpu.memory_space<vmem>>) semaphore(%arg18 : memref<!tpu.dma_semaphore, #tpu.memory_space<semaphore_mem>>)
        %dma_start3A_496 = arith.constant 1 : i32
        %dma_start3A_497 = arith.constant 128 : i32
        %dma_start3A_498 = arith.constant 0 : i32
        %dma_start3A_499 = tpu.memref_slice %arg16[%dma_start3A_497, %dma_start3A_498] : memref<512x32xf32, #tpu.memory_space<vmem>> -> memref<128x32xf32, #tpu.memory_space<vmem>>
        %dma_start3A_500 = arith.constant 0 : i32
        %dma_start3A_501 = tpu.memref_slice %arg14[%rem3A_222, %dma_start3A_496, %dma_start3A_500] : memref<2x4x128xi32, #tpu.memory_space<vmem>> -> memref<1x1x128xi32, #tpu.memory_space<vmem>>
        %dma_start3A_502 = tpu.memref_squeeze %dma_start3A_501 : memref<1x1x128xi32, #tpu.memory_space<vmem>> -> memref<128xi32, #tpu.memory_space<vmem>>
        %dma_start3A_503 = arith.constant 0 : i32
        %dma_start3A_504 = arith.constant 0 : i32
        %dma_start3A_505 = tpu.memref_slice %arg2[%dma_start3A_503, %dma_start3A_504] : memref<51200x32xf32, #tpu.memory_space<hbm>> -> memref<51200x32xf32, #tpu.memory_space<hbm>>
        tpu.enqueue_indirect_dma source(%dma_start3A_505 : memref<51200x32xf32, #tpu.memory_space<hbm>>) target(%dma_start3A_499 : memref<128x32xf32, #tpu.memory_space<vmem>>) offsets(%dma_start3A_502 : memref<128xi32, #tpu.memory_space<vmem>>) semaphore(%arg18 : memref<!tpu.dma_semaphore, #tpu.memory_space<semaphore_mem>>)
      } else {
      }
      %parallel_loop3A_386 = arith.constant 16 : i32
      %parallel_loop3A_387 = arith.constant 32 : i32
      %parallel_loop3A_388 = arith.constant 1 : i32
      scf.for %parallel_loop3A_430 = %parallel_loop3A_386 to %parallel_loop3A_387 step %parallel_loop3A_388  : i32 {
        %parallel_loop3A_431 = arith.constant 3 : i32
        %parallel_loop3A_432 = arith.shrsi %parallel_loop3A_430, %parallel_loop3A_431 : i32
        %parallel_loop3A_433 = arith.constant 7 : i32
        %parallel_loop3A_434 = arith.andi %parallel_loop3A_430, %parallel_loop3A_433 : i32
        %parallel_loop3A_435 = arith.constant 16 : i32
        %parallel_loop3A_436 = arith.muli %parallel_loop3A_434, %parallel_loop3A_435 : i32
        %parallel_loop3A_437 = arith.index_cast %rem3A_218 : i32 to index
        %parallel_loop3A_438 = arith.index_cast %parallel_loop3A_432 : i32 to index
        %parallel_loop3A_439 = arith.index_cast %parallel_loop3A_436 : i32 to index
        %parallel_loop3A_440 = tpu.vector_load %arg17[%parallel_loop3A_437, %parallel_loop3A_438, %parallel_loop3A_439] {strides = array<i32>} : memref<2x4x128xf32, #tpu.memory_space<vmem>>, vector<16xf32>,
        %parallel_loop3A_441 = arith.constant 16 : i32
        %parallel_loop3A_442 = arith.muli %parallel_loop3A_430, %parallel_loop3A_441 : i32
        %parallel_loop3A_443 = vector.extract_strided_slice %parallel_loop3A_440 {offsets = [0], sizes = [1], strides = [1]} : vector<16xf32> to vector<1xf32>
        %parallel_loop3A_444 = vector.extract %parallel_loop3A_443[0] : f32 from vector<1xf32>
        %parallel_loop3A_445 = arith.constant 0 : i32
        %parallel_loop3A_446 = arith.addi %parallel_loop3A_442, %parallel_loop3A_445 : i32
        %parallel_loop3A_447 = arith.index_cast %parallel_loop3A_446 : i32 to index
        %parallel_loop3A_448 = arith.constant 0 : index
        %parallel_loop3A_449 = tpu.vector_load %arg16[%parallel_loop3A_447, %parallel_loop3A_448] {strides = array<i32>} : memref<512x32xf32, #tpu.memory_space<vmem>>, vector<16xf32>,
        %parallel_loop3A_450 = vector.broadcast %parallel_loop3A_444 : f32 to vector<16xf32>
        %parallel_loop3A_451 = arith.mulf %parallel_loop3A_449, %parallel_loop3A_450 : vector<16xf32>
        %parallel_loop3A_452 = arith.index_cast %parallel_loop3A_446 : i32 to index
        %parallel_loop3A_453 = arith.constant 0 : index
        %parallel_loop3A_454 = tpu.vector_load %arg16[%parallel_loop3A_452, %parallel_loop3A_453] {strides = array<i32>} : memref<512x32xf32, #tpu.memory_space<vmem>>, vector<16xf32>,
        tpu.vector_store %arg16[%parallel_loop3A_452, %parallel_loop3A_453], %parallel_loop3A_451 {strides = array<i32>} : memref<512x32xf32, #tpu.memory_space<vmem>>, vector<16xf32>,
        %parallel_loop3A_455 = arith.index_cast %parallel_loop3A_446 : i32 to index
        %parallel_loop3A_456 = arith.constant 16 : index
        %parallel_loop3A_457 = tpu.vector_load %arg16[%parallel_loop3A_455, %parallel_loop3A_456] {strides = array<i32>} : memref<512x32xf32, #tpu.memory_space<vmem>>, vector<16xf32>,
        %parallel_loop3A_458 = vector.broadcast %parallel_loop3A_444 : f32 to vector<16xf32>
        %parallel_loop3A_459 = arith.mulf %parallel_loop3A_457, %parallel_loop3A_458 : vector<16xf32>
        %parallel_loop3A_460 = arith.index_cast %parallel_loop3A_446 : i32 to index
        %parallel_loop3A_461 = arith.constant 16 : index
        %parallel_loop3A_462 = tpu.vector_load %arg16[%parallel_loop3A_460, %parallel_loop3A_461] {strides = array<i32>} : memref<512x32xf32, #tpu.memory_space<vmem>>, vector<16xf32>,
        tpu.vector_store %arg16[%parallel_loop3A_460, %parallel_loop3A_461], %parallel_loop3A_459 {strides = array<i32>} : memref<512x32xf32, #tpu.memory_space<vmem>>, vector<16xf32>,
        %parallel_loop3A_463 = vector.extract_strided_slice %parallel_loop3A_440 {offsets = [1], sizes = [1], strides = [1]} : vector<16xf32> to vector<1xf32>
        %parallel_loop3A_464 = vector.extract %parallel_loop3A_463[0] : f32 from vector<1xf32>
        %parallel_loop3A_465 = arith.constant 1 : i32
        %parallel_loop3A_466 = arith.addi %parallel_loop3A_442, %parallel_loop3A_465 : i32
        %parallel_loop3A_467 = arith.index_cast %parallel_loop3A_466 : i32 to index
        %parallel_loop3A_468 = arith.constant 0 : index
        %parallel_loop3A_469 = tpu.vector_load %arg16[%parallel_loop3A_467, %parallel_loop3A_468] {strides = array<i32>} : memref<512x32xf32, #tpu.memory_space<vmem>>, vector<16xf32>,
        %parallel_loop3A_470 = vector.broadcast %parallel_loop3A_464 : f32 to vector<16xf32>
        %parallel_loop3A_471 = arith.mulf %parallel_loop3A_469, %parallel_loop3A_470 : vector<16xf32>
        %parallel_loop3A_472 = arith.index_cast %parallel_loop3A_466 : i32 to index
        %parallel_loop3A_473 = arith.constant 0 : index
        %parallel_loop3A_474 = tpu.vector_load %arg16[%parallel_loop3A_472, %parallel_loop3A_473] {strides = array<i32>} : memref<512x32xf32, #tpu.memory_space<vmem>>, vector<16xf32>,
        tpu.vector_store %arg16[%parallel_loop3A_472, %parallel_loop3A_473], %parallel_loop3A_471 {strides = array<i32>} : memref<512x32xf32, #tpu.memory_space<vmem>>, vector<16xf32>,
        %parallel_loop3A_475 = arith.index_cast %parallel_loop3A_466 : i32 to index
        %parallel_loop3A_476 = arith.constant 16 : index
        %parallel_loop3A_477 = tpu.vector_load %arg16[%parallel_loop3A_475, %parallel_loop3A_476] {strides = array<i32>} : memref<512x32xf32, #tpu.memory_space<vmem>>, vector<16xf32>,
        %parallel_loop3A_478 = vector.broadcast %parallel_loop3A_464 : f32 to vector<16xf32>
        %parallel_loop3A_479 = arith.mulf %parallel_loop3A_477, %parallel_loop3A_478 : vector<16xf32>
        %parallel_loop3A_480 = arith.index_cast %parallel_loop3A_466 : i32 to index
        %parallel_loop3A_481 = arith.constant 16 : index
        %parallel_loop3A_482 = tpu.vector_load %arg16[%parallel_loop3A_480, %parallel_loop3A_481] {strides = array<i32>} : memref<512x32xf32, #tpu.memory_space<vmem>>, vector<16xf32>,
        tpu.vector_store %arg16[%parallel_loop3A_480, %parallel_loop3A_481], %parallel_loop3A_479 {strides = array<i32>} : memref<512x32xf32, #tpu.memory_space<vmem>>, vector<16xf32>,
        %parallel_loop3A_483 = vector.extract_strided_slice %parallel_loop3A_440 {offsets = [2], sizes = [1], strides = [1]} : vector<16xf32> to vector<1xf32>
        %parallel_loop3A_484 = vector.extract %parallel_loop3A_483[0] : f32 from vector<1xf32>
        %parallel_loop3A_485 = arith.constant 2 : i32
        %parallel_loop3A_486 = arith.addi %parallel_loop3A_442, %parallel_loop3A_485 : i32
        %parallel_loop3A_487 = arith.index_cast %parallel_loop3A_486 : i32 to index
        %parallel_loop3A_488 = arith.constant 0 : index
        %parallel_loop3A_489 = tpu.vector_load %arg16[%parallel_loop3A_487, %parallel_loop3A_488] {strides = array<i32>} : memref<512x32xf32, #tpu.memory_space<vmem>>, vector<16xf32>,
        %parallel_loop3A_490 = vector.broadcast %parallel_loop3A_484 : f32 to vector<16xf32>
        %parallel_loop3A_491 = arith.mulf %parallel_loop3A_489, %parallel_loop3A_490 : vector<16xf32>
        %parallel_loop3A_492 = arith.index_cast %parallel_loop3A_486 : i32 to index
        %parallel_loop3A_493 = arith.constant 0 : index
        %parallel_loop3A_494 = tpu.vector_load %arg16[%parallel_loop3A_492, %parallel_loop3A_493] {strides = array<i32>} : memref<512x32xf32, #tpu.memory_space<vmem>>, vector<16xf32>,
        tpu.vector_store %arg16[%parallel_loop3A_492, %parallel_loop3A_493], %parallel_loop3A_491 {strides = array<i32>} : memref<512x32xf32, #tpu.memory_space<vmem>>, vector<16xf32>,
        %parallel_loop3A_495 = arith.index_cast %parallel_loop3A_486 : i32 to index
        %parallel_loop3A_496 = arith.constant 16 : index
        %parallel_loop3A_497 = tpu.vector_load %arg16[%parallel_loop3A_495, %parallel_loop3A_496] {strides = array<i32>} : memref<512x32xf32, #tpu.memory_space<vmem>>, vector<16xf32>,
        %parallel_loop3A_498 = vector.broadcast %parallel_loop3A_484 : f32 to vector<16xf32>
        %parallel_loop3A_499 = arith.mulf %parallel_loop3A_497, %parallel_loop3A_498 : vector<16xf32>
        %parallel_loop3A_500 = arith.index_cast %parallel_loop3A_486 : i32 to index
        %parallel_loop3A_501 = arith.constant 16 : index
        %parallel_loop3A_502 = tpu.vector_load %arg16[%parallel_loop3A_500, %parallel_loop3A_501] {strides = array<i32>} : memref<512x32xf32, #tpu.memory_space<vmem>>, vector<16xf32>,
        tpu.vector_store %arg16[%parallel_loop3A_500, %parallel_loop3A_501], %parallel_loop3A_499 {strides = array<i32>} : memref<512x32xf32, #tpu.memory_space<vmem>>, vector<16xf32>,
        %parallel_loop3A_503 = vector.extract_strided_slice %parallel_loop3A_440 {offsets = [3], sizes = [1], strides = [1]} : vector<16xf32> to vector<1xf32>
        %parallel_loop3A_504 = vector.extract %parallel_loop3A_503[0] : f32 from vector<1xf32>
        %parallel_loop3A_505 = arith.constant 3 : i32
        %parallel_loop3A_506 = arith.addi %parallel_loop3A_442, %parallel_loop3A_505 : i32
        %parallel_loop3A_507 = arith.index_cast %parallel_loop3A_506 : i32 to index
        %parallel_loop3A_508 = arith.constant 0 : index
        %parallel_loop3A_509 = tpu.vector_load %arg16[%parallel_loop3A_507, %parallel_loop3A_508] {strides = array<i32>} : memref<512x32xf32, #tpu.memory_space<vmem>>, vector<16xf32>,
        %parallel_loop3A_510 = vector.broadcast %parallel_loop3A_504 : f32 to vector<16xf32>
        %parallel_loop3A_511 = arith.mulf %parallel_loop3A_509, %parallel_loop3A_510 : vector<16xf32>
        %parallel_loop3A_512 = arith.index_cast %parallel_loop3A_506 : i32 to index
        %parallel_loop3A_513 = arith.constant 0 : index
        %parallel_loop3A_514 = tpu.vector_load %arg16[%parallel_loop3A_512, %parallel_loop3A_513] {strides = array<i32>} : memref<512x32xf32, #tpu.memory_space<vmem>>, vector<16xf32>,
        tpu.vector_store %arg16[%parallel_loop3A_512, %parallel_loop3A_513], %parallel_loop3A_511 {strides = array<i32>} : memref<512x32xf32, #tpu.memory_space<vmem>>, vector<16xf32>,
        %parallel_loop3A_515 = arith.index_cast %parallel_loop3A_506 : i32 to index
        %parallel_loop3A_516 = arith.constant 16 : index
        %parallel_loop3A_517 = tpu.vector_load %arg16[%parallel_loop3A_515, %parallel_loop3A_516] {strides = array<i32>} : memref<512x32xf32, #tpu.memory_space<vmem>>, vector<16xf32>,
        %parallel_loop3A_518 = vector.broadcast %parallel_loop3A_504 : f32 to vector<16xf32>
        %parallel_loop3A_519 = arith.mulf %parallel_loop3A_517, %parallel_loop3A_518 : vector<16xf32>
        %parallel_loop3A_520 = arith.index_cast %parallel_loop3A_506 : i32 to index
        %parallel_loop3A_521 = arith.constant 16 : index
        %parallel_loop3A_522 = tpu.vector_load %arg16[%parallel_loop3A_520, %parallel_loop3A_521] {strides = array<i32>} : memref<512x32xf32, #tpu.memory_space<vmem>>, vector<16xf32>,
        tpu.vector_store %arg16[%parallel_loop3A_520, %parallel_loop3A_521], %parallel_loop3A_519 {strides = array<i32>} : memref<512x32xf32, #tpu.memory_space<vmem>>, vector<16xf32>,
        %parallel_loop3A_523 = vector.extract_strided_slice %parallel_loop3A_440 {offsets = [4], sizes = [1], strides = [1]} : vector<16xf32> to vector<1xf32>
        %parallel_loop3A_524 = vector.extract %parallel_loop3A_523[0] : f32 from vector<1xf32>
        %parallel_loop3A_525 = arith.constant 4 : i32
        %parallel_loop3A_526 = arith.addi %parallel_loop3A_442, %parallel_loop3A_525 : i32
        %parallel_loop3A_527 = arith.index_cast %parallel_loop3A_526 : i32 to index
        %parallel_loop3A_528 = arith.constant 0 : index
        %parallel_loop3A_529 = tpu.vector_load %arg16[%parallel_loop3A_527, %parallel_loop3A_528] {strides = array<i32>} : memref<512x32xf32, #tpu.memory_space<vmem>>, vector<16xf32>,
        %parallel_loop3A_530 = vector.broadcast %parallel_loop3A_524 : f32 to vector<16xf32>
        %parallel_loop3A_531 = arith.mulf %parallel_loop3A_529, %parallel_loop3A_530 : vector<16xf32>
        %parallel_loop3A_532 = arith.index_cast %parallel_loop3A_526 : i32 to index
        %parallel_loop3A_533 = arith.constant 0 : index
        %parallel_loop3A_534 = tpu.vector_load %arg16[%parallel_loop3A_532, %parallel_loop3A_533] {strides = array<i32>} : memref<512x32xf32, #tpu.memory_space<vmem>>, vector<16xf32>,
        tpu.vector_store %arg16[%parallel_loop3A_532, %parallel_loop3A_533], %parallel_loop3A_531 {strides = array<i32>} : memref<512x32xf32, #tpu.memory_space<vmem>>, vector<16xf32>,
        %parallel_loop3A_535 = arith.index_cast %parallel_loop3A_526 : i32 to index
        %parallel_loop3A_536 = arith.constant 16 : index
        %parallel_loop3A_537 = tpu.vector_load %arg16[%parallel_loop3A_535, %parallel_loop3A_536] {strides = array<i32>} : memref<512x32xf32, #tpu.memory_space<vmem>>, vector<16xf32>,
        %parallel_loop3A_538 = vector.broadcast %parallel_loop3A_524 : f32 to vector<16xf32>
        %parallel_loop3A_539 = arith.mulf %parallel_loop3A_537, %parallel_loop3A_538 : vector<16xf32>
        %parallel_loop3A_540 = arith.index_cast %parallel_loop3A_526 : i32 to index
        %parallel_loop3A_541 = arith.constant 16 : index
        %parallel_loop3A_542 = tpu.vector_load %arg16[%parallel_loop3A_540, %parallel_loop3A_541] {strides = array<i32>} : memref<512x32xf32, #tpu.memory_space<vmem>>, vector<16xf32>,
        tpu.vector_store %arg16[%parallel_loop3A_540, %parallel_loop3A_541], %parallel_loop3A_539 {strides = array<i32>} : memref<512x32xf32, #tpu.memory_space<vmem>>, vector<16xf32>,
        %parallel_loop3A_543 = vector.extract_strided_slice %parallel_loop3A_440 {offsets = [5], sizes = [1], strides = [1]} : vector<16xf32> to vector<1xf32>
        %parallel_loop3A_544 = vector.extract %parallel_loop3A_543[0] : f32 from vector<1xf32>
        %parallel_loop3A_545 = arith.constant 5 : i32
        %parallel_loop3A_546 = arith.addi %parallel_loop3A_442, %parallel_loop3A_545 : i32
        %parallel_loop3A_547 = arith.index_cast %parallel_loop3A_546 : i32 to index
        %parallel_loop3A_548 = arith.constant 0 : index
        %parallel_loop3A_549 = tpu.vector_load %arg16[%parallel_loop3A_547, %parallel_loop3A_548] {strides = array<i32>} : memref<512x32xf32, #tpu.memory_space<vmem>>, vector<16xf32>,
        %parallel_loop3A_550 = vector.broadcast %parallel_loop3A_544 : f32 to vector<16xf32>
        %parallel_loop3A_551 = arith.mulf %parallel_loop3A_549, %parallel_loop3A_550 : vector<16xf32>
        %parallel_loop3A_552 = arith.index_cast %parallel_loop3A_546 : i32 to index
        %parallel_loop3A_553 = arith.constant 0 : index
        %parallel_loop3A_554 = tpu.vector_load %arg16[%parallel_loop3A_552, %parallel_loop3A_553] {strides = array<i32>} : memref<512x32xf32, #tpu.memory_space<vmem>>, vector<16xf32>,
        tpu.vector_store %arg16[%parallel_loop3A_552, %parallel_loop3A_553], %parallel_loop3A_551 {strides = array<i32>} : memref<512x32xf32, #tpu.memory_space<vmem>>, vector<16xf32>,
        %parallel_loop3A_555 = arith.index_cast %parallel_loop3A_546 : i32 to index
        %parallel_loop3A_556 = arith.constant 16 : index
        %parallel_loop3A_557 = tpu.vector_load %arg16[%parallel_loop3A_555, %parallel_loop3A_556] {strides = array<i32>} : memref<512x32xf32, #tpu.memory_space<vmem>>, vector<16xf32>,
        %parallel_loop3A_558 = vector.broadcast %parallel_loop3A_544 : f32 to vector<16xf32>
        %parallel_loop3A_559 = arith.mulf %parallel_loop3A_557, %parallel_loop3A_558 : vector<16xf32>
        %parallel_loop3A_560 = arith.index_cast %parallel_loop3A_546 : i32 to index
        %parallel_loop3A_561 = arith.constant 16 : index
        %parallel_loop3A_562 = tpu.vector_load %arg16[%parallel_loop3A_560, %parallel_loop3A_561] {strides = array<i32>} : memref<512x32xf32, #tpu.memory_space<vmem>>, vector<16xf32>,
        tpu.vector_store %arg16[%parallel_loop3A_560, %parallel_loop3A_561], %parallel_loop3A_559 {strides = array<i32>} : memref<512x32xf32, #tpu.memory_space<vmem>>, vector<16xf32>,
        %parallel_loop3A_563 = vector.extract_strided_slice %parallel_loop3A_440 {offsets = [6], sizes = [1], strides = [1]} : vector<16xf32> to vector<1xf32>
        %parallel_loop3A_564 = vector.extract %parallel_loop3A_563[0] : f32 from vector<1xf32>
        %parallel_loop3A_565 = arith.constant 6 : i32
        %parallel_loop3A_566 = arith.addi %parallel_loop3A_442, %parallel_loop3A_565 : i32
        %parallel_loop3A_567 = arith.index_cast %parallel_loop3A_566 : i32 to index
        %parallel_loop3A_568 = arith.constant 0 : index
        %parallel_loop3A_569 = tpu.vector_load %arg16[%parallel_loop3A_567, %parallel_loop3A_568] {strides = array<i32>} : memref<512x32xf32, #tpu.memory_space<vmem>>, vector<16xf32>,
        %parallel_loop3A_570 = vector.broadcast %parallel_loop3A_564 : f32 to vector<16xf32>
        %parallel_loop3A_571 = arith.mulf %parallel_loop3A_569, %parallel_loop3A_570 : vector<16xf32>
        %parallel_loop3A_572 = arith.index_cast %parallel_loop3A_566 : i32 to index
        %parallel_loop3A_573 = arith.constant 0 : index
        %parallel_loop3A_574 = tpu.vector_load %arg16[%parallel_loop3A_572, %parallel_loop3A_573] {strides = array<i32>} : memref<512x32xf32, #tpu.memory_space<vmem>>, vector<16xf32>,
        tpu.vector_store %arg16[%parallel_loop3A_572, %parallel_loop3A_573], %parallel_loop3A_571 {strides = array<i32>} : memref<512x32xf32, #tpu.memory_space<vmem>>, vector<16xf32>,
        %parallel_loop3A_575 = arith.index_cast %parallel_loop3A_566 : i32 to index
        %parallel_loop3A_576 = arith.constant 16 : index
        %parallel_loop3A_577 = tpu.vector_load %arg16[%parallel_loop3A_575, %parallel_loop3A_576] {strides = array<i32>} : memref<512x32xf32, #tpu.memory_space<vmem>>, vector<16xf32>,
        %parallel_loop3A_578 = vector.broadcast %parallel_loop3A_564 : f32 to vector<16xf32>
        %parallel_loop3A_579 = arith.mulf %parallel_loop3A_577, %parallel_loop3A_578 : vector<16xf32>
        %parallel_loop3A_580 = arith.index_cast %parallel_loop3A_566 : i32 to index
        %parallel_loop3A_581 = arith.constant 16 : index
        %parallel_loop3A_582 = tpu.vector_load %arg16[%parallel_loop3A_580, %parallel_loop3A_581] {strides = array<i32>} : memref<512x32xf32, #tpu.memory_space<vmem>>, vector<16xf32>,
        tpu.vector_store %arg16[%parallel_loop3A_580, %parallel_loop3A_581], %parallel_loop3A_579 {strides = array<i32>} : memref<512x32xf32, #tpu.memory_space<vmem>>, vector<16xf32>,
        %parallel_loop3A_583 = vector.extract_strided_slice %parallel_loop3A_440 {offsets = [7], sizes = [1], strides = [1]} : vector<16xf32> to vector<1xf32>
        %parallel_loop3A_584 = vector.extract %parallel_loop3A_583[0] : f32 from vector<1xf32>
        %parallel_loop3A_585 = arith.constant 7 : i32
        %parallel_loop3A_586 = arith.addi %parallel_loop3A_442, %parallel_loop3A_585 : i32
        %parallel_loop3A_587 = arith.index_cast %parallel_loop3A_586 : i32 to index
        %parallel_loop3A_588 = arith.constant 0 : index
        %parallel_loop3A_589 = tpu.vector_load %arg16[%parallel_loop3A_587, %parallel_loop3A_588] {strides = array<i32>} : memref<512x32xf32, #tpu.memory_space<vmem>>, vector<16xf32>,
        %parallel_loop3A_590 = vector.broadcast %parallel_loop3A_584 : f32 to vector<16xf32>
        %parallel_loop3A_591 = arith.mulf %parallel_loop3A_589, %parallel_loop3A_590 : vector<16xf32>
        %parallel_loop3A_592 = arith.index_cast %parallel_loop3A_586 : i32 to index
        %parallel_loop3A_593 = arith.constant 0 : index
        %parallel_loop3A_594 = tpu.vector_load %arg16[%parallel_loop3A_592, %parallel_loop3A_593] {strides = array<i32>} : memref<512x32xf32, #tpu.memory_space<vmem>>, vector<16xf32>,
        tpu.vector_store %arg16[%parallel_loop3A_592, %parallel_loop3A_593], %parallel_loop3A_591 {strides = array<i32>} : memref<512x32xf32, #tpu.memory_space<vmem>>, vector<16xf32>,
        %parallel_loop3A_595 = arith.index_cast %parallel_loop3A_586 : i32 to index
        %parallel_loop3A_596 = arith.constant 16 : index
        %parallel_loop3A_597 = tpu.vector_load %arg16[%parallel_loop3A_595, %parallel_loop3A_596] {strides = array<i32>} : memref<512x32xf32, #tpu.memory_space<vmem>>, vector<16xf32>,
        %parallel_loop3A_598 = vector.broadcast %parallel_loop3A_584 : f32 to vector<16xf32>
        %parallel_loop3A_599 = arith.mulf %parallel_loop3A_597, %parallel_loop3A_598 : vector<16xf32>
        %parallel_loop3A_600 = arith.index_cast %parallel_loop3A_586 : i32 to index
        %parallel_loop3A_601 = arith.constant 16 : index
        %parallel_loop3A_602 = tpu.vector_load %arg16[%parallel_loop3A_600, %parallel_loop3A_601] {strides = array<i32>} : memref<512x32xf32, #tpu.memory_space<vmem>>, vector<16xf32>,
        tpu.vector_store %arg16[%parallel_loop3A_600, %parallel_loop3A_601], %parallel_loop3A_599 {strides = array<i32>} : memref<512x32xf32, #tpu.memory_space<vmem>>, vector<16xf32>,
        %parallel_loop3A_603 = vector.extract_strided_slice %parallel_loop3A_440 {offsets = [8], sizes = [1], strides = [1]} : vector<16xf32> to vector<1xf32>
        %parallel_loop3A_604 = vector.extract %parallel_loop3A_603[0] : f32 from vector<1xf32>
        %parallel_loop3A_605 = arith.constant 8 : i32
        %parallel_loop3A_606 = arith.addi %parallel_loop3A_442, %parallel_loop3A_605 : i32
        %parallel_loop3A_607 = arith.index_cast %parallel_loop3A_606 : i32 to index
        %parallel_loop3A_608 = arith.constant 0 : index
        %parallel_loop3A_609 = tpu.vector_load %arg16[%parallel_loop3A_607, %parallel_loop3A_608] {strides = array<i32>} : memref<512x32xf32, #tpu.memory_space<vmem>>, vector<16xf32>,
        %parallel_loop3A_610 = vector.broadcast %parallel_loop3A_604 : f32 to vector<16xf32>
        %parallel_loop3A_611 = arith.mulf %parallel_loop3A_609, %parallel_loop3A_610 : vector<16xf32>
        %parallel_loop3A_612 = arith.index_cast %parallel_loop3A_606 : i32 to index
        %parallel_loop3A_613 = arith.constant 0 : index
        %parallel_loop3A_614 = tpu.vector_load %arg16[%parallel_loop3A_612, %parallel_loop3A_613] {strides = array<i32>} : memref<512x32xf32, #tpu.memory_space<vmem>>, vector<16xf32>,
        tpu.vector_store %arg16[%parallel_loop3A_612, %parallel_loop3A_613], %parallel_loop3A_611 {strides = array<i32>} : memref<512x32xf32, #tpu.memory_space<vmem>>, vector<16xf32>,
        %parallel_loop3A_615 = arith.index_cast %parallel_loop3A_606 : i32 to index
        %parallel_loop3A_616 = arith.constant 16 : index
        %parallel_loop3A_617 = tpu.vector_load %arg16[%parallel_loop3A_615, %parallel_loop3A_616] {strides = array<i32>} : memref<512x32xf32, #tpu.memory_space<vmem>>, vector<16xf32>,
        %parallel_loop3A_618 = vector.broadcast %parallel_loop3A_604 : f32 to vector<16xf32>
        %parallel_loop3A_619 = arith.mulf %parallel_loop3A_617, %parallel_loop3A_618 : vector<16xf32>
        %parallel_loop3A_620 = arith.index_cast %parallel_loop3A_606 : i32 to index
        %parallel_loop3A_621 = arith.constant 16 : index
        %parallel_loop3A_622 = tpu.vector_load %arg16[%parallel_loop3A_620, %parallel_loop3A_621] {strides = array<i32>} : memref<512x32xf32, #tpu.memory_space<vmem>>, vector<16xf32>,
        tpu.vector_store %arg16[%parallel_loop3A_620, %parallel_loop3A_621], %parallel_loop3A_619 {strides = array<i32>} : memref<512x32xf32, #tpu.memory_space<vmem>>, vector<16xf32>,
        %parallel_loop3A_623 = vector.extract_strided_slice %parallel_loop3A_440 {offsets = [9], sizes = [1], strides = [1]} : vector<16xf32> to vector<1xf32>
        %parallel_loop3A_624 = vector.extract %parallel_loop3A_623[0] : f32 from vector<1xf32>
        %parallel_loop3A_625 = arith.constant 9 : i32
        %parallel_loop3A_626 = arith.addi %parallel_loop3A_442, %parallel_loop3A_625 : i32
        %parallel_loop3A_627 = arith.index_cast %parallel_loop3A_626 : i32 to index
        %parallel_loop3A_628 = arith.constant 0 : index
        %parallel_loop3A_629 = tpu.vector_load %arg16[%parallel_loop3A_627, %parallel_loop3A_628] {strides = array<i32>} : memref<512x32xf32, #tpu.memory_space<vmem>>, vector<16xf32>,
        %parallel_loop3A_630 = vector.broadcast %parallel_loop3A_624 : f32 to vector<16xf32>
        %parallel_loop3A_631 = arith.mulf %parallel_loop3A_629, %parallel_loop3A_630 : vector<16xf32>
        %parallel_loop3A_632 = arith.index_cast %parallel_loop3A_626 : i32 to index
        %parallel_loop3A_633 = arith.constant 0 : index
        %parallel_loop3A_634 = tpu.vector_load %arg16[%parallel_loop3A_632, %parallel_loop3A_633] {strides = array<i32>} : memref<512x32xf32, #tpu.memory_space<vmem>>, vector<16xf32>,
        tpu.vector_store %arg16[%parallel_loop3A_632, %parallel_loop3A_633], %parallel_loop3A_631 {strides = array<i32>} : memref<512x32xf32, #tpu.memory_space<vmem>>, vector<16xf32>,
        %parallel_loop3A_635 = arith.index_cast %parallel_loop3A_626 : i32 to index
        %parallel_loop3A_636 = arith.constant 16 : index
        %parallel_loop3A_637 = tpu.vector_load %arg16[%parallel_loop3A_635, %parallel_loop3A_636] {strides = array<i32>} : memref<512x32xf32, #tpu.memory_space<vmem>>, vector<16xf32>,
        %parallel_loop3A_638 = vector.broadcast %parallel_loop3A_624 : f32 to vector<16xf32>
        %parallel_loop3A_639 = arith.mulf %parallel_loop3A_637, %parallel_loop3A_638 : vector<16xf32>
        %parallel_loop3A_640 = arith.index_cast %parallel_loop3A_626 : i32 to index
        %parallel_loop3A_641 = arith.constant 16 : index
        %parallel_loop3A_642 = tpu.vector_load %arg16[%parallel_loop3A_640, %parallel_loop3A_641] {strides = array<i32>} : memref<512x32xf32, #tpu.memory_space<vmem>>, vector<16xf32>,
        tpu.vector_store %arg16[%parallel_loop3A_640, %parallel_loop3A_641], %parallel_loop3A_639 {strides = array<i32>} : memref<512x32xf32, #tpu.memory_space<vmem>>, vector<16xf32>,
        %parallel_loop3A_643 = vector.extract_strided_slice %parallel_loop3A_440 {offsets = [10], sizes = [1], strides = [1]} : vector<16xf32> to vector<1xf32>
        %parallel_loop3A_644 = vector.extract %parallel_loop3A_643[0] : f32 from vector<1xf32>
        %parallel_loop3A_645 = arith.constant 10 : i32
        %parallel_loop3A_646 = arith.addi %parallel_loop3A_442, %parallel_loop3A_645 : i32
        %parallel_loop3A_647 = arith.index_cast %parallel_loop3A_646 : i32 to index
        %parallel_loop3A_648 = arith.constant 0 : index
        %parallel_loop3A_649 = tpu.vector_load %arg16[%parallel_loop3A_647, %parallel_loop3A_648] {strides = array<i32>} : memref<512x32xf32, #tpu.memory_space<vmem>>, vector<16xf32>,
        %parallel_loop3A_650 = vector.broadcast %parallel_loop3A_644 : f32 to vector<16xf32>
        %parallel_loop3A_651 = arith.mulf %parallel_loop3A_649, %parallel_loop3A_650 : vector<16xf32>
        %parallel_loop3A_652 = arith.index_cast %parallel_loop3A_646 : i32 to index
        %parallel_loop3A_653 = arith.constant 0 : index
        %parallel_loop3A_654 = tpu.vector_load %arg16[%parallel_loop3A_652, %parallel_loop3A_653] {strides = array<i32>} : memref<512x32xf32, #tpu.memory_space<vmem>>, vector<16xf32>,
        tpu.vector_store %arg16[%parallel_loop3A_652, %parallel_loop3A_653], %parallel_loop3A_651 {strides = array<i32>} : memref<512x32xf32, #tpu.memory_space<vmem>>, vector<16xf32>,
        %parallel_loop3A_655 = arith.index_cast %parallel_loop3A_646 : i32 to index
        %parallel_loop3A_656 = arith.constant 16 : index
        %parallel_loop3A_657 = tpu.vector_load %arg16[%parallel_loop3A_655, %parallel_loop3A_656] {strides = array<i32>} : memref<512x32xf32, #tpu.memory_space<vmem>>, vector<16xf32>,
        %parallel_loop3A_658 = vector.broadcast %parallel_loop3A_644 : f32 to vector<16xf32>
        %parallel_loop3A_659 = arith.mulf %parallel_loop3A_657, %parallel_loop3A_658 : vector<16xf32>
        %parallel_loop3A_660 = arith.index_cast %parallel_loop3A_646 : i32 to index
        %parallel_loop3A_661 = arith.constant 16 : index
        %parallel_loop3A_662 = tpu.vector_load %arg16[%parallel_loop3A_660, %parallel_loop3A_661] {strides = array<i32>} : memref<512x32xf32, #tpu.memory_space<vmem>>, vector<16xf32>,
        tpu.vector_store %arg16[%parallel_loop3A_660, %parallel_loop3A_661], %parallel_loop3A_659 {strides = array<i32>} : memref<512x32xf32, #tpu.memory_space<vmem>>, vector<16xf32>,
        %parallel_loop3A_663 = vector.extract_strided_slice %parallel_loop3A_440 {offsets = [11], sizes = [1], strides = [1]} : vector<16xf32> to vector<1xf32>
        %parallel_loop3A_664 = vector.extract %parallel_loop3A_663[0] : f32 from vector<1xf32>
        %parallel_loop3A_665 = arith.constant 11 : i32
        %parallel_loop3A_666 = arith.addi %parallel_loop3A_442, %parallel_loop3A_665 : i32
        %parallel_loop3A_667 = arith.index_cast %parallel_loop3A_666 : i32 to index
        %parallel_loop3A_668 = arith.constant 0 : index
        %parallel_loop3A_669 = tpu.vector_load %arg16[%parallel_loop3A_667, %parallel_loop3A_668] {strides = array<i32>} : memref<512x32xf32, #tpu.memory_space<vmem>>, vector<16xf32>,
        %parallel_loop3A_670 = vector.broadcast %parallel_loop3A_664 : f32 to vector<16xf32>
        %parallel_loop3A_671 = arith.mulf %parallel_loop3A_669, %parallel_loop3A_670 : vector<16xf32>
        %parallel_loop3A_672 = arith.index_cast %parallel_loop3A_666 : i32 to index
        %parallel_loop3A_673 = arith.constant 0 : index
        %parallel_loop3A_674 = tpu.vector_load %arg16[%parallel_loop3A_672, %parallel_loop3A_673] {strides = array<i32>} : memref<512x32xf32, #tpu.memory_space<vmem>>, vector<16xf32>,
        tpu.vector_store %arg16[%parallel_loop3A_672, %parallel_loop3A_673], %parallel_loop3A_671 {strides = array<i32>} : memref<512x32xf32, #tpu.memory_space<vmem>>, vector<16xf32>,
        %parallel_loop3A_675 = arith.index_cast %parallel_loop3A_666 : i32 to index
        %parallel_loop3A_676 = arith.constant 16 : index
        %parallel_loop3A_677 = tpu.vector_load %arg16[%parallel_loop3A_675, %parallel_loop3A_676] {strides = array<i32>} : memref<512x32xf32, #tpu.memory_space<vmem>>, vector<16xf32>,
        %parallel_loop3A_678 = vector.broadcast %parallel_loop3A_664 : f32 to vector<16xf32>
        %parallel_loop3A_679 = arith.mulf %parallel_loop3A_677, %parallel_loop3A_678 : vector<16xf32>
        %parallel_loop3A_680 = arith.index_cast %parallel_loop3A_666 : i32 to index
        %parallel_loop3A_681 = arith.constant 16 : index
        %parallel_loop3A_682 = tpu.vector_load %arg16[%parallel_loop3A_680, %parallel_loop3A_681] {strides = array<i32>} : memref<512x32xf32, #tpu.memory_space<vmem>>, vector<16xf32>,
        tpu.vector_store %arg16[%parallel_loop3A_680, %parallel_loop3A_681], %parallel_loop3A_679 {strides = array<i32>} : memref<512x32xf32, #tpu.memory_space<vmem>>, vector<16xf32>,
        %parallel_loop3A_683 = vector.extract_strided_slice %parallel_loop3A_440 {offsets = [12], sizes = [1], strides = [1]} : vector<16xf32> to vector<1xf32>
        %parallel_loop3A_684 = vector.extract %parallel_loop3A_683[0] : f32 from vector<1xf32>
        %parallel_loop3A_685 = arith.constant 12 : i32
        %parallel_loop3A_686 = arith.addi %parallel_loop3A_442, %parallel_loop3A_685 : i32
        %parallel_loop3A_687 = arith.index_cast %parallel_loop3A_686 : i32 to index
        %parallel_loop3A_688 = arith.constant 0 : index
        %parallel_loop3A_689 = tpu.vector_load %arg16[%parallel_loop3A_687, %parallel_loop3A_688] {strides = array<i32>} : memref<512x32xf32, #tpu.memory_space<vmem>>, vector<16xf32>,
        %parallel_loop3A_690 = vector.broadcast %parallel_loop3A_684 : f32 to vector<16xf32>
        %parallel_loop3A_691 = arith.mulf %parallel_loop3A_689, %parallel_loop3A_690 : vector<16xf32>
        %parallel_loop3A_692 = arith.index_cast %parallel_loop3A_686 : i32 to index
        %parallel_loop3A_693 = arith.constant 0 : index
        %parallel_loop3A_694 = tpu.vector_load %arg16[%parallel_loop3A_692, %parallel_loop3A_693] {strides = array<i32>} : memref<512x32xf32, #tpu.memory_space<vmem>>, vector<16xf32>,
        tpu.vector_store %arg16[%parallel_loop3A_692, %parallel_loop3A_693], %parallel_loop3A_691 {strides = array<i32>} : memref<512x32xf32, #tpu.memory_space<vmem>>, vector<16xf32>,
        %parallel_loop3A_695 = arith.index_cast %parallel_loop3A_686 : i32 to index
        %parallel_loop3A_696 = arith.constant 16 : index
        %parallel_loop3A_697 = tpu.vector_load %arg16[%parallel_loop3A_695, %parallel_loop3A_696] {strides = array<i32>} : memref<512x32xf32, #tpu.memory_space<vmem>>, vector<16xf32>,
        %parallel_loop3A_698 = vector.broadcast %parallel_loop3A_684 : f32 to vector<16xf32>
        %parallel_loop3A_699 = arith.mulf %parallel_loop3A_697, %parallel_loop3A_698 : vector<16xf32>
        %parallel_loop3A_700 = arith.index_cast %parallel_loop3A_686 : i32 to index
        %parallel_loop3A_701 = arith.constant 16 : index
        %parallel_loop3A_702 = tpu.vector_load %arg16[%parallel_loop3A_700, %parallel_loop3A_701] {strides = array<i32>} : memref<512x32xf32, #tpu.memory_space<vmem>>, vector<16xf32>,
        tpu.vector_store %arg16[%parallel_loop3A_700, %parallel_loop3A_701], %parallel_loop3A_699 {strides = array<i32>} : memref<512x32xf32, #tpu.memory_space<vmem>>, vector<16xf32>,
        %parallel_loop3A_703 = vector.extract_strided_slice %parallel_loop3A_440 {offsets = [13], sizes = [1], strides = [1]} : vector<16xf32> to vector<1xf32>
        %parallel_loop3A_704 = vector.extract %parallel_loop3A_703[0] : f32 from vector<1xf32>
        %parallel_loop3A_705 = arith.constant 13 : i32
        %parallel_loop3A_706 = arith.addi %parallel_loop3A_442, %parallel_loop3A_705 : i32
        %parallel_loop3A_707 = arith.index_cast %parallel_loop3A_706 : i32 to index
        %parallel_loop3A_708 = arith.constant 0 : index
        %parallel_loop3A_709 = tpu.vector_load %arg16[%parallel_loop3A_707, %parallel_loop3A_708] {strides = array<i32>} : memref<512x32xf32, #tpu.memory_space<vmem>>, vector<16xf32>,
        %parallel_loop3A_710 = vector.broadcast %parallel_loop3A_704 : f32 to vector<16xf32>
        %parallel_loop3A_711 = arith.mulf %parallel_loop3A_709, %parallel_loop3A_710 : vector<16xf32>
        %parallel_loop3A_712 = arith.index_cast %parallel_loop3A_706 : i32 to index
        %parallel_loop3A_713 = arith.constant 0 : index
        %parallel_loop3A_714 = tpu.vector_load %arg16[%parallel_loop3A_712, %parallel_loop3A_713] {strides = array<i32>} : memref<512x32xf32, #tpu.memory_space<vmem>>, vector<16xf32>,
        tpu.vector_store %arg16[%parallel_loop3A_712, %parallel_loop3A_713], %parallel_loop3A_711 {strides = array<i32>} : memref<512x32xf32, #tpu.memory_space<vmem>>, vector<16xf32>,
        %parallel_loop3A_715 = arith.index_cast %parallel_loop3A_706 : i32 to index
        %parallel_loop3A_716 = arith.constant 16 : index
        %parallel_loop3A_717 = tpu.vector_load %arg16[%parallel_loop3A_715, %parallel_loop3A_716] {strides = array<i32>} : memref<512x32xf32, #tpu.memory_space<vmem>>, vector<16xf32>,
        %parallel_loop3A_718 = vector.broadcast %parallel_loop3A_704 : f32 to vector<16xf32>
        %parallel_loop3A_719 = arith.mulf %parallel_loop3A_717, %parallel_loop3A_718 : vector<16xf32>
        %parallel_loop3A_720 = arith.index_cast %parallel_loop3A_706 : i32 to index
        %parallel_loop3A_721 = arith.constant 16 : index
        %parallel_loop3A_722 = tpu.vector_load %arg16[%parallel_loop3A_720, %parallel_loop3A_721] {strides = array<i32>} : memref<512x32xf32, #tpu.memory_space<vmem>>, vector<16xf32>,
        tpu.vector_store %arg16[%parallel_loop3A_720, %parallel_loop3A_721], %parallel_loop3A_719 {strides = array<i32>} : memref<512x32xf32, #tpu.memory_space<vmem>>, vector<16xf32>,
        %parallel_loop3A_723 = vector.extract_strided_slice %parallel_loop3A_440 {offsets = [14], sizes = [1], strides = [1]} : vector<16xf32> to vector<1xf32>
        %parallel_loop3A_724 = vector.extract %parallel_loop3A_723[0] : f32 from vector<1xf32>
        %parallel_loop3A_725 = arith.constant 14 : i32
        %parallel_loop3A_726 = arith.addi %parallel_loop3A_442, %parallel_loop3A_725 : i32
        %parallel_loop3A_727 = arith.index_cast %parallel_loop3A_726 : i32 to index
        %parallel_loop3A_728 = arith.constant 0 : index
        %parallel_loop3A_729 = tpu.vector_load %arg16[%parallel_loop3A_727, %parallel_loop3A_728] {strides = array<i32>} : memref<512x32xf32, #tpu.memory_space<vmem>>, vector<16xf32>,
        %parallel_loop3A_730 = vector.broadcast %parallel_loop3A_724 : f32 to vector<16xf32>
        %parallel_loop3A_731 = arith.mulf %parallel_loop3A_729, %parallel_loop3A_730 : vector<16xf32>
        %parallel_loop3A_732 = arith.index_cast %parallel_loop3A_726 : i32 to index
        %parallel_loop3A_733 = arith.constant 0 : index
        %parallel_loop3A_734 = tpu.vector_load %arg16[%parallel_loop3A_732, %parallel_loop3A_733] {strides = array<i32>} : memref<512x32xf32, #tpu.memory_space<vmem>>, vector<16xf32>,
        tpu.vector_store %arg16[%parallel_loop3A_732, %parallel_loop3A_733], %parallel_loop3A_731 {strides = array<i32>} : memref<512x32xf32, #tpu.memory_space<vmem>>, vector<16xf32>,
        %parallel_loop3A_735 = arith.index_cast %parallel_loop3A_726 : i32 to index
        %parallel_loop3A_736 = arith.constant 16 : index
        %parallel_loop3A_737 = tpu.vector_load %arg16[%parallel_loop3A_735, %parallel_loop3A_736] {strides = array<i32>} : memref<512x32xf32, #tpu.memory_space<vmem>>, vector<16xf32>,
        %parallel_loop3A_738 = vector.broadcast %parallel_loop3A_724 : f32 to vector<16xf32>
        %parallel_loop3A_739 = arith.mulf %parallel_loop3A_737, %parallel_loop3A_738 : vector<16xf32>
        %parallel_loop3A_740 = arith.index_cast %parallel_loop3A_726 : i32 to index
        %parallel_loop3A_741 = arith.constant 16 : index
        %parallel_loop3A_742 = tpu.vector_load %arg16[%parallel_loop3A_740, %parallel_loop3A_741] {strides = array<i32>} : memref<512x32xf32, #tpu.memory_space<vmem>>, vector<16xf32>,
        tpu.vector_store %arg16[%parallel_loop3A_740, %parallel_loop3A_741], %parallel_loop3A_739 {strides = array<i32>} : memref<512x32xf32, #tpu.memory_space<vmem>>, vector<16xf32>,
        %parallel_loop3A_743 = vector.extract_strided_slice %parallel_loop3A_440 {offsets = [15], sizes = [1], strides = [1]} : vector<16xf32> to vector<1xf32>
        %parallel_loop3A_744 = vector.extract %parallel_loop3A_743[0] : f32 from vector<1xf32>
        %parallel_loop3A_745 = arith.constant 15 : i32
        %parallel_loop3A_746 = arith.addi %parallel_loop3A_442, %parallel_loop3A_745 : i32
        %parallel_loop3A_747 = arith.index_cast %parallel_loop3A_746 : i32 to index
        %parallel_loop3A_748 = arith.constant 0 : index
        %parallel_loop3A_749 = tpu.vector_load %arg16[%parallel_loop3A_747, %parallel_loop3A_748] {strides = array<i32>} : memref<512x32xf32, #tpu.memory_space<vmem>>, vector<16xf32>,
        %parallel_loop3A_750 = vector.broadcast %parallel_loop3A_744 : f32 to vector<16xf32>
        %parallel_loop3A_751 = arith.mulf %parallel_loop3A_749, %parallel_loop3A_750 : vector<16xf32>
        %parallel_loop3A_752 = arith.index_cast %parallel_loop3A_746 : i32 to index
        %parallel_loop3A_753 = arith.constant 0 : index
        %parallel_loop3A_754 = tpu.vector_load %arg16[%parallel_loop3A_752, %parallel_loop3A_753] {strides = array<i32>} : memref<512x32xf32, #tpu.memory_space<vmem>>, vector<16xf32>,
        tpu.vector_store %arg16[%parallel_loop3A_752, %parallel_loop3A_753], %parallel_loop3A_751 {strides = array<i32>} : memref<512x32xf32, #tpu.memory_space<vmem>>, vector<16xf32>,
        %parallel_loop3A_755 = arith.index_cast %parallel_loop3A_746 : i32 to index
        %parallel_loop3A_756 = arith.constant 16 : index
        %parallel_loop3A_757 = tpu.vector_load %arg16[%parallel_loop3A_755, %parallel_loop3A_756] {strides = array<i32>} : memref<512x32xf32, #tpu.memory_space<vmem>>, vector<16xf32>,
        %parallel_loop3A_758 = vector.broadcast %parallel_loop3A_744 : f32 to vector<16xf32>
        %parallel_loop3A_759 = arith.mulf %parallel_loop3A_757, %parallel_loop3A_758 : vector<16xf32>
        %parallel_loop3A_760 = arith.index_cast %parallel_loop3A_746 : i32 to index
        %parallel_loop3A_761 = arith.constant 16 : index
        %parallel_loop3A_762 = tpu.vector_load %arg16[%parallel_loop3A_760, %parallel_loop3A_761] {strides = array<i32>} : memref<512x32xf32, #tpu.memory_space<vmem>>, vector<16xf32>,
        tpu.vector_store %arg16[%parallel_loop3A_760, %parallel_loop3A_761], %parallel_loop3A_759 {strides = array<i32>} : memref<512x32xf32, #tpu.memory_space<vmem>>, vector<16xf32>,
      } {sc.loop_unroll_factor = 2 : i64, sc.parallel_access}
      %dma_start3A_389 = arith.constant 2 : i32
      %dma_start3A_390 = arith.constant 2 : i32
      %dma_start3A_391 = arith.constant 0 : i32
      %dma_start3A_392 = tpu.memref_slice %arg15[%rem3A_218, %dma_start3A_389, %dma_start3A_391] : memref<2x4x128xf32, #tpu.memory_space<vmem>> -> memref<1x1x128xf32, #tpu.memory_space<vmem>>
      %dma_start3A_393 = tpu.memref_squeeze %dma_start3A_392 : memref<1x1x128xf32, #tpu.memory_space<vmem>> -> memref<128xf32, #tpu.memory_space<vmem>>
      %dma_start3A_394 = arith.constant 0 : i32
      %dma_start3A_395 = tpu.memref_slice %arg13[%rem3A_218, %dma_start3A_390, %dma_start3A_394] : memref<2x4x128xi32, #tpu.memory_space<vmem>> -> memref<1x1x128xi32, #tpu.memory_space<vmem>>
      %dma_start3A_396 = tpu.memref_squeeze %dma_start3A_395 : memref<1x1x128xi32, #tpu.memory_space<vmem>> -> memref<128xi32, #tpu.memory_space<vmem>>
      %dma_start3A_397 = arith.constant 0 : i32
      %dma_start3A_398 = tpu.memref_slice %arg12[%dma_start3A_397] : memref<51200xf32, #tpu.memory_space<vmem_shared>> -> memref<51200xf32, #tpu.memory_space<vmem_shared>>
      tpu.enqueue_indirect_dma source(%dma_start3A_393 : memref<128xf32, #tpu.memory_space<vmem>>) target(%dma_start3A_398 : memref<51200xf32, #tpu.memory_space<vmem_shared>>) offsets(%dma_start3A_396 : memref<128xi32, #tpu.memory_space<vmem>>) semaphore(%arg20 : memref<!tpu.dma_semaphore, #tpu.memory_space<semaphore_mem>>) {add = true}
      %dma_start3A_399 = arith.constant 2 : i32
      %dma_start3A_400 = arith.constant 256 : i32
      %dma_start3A_401 = arith.constant 0 : i32
      %dma_start3A_402 = tpu.memref_slice %arg16[%dma_start3A_400, %dma_start3A_401] : memref<512x32xf32, #tpu.memory_space<vmem>> -> memref<128x32xf32, #tpu.memory_space<vmem>>
      %dma_start3A_403 = arith.constant 0 : i32
      %dma_start3A_404 = tpu.memref_slice %arg13[%rem3A_218, %dma_start3A_399, %dma_start3A_403] : memref<2x4x128xi32, #tpu.memory_space<vmem>> -> memref<1x1x128xi32, #tpu.memory_space<vmem>>
      %dma_start3A_405 = tpu.memref_squeeze %dma_start3A_404 : memref<1x1x128xi32, #tpu.memory_space<vmem>> -> memref<128xi32, #tpu.memory_space<vmem>>
      %dma_start3A_406 = arith.constant 0 : i32
      %dma_start3A_407 = arith.constant 0 : i32
      %dma_start3A_408 = tpu.memref_slice %arg11[%dma_start3A_406, %dma_start3A_407] : memref<51200x32xf32, #tpu.memory_space<vmem_shared>> -> memref<51200x32xf32, #tpu.memory_space<vmem_shared>>
      tpu.enqueue_indirect_dma source(%dma_start3A_402 : memref<128x32xf32, #tpu.memory_space<vmem>>) target(%dma_start3A_408 : memref<51200x32xf32, #tpu.memory_space<vmem_shared>>) offsets(%dma_start3A_405 : memref<128xi32, #tpu.memory_space<vmem>>) semaphore(%arg20 : memref<!tpu.dma_semaphore, #tpu.memory_space<semaphore_mem>>) {add = true}
      %dma_start3A_409 = arith.constant 3 : i32
      %dma_start3A_410 = arith.constant 3 : i32
      %dma_start3A_411 = arith.constant 0 : i32
      %dma_start3A_412 = tpu.memref_slice %arg15[%rem3A_218, %dma_start3A_409, %dma_start3A_411] : memref<2x4x128xf32, #tpu.memory_space<vmem>> -> memref<1x1x128xf32, #tpu.memory_space<vmem>>
      %dma_start3A_413 = tpu.memref_squeeze %dma_start3A_412 : memref<1x1x128xf32, #tpu.memory_space<vmem>> -> memref<128xf32, #tpu.memory_space<vmem>>
      %dma_start3A_414 = arith.constant 0 : i32
      %dma_start3A_415 = tpu.memref_slice %arg13[%rem3A_218, %dma_start3A_410, %dma_start3A_414] : memref<2x4x128xi32, #tpu.memory_space<vmem>> -> memref<1x1x128xi32, #tpu.memory_space<vmem>>
      %dma_start3A_416 = tpu.memref_squeeze %dma_start3A_415 : memref<1x1x128xi32, #tpu.memory_space<vmem>> -> memref<128xi32, #tpu.memory_space<vmem>>
      %dma_start3A_417 = arith.constant 0 : i32
      %dma_start3A_418 = tpu.memref_slice %arg12[%dma_start3A_417] : memref<51200xf32, #tpu.memory_space<vmem_shared>> -> memref<51200xf32, #tpu.memory_space<vmem_shared>>
      tpu.enqueue_indirect_dma source(%dma_start3A_413 : memref<128xf32, #tpu.memory_space<vmem>>) target(%dma_start3A_418 : memref<51200xf32, #tpu.memory_space<vmem_shared>>) offsets(%dma_start3A_416 : memref<128xi32, #tpu.memory_space<vmem>>) semaphore(%arg20 : memref<!tpu.dma_semaphore, #tpu.memory_space<semaphore_mem>>) {add = true}
      %dma_start3A_419 = arith.constant 3 : i32
      %dma_start3A_420 = arith.constant 384 : i32
      %dma_start3A_421 = arith.constant 0 : i32
      %dma_start3A_422 = tpu.memref_slice %arg16[%dma_start3A_420, %dma_start3A_421] : memref<512x32xf32, #tpu.memory_space<vmem>> -> memref<128x32xf32, #tpu.memory_space<vmem>>
      %dma_start3A_423 = arith.constant 0 : i32
      %dma_start3A_424 = tpu.memref_slice %arg13[%rem3A_218, %dma_start3A_419, %dma_start3A_423] : memref<2x4x128xi32, #tpu.memory_space<vmem>> -> memref<1x1x128xi32, #tpu.memory_space<vmem>>
      %dma_start3A_425 = tpu.memref_squeeze %dma_start3A_424 : memref<1x1x128xi32, #tpu.memory_space<vmem>> -> memref<128xi32, #tpu.memory_space<vmem>>
      %dma_start3A_426 = arith.constant 0 : i32
      %dma_start3A_427 = arith.constant 0 : i32
      %dma_start3A_428 = tpu.memref_slice %arg11[%dma_start3A_426, %dma_start3A_427] : memref<51200x32xf32, #tpu.memory_space<vmem_shared>> -> memref<51200x32xf32, #tpu.memory_space<vmem_shared>>
      tpu.enqueue_indirect_dma source(%dma_start3A_422 : memref<128x32xf32, #tpu.memory_space<vmem>>) target(%dma_start3A_428 : memref<51200x32xf32, #tpu.memory_space<vmem_shared>>) offsets(%dma_start3A_425 : memref<128xi32, #tpu.memory_space<vmem>>) semaphore(%arg20 : memref<!tpu.dma_semaphore, #tpu.memory_space<semaphore_mem>>) {add = true}
      %while3A_429 = arith.constant 0 : i32
      scf.yield %while3A_429 : i32
    }
    %while3A_162 = arith.constant 1 : i32
    %while3A_163 = scf.for %while3A_215 = %while3A_159 to %while3A_155 step %while3A_162 iter_args(%while3A_216 = %while3A_161) -> (i32)  : i32 {
      %rem3A_217 = arith.constant 2 : i32
      %rem3A_218 = arith.remsi %while3A_215, %rem3A_217 : i32
      %add3A_219 = arith.constant 1 : i32
      %add3A_220 = arith.addi %while3A_215, %add3A_219 : i32
      %rem3A_221 = arith.constant 2 : i32
      %rem3A_222 = arith.remsi %add3A_220, %rem3A_221 : i32
      %add3A_223 = arith.constant 1 : i32
      %add3A_224 = arith.addi %while3A_215, %add3A_223 : i32
      %lt3A = arith.cmpi slt, %add3A_224, %select_n3A_18 : i32
      %convert_element_type3A = arith.extui %lt3A : i1 to i32
      %cond3A = arith.constant 0 : i32
      %cond3A_225 = arith.cmpi ne, %convert_element_type3A, %cond3A : i32
      scf.if %cond3A_225 {
        %add3A_430 = arith.constant 1 : i32
        %add3A_431 = arith.addi %while3A_215, %add3A_430 : i32
        %mul3A_432 = arith.constant 4 : i32
        %mul3A_433 = arith.muli %add3A_431, %mul3A_432 : i32
        %add3A_434 = arith.addi %select_n3A, %mul3A_433 : i32
        %dma_start3A_435 = arith.constant 0 : i32
        %dma_start3A_436 = arith.constant 0 : i32
        %dma_start3A_437 = tpu.memref_slice %arg13[%rem3A_222, %dma_start3A_435, %dma_start3A_436] : memref<2x4x128xi32, #tpu.memory_space<vmem>> -> memref<1x4x128xi32, #tpu.memory_space<vmem>>
        %dma_start3A_438 = tpu.memref_squeeze %dma_start3A_437 : memref<1x4x128xi32, #tpu.memory_space<vmem>> -> memref<4x128xi32, #tpu.memory_space<vmem>>
        %dma_start3A_439 = arith.constant 0 : i32
        %dma_start3A_440 = tpu.memref_slice %arg3[%add3A_434, %dma_start3A_439] : memref<12544x128xi32, #tpu.memory_space<hbm>> -> memref<4x128xi32, #tpu.memory_space<hbm>>
        %dma_start3A_441 = arith.constant 0 : i32
        %dma_start3A_442 = arith.constant 0 : i32
        %dma_start3A_443 = tpu.memref_slice %arg13[%rem3A_222, %dma_start3A_441, %dma_start3A_442] : memref<2x4x128xi32, #tpu.memory_space<vmem>> -> memref<1x4x128xi32, #tpu.memory_space<vmem>>
        %dma_start3A_444 = tpu.memref_squeeze %dma_start3A_443 : memref<1x4x128xi32, #tpu.memory_space<vmem>> -> memref<4x128xi32, #tpu.memory_space<vmem>>
        %dma_start3A_445 = arith.constant 0 : i32
        %dma_start3A_446 = tpu.memref_slice %arg3[%add3A_434, %dma_start3A_445] : memref<12544x128xi32, #tpu.memory_space<hbm>> -> memref<4x128xi32, #tpu.memory_space<hbm>>
        tpu.enqueue_dma source(%dma_start3A_446 : memref<4x128xi32, #tpu.memory_space<hbm>>) target(%dma_start3A_444 : memref<4x128xi32, #tpu.memory_space<vmem>>) target_semaphore(%arg19 : memref<!tpu.dma_semaphore, #tpu.memory_space<semaphore_mem>>)
        %dma_start3A_447 = arith.constant 0 : i32
        %dma_start3A_448 = arith.constant 0 : i32
        %dma_start3A_449 = tpu.memref_slice %arg14[%rem3A_222, %dma_start3A_447, %dma_start3A_448] : memref<2x4x128xi32, #tpu.memory_space<vmem>> -> memref<1x4x128xi32, #tpu.memory_space<vmem>>
        %dma_start3A_450 = tpu.memref_squeeze %dma_start3A_449 : memref<1x4x128xi32, #tpu.memory_space<vmem>> -> memref<4x128xi32, #tpu.memory_space<vmem>>
        %dma_start3A_451 = arith.constant 0 : i32
        %dma_start3A_452 = tpu.memref_slice %arg4[%add3A_434, %dma_start3A_451] : memref<12544x128xi32, #tpu.memory_space<hbm>> -> memref<4x128xi32, #tpu.memory_space<hbm>>
        %dma_start3A_453 = arith.constant 0 : i32
        %dma_start3A_454 = arith.constant 0 : i32
        %dma_start3A_455 = tpu.memref_slice %arg14[%rem3A_222, %dma_start3A_453, %dma_start3A_454] : memref<2x4x128xi32, #tpu.memory_space<vmem>> -> memref<1x4x128xi32, #tpu.memory_space<vmem>>
        %dma_start3A_456 = tpu.memref_squeeze %dma_start3A_455 : memref<1x4x128xi32, #tpu.memory_space<vmem>> -> memref<4x128xi32, #tpu.memory_space<vmem>>
        %dma_start3A_457 = arith.constant 0 : i32
        %dma_start3A_458 = tpu.memref_slice %arg4[%add3A_434, %dma_start3A_457] : memref<12544x128xi32, #tpu.memory_space<hbm>> -> memref<4x128xi32, #tpu.memory_space<hbm>>
        tpu.enqueue_dma source(%dma_start3A_458 : memref<4x128xi32, #tpu.memory_space<hbm>>) target(%dma_start3A_456 : memref<4x128xi32, #tpu.memory_space<vmem>>) target_semaphore(%arg19 : memref<!tpu.dma_semaphore, #tpu.memory_space<semaphore_mem>>)
        %dma_start3A_459 = arith.constant 0 : i32
        %dma_start3A_460 = arith.constant 0 : i32
        %dma_start3A_461 = tpu.memref_slice %arg15[%rem3A_222, %dma_start3A_459, %dma_start3A_460] : memref<2x4x128xf32, #tpu.memory_space<vmem>> -> memref<1x4x128xf32, #tpu.memory_space<vmem>>
        %dma_start3A_462 = tpu.memref_squeeze %dma_start3A_461 : memref<1x4x128xf32, #tpu.memory_space<vmem>> -> memref<4x128xf32, #tpu.memory_space<vmem>>
        %dma_start3A_463 = arith.constant 0 : i32
        %dma_start3A_464 = tpu.memref_slice %arg6[%add3A_434, %dma_start3A_463] : memref<12544x128xf32, #tpu.memory_space<hbm>> -> memref<4x128xf32, #tpu.memory_space<hbm>>
        %dma_start3A_465 = arith.constant 0 : i32
        %dma_start3A_466 = arith.constant 0 : i32
        %dma_start3A_467 = tpu.memref_slice %arg15[%rem3A_222, %dma_start3A_465, %dma_start3A_466] : memref<2x4x128xf32, #tpu.memory_space<vmem>> -> memref<1x4x128xf32, #tpu.memory_space<vmem>>
        %dma_start3A_468 = tpu.memref_squeeze %dma_start3A_467 : memref<1x4x128xf32, #tpu.memory_space<vmem>> -> memref<4x128xf32, #tpu.memory_space<vmem>>
        %dma_start3A_469 = arith.constant 0 : i32
        %dma_start3A_470 = tpu.memref_slice %arg6[%add3A_434, %dma_start3A_469] : memref<12544x128xf32, #tpu.memory_space<hbm>> -> memref<4x128xf32, #tpu.memory_space<hbm>>
        tpu.enqueue_dma source(%dma_start3A_470 : memref<4x128xf32, #tpu.memory_space<hbm>>) target(%dma_start3A_468 : memref<4x128xf32, #tpu.memory_space<vmem>>) target_semaphore(%arg19 : memref<!tpu.dma_semaphore, #tpu.memory_space<semaphore_mem>>)
        %dma_start3A_471 = arith.constant 0 : i32
        %dma_start3A_472 = arith.constant 0 : i32
        %dma_start3A_473 = tpu.memref_slice %arg17[%rem3A_222, %dma_start3A_471, %dma_start3A_472] : memref<2x4x128xf32, #tpu.memory_space<vmem>> -> memref<1x4x128xf32, #tpu.memory_space<vmem>>
        %dma_start3A_474 = tpu.memref_squeeze %dma_start3A_473 : memref<1x4x128xf32, #tpu.memory_space<vmem>> -> memref<4x128xf32, #tpu.memory_space<vmem>>
        %dma_start3A_475 = arith.constant 0 : i32
        %dma_start3A_476 = tpu.memref_slice %arg5[%add3A_434, %dma_start3A_475] : memref<12544x128xf32, #tpu.memory_space<hbm>> -> memref<4x128xf32, #tpu.memory_space<hbm>>
        %dma_start3A_477 = arith.constant 0 : i32
        %dma_start3A_478 = arith.constant 0 : i32
        %dma_start3A_479 = tpu.memref_slice %arg17[%rem3A_222, %dma_start3A_477, %dma_start3A_478] : memref<2x4x128xf32, #tpu.memory_space<vmem>> -> memref<1x4x128xf32, #tpu.memory_space<vmem>>
        %dma_start3A_480 = tpu.memref_squeeze %dma_start3A_479 : memref<1x4x128xf32, #tpu.memory_space<vmem>> -> memref<4x128xf32, #tpu.memory_space<vmem>>
        %dma_start3A_481 = arith.constant 0 : i32
        %dma_start3A_482 = tpu.memref_slice %arg5[%add3A_434, %dma_start3A_481] : memref<12544x128xf32, #tpu.memory_space<hbm>> -> memref<4x128xf32, #tpu.memory_space<hbm>>
        tpu.enqueue_dma source(%dma_start3A_482 : memref<4x128xf32, #tpu.memory_space<hbm>>) target(%dma_start3A_480 : memref<4x128xf32, #tpu.memory_space<vmem>>) target_semaphore(%arg19 : memref<!tpu.dma_semaphore, #tpu.memory_space<semaphore_mem>>)
      } else {
      }
      %dma_wait3A_226 = arith.constant 0 : i32
      %dma_wait3A_227 = arith.constant 0 : i32
      %dma_wait3A_228 = tpu.memref_slice %arg16[%dma_wait3A_226, %dma_wait3A_227] : memref<512x32xf32, #tpu.memory_space<vmem>> -> memref<128x32xf32, #tpu.memory_space<vmem>>
      %dma_wait3A_229 = arith.constant 0 : i32
      %dma_wait3A_230 = arith.constant 0 : i32
      %dma_wait3A_231 = tpu.memref_slice %arg2[%dma_wait3A_229, %dma_wait3A_230] : memref<51200x32xf32, #tpu.memory_space<hbm>> -> memref<128x32xf32, #tpu.memory_space<hbm>>
      %dma_wait3A_232 = arith.constant 0 : i32
      %dma_wait3A_233 = arith.constant 0 : i32
      %dma_wait3A_234 = tpu.memref_slice %arg16[%dma_wait3A_232, %dma_wait3A_233] : memref<512x32xf32, #tpu.memory_space<vmem>> -> memref<128x32xf32, #tpu.memory_space<vmem>>
      %dma_wait3A_235 = arith.constant 0 : i32
      %dma_wait3A_236 = arith.constant 0 : i32
      %dma_wait3A_237 = tpu.memref_slice %arg2[%dma_wait3A_235, %dma_wait3A_236] : memref<51200x32xf32, #tpu.memory_space<hbm>> -> memref<128x32xf32, #tpu.memory_space<hbm>>
      tpu.wait_dma2 semaphore(%arg18 : memref<!tpu.dma_semaphore, #tpu.memory_space<semaphore_mem>>) src(%dma_wait3A_237 : memref<128x32xf32, #tpu.memory_space<hbm>>) dst(%dma_wait3A_234 : memref<128x32xf32, #tpu.memory_space<vmem>>)
      %dma_wait3A_238 = arith.constant 128 : i32
      %dma_wait3A_239 = arith.constant 0 : i32
      %dma_wait3A_240 = tpu.memref_slice %arg16[%dma_wait3A_238, %dma_wait3A_239] : memref<512x32xf32, #tpu.memory_space<vmem>> -> memref<128x32xf32, #tpu.memory_space<vmem>>
      %dma_wait3A_241 = arith.constant 0 : i32
      %dma_wait3A_242 = arith.constant 0 : i32
      %dma_wait3A_243 = tpu.memref_slice %arg2[%dma_wait3A_241, %dma_wait3A_242] : memref<51200x32xf32, #tpu.memory_space<hbm>> -> memref<128x32xf32, #tpu.memory_space<hbm>>
      %dma_wait3A_244 = arith.constant 128 : i32
      %dma_wait3A_245 = arith.constant 0 : i32
      %dma_wait3A_246 = tpu.memref_slice %arg16[%dma_wait3A_244, %dma_wait3A_245] : memref<512x32xf32, #tpu.memory_space<vmem>> -> memref<128x32xf32, #tpu.memory_space<vmem>>
      %dma_wait3A_247 = arith.constant 0 : i32
      %dma_wait3A_248 = arith.constant 0 : i32
      %dma_wait3A_249 = tpu.memref_slice %arg2[%dma_wait3A_247, %dma_wait3A_248] : memref<51200x32xf32, #tpu.memory_space<hbm>> -> memref<128x32xf32, #tpu.memory_space<hbm>>
      tpu.wait_dma2 semaphore(%arg18 : memref<!tpu.dma_semaphore, #tpu.memory_space<semaphore_mem>>) src(%dma_wait3A_249 : memref<128x32xf32, #tpu.memory_space<hbm>>) dst(%dma_wait3A_246 : memref<128x32xf32, #tpu.memory_space<vmem>>)
      %ge3A = arith.constant 1 : i32
      %ge3A_250 = arith.cmpi sge, %while3A_215, %ge3A : i32
      %convert_element_type3A_251 = arith.extui %ge3A_250 : i1 to i32
      %cond3A_252 = arith.constant 0 : i32
      %cond3A_253 = arith.cmpi ne, %convert_element_type3A_251, %cond3A_252 : i32
      scf.if %cond3A_253 {
        %dma_wait3A_430 = arith.constant 2 : i32
        %dma_wait3A_431 = arith.constant 2 : i32
        %dma_wait3A_432 = arith.constant 0 : i32
        %dma_wait3A_433 = tpu.memref_slice %arg15[%rem3A_222, %dma_wait3A_430, %dma_wait3A_432] : memref<2x4x128xf32, #tpu.memory_space<vmem>> -> memref<1x1x128xf32, #tpu.memory_space<vmem>>
        %dma_wait3A_434 = tpu.memref_squeeze %dma_wait3A_433 : memref<1x1x128xf32, #tpu.memory_space<vmem>> -> memref<128xf32, #tpu.memory_space<vmem>>
        %dma_wait3A_435 = arith.constant 0 : i32
        %dma_wait3A_436 = tpu.memref_slice %arg13[%rem3A_222, %dma_wait3A_431, %dma_wait3A_435] : memref<2x4x128xi32, #tpu.memory_space<vmem>> -> memref<1x1x128xi32, #tpu.memory_space<vmem>>
        %dma_wait3A_437 = tpu.memref_squeeze %dma_wait3A_436 : memref<1x1x128xi32, #tpu.memory_space<vmem>> -> memref<128xi32, #tpu.memory_space<vmem>>
        %dma_wait3A_438 = arith.constant 0 : i32
        %dma_wait3A_439 = tpu.memref_slice %arg12[%dma_wait3A_438] : memref<51200xf32, #tpu.memory_space<vmem_shared>> -> memref<51200xf32, #tpu.memory_space<vmem_shared>>
        tpu.wait_indirect_dma semaphore(%arg20 : memref<!tpu.dma_semaphore, #tpu.memory_space<semaphore_mem>>) src(%dma_wait3A_434 : memref<128xf32, #tpu.memory_space<vmem>>) dst(%dma_wait3A_439 : memref<51200xf32, #tpu.memory_space<vmem_shared>>)
        %dma_wait3A_440 = arith.constant 2 : i32
        %dma_wait3A_441 = arith.constant 256 : i32
        %dma_wait3A_442 = arith.constant 0 : i32
        %dma_wait3A_443 = tpu.memref_slice %arg16[%dma_wait3A_441, %dma_wait3A_442] : memref<512x32xf32, #tpu.memory_space<vmem>> -> memref<128x32xf32, #tpu.memory_space<vmem>>
        %dma_wait3A_444 = arith.constant 0 : i32
        %dma_wait3A_445 = tpu.memref_slice %arg13[%rem3A_222, %dma_wait3A_440, %dma_wait3A_444] : memref<2x4x128xi32, #tpu.memory_space<vmem>> -> memref<1x1x128xi32, #tpu.memory_space<vmem>>
        %dma_wait3A_446 = tpu.memref_squeeze %dma_wait3A_445 : memref<1x1x128xi32, #tpu.memory_space<vmem>> -> memref<128xi32, #tpu.memory_space<vmem>>
        %dma_wait3A_447 = arith.constant 0 : i32
        %dma_wait3A_448 = arith.constant 0 : i32
        %dma_wait3A_449 = tpu.memref_slice %arg11[%dma_wait3A_447, %dma_wait3A_448] : memref<51200x32xf32, #tpu.memory_space<vmem_shared>> -> memref<51200x32xf32, #tpu.memory_space<vmem_shared>>
        tpu.wait_indirect_dma semaphore(%arg20 : memref<!tpu.dma_semaphore, #tpu.memory_space<semaphore_mem>>) src(%dma_wait3A_443 : memref<128x32xf32, #tpu.memory_space<vmem>>) dst(%dma_wait3A_449 : memref<51200x32xf32, #tpu.memory_space<vmem_shared>>)
        %dma_wait3A_450 = arith.constant 3 : i32
        %dma_wait3A_451 = arith.constant 3 : i32
        %dma_wait3A_452 = arith.constant 0 : i32
        %dma_wait3A_453 = tpu.memref_slice %arg15[%rem3A_222, %dma_wait3A_450, %dma_wait3A_452] : memref<2x4x128xf32, #tpu.memory_space<vmem>> -> memref<1x1x128xf32, #tpu.memory_space<vmem>>
        %dma_wait3A_454 = tpu.memref_squeeze %dma_wait3A_453 : memref<1x1x128xf32, #tpu.memory_space<vmem>> -> memref<128xf32, #tpu.memory_space<vmem>>
        %dma_wait3A_455 = arith.constant 0 : i32
        %dma_wait3A_456 = tpu.memref_slice %arg13[%rem3A_222, %dma_wait3A_451, %dma_wait3A_455] : memref<2x4x128xi32, #tpu.memory_space<vmem>> -> memref<1x1x128xi32, #tpu.memory_space<vmem>>
        %dma_wait3A_457 = tpu.memref_squeeze %dma_wait3A_456 : memref<1x1x128xi32, #tpu.memory_space<vmem>> -> memref<128xi32, #tpu.memory_space<vmem>>
        %dma_wait3A_458 = arith.constant 0 : i32
        %dma_wait3A_459 = tpu.memref_slice %arg12[%dma_wait3A_458] : memref<51200xf32, #tpu.memory_space<vmem_shared>> -> memref<51200xf32, #tpu.memory_space<vmem_shared>>
        tpu.wait_indirect_dma semaphore(%arg20 : memref<!tpu.dma_semaphore, #tpu.memory_space<semaphore_mem>>) src(%dma_wait3A_454 : memref<128xf32, #tpu.memory_space<vmem>>) dst(%dma_wait3A_459 : memref<51200xf32, #tpu.memory_space<vmem_shared>>)
        %dma_wait3A_460 = arith.constant 3 : i32
        %dma_wait3A_461 = arith.constant 384 : i32
        %dma_wait3A_462 = arith.constant 0 : i32
        %dma_wait3A_463 = tpu.memref_slice %arg16[%dma_wait3A_461, %dma_wait3A_462] : memref<512x32xf32, #tpu.memory_space<vmem>> -> memref<128x32xf32, #tpu.memory_space<vmem>>
        %dma_wait3A_464 = arith.constant 0 : i32
        %dma_wait3A_465 = tpu.memref_slice %arg13[%rem3A_222, %dma_wait3A_460, %dma_wait3A_464] : memref<2x4x128xi32, #tpu.memory_space<vmem>> -> memref<1x1x128xi32, #tpu.memory_space<vmem>>
        %dma_wait3A_466 = tpu.memref_squeeze %dma_wait3A_465 : memref<1x1x128xi32, #tpu.memory_space<vmem>> -> memref<128xi32, #tpu.memory_space<vmem>>
        %dma_wait3A_467 = arith.constant 0 : i32
        %dma_wait3A_468 = arith.constant 0 : i32
        %dma_wait3A_469 = tpu.memref_slice %arg11[%dma_wait3A_467, %dma_wait3A_468] : memref<51200x32xf32, #tpu.memory_space<vmem_shared>> -> memref<51200x32xf32, #tpu.memory_space<vmem_shared>>
        tpu.wait_indirect_dma semaphore(%arg20 : memref<!tpu.dma_semaphore, #tpu.memory_space<semaphore_mem>>) src(%dma_wait3A_463 : memref<128x32xf32, #tpu.memory_space<vmem>>) dst(%dma_wait3A_469 : memref<51200x32xf32, #tpu.memory_space<vmem_shared>>)
      } else {
      }
      %dma_start3A_254 = arith.constant 2 : i32
      %dma_start3A_255 = arith.constant 256 : i32
      %dma_start3A_256 = arith.constant 0 : i32
      %dma_start3A_257 = tpu.memref_slice %arg16[%dma_start3A_255, %dma_start3A_256] : memref<512x32xf32, #tpu.memory_space<vmem>> -> memref<128x32xf32, #tpu.memory_space<vmem>>
      %dma_start3A_258 = arith.constant 0 : i32
      %dma_start3A_259 = tpu.memref_slice %arg14[%rem3A_218, %dma_start3A_254, %dma_start3A_258] : memref<2x4x128xi32, #tpu.memory_space<vmem>> -> memref<1x1x128xi32, #tpu.memory_space<vmem>>
      %dma_start3A_260 = tpu.memref_squeeze %dma_start3A_259 : memref<1x1x128xi32, #tpu.memory_space<vmem>> -> memref<128xi32, #tpu.memory_space<vmem>>
      %dma_start3A_261 = arith.constant 0 : i32
      %dma_start3A_262 = arith.constant 0 : i32
      %dma_start3A_263 = tpu.memref_slice %arg2[%dma_start3A_261, %dma_start3A_262] : memref<51200x32xf32, #tpu.memory_space<hbm>> -> memref<51200x32xf32, #tpu.memory_space<hbm>>
      tpu.enqueue_indirect_dma source(%dma_start3A_263 : memref<51200x32xf32, #tpu.memory_space<hbm>>) target(%dma_start3A_257 : memref<128x32xf32, #tpu.memory_space<vmem>>) offsets(%dma_start3A_260 : memref<128xi32, #tpu.memory_space<vmem>>) semaphore(%arg18 : memref<!tpu.dma_semaphore, #tpu.memory_space<semaphore_mem>>)
      %dma_start3A_264 = arith.constant 3 : i32
      %dma_start3A_265 = arith.constant 384 : i32
      %dma_start3A_266 = arith.constant 0 : i32
      %dma_start3A_267 = tpu.memref_slice %arg16[%dma_start3A_265, %dma_start3A_266] : memref<512x32xf32, #tpu.memory_space<vmem>> -> memref<128x32xf32, #tpu.memory_space<vmem>>
      %dma_start3A_268 = arith.constant 0 : i32
      %dma_start3A_269 = tpu.memref_slice %arg14[%rem3A_218, %dma_start3A_264, %dma_start3A_268] : memref<2x4x128xi32, #tpu.memory_space<vmem>> -> memref<1x1x128xi32, #tpu.memory_space<vmem>>
      %dma_start3A_270 = tpu.memref_squeeze %dma_start3A_269 : memref<1x1x128xi32, #tpu.memory_space<vmem>> -> memref<128xi32, #tpu.memory_space<vmem>>
      %dma_start3A_271 = arith.constant 0 : i32
      %dma_start3A_272 = arith.constant 0 : i32
      %dma_start3A_273 = tpu.memref_slice %arg2[%dma_start3A_271, %dma_start3A_272] : memref<51200x32xf32, #tpu.memory_space<hbm>> -> memref<51200x32xf32, #tpu.memory_space<hbm>>
      tpu.enqueue_indirect_dma source(%dma_start3A_273 : memref<51200x32xf32, #tpu.memory_space<hbm>>) target(%dma_start3A_267 : memref<128x32xf32, #tpu.memory_space<vmem>>) offsets(%dma_start3A_270 : memref<128xi32, #tpu.memory_space<vmem>>) semaphore(%arg18 : memref<!tpu.dma_semaphore, #tpu.memory_space<semaphore_mem>>)
      %parallel_loop3A = arith.constant 0 : i32
      %parallel_loop3A_274 = arith.constant 16 : i32
      %parallel_loop3A_275 = arith.constant 1 : i32
      scf.for %parallel_loop3A_430 = %parallel_loop3A to %parallel_loop3A_274 step %parallel_loop3A_275  : i32 {
        %parallel_loop3A_431 = arith.constant 3 : i32
        %parallel_loop3A_432 = arith.shrsi %parallel_loop3A_430, %parallel_loop3A_431 : i32
        %parallel_loop3A_433 = arith.constant 7 : i32
        %parallel_loop3A_434 = arith.andi %parallel_loop3A_430, %parallel_loop3A_433 : i32
        %parallel_loop3A_435 = arith.constant 16 : i32
        %parallel_loop3A_436 = arith.muli %parallel_loop3A_434, %parallel_loop3A_435 : i32
        %parallel_loop3A_437 = arith.index_cast %rem3A_218 : i32 to index
        %parallel_loop3A_438 = arith.index_cast %parallel_loop3A_432 : i32 to index
        %parallel_loop3A_439 = arith.index_cast %parallel_loop3A_436 : i32 to index
        %parallel_loop3A_440 = tpu.vector_load %arg17[%parallel_loop3A_437, %parallel_loop3A_438, %parallel_loop3A_439] {strides = array<i32>} : memref<2x4x128xf32, #tpu.memory_space<vmem>>, vector<16xf32>,
        %parallel_loop3A_441 = arith.constant 16 : i32
        %parallel_loop3A_442 = arith.muli %parallel_loop3A_430, %parallel_loop3A_441 : i32
        %parallel_loop3A_443 = vector.extract_strided_slice %parallel_loop3A_440 {offsets = [0], sizes = [1], strides = [1]} : vector<16xf32> to vector<1xf32>
        %parallel_loop3A_444 = vector.extract %parallel_loop3A_443[0] : f32 from vector<1xf32>
        %parallel_loop3A_445 = arith.constant 0 : i32
        %parallel_loop3A_446 = arith.addi %parallel_loop3A_442, %parallel_loop3A_445 : i32
        %parallel_loop3A_447 = arith.index_cast %parallel_loop3A_446 : i32 to index
        %parallel_loop3A_448 = arith.constant 0 : index
        %parallel_loop3A_449 = tpu.vector_load %arg16[%parallel_loop3A_447, %parallel_loop3A_448] {strides = array<i32>} : memref<512x32xf32, #tpu.memory_space<vmem>>, vector<16xf32>,
        %parallel_loop3A_450 = vector.broadcast %parallel_loop3A_444 : f32 to vector<16xf32>
        %parallel_loop3A_451 = arith.mulf %parallel_loop3A_449, %parallel_loop3A_450 : vector<16xf32>
        %parallel_loop3A_452 = arith.index_cast %parallel_loop3A_446 : i32 to index
        %parallel_loop3A_453 = arith.constant 0 : index
        %parallel_loop3A_454 = tpu.vector_load %arg16[%parallel_loop3A_452, %parallel_loop3A_453] {strides = array<i32>} : memref<512x32xf32, #tpu.memory_space<vmem>>, vector<16xf32>,
        tpu.vector_store %arg16[%parallel_loop3A_452, %parallel_loop3A_453], %parallel_loop3A_451 {strides = array<i32>} : memref<512x32xf32, #tpu.memory_space<vmem>>, vector<16xf32>,
        %parallel_loop3A_455 = arith.index_cast %parallel_loop3A_446 : i32 to index
        %parallel_loop3A_456 = arith.constant 16 : index
        %parallel_loop3A_457 = tpu.vector_load %arg16[%parallel_loop3A_455, %parallel_loop3A_456] {strides = array<i32>} : memref<512x32xf32, #tpu.memory_space<vmem>>, vector<16xf32>,
        %parallel_loop3A_458 = vector.broadcast %parallel_loop3A_444 : f32 to vector<16xf32>
        %parallel_loop3A_459 = arith.mulf %parallel_loop3A_457, %parallel_loop3A_458 : vector<16xf32>
        %parallel_loop3A_460 = arith.index_cast %parallel_loop3A_446 : i32 to index
        %parallel_loop3A_461 = arith.constant 16 : index
        %parallel_loop3A_462 = tpu.vector_load %arg16[%parallel_loop3A_460, %parallel_loop3A_461] {strides = array<i32>} : memref<512x32xf32, #tpu.memory_space<vmem>>, vector<16xf32>,
        tpu.vector_store %arg16[%parallel_loop3A_460, %parallel_loop3A_461], %parallel_loop3A_459 {strides = array<i32>} : memref<512x32xf32, #tpu.memory_space<vmem>>, vector<16xf32>,
        %parallel_loop3A_463 = vector.extract_strided_slice %parallel_loop3A_440 {offsets = [1], sizes = [1], strides = [1]} : vector<16xf32> to vector<1xf32>
        %parallel_loop3A_464 = vector.extract %parallel_loop3A_463[0] : f32 from vector<1xf32>
        %parallel_loop3A_465 = arith.constant 1 : i32
        %parallel_loop3A_466 = arith.addi %parallel_loop3A_442, %parallel_loop3A_465 : i32
        %parallel_loop3A_467 = arith.index_cast %parallel_loop3A_466 : i32 to index
        %parallel_loop3A_468 = arith.constant 0 : index
        %parallel_loop3A_469 = tpu.vector_load %arg16[%parallel_loop3A_467, %parallel_loop3A_468] {strides = array<i32>} : memref<512x32xf32, #tpu.memory_space<vmem>>, vector<16xf32>,
        %parallel_loop3A_470 = vector.broadcast %parallel_loop3A_464 : f32 to vector<16xf32>
        %parallel_loop3A_471 = arith.mulf %parallel_loop3A_469, %parallel_loop3A_470 : vector<16xf32>
        %parallel_loop3A_472 = arith.index_cast %parallel_loop3A_466 : i32 to index
        %parallel_loop3A_473 = arith.constant 0 : index
        %parallel_loop3A_474 = tpu.vector_load %arg16[%parallel_loop3A_472, %parallel_loop3A_473] {strides = array<i32>} : memref<512x32xf32, #tpu.memory_space<vmem>>, vector<16xf32>,
        tpu.vector_store %arg16[%parallel_loop3A_472, %parallel_loop3A_473], %parallel_loop3A_471 {strides = array<i32>} : memref<512x32xf32, #tpu.memory_space<vmem>>, vector<16xf32>,
        %parallel_loop3A_475 = arith.index_cast %parallel_loop3A_466 : i32 to index
        %parallel_loop3A_476 = arith.constant 16 : index
        %parallel_loop3A_477 = tpu.vector_load %arg16[%parallel_loop3A_475, %parallel_loop3A_476] {strides = array<i32>} : memref<512x32xf32, #tpu.memory_space<vmem>>, vector<16xf32>,
        %parallel_loop3A_478 = vector.broadcast %parallel_loop3A_464 : f32 to vector<16xf32>
        %parallel_loop3A_479 = arith.mulf %parallel_loop3A_477, %parallel_loop3A_478 : vector<16xf32>
        %parallel_loop3A_480 = arith.index_cast %parallel_loop3A_466 : i32 to index
        %parallel_loop3A_481 = arith.constant 16 : index
        %parallel_loop3A_482 = tpu.vector_load %arg16[%parallel_loop3A_480, %parallel_loop3A_481] {strides = array<i32>} : memref<512x32xf32, #tpu.memory_space<vmem>>, vector<16xf32>,
        tpu.vector_store %arg16[%parallel_loop3A_480, %parallel_loop3A_481], %parallel_loop3A_479 {strides = array<i32>} : memref<512x32xf32, #tpu.memory_space<vmem>>, vector<16xf32>,
        %parallel_loop3A_483 = vector.extract_strided_slice %parallel_loop3A_440 {offsets = [2], sizes = [1], strides = [1]} : vector<16xf32> to vector<1xf32>
        %parallel_loop3A_484 = vector.extract %parallel_loop3A_483[0] : f32 from vector<1xf32>
        %parallel_loop3A_485 = arith.constant 2 : i32
        %parallel_loop3A_486 = arith.addi %parallel_loop3A_442, %parallel_loop3A_485 : i32
        %parallel_loop3A_487 = arith.index_cast %parallel_loop3A_486 : i32 to index
        %parallel_loop3A_488 = arith.constant 0 : index
        %parallel_loop3A_489 = tpu.vector_load %arg16[%parallel_loop3A_487, %parallel_loop3A_488] {strides = array<i32>} : memref<512x32xf32, #tpu.memory_space<vmem>>, vector<16xf32>,
        %parallel_loop3A_490 = vector.broadcast %parallel_loop3A_484 : f32 to vector<16xf32>
        %parallel_loop3A_491 = arith.mulf %parallel_loop3A_489, %parallel_loop3A_490 : vector<16xf32>
        %parallel_loop3A_492 = arith.index_cast %parallel_loop3A_486 : i32 to index
        %parallel_loop3A_493 = arith.constant 0 : index
        %parallel_loop3A_494 = tpu.vector_load %arg16[%parallel_loop3A_492, %parallel_loop3A_493] {strides = array<i32>} : memref<512x32xf32, #tpu.memory_space<vmem>>, vector<16xf32>,
        tpu.vector_store %arg16[%parallel_loop3A_492, %parallel_loop3A_493], %parallel_loop3A_491 {strides = array<i32>} : memref<512x32xf32, #tpu.memory_space<vmem>>, vector<16xf32>,
        %parallel_loop3A_495 = arith.index_cast %parallel_loop3A_486 : i32 to index
        %parallel_loop3A_496 = arith.constant 16 : index
        %parallel_loop3A_497 = tpu.vector_load %arg16[%parallel_loop3A_495, %parallel_loop3A_496] {strides = array<i32>} : memref<512x32xf32, #tpu.memory_space<vmem>>, vector<16xf32>,
        %parallel_loop3A_498 = vector.broadcast %parallel_loop3A_484 : f32 to vector<16xf32>
        %parallel_loop3A_499 = arith.mulf %parallel_loop3A_497, %parallel_loop3A_498 : vector<16xf32>
        %parallel_loop3A_500 = arith.index_cast %parallel_loop3A_486 : i32 to index
        %parallel_loop3A_501 = arith.constant 16 : index
        %parallel_loop3A_502 = tpu.vector_load %arg16[%parallel_loop3A_500, %parallel_loop3A_501] {strides = array<i32>} : memref<512x32xf32, #tpu.memory_space<vmem>>, vector<16xf32>,
        tpu.vector_store %arg16[%parallel_loop3A_500, %parallel_loop3A_501], %parallel_loop3A_499 {strides = array<i32>} : memref<512x32xf32, #tpu.memory_space<vmem>>, vector<16xf32>,
        %parallel_loop3A_503 = vector.extract_strided_slice %parallel_loop3A_440 {offsets = [3], sizes = [1], strides = [1]} : vector<16xf32> to vector<1xf32>
        %parallel_loop3A_504 = vector.extract %parallel_loop3A_503[0] : f32 from vector<1xf32>
        %parallel_loop3A_505 = arith.constant 3 : i32
        %parallel_loop3A_506 = arith.addi %parallel_loop3A_442, %parallel_loop3A_505 : i32
        %parallel_loop3A_507 = arith.index_cast %parallel_loop3A_506 : i32 to index
        %parallel_loop3A_508 = arith.constant 0 : index
        %parallel_loop3A_509 = tpu.vector_load %arg16[%parallel_loop3A_507, %parallel_loop3A_508] {strides = array<i32>} : memref<512x32xf32, #tpu.memory_space<vmem>>, vector<16xf32>,
        %parallel_loop3A_510 = vector.broadcast %parallel_loop3A_504 : f32 to vector<16xf32>
        %parallel_loop3A_511 = arith.mulf %parallel_loop3A_509, %parallel_loop3A_510 : vector<16xf32>
        %parallel_loop3A_512 = arith.index_cast %parallel_loop3A_506 : i32 to index
        %parallel_loop3A_513 = arith.constant 0 : index
        %parallel_loop3A_514 = tpu.vector_load %arg16[%parallel_loop3A_512, %parallel_loop3A_513] {strides = array<i32>} : memref<512x32xf32, #tpu.memory_space<vmem>>, vector<16xf32>,
        tpu.vector_store %arg16[%parallel_loop3A_512, %parallel_loop3A_513], %parallel_loop3A_511 {strides = array<i32>} : memref<512x32xf32, #tpu.memory_space<vmem>>, vector<16xf32>,
        %parallel_loop3A_515 = arith.index_cast %parallel_loop3A_506 : i32 to index
        %parallel_loop3A_516 = arith.constant 16 : index
        %parallel_loop3A_517 = tpu.vector_load %arg16[%parallel_loop3A_515, %parallel_loop3A_516] {strides = array<i32>} : memref<512x32xf32, #tpu.memory_space<vmem>>, vector<16xf32>,
        %parallel_loop3A_518 = vector.broadcast %parallel_loop3A_504 : f32 to vector<16xf32>
        %parallel_loop3A_519 = arith.mulf %parallel_loop3A_517, %parallel_loop3A_518 : vector<16xf32>
        %parallel_loop3A_520 = arith.index_cast %parallel_loop3A_506 : i32 to index
        %parallel_loop3A_521 = arith.constant 16 : index
        %parallel_loop3A_522 = tpu.vector_load %arg16[%parallel_loop3A_520, %parallel_loop3A_521] {strides = array<i32>} : memref<512x32xf32, #tpu.memory_space<vmem>>, vector<16xf32>,
        tpu.vector_store %arg16[%parallel_loop3A_520, %parallel_loop3A_521], %parallel_loop3A_519 {strides = array<i32>} : memref<512x32xf32, #tpu.memory_space<vmem>>, vector<16xf32>,
        %parallel_loop3A_523 = vector.extract_strided_slice %parallel_loop3A_440 {offsets = [4], sizes = [1], strides = [1]} : vector<16xf32> to vector<1xf32>
        %parallel_loop3A_524 = vector.extract %parallel_loop3A_523[0] : f32 from vector<1xf32>
        %parallel_loop3A_525 = arith.constant 4 : i32
        %parallel_loop3A_526 = arith.addi %parallel_loop3A_442, %parallel_loop3A_525 : i32
        %parallel_loop3A_527 = arith.index_cast %parallel_loop3A_526 : i32 to index
        %parallel_loop3A_528 = arith.constant 0 : index
        %parallel_loop3A_529 = tpu.vector_load %arg16[%parallel_loop3A_527, %parallel_loop3A_528] {strides = array<i32>} : memref<512x32xf32, #tpu.memory_space<vmem>>, vector<16xf32>,
        %parallel_loop3A_530 = vector.broadcast %parallel_loop3A_524 : f32 to vector<16xf32>
        %parallel_loop3A_531 = arith.mulf %parallel_loop3A_529, %parallel_loop3A_530 : vector<16xf32>
        %parallel_loop3A_532 = arith.index_cast %parallel_loop3A_526 : i32 to index
        %parallel_loop3A_533 = arith.constant 0 : index
        %parallel_loop3A_534 = tpu.vector_load %arg16[%parallel_loop3A_532, %parallel_loop3A_533] {strides = array<i32>} : memref<512x32xf32, #tpu.memory_space<vmem>>, vector<16xf32>,
        tpu.vector_store %arg16[%parallel_loop3A_532, %parallel_loop3A_533], %parallel_loop3A_531 {strides = array<i32>} : memref<512x32xf32, #tpu.memory_space<vmem>>, vector<16xf32>,
        %parallel_loop3A_535 = arith.index_cast %parallel_loop3A_526 : i32 to index
        %parallel_loop3A_536 = arith.constant 16 : index
        %parallel_loop3A_537 = tpu.vector_load %arg16[%parallel_loop3A_535, %parallel_loop3A_536] {strides = array<i32>} : memref<512x32xf32, #tpu.memory_space<vmem>>, vector<16xf32>,
        %parallel_loop3A_538 = vector.broadcast %parallel_loop3A_524 : f32 to vector<16xf32>
        %parallel_loop3A_539 = arith.mulf %parallel_loop3A_537, %parallel_loop3A_538 : vector<16xf32>
        %parallel_loop3A_540 = arith.index_cast %parallel_loop3A_526 : i32 to index
        %parallel_loop3A_541 = arith.constant 16 : index
        %parallel_loop3A_542 = tpu.vector_load %arg16[%parallel_loop3A_540, %parallel_loop3A_541] {strides = array<i32>} : memref<512x32xf32, #tpu.memory_space<vmem>>, vector<16xf32>,
        tpu.vector_store %arg16[%parallel_loop3A_540, %parallel_loop3A_541], %parallel_loop3A_539 {strides = array<i32>} : memref<512x32xf32, #tpu.memory_space<vmem>>, vector<16xf32>,
        %parallel_loop3A_543 = vector.extract_strided_slice %parallel_loop3A_440 {offsets = [5], sizes = [1], strides = [1]} : vector<16xf32> to vector<1xf32>
        %parallel_loop3A_544 = vector.extract %parallel_loop3A_543[0] : f32 from vector<1xf32>
        %parallel_loop3A_545 = arith.constant 5 : i32
        %parallel_loop3A_546 = arith.addi %parallel_loop3A_442, %parallel_loop3A_545 : i32
        %parallel_loop3A_547 = arith.index_cast %parallel_loop3A_546 : i32 to index
        %parallel_loop3A_548 = arith.constant 0 : index
        %parallel_loop3A_549 = tpu.vector_load %arg16[%parallel_loop3A_547, %parallel_loop3A_548] {strides = array<i32>} : memref<512x32xf32, #tpu.memory_space<vmem>>, vector<16xf32>,
        %parallel_loop3A_550 = vector.broadcast %parallel_loop3A_544 : f32 to vector<16xf32>
        %parallel_loop3A_551 = arith.mulf %parallel_loop3A_549, %parallel_loop3A_550 : vector<16xf32>
        %parallel_loop3A_552 = arith.index_cast %parallel_loop3A_546 : i32 to index
        %parallel_loop3A_553 = arith.constant 0 : index
        %parallel_loop3A_554 = tpu.vector_load %arg16[%parallel_loop3A_552, %parallel_loop3A_553] {strides = array<i32>} : memref<512x32xf32, #tpu.memory_space<vmem>>, vector<16xf32>,
        tpu.vector_store %arg16[%parallel_loop3A_552, %parallel_loop3A_553], %parallel_loop3A_551 {strides = array<i32>} : memref<512x32xf32, #tpu.memory_space<vmem>>, vector<16xf32>,
        %parallel_loop3A_555 = arith.index_cast %parallel_loop3A_546 : i32 to index
        %parallel_loop3A_556 = arith.constant 16 : index
        %parallel_loop3A_557 = tpu.vector_load %arg16[%parallel_loop3A_555, %parallel_loop3A_556] {strides = array<i32>} : memref<512x32xf32, #tpu.memory_space<vmem>>, vector<16xf32>,
        %parallel_loop3A_558 = vector.broadcast %parallel_loop3A_544 : f32 to vector<16xf32>
        %parallel_loop3A_559 = arith.mulf %parallel_loop3A_557, %parallel_loop3A_558 : vector<16xf32>
        %parallel_loop3A_560 = arith.index_cast %parallel_loop3A_546 : i32 to index
        %parallel_loop3A_561 = arith.constant 16 : index
        %parallel_loop3A_562 = tpu.vector_load %arg16[%parallel_loop3A_560, %parallel_loop3A_561] {strides = array<i32>} : memref<512x32xf32, #tpu.memory_space<vmem>>, vector<16xf32>,
        tpu.vector_store %arg16[%parallel_loop3A_560, %parallel_loop3A_561], %parallel_loop3A_559 {strides = array<i32>} : memref<512x32xf32, #tpu.memory_space<vmem>>, vector<16xf32>,
        %parallel_loop3A_563 = vector.extract_strided_slice %parallel_loop3A_440 {offsets = [6], sizes = [1], strides = [1]} : vector<16xf32> to vector<1xf32>
        %parallel_loop3A_564 = vector.extract %parallel_loop3A_563[0] : f32 from vector<1xf32>
        %parallel_loop3A_565 = arith.constant 6 : i32
        %parallel_loop3A_566 = arith.addi %parallel_loop3A_442, %parallel_loop3A_565 : i32
        %parallel_loop3A_567 = arith.index_cast %parallel_loop3A_566 : i32 to index
        %parallel_loop3A_568 = arith.constant 0 : index
        %parallel_loop3A_569 = tpu.vector_load %arg16[%parallel_loop3A_567, %parallel_loop3A_568] {strides = array<i32>} : memref<512x32xf32, #tpu.memory_space<vmem>>, vector<16xf32>,
        %parallel_loop3A_570 = vector.broadcast %parallel_loop3A_564 : f32 to vector<16xf32>
        %parallel_loop3A_571 = arith.mulf %parallel_loop3A_569, %parallel_loop3A_570 : vector<16xf32>
        %parallel_loop3A_572 = arith.index_cast %parallel_loop3A_566 : i32 to index
        %parallel_loop3A_573 = arith.constant 0 : index
        %parallel_loop3A_574 = tpu.vector_load %arg16[%parallel_loop3A_572, %parallel_loop3A_573] {strides = array<i32>} : memref<512x32xf32, #tpu.memory_space<vmem>>, vector<16xf32>,
        tpu.vector_store %arg16[%parallel_loop3A_572, %parallel_loop3A_573], %parallel_loop3A_571 {strides = array<i32>} : memref<512x32xf32, #tpu.memory_space<vmem>>, vector<16xf32>,
        %parallel_loop3A_575 = arith.index_cast %parallel_loop3A_566 : i32 to index
        %parallel_loop3A_576 = arith.constant 16 : index
        %parallel_loop3A_577 = tpu.vector_load %arg16[%parallel_loop3A_575, %parallel_loop3A_576] {strides = array<i32>} : memref<512x32xf32, #tpu.memory_space<vmem>>, vector<16xf32>,
        %parallel_loop3A_578 = vector.broadcast %parallel_loop3A_564 : f32 to vector<16xf32>
        %parallel_loop3A_579 = arith.mulf %parallel_loop3A_577, %parallel_loop3A_578 : vector<16xf32>
        %parallel_loop3A_580 = arith.index_cast %parallel_loop3A_566 : i32 to index
        %parallel_loop3A_581 = arith.constant 16 : index
        %parallel_loop3A_582 = tpu.vector_load %arg16[%parallel_loop3A_580, %parallel_loop3A_581] {strides = array<i32>} : memref<512x32xf32, #tpu.memory_space<vmem>>, vector<16xf32>,
        tpu.vector_store %arg16[%parallel_loop3A_580, %parallel_loop3A_581], %parallel_loop3A_579 {strides = array<i32>} : memref<512x32xf32, #tpu.memory_space<vmem>>, vector<16xf32>,
        %parallel_loop3A_583 = vector.extract_strided_slice %parallel_loop3A_440 {offsets = [7], sizes = [1], strides = [1]} : vector<16xf32> to vector<1xf32>
        %parallel_loop3A_584 = vector.extract %parallel_loop3A_583[0] : f32 from vector<1xf32>
        %parallel_loop3A_585 = arith.constant 7 : i32
        %parallel_loop3A_586 = arith.addi %parallel_loop3A_442, %parallel_loop3A_585 : i32
        %parallel_loop3A_587 = arith.index_cast %parallel_loop3A_586 : i32 to index
        %parallel_loop3A_588 = arith.constant 0 : index
        %parallel_loop3A_589 = tpu.vector_load %arg16[%parallel_loop3A_587, %parallel_loop3A_588] {strides = array<i32>} : memref<512x32xf32, #tpu.memory_space<vmem>>, vector<16xf32>,
        %parallel_loop3A_590 = vector.broadcast %parallel_loop3A_584 : f32 to vector<16xf32>
        %parallel_loop3A_591 = arith.mulf %parallel_loop3A_589, %parallel_loop3A_590 : vector<16xf32>
        %parallel_loop3A_592 = arith.index_cast %parallel_loop3A_586 : i32 to index
        %parallel_loop3A_593 = arith.constant 0 : index
        %parallel_loop3A_594 = tpu.vector_load %arg16[%parallel_loop3A_592, %parallel_loop3A_593] {strides = array<i32>} : memref<512x32xf32, #tpu.memory_space<vmem>>, vector<16xf32>,
        tpu.vector_store %arg16[%parallel_loop3A_592, %parallel_loop3A_593], %parallel_loop3A_591 {strides = array<i32>} : memref<512x32xf32, #tpu.memory_space<vmem>>, vector<16xf32>,
        %parallel_loop3A_595 = arith.index_cast %parallel_loop3A_586 : i32 to index
        %parallel_loop3A_596 = arith.constant 16 : index
        %parallel_loop3A_597 = tpu.vector_load %arg16[%parallel_loop3A_595, %parallel_loop3A_596] {strides = array<i32>} : memref<512x32xf32, #tpu.memory_space<vmem>>, vector<16xf32>,
        %parallel_loop3A_598 = vector.broadcast %parallel_loop3A_584 : f32 to vector<16xf32>
        %parallel_loop3A_599 = arith.mulf %parallel_loop3A_597, %parallel_loop3A_598 : vector<16xf32>
        %parallel_loop3A_600 = arith.index_cast %parallel_loop3A_586 : i32 to index
        %parallel_loop3A_601 = arith.constant 16 : index
        %parallel_loop3A_602 = tpu.vector_load %arg16[%parallel_loop3A_600, %parallel_loop3A_601] {strides = array<i32>} : memref<512x32xf32, #tpu.memory_space<vmem>>, vector<16xf32>,
        tpu.vector_store %arg16[%parallel_loop3A_600, %parallel_loop3A_601], %parallel_loop3A_599 {strides = array<i32>} : memref<512x32xf32, #tpu.memory_space<vmem>>, vector<16xf32>,
        %parallel_loop3A_603 = vector.extract_strided_slice %parallel_loop3A_440 {offsets = [8], sizes = [1], strides = [1]} : vector<16xf32> to vector<1xf32>
        %parallel_loop3A_604 = vector.extract %parallel_loop3A_603[0] : f32 from vector<1xf32>
        %parallel_loop3A_605 = arith.constant 8 : i32
        %parallel_loop3A_606 = arith.addi %parallel_loop3A_442, %parallel_loop3A_605 : i32
        %parallel_loop3A_607 = arith.index_cast %parallel_loop3A_606 : i32 to index
        %parallel_loop3A_608 = arith.constant 0 : index
        %parallel_loop3A_609 = tpu.vector_load %arg16[%parallel_loop3A_607, %parallel_loop3A_608] {strides = array<i32>} : memref<512x32xf32, #tpu.memory_space<vmem>>, vector<16xf32>,
        %parallel_loop3A_610 = vector.broadcast %parallel_loop3A_604 : f32 to vector<16xf32>
        %parallel_loop3A_611 = arith.mulf %parallel_loop3A_609, %parallel_loop3A_610 : vector<16xf32>
        %parallel_loop3A_612 = arith.index_cast %parallel_loop3A_606 : i32 to index
        %parallel_loop3A_613 = arith.constant 0 : index
        %parallel_loop3A_614 = tpu.vector_load %arg16[%parallel_loop3A_612, %parallel_loop3A_613] {strides = array<i32>} : memref<512x32xf32, #tpu.memory_space<vmem>>, vector<16xf32>,
        tpu.vector_store %arg16[%parallel_loop3A_612, %parallel_loop3A_613], %parallel_loop3A_611 {strides = array<i32>} : memref<512x32xf32, #tpu.memory_space<vmem>>, vector<16xf32>,
        %parallel_loop3A_615 = arith.index_cast %parallel_loop3A_606 : i32 to index
        %parallel_loop3A_616 = arith.constant 16 : index
        %parallel_loop3A_617 = tpu.vector_load %arg16[%parallel_loop3A_615, %parallel_loop3A_616] {strides = array<i32>} : memref<512x32xf32, #tpu.memory_space<vmem>>, vector<16xf32>,
        %parallel_loop3A_618 = vector.broadcast %parallel_loop3A_604 : f32 to vector<16xf32>
        %parallel_loop3A_619 = arith.mulf %parallel_loop3A_617, %parallel_loop3A_618 : vector<16xf32>
        %parallel_loop3A_620 = arith.index_cast %parallel_loop3A_606 : i32 to index
        %parallel_loop3A_621 = arith.constant 16 : index
        %parallel_loop3A_622 = tpu.vector_load %arg16[%parallel_loop3A_620, %parallel_loop3A_621] {strides = array<i32>} : memref<512x32xf32, #tpu.memory_space<vmem>>, vector<16xf32>,
        tpu.vector_store %arg16[%parallel_loop3A_620, %parallel_loop3A_621], %parallel_loop3A_619 {strides = array<i32>} : memref<512x32xf32, #tpu.memory_space<vmem>>, vector<16xf32>,
        %parallel_loop3A_623 = vector.extract_strided_slice %parallel_loop3A_440 {offsets = [9], sizes = [1], strides = [1]} : vector<16xf32> to vector<1xf32>
        %parallel_loop3A_624 = vector.extract %parallel_loop3A_623[0] : f32 from vector<1xf32>
        %parallel_loop3A_625 = arith.constant 9 : i32
        %parallel_loop3A_626 = arith.addi %parallel_loop3A_442, %parallel_loop3A_625 : i32
        %parallel_loop3A_627 = arith.index_cast %parallel_loop3A_626 : i32 to index
        %parallel_loop3A_628 = arith.constant 0 : index
        %parallel_loop3A_629 = tpu.vector_load %arg16[%parallel_loop3A_627, %parallel_loop3A_628] {strides = array<i32>} : memref<512x32xf32, #tpu.memory_space<vmem>>, vector<16xf32>,
        %parallel_loop3A_630 = vector.broadcast %parallel_loop3A_624 : f32 to vector<16xf32>
        %parallel_loop3A_631 = arith.mulf %parallel_loop3A_629, %parallel_loop3A_630 : vector<16xf32>
        %parallel_loop3A_632 = arith.index_cast %parallel_loop3A_626 : i32 to index
        %parallel_loop3A_633 = arith.constant 0 : index
        %parallel_loop3A_634 = tpu.vector_load %arg16[%parallel_loop3A_632, %parallel_loop3A_633] {strides = array<i32>} : memref<512x32xf32, #tpu.memory_space<vmem>>, vector<16xf32>,
        tpu.vector_store %arg16[%parallel_loop3A_632, %parallel_loop3A_633], %parallel_loop3A_631 {strides = array<i32>} : memref<512x32xf32, #tpu.memory_space<vmem>>, vector<16xf32>,
        %parallel_loop3A_635 = arith.index_cast %parallel_loop3A_626 : i32 to index
        %parallel_loop3A_636 = arith.constant 16 : index
        %parallel_loop3A_637 = tpu.vector_load %arg16[%parallel_loop3A_635, %parallel_loop3A_636] {strides = array<i32>} : memref<512x32xf32, #tpu.memory_space<vmem>>, vector<16xf32>,
        %parallel_loop3A_638 = vector.broadcast %parallel_loop3A_624 : f32 to vector<16xf32>
        %parallel_loop3A_639 = arith.mulf %parallel_loop3A_637, %parallel_loop3A_638 : vector<16xf32>
        %parallel_loop3A_640 = arith.index_cast %parallel_loop3A_626 : i32 to index
        %parallel_loop3A_641 = arith.constant 16 : index
        %parallel_loop3A_642 = tpu.vector_load %arg16[%parallel_loop3A_640, %parallel_loop3A_641] {strides = array<i32>} : memref<512x32xf32, #tpu.memory_space<vmem>>, vector<16xf32>,
        tpu.vector_store %arg16[%parallel_loop3A_640, %parallel_loop3A_641], %parallel_loop3A_639 {strides = array<i32>} : memref<512x32xf32, #tpu.memory_space<vmem>>, vector<16xf32>,
        %parallel_loop3A_643 = vector.extract_strided_slice %parallel_loop3A_440 {offsets = [10], sizes = [1], strides = [1]} : vector<16xf32> to vector<1xf32>
        %parallel_loop3A_644 = vector.extract %parallel_loop3A_643[0] : f32 from vector<1xf32>
        %parallel_loop3A_645 = arith.constant 10 : i32
        %parallel_loop3A_646 = arith.addi %parallel_loop3A_442, %parallel_loop3A_645 : i32
        %parallel_loop3A_647 = arith.index_cast %parallel_loop3A_646 : i32 to index
        %parallel_loop3A_648 = arith.constant 0 : index
        %parallel_loop3A_649 = tpu.vector_load %arg16[%parallel_loop3A_647, %parallel_loop3A_648] {strides = array<i32>} : memref<512x32xf32, #tpu.memory_space<vmem>>, vector<16xf32>,
        %parallel_loop3A_650 = vector.broadcast %parallel_loop3A_644 : f32 to vector<16xf32>
        %parallel_loop3A_651 = arith.mulf %parallel_loop3A_649, %parallel_loop3A_650 : vector<16xf32>
        %parallel_loop3A_652 = arith.index_cast %parallel_loop3A_646 : i32 to index
        %parallel_loop3A_653 = arith.constant 0 : index
        %parallel_loop3A_654 = tpu.vector_load %arg16[%parallel_loop3A_652, %parallel_loop3A_653] {strides = array<i32>} : memref<512x32xf32, #tpu.memory_space<vmem>>, vector<16xf32>,
        tpu.vector_store %arg16[%parallel_loop3A_652, %parallel_loop3A_653], %parallel_loop3A_651 {strides = array<i32>} : memref<512x32xf32, #tpu.memory_space<vmem>>, vector<16xf32>,
        %parallel_loop3A_655 = arith.index_cast %parallel_loop3A_646 : i32 to index
        %parallel_loop3A_656 = arith.constant 16 : index
        %parallel_loop3A_657 = tpu.vector_load %arg16[%parallel_loop3A_655, %parallel_loop3A_656] {strides = array<i32>} : memref<512x32xf32, #tpu.memory_space<vmem>>, vector<16xf32>,
        %parallel_loop3A_658 = vector.broadcast %parallel_loop3A_644 : f32 to vector<16xf32>
        %parallel_loop3A_659 = arith.mulf %parallel_loop3A_657, %parallel_loop3A_658 : vector<16xf32>
        %parallel_loop3A_660 = arith.index_cast %parallel_loop3A_646 : i32 to index
        %parallel_loop3A_661 = arith.constant 16 : index
        %parallel_loop3A_662 = tpu.vector_load %arg16[%parallel_loop3A_660, %parallel_loop3A_661] {strides = array<i32>} : memref<512x32xf32, #tpu.memory_space<vmem>>, vector<16xf32>,
        tpu.vector_store %arg16[%parallel_loop3A_660, %parallel_loop3A_661], %parallel_loop3A_659 {strides = array<i32>} : memref<512x32xf32, #tpu.memory_space<vmem>>, vector<16xf32>,
        %parallel_loop3A_663 = vector.extract_strided_slice %parallel_loop3A_440 {offsets = [11], sizes = [1], strides = [1]} : vector<16xf32> to vector<1xf32>
        %parallel_loop3A_664 = vector.extract %parallel_loop3A_663[0] : f32 from vector<1xf32>
        %parallel_loop3A_665 = arith.constant 11 : i32
        %parallel_loop3A_666 = arith.addi %parallel_loop3A_442, %parallel_loop3A_665 : i32
        %parallel_loop3A_667 = arith.index_cast %parallel_loop3A_666 : i32 to index
        %parallel_loop3A_668 = arith.constant 0 : index
        %parallel_loop3A_669 = tpu.vector_load %arg16[%parallel_loop3A_667, %parallel_loop3A_668] {strides = array<i32>} : memref<512x32xf32, #tpu.memory_space<vmem>>, vector<16xf32>,
        %parallel_loop3A_670 = vector.broadcast %parallel_loop3A_664 : f32 to vector<16xf32>
        %parallel_loop3A_671 = arith.mulf %parallel_loop3A_669, %parallel_loop3A_670 : vector<16xf32>
        %parallel_loop3A_672 = arith.index_cast %parallel_loop3A_666 : i32 to index
        %parallel_loop3A_673 = arith.constant 0 : index
        %parallel_loop3A_674 = tpu.vector_load %arg16[%parallel_loop3A_672, %parallel_loop3A_673] {strides = array<i32>} : memref<512x32xf32, #tpu.memory_space<vmem>>, vector<16xf32>,
        tpu.vector_store %arg16[%parallel_loop3A_672, %parallel_loop3A_673], %parallel_loop3A_671 {strides = array<i32>} : memref<512x32xf32, #tpu.memory_space<vmem>>, vector<16xf32>,
        %parallel_loop3A_675 = arith.index_cast %parallel_loop3A_666 : i32 to index
        %parallel_loop3A_676 = arith.constant 16 : index
        %parallel_loop3A_677 = tpu.vector_load %arg16[%parallel_loop3A_675, %parallel_loop3A_676] {strides = array<i32>} : memref<512x32xf32, #tpu.memory_space<vmem>>, vector<16xf32>,
        %parallel_loop3A_678 = vector.broadcast %parallel_loop3A_664 : f32 to vector<16xf32>
        %parallel_loop3A_679 = arith.mulf %parallel_loop3A_677, %parallel_loop3A_678 : vector<16xf32>
        %parallel_loop3A_680 = arith.index_cast %parallel_loop3A_666 : i32 to index
        %parallel_loop3A_681 = arith.constant 16 : index
        %parallel_loop3A_682 = tpu.vector_load %arg16[%parallel_loop3A_680, %parallel_loop3A_681] {strides = array<i32>} : memref<512x32xf32, #tpu.memory_space<vmem>>, vector<16xf32>,
        tpu.vector_store %arg16[%parallel_loop3A_680, %parallel_loop3A_681], %parallel_loop3A_679 {strides = array<i32>} : memref<512x32xf32, #tpu.memory_space<vmem>>, vector<16xf32>,
        %parallel_loop3A_683 = vector.extract_strided_slice %parallel_loop3A_440 {offsets = [12], sizes = [1], strides = [1]} : vector<16xf32> to vector<1xf32>
        %parallel_loop3A_684 = vector.extract %parallel_loop3A_683[0] : f32 from vector<1xf32>
        %parallel_loop3A_685 = arith.constant 12 : i32
        %parallel_loop3A_686 = arith.addi %parallel_loop3A_442, %parallel_loop3A_685 : i32
        %parallel_loop3A_687 = arith.index_cast %parallel_loop3A_686 : i32 to index
        %parallel_loop3A_688 = arith.constant 0 : index
        %parallel_loop3A_689 = tpu.vector_load %arg16[%parallel_loop3A_687, %parallel_loop3A_688] {strides = array<i32>} : memref<512x32xf32, #tpu.memory_space<vmem>>, vector<16xf32>,
        %parallel_loop3A_690 = vector.broadcast %parallel_loop3A_684 : f32 to vector<16xf32>
        %parallel_loop3A_691 = arith.mulf %parallel_loop3A_689, %parallel_loop3A_690 : vector<16xf32>
        %parallel_loop3A_692 = arith.index_cast %parallel_loop3A_686 : i32 to index
        %parallel_loop3A_693 = arith.constant 0 : index
        %parallel_loop3A_694 = tpu.vector_load %arg16[%parallel_loop3A_692, %parallel_loop3A_693] {strides = array<i32>} : memref<512x32xf32, #tpu.memory_space<vmem>>, vector<16xf32>,
        tpu.vector_store %arg16[%parallel_loop3A_692, %parallel_loop3A_693], %parallel_loop3A_691 {strides = array<i32>} : memref<512x32xf32, #tpu.memory_space<vmem>>, vector<16xf32>,
        %parallel_loop3A_695 = arith.index_cast %parallel_loop3A_686 : i32 to index
        %parallel_loop3A_696 = arith.constant 16 : index
        %parallel_loop3A_697 = tpu.vector_load %arg16[%parallel_loop3A_695, %parallel_loop3A_696] {strides = array<i32>} : memref<512x32xf32, #tpu.memory_space<vmem>>, vector<16xf32>,
        %parallel_loop3A_698 = vector.broadcast %parallel_loop3A_684 : f32 to vector<16xf32>
        %parallel_loop3A_699 = arith.mulf %parallel_loop3A_697, %parallel_loop3A_698 : vector<16xf32>
        %parallel_loop3A_700 = arith.index_cast %parallel_loop3A_686 : i32 to index
        %parallel_loop3A_701 = arith.constant 16 : index
        %parallel_loop3A_702 = tpu.vector_load %arg16[%parallel_loop3A_700, %parallel_loop3A_701] {strides = array<i32>} : memref<512x32xf32, #tpu.memory_space<vmem>>, vector<16xf32>,
        tpu.vector_store %arg16[%parallel_loop3A_700, %parallel_loop3A_701], %parallel_loop3A_699 {strides = array<i32>} : memref<512x32xf32, #tpu.memory_space<vmem>>, vector<16xf32>,
        %parallel_loop3A_703 = vector.extract_strided_slice %parallel_loop3A_440 {offsets = [13], sizes = [1], strides = [1]} : vector<16xf32> to vector<1xf32>
        %parallel_loop3A_704 = vector.extract %parallel_loop3A_703[0] : f32 from vector<1xf32>
        %parallel_loop3A_705 = arith.constant 13 : i32
        %parallel_loop3A_706 = arith.addi %parallel_loop3A_442, %parallel_loop3A_705 : i32
        %parallel_loop3A_707 = arith.index_cast %parallel_loop3A_706 : i32 to index
        %parallel_loop3A_708 = arith.constant 0 : index
        %parallel_loop3A_709 = tpu.vector_load %arg16[%parallel_loop3A_707, %parallel_loop3A_708] {strides = array<i32>} : memref<512x32xf32, #tpu.memory_space<vmem>>, vector<16xf32>,
        %parallel_loop3A_710 = vector.broadcast %parallel_loop3A_704 : f32 to vector<16xf32>
        %parallel_loop3A_711 = arith.mulf %parallel_loop3A_709, %parallel_loop3A_710 : vector<16xf32>
        %parallel_loop3A_712 = arith.index_cast %parallel_loop3A_706 : i32 to index
        %parallel_loop3A_713 = arith.constant 0 : index
        %parallel_loop3A_714 = tpu.vector_load %arg16[%parallel_loop3A_712, %parallel_loop3A_713] {strides = array<i32>} : memref<512x32xf32, #tpu.memory_space<vmem>>, vector<16xf32>,
        tpu.vector_store %arg16[%parallel_loop3A_712, %parallel_loop3A_713], %parallel_loop3A_711 {strides = array<i32>} : memref<512x32xf32, #tpu.memory_space<vmem>>, vector<16xf32>,
        %parallel_loop3A_715 = arith.index_cast %parallel_loop3A_706 : i32 to index
        %parallel_loop3A_716 = arith.constant 16 : index
        %parallel_loop3A_717 = tpu.vector_load %arg16[%parallel_loop3A_715, %parallel_loop3A_716] {strides = array<i32>} : memref<512x32xf32, #tpu.memory_space<vmem>>, vector<16xf32>,
        %parallel_loop3A_718 = vector.broadcast %parallel_loop3A_704 : f32 to vector<16xf32>
        %parallel_loop3A_719 = arith.mulf %parallel_loop3A_717, %parallel_loop3A_718 : vector<16xf32>
        %parallel_loop3A_720 = arith.index_cast %parallel_loop3A_706 : i32 to index
        %parallel_loop3A_721 = arith.constant 16 : index
        %parallel_loop3A_722 = tpu.vector_load %arg16[%parallel_loop3A_720, %parallel_loop3A_721] {strides = array<i32>} : memref<512x32xf32, #tpu.memory_space<vmem>>, vector<16xf32>,
        tpu.vector_store %arg16[%parallel_loop3A_720, %parallel_loop3A_721], %parallel_loop3A_719 {strides = array<i32>} : memref<512x32xf32, #tpu.memory_space<vmem>>, vector<16xf32>,
        %parallel_loop3A_723 = vector.extract_strided_slice %parallel_loop3A_440 {offsets = [14], sizes = [1], strides = [1]} : vector<16xf32> to vector<1xf32>
        %parallel_loop3A_724 = vector.extract %parallel_loop3A_723[0] : f32 from vector<1xf32>
        %parallel_loop3A_725 = arith.constant 14 : i32
        %parallel_loop3A_726 = arith.addi %parallel_loop3A_442, %parallel_loop3A_725 : i32
        %parallel_loop3A_727 = arith.index_cast %parallel_loop3A_726 : i32 to index
        %parallel_loop3A_728 = arith.constant 0 : index
        %parallel_loop3A_729 = tpu.vector_load %arg16[%parallel_loop3A_727, %parallel_loop3A_728] {strides = array<i32>} : memref<512x32xf32, #tpu.memory_space<vmem>>, vector<16xf32>,
        %parallel_loop3A_730 = vector.broadcast %parallel_loop3A_724 : f32 to vector<16xf32>
        %parallel_loop3A_731 = arith.mulf %parallel_loop3A_729, %parallel_loop3A_730 : vector<16xf32>
        %parallel_loop3A_732 = arith.index_cast %parallel_loop3A_726 : i32 to index
        %parallel_loop3A_733 = arith.constant 0 : index
        %parallel_loop3A_734 = tpu.vector_load %arg16[%parallel_loop3A_732, %parallel_loop3A_733] {strides = array<i32>} : memref<512x32xf32, #tpu.memory_space<vmem>>, vector<16xf32>,
        tpu.vector_store %arg16[%parallel_loop3A_732, %parallel_loop3A_733], %parallel_loop3A_731 {strides = array<i32>} : memref<512x32xf32, #tpu.memory_space<vmem>>, vector<16xf32>,
        %parallel_loop3A_735 = arith.index_cast %parallel_loop3A_726 : i32 to index
        %parallel_loop3A_736 = arith.constant 16 : index
        %parallel_loop3A_737 = tpu.vector_load %arg16[%parallel_loop3A_735, %parallel_loop3A_736] {strides = array<i32>} : memref<512x32xf32, #tpu.memory_space<vmem>>, vector<16xf32>,
        %parallel_loop3A_738 = vector.broadcast %parallel_loop3A_724 : f32 to vector<16xf32>
        %parallel_loop3A_739 = arith.mulf %parallel_loop3A_737, %parallel_loop3A_738 : vector<16xf32>
        %parallel_loop3A_740 = arith.index_cast %parallel_loop3A_726 : i32 to index
        %parallel_loop3A_741 = arith.constant 16 : index
        %parallel_loop3A_742 = tpu.vector_load %arg16[%parallel_loop3A_740, %parallel_loop3A_741] {strides = array<i32>} : memref<512x32xf32, #tpu.memory_space<vmem>>, vector<16xf32>,
        tpu.vector_store %arg16[%parallel_loop3A_740, %parallel_loop3A_741], %parallel_loop3A_739 {strides = array<i32>} : memref<512x32xf32, #tpu.memory_space<vmem>>, vector<16xf32>,
        %parallel_loop3A_743 = vector.extract_strided_slice %parallel_loop3A_440 {offsets = [15], sizes = [1], strides = [1]} : vector<16xf32> to vector<1xf32>
        %parallel_loop3A_744 = vector.extract %parallel_loop3A_743[0] : f32 from vector<1xf32>
        %parallel_loop3A_745 = arith.constant 15 : i32
        %parallel_loop3A_746 = arith.addi %parallel_loop3A_442, %parallel_loop3A_745 : i32
        %parallel_loop3A_747 = arith.index_cast %parallel_loop3A_746 : i32 to index
        %parallel_loop3A_748 = arith.constant 0 : index
        %parallel_loop3A_749 = tpu.vector_load %arg16[%parallel_loop3A_747, %parallel_loop3A_748] {strides = array<i32>} : memref<512x32xf32, #tpu.memory_space<vmem>>, vector<16xf32>,
        %parallel_loop3A_750 = vector.broadcast %parallel_loop3A_744 : f32 to vector<16xf32>
        %parallel_loop3A_751 = arith.mulf %parallel_loop3A_749, %parallel_loop3A_750 : vector<16xf32>
        %parallel_loop3A_752 = arith.index_cast %parallel_loop3A_746 : i32 to index
        %parallel_loop3A_753 = arith.constant 0 : index
        %parallel_loop3A_754 = tpu.vector_load %arg16[%parallel_loop3A_752, %parallel_loop3A_753] {strides = array<i32>} : memref<512x32xf32, #tpu.memory_space<vmem>>, vector<16xf32>,
        tpu.vector_store %arg16[%parallel_loop3A_752, %parallel_loop3A_753], %parallel_loop3A_751 {strides = array<i32>} : memref<512x32xf32, #tpu.memory_space<vmem>>, vector<16xf32>,
        %parallel_loop3A_755 = arith.index_cast %parallel_loop3A_746 : i32 to index
        %parallel_loop3A_756 = arith.constant 16 : index
        %parallel_loop3A_757 = tpu.vector_load %arg16[%parallel_loop3A_755, %parallel_loop3A_756] {strides = array<i32>} : memref<512x32xf32, #tpu.memory_space<vmem>>, vector<16xf32>,
        %parallel_loop3A_758 = vector.broadcast %parallel_loop3A_744 : f32 to vector<16xf32>
        %parallel_loop3A_759 = arith.mulf %parallel_loop3A_757, %parallel_loop3A_758 : vector<16xf32>
        %parallel_loop3A_760 = arith.index_cast %parallel_loop3A_746 : i32 to index
        %parallel_loop3A_761 = arith.constant 16 : index
        %parallel_loop3A_762 = tpu.vector_load %arg16[%parallel_loop3A_760, %parallel_loop3A_761] {strides = array<i32>} : memref<512x32xf32, #tpu.memory_space<vmem>>, vector<16xf32>,
        tpu.vector_store %arg16[%parallel_loop3A_760, %parallel_loop3A_761], %parallel_loop3A_759 {strides = array<i32>} : memref<512x32xf32, #tpu.memory_space<vmem>>, vector<16xf32>,
      } {sc.loop_unroll_factor = 2 : i64, sc.parallel_access}
      %dma_start3A_276 = arith.constant 0 : i32
      %dma_start3A_277 = arith.constant 0 : i32
      %dma_start3A_278 = arith.constant 0 : i32
      %dma_start3A_279 = tpu.memref_slice %arg15[%rem3A_218, %dma_start3A_276, %dma_start3A_278] : memref<2x4x128xf32, #tpu.memory_space<vmem>> -> memref<1x1x128xf32, #tpu.memory_space<vmem>>
      %dma_start3A_280 = tpu.memref_squeeze %dma_start3A_279 : memref<1x1x128xf32, #tpu.memory_space<vmem>> -> memref<128xf32, #tpu.memory_space<vmem>>
      %dma_start3A_281 = arith.constant 0 : i32
      %dma_start3A_282 = tpu.memref_slice %arg13[%rem3A_218, %dma_start3A_277, %dma_start3A_281] : memref<2x4x128xi32, #tpu.memory_space<vmem>> -> memref<1x1x128xi32, #tpu.memory_space<vmem>>
      %dma_start3A_283 = tpu.memref_squeeze %dma_start3A_282 : memref<1x1x128xi32, #tpu.memory_space<vmem>> -> memref<128xi32, #tpu.memory_space<vmem>>
      %dma_start3A_284 = arith.constant 0 : i32
      %dma_start3A_285 = tpu.memref_slice %arg12[%dma_start3A_284] : memref<51200xf32, #tpu.memory_space<vmem_shared>> -> memref<51200xf32, #tpu.memory_space<vmem_shared>>
      tpu.enqueue_indirect_dma source(%dma_start3A_280 : memref<128xf32, #tpu.memory_space<vmem>>) target(%dma_start3A_285 : memref<51200xf32, #tpu.memory_space<vmem_shared>>) offsets(%dma_start3A_283 : memref<128xi32, #tpu.memory_space<vmem>>) semaphore(%arg20 : memref<!tpu.dma_semaphore, #tpu.memory_space<semaphore_mem>>) {add = true}
      %dma_start3A_286 = arith.constant 0 : i32
      %dma_start3A_287 = arith.constant 0 : i32
      %dma_start3A_288 = arith.constant 0 : i32
      %dma_start3A_289 = tpu.memref_slice %arg16[%dma_start3A_287, %dma_start3A_288] : memref<512x32xf32, #tpu.memory_space<vmem>> -> memref<128x32xf32, #tpu.memory_space<vmem>>
      %dma_start3A_290 = arith.constant 0 : i32
      %dma_start3A_291 = tpu.memref_slice %arg13[%rem3A_218, %dma_start3A_286, %dma_start3A_290] : memref<2x4x128xi32, #tpu.memory_space<vmem>> -> memref<1x1x128xi32, #tpu.memory_space<vmem>>
      %dma_start3A_292 = tpu.memref_squeeze %dma_start3A_291 : memref<1x1x128xi32, #tpu.memory_space<vmem>> -> memref<128xi32, #tpu.memory_space<vmem>>
      %dma_start3A_293 = arith.constant 0 : i32
      %dma_start3A_294 = arith.constant 0 : i32
      %dma_start3A_295 = tpu.memref_slice %arg11[%dma_start3A_293, %dma_start3A_294] : memref<51200x32xf32, #tpu.memory_space<vmem_shared>> -> memref<51200x32xf32, #tpu.memory_space<vmem_shared>>
      tpu.enqueue_indirect_dma source(%dma_start3A_289 : memref<128x32xf32, #tpu.memory_space<vmem>>) target(%dma_start3A_295 : memref<51200x32xf32, #tpu.memory_space<vmem_shared>>) offsets(%dma_start3A_292 : memref<128xi32, #tpu.memory_space<vmem>>) semaphore(%arg20 : memref<!tpu.dma_semaphore, #tpu.memory_space<semaphore_mem>>) {add = true}
      %dma_start3A_296 = arith.constant 1 : i32
      %dma_start3A_297 = arith.constant 1 : i32
      %dma_start3A_298 = arith.constant 0 : i32
      %dma_start3A_299 = tpu.memref_slice %arg15[%rem3A_218, %dma_start3A_296, %dma_start3A_298] : memref<2x4x128xf32, #tpu.memory_space<vmem>> -> memref<1x1x128xf32, #tpu.memory_space<vmem>>
      %dma_start3A_300 = tpu.memref_squeeze %dma_start3A_299 : memref<1x1x128xf32, #tpu.memory_space<vmem>> -> memref<128xf32, #tpu.memory_space<vmem>>
      %dma_start3A_301 = arith.constant 0 : i32
      %dma_start3A_302 = tpu.memref_slice %arg13[%rem3A_218, %dma_start3A_297, %dma_start3A_301] : memref<2x4x128xi32, #tpu.memory_space<vmem>> -> memref<1x1x128xi32, #tpu.memory_space<vmem>>
      %dma_start3A_303 = tpu.memref_squeeze %dma_start3A_302 : memref<1x1x128xi32, #tpu.memory_space<vmem>> -> memref<128xi32, #tpu.memory_space<vmem>>
      %dma_start3A_304 = arith.constant 0 : i32
      %dma_start3A_305 = tpu.memref_slice %arg12[%dma_start3A_304] : memref<51200xf32, #tpu.memory_space<vmem_shared>> -> memref<51200xf32, #tpu.memory_space<vmem_shared>>
      tpu.enqueue_indirect_dma source(%dma_start3A_300 : memref<128xf32, #tpu.memory_space<vmem>>) target(%dma_start3A_305 : memref<51200xf32, #tpu.memory_space<vmem_shared>>) offsets(%dma_start3A_303 : memref<128xi32, #tpu.memory_space<vmem>>) semaphore(%arg20 : memref<!tpu.dma_semaphore, #tpu.memory_space<semaphore_mem>>) {add = true}
      %dma_start3A_306 = arith.constant 1 : i32
      %dma_start3A_307 = arith.constant 128 : i32
      %dma_start3A_308 = arith.constant 0 : i32
      %dma_start3A_309 = tpu.memref_slice %arg16[%dma_start3A_307, %dma_start3A_308] : memref<512x32xf32, #tpu.memory_space<vmem>> -> memref<128x32xf32, #tpu.memory_space<vmem>>
      %dma_start3A_310 = arith.constant 0 : i32
      %dma_start3A_311 = tpu.memref_slice %arg13[%rem3A_218, %dma_start3A_306, %dma_start3A_310] : memref<2x4x128xi32, #tpu.memory_space<vmem>> -> memref<1x1x128xi32, #tpu.memory_space<vmem>>
      %dma_start3A_312 = tpu.memref_squeeze %dma_start3A_311 : memref<1x1x128xi32, #tpu.memory_space<vmem>> -> memref<128xi32, #tpu.memory_space<vmem>>
      %dma_start3A_313 = arith.constant 0 : i32
      %dma_start3A_314 = arith.constant 0 : i32
      %dma_start3A_315 = tpu.memref_slice %arg11[%dma_start3A_313, %dma_start3A_314] : memref<51200x32xf32, #tpu.memory_space<vmem_shared>> -> memref<51200x32xf32, #tpu.memory_space<vmem_shared>>
      tpu.enqueue_indirect_dma source(%dma_start3A_309 : memref<128x32xf32, #tpu.memory_space<vmem>>) target(%dma_start3A_315 : memref<51200x32xf32, #tpu.memory_space<vmem_shared>>) offsets(%dma_start3A_312 : memref<128xi32, #tpu.memory_space<vmem>>) semaphore(%arg20 : memref<!tpu.dma_semaphore, #tpu.memory_space<semaphore_mem>>) {add = true}
      %dma_wait3A_316 = arith.constant 256 : i32
      %dma_wait3A_317 = arith.constant 0 : i32
      %dma_wait3A_318 = tpu.memref_slice %arg16[%dma_wait3A_316, %dma_wait3A_317] : memref<512x32xf32, #tpu.memory_space<vmem>> -> memref<128x32xf32, #tpu.memory_space<vmem>>
      %dma_wait3A_319 = arith.constant 0 : i32
      %dma_wait3A_320 = arith.constant 0 : i32
      %dma_wait3A_321 = tpu.memref_slice %arg2[%dma_wait3A_319, %dma_wait3A_320] : memref<51200x32xf32, #tpu.memory_space<hbm>> -> memref<128x32xf32, #tpu.memory_space<hbm>>
      %dma_wait3A_322 = arith.constant 256 : i32
      %dma_wait3A_323 = arith.constant 0 : i32
      %dma_wait3A_324 = tpu.memref_slice %arg16[%dma_wait3A_322, %dma_wait3A_323] : memref<512x32xf32, #tpu.memory_space<vmem>> -> memref<128x32xf32, #tpu.memory_space<vmem>>
      %dma_wait3A_325 = arith.constant 0 : i32
      %dma_wait3A_326 = arith.constant 0 : i32
      %dma_wait3A_327 = tpu.memref_slice %arg2[%dma_wait3A_325, %dma_wait3A_326] : memref<51200x32xf32, #tpu.memory_space<hbm>> -> memref<128x32xf32, #tpu.memory_space<hbm>>
      tpu.wait_dma2 semaphore(%arg18 : memref<!tpu.dma_semaphore, #tpu.memory_space<semaphore_mem>>) src(%dma_wait3A_327 : memref<128x32xf32, #tpu.memory_space<hbm>>) dst(%dma_wait3A_324 : memref<128x32xf32, #tpu.memory_space<vmem>>)
      %dma_wait3A_328 = arith.constant 384 : i32
      %dma_wait3A_329 = arith.constant 0 : i32
      %dma_wait3A_330 = tpu.memref_slice %arg16[%dma_wait3A_328, %dma_wait3A_329] : memref<512x32xf32, #tpu.memory_space<vmem>> -> memref<128x32xf32, #tpu.memory_space<vmem>>
      %dma_wait3A_331 = arith.constant 0 : i32
      %dma_wait3A_332 = arith.constant 0 : i32
      %dma_wait3A_333 = tpu.memref_slice %arg2[%dma_wait3A_331, %dma_wait3A_332] : memref<51200x32xf32, #tpu.memory_space<hbm>> -> memref<128x32xf32, #tpu.memory_space<hbm>>
      %dma_wait3A_334 = arith.constant 384 : i32
      %dma_wait3A_335 = arith.constant 0 : i32
      %dma_wait3A_336 = tpu.memref_slice %arg16[%dma_wait3A_334, %dma_wait3A_335] : memref<512x32xf32, #tpu.memory_space<vmem>> -> memref<128x32xf32, #tpu.memory_space<vmem>>
      %dma_wait3A_337 = arith.constant 0 : i32
      %dma_wait3A_338 = arith.constant 0 : i32
      %dma_wait3A_339 = tpu.memref_slice %arg2[%dma_wait3A_337, %dma_wait3A_338] : memref<51200x32xf32, #tpu.memory_space<hbm>> -> memref<128x32xf32, #tpu.memory_space<hbm>>
      tpu.wait_dma2 semaphore(%arg18 : memref<!tpu.dma_semaphore, #tpu.memory_space<semaphore_mem>>) src(%dma_wait3A_339 : memref<128x32xf32, #tpu.memory_space<hbm>>) dst(%dma_wait3A_336 : memref<128x32xf32, #tpu.memory_space<vmem>>)
      %dma_wait3A_340 = arith.constant 0 : i32
      %dma_wait3A_341 = arith.constant 0 : i32
      %dma_wait3A_342 = arith.constant 0 : i32
      %dma_wait3A_343 = tpu.memref_slice %arg15[%rem3A_218, %dma_wait3A_340, %dma_wait3A_342] : memref<2x4x128xf32, #tpu.memory_space<vmem>> -> memref<1x1x128xf32, #tpu.memory_space<vmem>>
      %dma_wait3A_344 = tpu.memref_squeeze %dma_wait3A_343 : memref<1x1x128xf32, #tpu.memory_space<vmem>> -> memref<128xf32, #tpu.memory_space<vmem>>
      %dma_wait3A_345 = arith.constant 0 : i32
      %dma_wait3A_346 = tpu.memref_slice %arg13[%rem3A_218, %dma_wait3A_341, %dma_wait3A_345] : memref<2x4x128xi32, #tpu.memory_space<vmem>> -> memref<1x1x128xi32, #tpu.memory_space<vmem>>
      %dma_wait3A_347 = tpu.memref_squeeze %dma_wait3A_346 : memref<1x1x128xi32, #tpu.memory_space<vmem>> -> memref<128xi32, #tpu.memory_space<vmem>>
      %dma_wait3A_348 = arith.constant 0 : i32
      %dma_wait3A_349 = tpu.memref_slice %arg12[%dma_wait3A_348] : memref<51200xf32, #tpu.memory_space<vmem_shared>> -> memref<51200xf32, #tpu.memory_space<vmem_shared>>
      tpu.wait_indirect_dma semaphore(%arg20 : memref<!tpu.dma_semaphore, #tpu.memory_space<semaphore_mem>>) src(%dma_wait3A_344 : memref<128xf32, #tpu.memory_space<vmem>>) dst(%dma_wait3A_349 : memref<51200xf32, #tpu.memory_space<vmem_shared>>)
      %dma_wait3A_350 = arith.constant 0 : i32
      %dma_wait3A_351 = arith.constant 0 : i32
      %dma_wait3A_352 = arith.constant 0 : i32
      %dma_wait3A_353 = tpu.memref_slice %arg16[%dma_wait3A_351, %dma_wait3A_352] : memref<512x32xf32, #tpu.memory_space<vmem>> -> memref<128x32xf32, #tpu.memory_space<vmem>>
      %dma_wait3A_354 = arith.constant 0 : i32
      %dma_wait3A_355 = tpu.memref_slice %arg13[%rem3A_218, %dma_wait3A_350, %dma_wait3A_354] : memref<2x4x128xi32, #tpu.memory_space<vmem>> -> memref<1x1x128xi32, #tpu.memory_space<vmem>>
      %dma_wait3A_356 = tpu.memref_squeeze %dma_wait3A_355 : memref<1x1x128xi32, #tpu.memory_space<vmem>> -> memref<128xi32, #tpu.memory_space<vmem>>
      %dma_wait3A_357 = arith.constant 0 : i32
      %dma_wait3A_358 = arith.constant 0 : i32
      %dma_wait3A_359 = tpu.memref_slice %arg11[%dma_wait3A_357, %dma_wait3A_358] : memref<51200x32xf32, #tpu.memory_space<vmem_shared>> -> memref<51200x32xf32, #tpu.memory_space<vmem_shared>>
      tpu.wait_indirect_dma semaphore(%arg20 : memref<!tpu.dma_semaphore, #tpu.memory_space<semaphore_mem>>) src(%dma_wait3A_353 : memref<128x32xf32, #tpu.memory_space<vmem>>) dst(%dma_wait3A_359 : memref<51200x32xf32, #tpu.memory_space<vmem_shared>>)
      %dma_wait3A_360 = arith.constant 1 : i32
      %dma_wait3A_361 = arith.constant 1 : i32
      %dma_wait3A_362 = arith.constant 0 : i32
      %dma_wait3A_363 = tpu.memref_slice %arg15[%rem3A_218, %dma_wait3A_360, %dma_wait3A_362] : memref<2x4x128xf32, #tpu.memory_space<vmem>> -> memref<1x1x128xf32, #tpu.memory_space<vmem>>
      %dma_wait3A_364 = tpu.memref_squeeze %dma_wait3A_363 : memref<1x1x128xf32, #tpu.memory_space<vmem>> -> memref<128xf32, #tpu.memory_space<vmem>>
      %dma_wait3A_365 = arith.constant 0 : i32
      %dma_wait3A_366 = tpu.memref_slice %arg13[%rem3A_218, %dma_wait3A_361, %dma_wait3A_365] : memref<2x4x128xi32, #tpu.memory_space<vmem>> -> memref<1x1x128xi32, #tpu.memory_space<vmem>>
      %dma_wait3A_367 = tpu.memref_squeeze %dma_wait3A_366 : memref<1x1x128xi32, #tpu.memory_space<vmem>> -> memref<128xi32, #tpu.memory_space<vmem>>
      %dma_wait3A_368 = arith.constant 0 : i32
      %dma_wait3A_369 = tpu.memref_slice %arg12[%dma_wait3A_368] : memref<51200xf32, #tpu.memory_space<vmem_shared>> -> memref<51200xf32, #tpu.memory_space<vmem_shared>>
      tpu.wait_indirect_dma semaphore(%arg20 : memref<!tpu.dma_semaphore, #tpu.memory_space<semaphore_mem>>) src(%dma_wait3A_364 : memref<128xf32, #tpu.memory_space<vmem>>) dst(%dma_wait3A_369 : memref<51200xf32, #tpu.memory_space<vmem_shared>>)
      %dma_wait3A_370 = arith.constant 1 : i32
      %dma_wait3A_371 = arith.constant 128 : i32
      %dma_wait3A_372 = arith.constant 0 : i32
      %dma_wait3A_373 = tpu.memref_slice %arg16[%dma_wait3A_371, %dma_wait3A_372] : memref<512x32xf32, #tpu.memory_space<vmem>> -> memref<128x32xf32, #tpu.memory_space<vmem>>
      %dma_wait3A_374 = arith.constant 0 : i32
      %dma_wait3A_375 = tpu.memref_slice %arg13[%rem3A_218, %dma_wait3A_370, %dma_wait3A_374] : memref<2x4x128xi32, #tpu.memory_space<vmem>> -> memref<1x1x128xi32, #tpu.memory_space<vmem>>
      %dma_wait3A_376 = tpu.memref_squeeze %dma_wait3A_375 : memref<1x1x128xi32, #tpu.memory_space<vmem>> -> memref<128xi32, #tpu.memory_space<vmem>>
      %dma_wait3A_377 = arith.constant 0 : i32
      %dma_wait3A_378 = arith.constant 0 : i32
      %dma_wait3A_379 = tpu.memref_slice %arg11[%dma_wait3A_377, %dma_wait3A_378] : memref<51200x32xf32, #tpu.memory_space<vmem_shared>> -> memref<51200x32xf32, #tpu.memory_space<vmem_shared>>
      tpu.wait_indirect_dma semaphore(%arg20 : memref<!tpu.dma_semaphore, #tpu.memory_space<semaphore_mem>>) src(%dma_wait3A_373 : memref<128x32xf32, #tpu.memory_space<vmem>>) dst(%dma_wait3A_379 : memref<51200x32xf32, #tpu.memory_space<vmem_shared>>)
      %add3A_380 = arith.constant 1 : i32
      %add3A_381 = arith.addi %while3A_215, %add3A_380 : i32
      %lt3A_382 = arith.cmpi slt, %add3A_381, %select_n3A_18 : i32
      %convert_element_type3A_383 = arith.extui %lt3A_382 : i1 to i32
      %cond3A_384 = arith.constant 0 : i32
      %cond3A_385 = arith.cmpi ne, %convert_element_type3A_383, %cond3A_384 : i32
      scf.if %cond3A_385 {
        %dma_wait3A_430 = arith.constant 0 : i32
        %dma_wait3A_431 = arith.constant 0 : i32
        %dma_wait3A_432 = tpu.memref_slice %arg13[%rem3A_222, %dma_wait3A_430, %dma_wait3A_431] : memref<2x4x128xi32, #tpu.memory_space<vmem>> -> memref<1x4x128xi32, #tpu.memory_space<vmem>>
        %dma_wait3A_433 = tpu.memref_squeeze %dma_wait3A_432 : memref<1x4x128xi32, #tpu.memory_space<vmem>> -> memref<4x128xi32, #tpu.memory_space<vmem>>
        %dma_wait3A_434 = arith.constant 0 : i32
        %dma_wait3A_435 = arith.constant 0 : i32
        %dma_wait3A_436 = tpu.memref_slice %arg3[%dma_wait3A_434, %dma_wait3A_435] : memref<12544x128xi32, #tpu.memory_space<hbm>> -> memref<4x128xi32, #tpu.memory_space<hbm>>
        %dma_wait3A_437 = arith.constant 0 : i32
        %dma_wait3A_438 = arith.constant 0 : i32
        %dma_wait3A_439 = tpu.memref_slice %arg13[%rem3A_222, %dma_wait3A_437, %dma_wait3A_438] : memref<2x4x128xi32, #tpu.memory_space<vmem>> -> memref<1x4x128xi32, #tpu.memory_space<vmem>>
        %dma_wait3A_440 = tpu.memref_squeeze %dma_wait3A_439 : memref<1x4x128xi32, #tpu.memory_space<vmem>> -> memref<4x128xi32, #tpu.memory_space<vmem>>
        %dma_wait3A_441 = arith.constant 0 : i32
        %dma_wait3A_442 = arith.constant 0 : i32
        %dma_wait3A_443 = tpu.memref_slice %arg3[%dma_wait3A_441, %dma_wait3A_442] : memref<12544x128xi32, #tpu.memory_space<hbm>> -> memref<4x128xi32, #tpu.memory_space<hbm>>
        tpu.wait_dma2 semaphore(%arg19 : memref<!tpu.dma_semaphore, #tpu.memory_space<semaphore_mem>>) src(%dma_wait3A_443 : memref<4x128xi32, #tpu.memory_space<hbm>>) dst(%dma_wait3A_440 : memref<4x128xi32, #tpu.memory_space<vmem>>)
        %dma_wait3A_444 = arith.constant 0 : i32
        %dma_wait3A_445 = arith.constant 0 : i32
        %dma_wait3A_446 = tpu.memref_slice %arg14[%rem3A_222, %dma_wait3A_444, %dma_wait3A_445] : memref<2x4x128xi32, #tpu.memory_space<vmem>> -> memref<1x4x128xi32, #tpu.memory_space<vmem>>
        %dma_wait3A_447 = tpu.memref_squeeze %dma_wait3A_446 : memref<1x4x128xi32, #tpu.memory_space<vmem>> -> memref<4x128xi32, #tpu.memory_space<vmem>>
        %dma_wait3A_448 = arith.constant 0 : i32
        %dma_wait3A_449 = arith.constant 0 : i32
        %dma_wait3A_450 = tpu.memref_slice %arg4[%dma_wait3A_448, %dma_wait3A_449] : memref<12544x128xi32, #tpu.memory_space<hbm>> -> memref<4x128xi32, #tpu.memory_space<hbm>>
        %dma_wait3A_451 = arith.constant 0 : i32
        %dma_wait3A_452 = arith.constant 0 : i32
        %dma_wait3A_453 = tpu.memref_slice %arg14[%rem3A_222, %dma_wait3A_451, %dma_wait3A_452] : memref<2x4x128xi32, #tpu.memory_space<vmem>> -> memref<1x4x128xi32, #tpu.memory_space<vmem>>
        %dma_wait3A_454 = tpu.memref_squeeze %dma_wait3A_453 : memref<1x4x128xi32, #tpu.memory_space<vmem>> -> memref<4x128xi32, #tpu.memory_space<vmem>>
        %dma_wait3A_455 = arith.constant 0 : i32
        %dma_wait3A_456 = arith.constant 0 : i32
        %dma_wait3A_457 = tpu.memref_slice %arg4[%dma_wait3A_455, %dma_wait3A_456] : memref<12544x128xi32, #tpu.memory_space<hbm>> -> memref<4x128xi32, #tpu.memory_space<hbm>>
        tpu.wait_dma2 semaphore(%arg19 : memref<!tpu.dma_semaphore, #tpu.memory_space<semaphore_mem>>) src(%dma_wait3A_457 : memref<4x128xi32, #tpu.memory_space<hbm>>) dst(%dma_wait3A_454 : memref<4x128xi32, #tpu.memory_space<vmem>>)
        %dma_wait3A_458 = arith.constant 0 : i32
        %dma_wait3A_459 = arith.constant 0 : i32
        %dma_wait3A_460 = tpu.memref_slice %arg15[%rem3A_222, %dma_wait3A_458, %dma_wait3A_459] : memref<2x4x128xf32, #tpu.memory_space<vmem>> -> memref<1x4x128xf32, #tpu.memory_space<vmem>>
        %dma_wait3A_461 = tpu.memref_squeeze %dma_wait3A_460 : memref<1x4x128xf32, #tpu.memory_space<vmem>> -> memref<4x128xf32, #tpu.memory_space<vmem>>
        %dma_wait3A_462 = arith.constant 0 : i32
        %dma_wait3A_463 = arith.constant 0 : i32
        %dma_wait3A_464 = tpu.memref_slice %arg6[%dma_wait3A_462, %dma_wait3A_463] : memref<12544x128xf32, #tpu.memory_space<hbm>> -> memref<4x128xf32, #tpu.memory_space<hbm>>
        %dma_wait3A_465 = arith.constant 0 : i32
        %dma_wait3A_466 = arith.constant 0 : i32
        %dma_wait3A_467 = tpu.memref_slice %arg15[%rem3A_222, %dma_wait3A_465, %dma_wait3A_466] : memref<2x4x128xf32, #tpu.memory_space<vmem>> -> memref<1x4x128xf32, #tpu.memory_space<vmem>>
        %dma_wait3A_468 = tpu.memref_squeeze %dma_wait3A_467 : memref<1x4x128xf32, #tpu.memory_space<vmem>> -> memref<4x128xf32, #tpu.memory_space<vmem>>
        %dma_wait3A_469 = arith.constant 0 : i32
        %dma_wait3A_470 = arith.constant 0 : i32
        %dma_wait3A_471 = tpu.memref_slice %arg6[%dma_wait3A_469, %dma_wait3A_470] : memref<12544x128xf32, #tpu.memory_space<hbm>> -> memref<4x128xf32, #tpu.memory_space<hbm>>
        tpu.wait_dma2 semaphore(%arg19 : memref<!tpu.dma_semaphore, #tpu.memory_space<semaphore_mem>>) src(%dma_wait3A_471 : memref<4x128xf32, #tpu.memory_space<hbm>>) dst(%dma_wait3A_468 : memref<4x128xf32, #tpu.memory_space<vmem>>)
        %dma_wait3A_472 = arith.constant 0 : i32
        %dma_wait3A_473 = arith.constant 0 : i32
        %dma_wait3A_474 = tpu.memref_slice %arg17[%rem3A_222, %dma_wait3A_472, %dma_wait3A_473] : memref<2x4x128xf32, #tpu.memory_space<vmem>> -> memref<1x4x128xf32, #tpu.memory_space<vmem>>
        %dma_wait3A_475 = tpu.memref_squeeze %dma_wait3A_474 : memref<1x4x128xf32, #tpu.memory_space<vmem>> -> memref<4x128xf32, #tpu.memory_space<vmem>>
        %dma_wait3A_476 = arith.constant 0 : i32
        %dma_wait3A_477 = arith.constant 0 : i32
        %dma_wait3A_478 = tpu.memref_slice %arg5[%dma_wait3A_476, %dma_wait3A_477] : memref<12544x128xf32, #tpu.memory_space<hbm>> -> memref<4x128xf32, #tpu.memory_space<hbm>>
        %dma_wait3A_479 = arith.constant 0 : i32
        %dma_wait3A_480 = arith.constant 0 : i32
        %dma_wait3A_481 = tpu.memref_slice %arg17[%rem3A_222, %dma_wait3A_479, %dma_wait3A_480] : memref<2x4x128xf32, #tpu.memory_space<vmem>> -> memref<1x4x128xf32, #tpu.memory_space<vmem>>
        %dma_wait3A_482 = tpu.memref_squeeze %dma_wait3A_481 : memref<1x4x128xf32, #tpu.memory_space<vmem>> -> memref<4x128xf32, #tpu.memory_space<vmem>>
        %dma_wait3A_483 = arith.constant 0 : i32
        %dma_wait3A_484 = arith.constant 0 : i32
        %dma_wait3A_485 = tpu.memref_slice %arg5[%dma_wait3A_483, %dma_wait3A_484] : memref<12544x128xf32, #tpu.memory_space<hbm>> -> memref<4x128xf32, #tpu.memory_space<hbm>>
        tpu.wait_dma2 semaphore(%arg19 : memref<!tpu.dma_semaphore, #tpu.memory_space<semaphore_mem>>) src(%dma_wait3A_485 : memref<4x128xf32, #tpu.memory_space<hbm>>) dst(%dma_wait3A_482 : memref<4x128xf32, #tpu.memory_space<vmem>>)
        %dma_start3A_486 = arith.constant 0 : i32
        %dma_start3A_487 = arith.constant 0 : i32
        %dma_start3A_488 = arith.constant 0 : i32
        %dma_start3A_489 = tpu.memref_slice %arg16[%dma_start3A_487, %dma_start3A_488] : memref<512x32xf32, #tpu.memory_space<vmem>> -> memref<128x32xf32, #tpu.memory_space<vmem>>
        %dma_start3A_490 = arith.constant 0 : i32
        %dma_start3A_491 = tpu.memref_slice %arg14[%rem3A_222, %dma_start3A_486, %dma_start3A_490] : memref<2x4x128xi32, #tpu.memory_space<vmem>> -> memref<1x1x128xi32, #tpu.memory_space<vmem>>
        %dma_start3A_492 = tpu.memref_squeeze %dma_start3A_491 : memref<1x1x128xi32, #tpu.memory_space<vmem>> -> memref<128xi32, #tpu.memory_space<vmem>>
        %dma_start3A_493 = arith.constant 0 : i32
        %dma_start3A_494 = arith.constant 0 : i32
        %dma_start3A_495 = tpu.memref_slice %arg2[%dma_start3A_493, %dma_start3A_494] : memref<51200x32xf32, #tpu.memory_space<hbm>> -> memref<51200x32xf32, #tpu.memory_space<hbm>>
        tpu.enqueue_indirect_dma source(%dma_start3A_495 : memref<51200x32xf32, #tpu.memory_space<hbm>>) target(%dma_start3A_489 : memref<128x32xf32, #tpu.memory_space<vmem>>) offsets(%dma_start3A_492 : memref<128xi32, #tpu.memory_space<vmem>>) semaphore(%arg18 : memref<!tpu.dma_semaphore, #tpu.memory_space<semaphore_mem>>)
        %dma_start3A_496 = arith.constant 1 : i32
        %dma_start3A_497 = arith.constant 128 : i32
        %dma_start3A_498 = arith.constant 0 : i32
        %dma_start3A_499 = tpu.memref_slice %arg16[%dma_start3A_497, %dma_start3A_498] : memref<512x32xf32, #tpu.memory_space<vmem>> -> memref<128x32xf32, #tpu.memory_space<vmem>>
        %dma_start3A_500 = arith.constant 0 : i32
        %dma_start3A_501 = tpu.memref_slice %arg14[%rem3A_222, %dma_start3A_496, %dma_start3A_500] : memref<2x4x128xi32, #tpu.memory_space<vmem>> -> memref<1x1x128xi32, #tpu.memory_space<vmem>>
        %dma_start3A_502 = tpu.memref_squeeze %dma_start3A_501 : memref<1x1x128xi32, #tpu.memory_space<vmem>> -> memref<128xi32, #tpu.memory_space<vmem>>
        %dma_start3A_503 = arith.constant 0 : i32
        %dma_start3A_504 = arith.constant 0 : i32
        %dma_start3A_505 = tpu.memref_slice %arg2[%dma_start3A_503, %dma_start3A_504] : memref<51200x32xf32, #tpu.memory_space<hbm>> -> memref<51200x32xf32, #tpu.memory_space<hbm>>
        tpu.enqueue_indirect_dma source(%dma_start3A_505 : memref<51200x32xf32, #tpu.memory_space<hbm>>) target(%dma_start3A_499 : memref<128x32xf32, #tpu.memory_space<vmem>>) offsets(%dma_start3A_502 : memref<128xi32, #tpu.memory_space<vmem>>) semaphore(%arg18 : memref<!tpu.dma_semaphore, #tpu.memory_space<semaphore_mem>>)
      } else {
      }
      %parallel_loop3A_386 = arith.constant 16 : i32
      %parallel_loop3A_387 = arith.constant 32 : i32
      %parallel_loop3A_388 = arith.constant 1 : i32
      scf.for %parallel_loop3A_430 = %parallel_loop3A_386 to %parallel_loop3A_387 step %parallel_loop3A_388  : i32 {
        %parallel_loop3A_431 = arith.constant 3 : i32
        %parallel_loop3A_432 = arith.shrsi %parallel_loop3A_430, %parallel_loop3A_431 : i32
        %parallel_loop3A_433 = arith.constant 7 : i32
        %parallel_loop3A_434 = arith.andi %parallel_loop3A_430, %parallel_loop3A_433 : i32
        %parallel_loop3A_435 = arith.constant 16 : i32
        %parallel_loop3A_436 = arith.muli %parallel_loop3A_434, %parallel_loop3A_435 : i32
        %parallel_loop3A_437 = arith.index_cast %rem3A_218 : i32 to index
        %parallel_loop3A_438 = arith.index_cast %parallel_loop3A_432 : i32 to index
        %parallel_loop3A_439 = arith.index_cast %parallel_loop3A_436 : i32 to index
        %parallel_loop3A_440 = tpu.vector_load %arg17[%parallel_loop3A_437, %parallel_loop3A_438, %parallel_loop3A_439] {strides = array<i32>} : memref<2x4x128xf32, #tpu.memory_space<vmem>>, vector<16xf32>,
        %parallel_loop3A_441 = arith.constant 16 : i32
        %parallel_loop3A_442 = arith.muli %parallel_loop3A_430, %parallel_loop3A_441 : i32
        %parallel_loop3A_443 = vector.extract_strided_slice %parallel_loop3A_440 {offsets = [0], sizes = [1], strides = [1]} : vector<16xf32> to vector<1xf32>
        %parallel_loop3A_444 = vector.extract %parallel_loop3A_443[0] : f32 from vector<1xf32>
        %parallel_loop3A_445 = arith.constant 0 : i32
        %parallel_loop3A_446 = arith.addi %parallel_loop3A_442, %parallel_loop3A_445 : i32
        %parallel_loop3A_447 = arith.index_cast %parallel_loop3A_446 : i32 to index
        %parallel_loop3A_448 = arith.constant 0 : index
        %parallel_loop3A_449 = tpu.vector_load %arg16[%parallel_loop3A_447, %parallel_loop3A_448] {strides = array<i32>} : memref<512x32xf32, #tpu.memory_space<vmem>>, vector<16xf32>,
        %parallel_loop3A_450 = vector.broadcast %parallel_loop3A_444 : f32 to vector<16xf32>
        %parallel_loop3A_451 = arith.mulf %parallel_loop3A_449, %parallel_loop3A_450 : vector<16xf32>
        %parallel_loop3A_452 = arith.index_cast %parallel_loop3A_446 : i32 to index
        %parallel_loop3A_453 = arith.constant 0 : index
        %parallel_loop3A_454 = tpu.vector_load %arg16[%parallel_loop3A_452, %parallel_loop3A_453] {strides = array<i32>} : memref<512x32xf32, #tpu.memory_space<vmem>>, vector<16xf32>,
        tpu.vector_store %arg16[%parallel_loop3A_452, %parallel_loop3A_453], %parallel_loop3A_451 {strides = array<i32>} : memref<512x32xf32, #tpu.memory_space<vmem>>, vector<16xf32>,
        %parallel_loop3A_455 = arith.index_cast %parallel_loop3A_446 : i32 to index
        %parallel_loop3A_456 = arith.constant 16 : index
        %parallel_loop3A_457 = tpu.vector_load %arg16[%parallel_loop3A_455, %parallel_loop3A_456] {strides = array<i32>} : memref<512x32xf32, #tpu.memory_space<vmem>>, vector<16xf32>,
        %parallel_loop3A_458 = vector.broadcast %parallel_loop3A_444 : f32 to vector<16xf32>
        %parallel_loop3A_459 = arith.mulf %parallel_loop3A_457, %parallel_loop3A_458 : vector<16xf32>
        %parallel_loop3A_460 = arith.index_cast %parallel_loop3A_446 : i32 to index
        %parallel_loop3A_461 = arith.constant 16 : index
        %parallel_loop3A_462 = tpu.vector_load %arg16[%parallel_loop3A_460, %parallel_loop3A_461] {strides = array<i32>} : memref<512x32xf32, #tpu.memory_space<vmem>>, vector<16xf32>,
        tpu.vector_store %arg16[%parallel_loop3A_460, %parallel_loop3A_461], %parallel_loop3A_459 {strides = array<i32>} : memref<512x32xf32, #tpu.memory_space<vmem>>, vector<16xf32>,
        %parallel_loop3A_463 = vector.extract_strided_slice %parallel_loop3A_440 {offsets = [1], sizes = [1], strides = [1]} : vector<16xf32> to vector<1xf32>
        %parallel_loop3A_464 = vector.extract %parallel_loop3A_463[0] : f32 from vector<1xf32>
        %parallel_loop3A_465 = arith.constant 1 : i32
        %parallel_loop3A_466 = arith.addi %parallel_loop3A_442, %parallel_loop3A_465 : i32
        %parallel_loop3A_467 = arith.index_cast %parallel_loop3A_466 : i32 to index
        %parallel_loop3A_468 = arith.constant 0 : index
        %parallel_loop3A_469 = tpu.vector_load %arg16[%parallel_loop3A_467, %parallel_loop3A_468] {strides = array<i32>} : memref<512x32xf32, #tpu.memory_space<vmem>>, vector<16xf32>,
        %parallel_loop3A_470 = vector.broadcast %parallel_loop3A_464 : f32 to vector<16xf32>
        %parallel_loop3A_471 = arith.mulf %parallel_loop3A_469, %parallel_loop3A_470 : vector<16xf32>
        %parallel_loop3A_472 = arith.index_cast %parallel_loop3A_466 : i32 to index
        %parallel_loop3A_473 = arith.constant 0 : index
        %parallel_loop3A_474 = tpu.vector_load %arg16[%parallel_loop3A_472, %parallel_loop3A_473] {strides = array<i32>} : memref<512x32xf32, #tpu.memory_space<vmem>>, vector<16xf32>,
        tpu.vector_store %arg16[%parallel_loop3A_472, %parallel_loop3A_473], %parallel_loop3A_471 {strides = array<i32>} : memref<512x32xf32, #tpu.memory_space<vmem>>, vector<16xf32>,
        %parallel_loop3A_475 = arith.index_cast %parallel_loop3A_466 : i32 to index
        %parallel_loop3A_476 = arith.constant 16 : index
        %parallel_loop3A_477 = tpu.vector_load %arg16[%parallel_loop3A_475, %parallel_loop3A_476] {strides = array<i32>} : memref<512x32xf32, #tpu.memory_space<vmem>>, vector<16xf32>,
        %parallel_loop3A_478 = vector.broadcast %parallel_loop3A_464 : f32 to vector<16xf32>
        %parallel_loop3A_479 = arith.mulf %parallel_loop3A_477, %parallel_loop3A_478 : vector<16xf32>
        %parallel_loop3A_480 = arith.index_cast %parallel_loop3A_466 : i32 to index
        %parallel_loop3A_481 = arith.constant 16 : index
        %parallel_loop3A_482 = tpu.vector_load %arg16[%parallel_loop3A_480, %parallel_loop3A_481] {strides = array<i32>} : memref<512x32xf32, #tpu.memory_space<vmem>>, vector<16xf32>,
        tpu.vector_store %arg16[%parallel_loop3A_480, %parallel_loop3A_481], %parallel_loop3A_479 {strides = array<i32>} : memref<512x32xf32, #tpu.memory_space<vmem>>, vector<16xf32>,
        %parallel_loop3A_483 = vector.extract_strided_slice %parallel_loop3A_440 {offsets = [2], sizes = [1], strides = [1]} : vector<16xf32> to vector<1xf32>
        %parallel_loop3A_484 = vector.extract %parallel_loop3A_483[0] : f32 from vector<1xf32>
        %parallel_loop3A_485 = arith.constant 2 : i32
        %parallel_loop3A_486 = arith.addi %parallel_loop3A_442, %parallel_loop3A_485 : i32
        %parallel_loop3A_487 = arith.index_cast %parallel_loop3A_486 : i32 to index
        %parallel_loop3A_488 = arith.constant 0 : index
        %parallel_loop3A_489 = tpu.vector_load %arg16[%parallel_loop3A_487, %parallel_loop3A_488] {strides = array<i32>} : memref<512x32xf32, #tpu.memory_space<vmem>>, vector<16xf32>,
        %parallel_loop3A_490 = vector.broadcast %parallel_loop3A_484 : f32 to vector<16xf32>
        %parallel_loop3A_491 = arith.mulf %parallel_loop3A_489, %parallel_loop3A_490 : vector<16xf32>
        %parallel_loop3A_492 = arith.index_cast %parallel_loop3A_486 : i32 to index
        %parallel_loop3A_493 = arith.constant 0 : index
        %parallel_loop3A_494 = tpu.vector_load %arg16[%parallel_loop3A_492, %parallel_loop3A_493] {strides = array<i32>} : memref<512x32xf32, #tpu.memory_space<vmem>>, vector<16xf32>,
        tpu.vector_store %arg16[%parallel_loop3A_492, %parallel_loop3A_493], %parallel_loop3A_491 {strides = array<i32>} : memref<512x32xf32, #tpu.memory_space<vmem>>, vector<16xf32>,
        %parallel_loop3A_495 = arith.index_cast %parallel_loop3A_486 : i32 to index
        %parallel_loop3A_496 = arith.constant 16 : index
        %parallel_loop3A_497 = tpu.vector_load %arg16[%parallel_loop3A_495, %parallel_loop3A_496] {strides = array<i32>} : memref<512x32xf32, #tpu.memory_space<vmem>>, vector<16xf32>,
        %parallel_loop3A_498 = vector.broadcast %parallel_loop3A_484 : f32 to vector<16xf32>
        %parallel_loop3A_499 = arith.mulf %parallel_loop3A_497, %parallel_loop3A_498 : vector<16xf32>
        %parallel_loop3A_500 = arith.index_cast %parallel_loop3A_486 : i32 to index
        %parallel_loop3A_501 = arith.constant 16 : index
        %parallel_loop3A_502 = tpu.vector_load %arg16[%parallel_loop3A_500, %parallel_loop3A_501] {strides = array<i32>} : memref<512x32xf32, #tpu.memory_space<vmem>>, vector<16xf32>,
        tpu.vector_store %arg16[%parallel_loop3A_500, %parallel_loop3A_501], %parallel_loop3A_499 {strides = array<i32>} : memref<512x32xf32, #tpu.memory_space<vmem>>, vector<16xf32>,
        %parallel_loop3A_503 = vector.extract_strided_slice %parallel_loop3A_440 {offsets = [3], sizes = [1], strides = [1]} : vector<16xf32> to vector<1xf32>
        %parallel_loop3A_504 = vector.extract %parallel_loop3A_503[0] : f32 from vector<1xf32>
        %parallel_loop3A_505 = arith.constant 3 : i32
        %parallel_loop3A_506 = arith.addi %parallel_loop3A_442, %parallel_loop3A_505 : i32
        %parallel_loop3A_507 = arith.index_cast %parallel_loop3A_506 : i32 to index
        %parallel_loop3A_508 = arith.constant 0 : index
        %parallel_loop3A_509 = tpu.vector_load %arg16[%parallel_loop3A_507, %parallel_loop3A_508] {strides = array<i32>} : memref<512x32xf32, #tpu.memory_space<vmem>>, vector<16xf32>,
        %parallel_loop3A_510 = vector.broadcast %parallel_loop3A_504 : f32 to vector<16xf32>
        %parallel_loop3A_511 = arith.mulf %parallel_loop3A_509, %parallel_loop3A_510 : vector<16xf32>
        %parallel_loop3A_512 = arith.index_cast %parallel_loop3A_506 : i32 to index
        %parallel_loop3A_513 = arith.constant 0 : index
        %parallel_loop3A_514 = tpu.vector_load %arg16[%parallel_loop3A_512, %parallel_loop3A_513] {strides = array<i32>} : memref<512x32xf32, #tpu.memory_space<vmem>>, vector<16xf32>,
        tpu.vector_store %arg16[%parallel_loop3A_512, %parallel_loop3A_513], %parallel_loop3A_511 {strides = array<i32>} : memref<512x32xf32, #tpu.memory_space<vmem>>, vector<16xf32>,
        %parallel_loop3A_515 = arith.index_cast %parallel_loop3A_506 : i32 to index
        %parallel_loop3A_516 = arith.constant 16 : index
        %parallel_loop3A_517 = tpu.vector_load %arg16[%parallel_loop3A_515, %parallel_loop3A_516] {strides = array<i32>} : memref<512x32xf32, #tpu.memory_space<vmem>>, vector<16xf32>,
        %parallel_loop3A_518 = vector.broadcast %parallel_loop3A_504 : f32 to vector<16xf32>
        %parallel_loop3A_519 = arith.mulf %parallel_loop3A_517, %parallel_loop3A_518 : vector<16xf32>
        %parallel_loop3A_520 = arith.index_cast %parallel_loop3A_506 : i32 to index
        %parallel_loop3A_521 = arith.constant 16 : index
        %parallel_loop3A_522 = tpu.vector_load %arg16[%parallel_loop3A_520, %parallel_loop3A_521] {strides = array<i32>} : memref<512x32xf32, #tpu.memory_space<vmem>>, vector<16xf32>,
        tpu.vector_store %arg16[%parallel_loop3A_520, %parallel_loop3A_521], %parallel_loop3A_519 {strides = array<i32>} : memref<512x32xf32, #tpu.memory_space<vmem>>, vector<16xf32>,
        %parallel_loop3A_523 = vector.extract_strided_slice %parallel_loop3A_440 {offsets = [4], sizes = [1], strides = [1]} : vector<16xf32> to vector<1xf32>
        %parallel_loop3A_524 = vector.extract %parallel_loop3A_523[0] : f32 from vector<1xf32>
        %parallel_loop3A_525 = arith.constant 4 : i32
        %parallel_loop3A_526 = arith.addi %parallel_loop3A_442, %parallel_loop3A_525 : i32
        %parallel_loop3A_527 = arith.index_cast %parallel_loop3A_526 : i32 to index
        %parallel_loop3A_528 = arith.constant 0 : index
        %parallel_loop3A_529 = tpu.vector_load %arg16[%parallel_loop3A_527, %parallel_loop3A_528] {strides = array<i32>} : memref<512x32xf32, #tpu.memory_space<vmem>>, vector<16xf32>,
        %parallel_loop3A_530 = vector.broadcast %parallel_loop3A_524 : f32 to vector<16xf32>
        %parallel_loop3A_531 = arith.mulf %parallel_loop3A_529, %parallel_loop3A_530 : vector<16xf32>
        %parallel_loop3A_532 = arith.index_cast %parallel_loop3A_526 : i32 to index
        %parallel_loop3A_533 = arith.constant 0 : index
        %parallel_loop3A_534 = tpu.vector_load %arg16[%parallel_loop3A_532, %parallel_loop3A_533] {strides = array<i32>} : memref<512x32xf32, #tpu.memory_space<vmem>>, vector<16xf32>,
        tpu.vector_store %arg16[%parallel_loop3A_532, %parallel_loop3A_533], %parallel_loop3A_531 {strides = array<i32>} : memref<512x32xf32, #tpu.memory_space<vmem>>, vector<16xf32>,
        %parallel_loop3A_535 = arith.index_cast %parallel_loop3A_526 : i32 to index
        %parallel_loop3A_536 = arith.constant 16 : index
        %parallel_loop3A_537 = tpu.vector_load %arg16[%parallel_loop3A_535, %parallel_loop3A_536] {strides = array<i32>} : memref<512x32xf32, #tpu.memory_space<vmem>>, vector<16xf32>,
        %parallel_loop3A_538 = vector.broadcast %parallel_loop3A_524 : f32 to vector<16xf32>
        %parallel_loop3A_539 = arith.mulf %parallel_loop3A_537, %parallel_loop3A_538 : vector<16xf32>
        %parallel_loop3A_540 = arith.index_cast %parallel_loop3A_526 : i32 to index
        %parallel_loop3A_541 = arith.constant 16 : index
        %parallel_loop3A_542 = tpu.vector_load %arg16[%parallel_loop3A_540, %parallel_loop3A_541] {strides = array<i32>} : memref<512x32xf32, #tpu.memory_space<vmem>>, vector<16xf32>,
        tpu.vector_store %arg16[%parallel_loop3A_540, %parallel_loop3A_541], %parallel_loop3A_539 {strides = array<i32>} : memref<512x32xf32, #tpu.memory_space<vmem>>, vector<16xf32>,
        %parallel_loop3A_543 = vector.extract_strided_slice %parallel_loop3A_440 {offsets = [5], sizes = [1], strides = [1]} : vector<16xf32> to vector<1xf32>
        %parallel_loop3A_544 = vector.extract %parallel_loop3A_543[0] : f32 from vector<1xf32>
        %parallel_loop3A_545 = arith.constant 5 : i32
        %parallel_loop3A_546 = arith.addi %parallel_loop3A_442, %parallel_loop3A_545 : i32
        %parallel_loop3A_547 = arith.index_cast %parallel_loop3A_546 : i32 to index
        %parallel_loop3A_548 = arith.constant 0 : index
        %parallel_loop3A_549 = tpu.vector_load %arg16[%parallel_loop3A_547, %parallel_loop3A_548] {strides = array<i32>} : memref<512x32xf32, #tpu.memory_space<vmem>>, vector<16xf32>,
        %parallel_loop3A_550 = vector.broadcast %parallel_loop3A_544 : f32 to vector<16xf32>
        %parallel_loop3A_551 = arith.mulf %parallel_loop3A_549, %parallel_loop3A_550 : vector<16xf32>
        %parallel_loop3A_552 = arith.index_cast %parallel_loop3A_546 : i32 to index
        %parallel_loop3A_553 = arith.constant 0 : index
        %parallel_loop3A_554 = tpu.vector_load %arg16[%parallel_loop3A_552, %parallel_loop3A_553] {strides = array<i32>} : memref<512x32xf32, #tpu.memory_space<vmem>>, vector<16xf32>,
        tpu.vector_store %arg16[%parallel_loop3A_552, %parallel_loop3A_553], %parallel_loop3A_551 {strides = array<i32>} : memref<512x32xf32, #tpu.memory_space<vmem>>, vector<16xf32>,
        %parallel_loop3A_555 = arith.index_cast %parallel_loop3A_546 : i32 to index
        %parallel_loop3A_556 = arith.constant 16 : index
        %parallel_loop3A_557 = tpu.vector_load %arg16[%parallel_loop3A_555, %parallel_loop3A_556] {strides = array<i32>} : memref<512x32xf32, #tpu.memory_space<vmem>>, vector<16xf32>,
        %parallel_loop3A_558 = vector.broadcast %parallel_loop3A_544 : f32 to vector<16xf32>
        %parallel_loop3A_559 = arith.mulf %parallel_loop3A_557, %parallel_loop3A_558 : vector<16xf32>
        %parallel_loop3A_560 = arith.index_cast %parallel_loop3A_546 : i32 to index
        %parallel_loop3A_561 = arith.constant 16 : index
        %parallel_loop3A_562 = tpu.vector_load %arg16[%parallel_loop3A_560, %parallel_loop3A_561] {strides = array<i32>} : memref<512x32xf32, #tpu.memory_space<vmem>>, vector<16xf32>,
        tpu.vector_store %arg16[%parallel_loop3A_560, %parallel_loop3A_561], %parallel_loop3A_559 {strides = array<i32>} : memref<512x32xf32, #tpu.memory_space<vmem>>, vector<16xf32>,
        %parallel_loop3A_563 = vector.extract_strided_slice %parallel_loop3A_440 {offsets = [6], sizes = [1], strides = [1]} : vector<16xf32> to vector<1xf32>
        %parallel_loop3A_564 = vector.extract %parallel_loop3A_563[0] : f32 from vector<1xf32>
        %parallel_loop3A_565 = arith.constant 6 : i32
        %parallel_loop3A_566 = arith.addi %parallel_loop3A_442, %parallel_loop3A_565 : i32
        %parallel_loop3A_567 = arith.index_cast %parallel_loop3A_566 : i32 to index
        %parallel_loop3A_568 = arith.constant 0 : index
        %parallel_loop3A_569 = tpu.vector_load %arg16[%parallel_loop3A_567, %parallel_loop3A_568] {strides = array<i32>} : memref<512x32xf32, #tpu.memory_space<vmem>>, vector<16xf32>,
        %parallel_loop3A_570 = vector.broadcast %parallel_loop3A_564 : f32 to vector<16xf32>
        %parallel_loop3A_571 = arith.mulf %parallel_loop3A_569, %parallel_loop3A_570 : vector<16xf32>
        %parallel_loop3A_572 = arith.index_cast %parallel_loop3A_566 : i32 to index
        %parallel_loop3A_573 = arith.constant 0 : index
        %parallel_loop3A_574 = tpu.vector_load %arg16[%parallel_loop3A_572, %parallel_loop3A_573] {strides = array<i32>} : memref<512x32xf32, #tpu.memory_space<vmem>>, vector<16xf32>,
        tpu.vector_store %arg16[%parallel_loop3A_572, %parallel_loop3A_573], %parallel_loop3A_571 {strides = array<i32>} : memref<512x32xf32, #tpu.memory_space<vmem>>, vector<16xf32>,
        %parallel_loop3A_575 = arith.index_cast %parallel_loop3A_566 : i32 to index
        %parallel_loop3A_576 = arith.constant 16 : index
        %parallel_loop3A_577 = tpu.vector_load %arg16[%parallel_loop3A_575, %parallel_loop3A_576] {strides = array<i32>} : memref<512x32xf32, #tpu.memory_space<vmem>>, vector<16xf32>,
        %parallel_loop3A_578 = vector.broadcast %parallel_loop3A_564 : f32 to vector<16xf32>
        %parallel_loop3A_579 = arith.mulf %parallel_loop3A_577, %parallel_loop3A_578 : vector<16xf32>
        %parallel_loop3A_580 = arith.index_cast %parallel_loop3A_566 : i32 to index
        %parallel_loop3A_581 = arith.constant 16 : index
        %parallel_loop3A_582 = tpu.vector_load %arg16[%parallel_loop3A_580, %parallel_loop3A_581] {strides = array<i32>} : memref<512x32xf32, #tpu.memory_space<vmem>>, vector<16xf32>,
        tpu.vector_store %arg16[%parallel_loop3A_580, %parallel_loop3A_581], %parallel_loop3A_579 {strides = array<i32>} : memref<512x32xf32, #tpu.memory_space<vmem>>, vector<16xf32>,
        %parallel_loop3A_583 = vector.extract_strided_slice %parallel_loop3A_440 {offsets = [7], sizes = [1], strides = [1]} : vector<16xf32> to vector<1xf32>
        %parallel_loop3A_584 = vector.extract %parallel_loop3A_583[0] : f32 from vector<1xf32>
        %parallel_loop3A_585 = arith.constant 7 : i32
        %parallel_loop3A_586 = arith.addi %parallel_loop3A_442, %parallel_loop3A_585 : i32
        %parallel_loop3A_587 = arith.index_cast %parallel_loop3A_586 : i32 to index
        %parallel_loop3A_588 = arith.constant 0 : index
        %parallel_loop3A_589 = tpu.vector_load %arg16[%parallel_loop3A_587, %parallel_loop3A_588] {strides = array<i32>} : memref<512x32xf32, #tpu.memory_space<vmem>>, vector<16xf32>,
        %parallel_loop3A_590 = vector.broadcast %parallel_loop3A_584 : f32 to vector<16xf32>
        %parallel_loop3A_591 = arith.mulf %parallel_loop3A_589, %parallel_loop3A_590 : vector<16xf32>
        %parallel_loop3A_592 = arith.index_cast %parallel_loop3A_586 : i32 to index
        %parallel_loop3A_593 = arith.constant 0 : index
        %parallel_loop3A_594 = tpu.vector_load %arg16[%parallel_loop3A_592, %parallel_loop3A_593] {strides = array<i32>} : memref<512x32xf32, #tpu.memory_space<vmem>>, vector<16xf32>,
        tpu.vector_store %arg16[%parallel_loop3A_592, %parallel_loop3A_593], %parallel_loop3A_591 {strides = array<i32>} : memref<512x32xf32, #tpu.memory_space<vmem>>, vector<16xf32>,
        %parallel_loop3A_595 = arith.index_cast %parallel_loop3A_586 : i32 to index
        %parallel_loop3A_596 = arith.constant 16 : index
        %parallel_loop3A_597 = tpu.vector_load %arg16[%parallel_loop3A_595, %parallel_loop3A_596] {strides = array<i32>} : memref<512x32xf32, #tpu.memory_space<vmem>>, vector<16xf32>,
        %parallel_loop3A_598 = vector.broadcast %parallel_loop3A_584 : f32 to vector<16xf32>
        %parallel_loop3A_599 = arith.mulf %parallel_loop3A_597, %parallel_loop3A_598 : vector<16xf32>
        %parallel_loop3A_600 = arith.index_cast %parallel_loop3A_586 : i32 to index
        %parallel_loop3A_601 = arith.constant 16 : index
        %parallel_loop3A_602 = tpu.vector_load %arg16[%parallel_loop3A_600, %parallel_loop3A_601] {strides = array<i32>} : memref<512x32xf32, #tpu.memory_space<vmem>>, vector<16xf32>,
        tpu.vector_store %arg16[%parallel_loop3A_600, %parallel_loop3A_601], %parallel_loop3A_599 {strides = array<i32>} : memref<512x32xf32, #tpu.memory_space<vmem>>, vector<16xf32>,
        %parallel_loop3A_603 = vector.extract_strided_slice %parallel_loop3A_440 {offsets = [8], sizes = [1], strides = [1]} : vector<16xf32> to vector<1xf32>
        %parallel_loop3A_604 = vector.extract %parallel_loop3A_603[0] : f32 from vector<1xf32>
        %parallel_loop3A_605 = arith.constant 8 : i32
        %parallel_loop3A_606 = arith.addi %parallel_loop3A_442, %parallel_loop3A_605 : i32
        %parallel_loop3A_607 = arith.index_cast %parallel_loop3A_606 : i32 to index
        %parallel_loop3A_608 = arith.constant 0 : index
        %parallel_loop3A_609 = tpu.vector_load %arg16[%parallel_loop3A_607, %parallel_loop3A_608] {strides = array<i32>} : memref<512x32xf32, #tpu.memory_space<vmem>>, vector<16xf32>,
        %parallel_loop3A_610 = vector.broadcast %parallel_loop3A_604 : f32 to vector<16xf32>
        %parallel_loop3A_611 = arith.mulf %parallel_loop3A_609, %parallel_loop3A_610 : vector<16xf32>
        %parallel_loop3A_612 = arith.index_cast %parallel_loop3A_606 : i32 to index
        %parallel_loop3A_613 = arith.constant 0 : index
        %parallel_loop3A_614 = tpu.vector_load %arg16[%parallel_loop3A_612, %parallel_loop3A_613] {strides = array<i32>} : memref<512x32xf32, #tpu.memory_space<vmem>>, vector<16xf32>,
        tpu.vector_store %arg16[%parallel_loop3A_612, %parallel_loop3A_613], %parallel_loop3A_611 {strides = array<i32>} : memref<512x32xf32, #tpu.memory_space<vmem>>, vector<16xf32>,
        %parallel_loop3A_615 = arith.index_cast %parallel_loop3A_606 : i32 to index
        %parallel_loop3A_616 = arith.constant 16 : index
        %parallel_loop3A_617 = tpu.vector_load %arg16[%parallel_loop3A_615, %parallel_loop3A_616] {strides = array<i32>} : memref<512x32xf32, #tpu.memory_space<vmem>>, vector<16xf32>,
        %parallel_loop3A_618 = vector.broadcast %parallel_loop3A_604 : f32 to vector<16xf32>
        %parallel_loop3A_619 = arith.mulf %parallel_loop3A_617, %parallel_loop3A_618 : vector<16xf32>
        %parallel_loop3A_620 = arith.index_cast %parallel_loop3A_606 : i32 to index
        %parallel_loop3A_621 = arith.constant 16 : index
        %parallel_loop3A_622 = tpu.vector_load %arg16[%parallel_loop3A_620, %parallel_loop3A_621] {strides = array<i32>} : memref<512x32xf32, #tpu.memory_space<vmem>>, vector<16xf32>,
        tpu.vector_store %arg16[%parallel_loop3A_620, %parallel_loop3A_621], %parallel_loop3A_619 {strides = array<i32>} : memref<512x32xf32, #tpu.memory_space<vmem>>, vector<16xf32>,
        %parallel_loop3A_623 = vector.extract_strided_slice %parallel_loop3A_440 {offsets = [9], sizes = [1], strides = [1]} : vector<16xf32> to vector<1xf32>
        %parallel_loop3A_624 = vector.extract %parallel_loop3A_623[0] : f32 from vector<1xf32>
        %parallel_loop3A_625 = arith.constant 9 : i32
        %parallel_loop3A_626 = arith.addi %parallel_loop3A_442, %parallel_loop3A_625 : i32
        %parallel_loop3A_627 = arith.index_cast %parallel_loop3A_626 : i32 to index
        %parallel_loop3A_628 = arith.constant 0 : index
        %parallel_loop3A_629 = tpu.vector_load %arg16[%parallel_loop3A_627, %parallel_loop3A_628] {strides = array<i32>} : memref<512x32xf32, #tpu.memory_space<vmem>>, vector<16xf32>,
        %parallel_loop3A_630 = vector.broadcast %parallel_loop3A_624 : f32 to vector<16xf32>
        %parallel_loop3A_631 = arith.mulf %parallel_loop3A_629, %parallel_loop3A_630 : vector<16xf32>
        %parallel_loop3A_632 = arith.index_cast %parallel_loop3A_626 : i32 to index
        %parallel_loop3A_633 = arith.constant 0 : index
        %parallel_loop3A_634 = tpu.vector_load %arg16[%parallel_loop3A_632, %parallel_loop3A_633] {strides = array<i32>} : memref<512x32xf32, #tpu.memory_space<vmem>>, vector<16xf32>,
        tpu.vector_store %arg16[%parallel_loop3A_632, %parallel_loop3A_633], %parallel_loop3A_631 {strides = array<i32>} : memref<512x32xf32, #tpu.memory_space<vmem>>, vector<16xf32>,
        %parallel_loop3A_635 = arith.index_cast %parallel_loop3A_626 : i32 to index
        %parallel_loop3A_636 = arith.constant 16 : index
        %parallel_loop3A_637 = tpu.vector_load %arg16[%parallel_loop3A_635, %parallel_loop3A_636] {strides = array<i32>} : memref<512x32xf32, #tpu.memory_space<vmem>>, vector<16xf32>,
        %parallel_loop3A_638 = vector.broadcast %parallel_loop3A_624 : f32 to vector<16xf32>
        %parallel_loop3A_639 = arith.mulf %parallel_loop3A_637, %parallel_loop3A_638 : vector<16xf32>
        %parallel_loop3A_640 = arith.index_cast %parallel_loop3A_626 : i32 to index
        %parallel_loop3A_641 = arith.constant 16 : index
        %parallel_loop3A_642 = tpu.vector_load %arg16[%parallel_loop3A_640, %parallel_loop3A_641] {strides = array<i32>} : memref<512x32xf32, #tpu.memory_space<vmem>>, vector<16xf32>,
        tpu.vector_store %arg16[%parallel_loop3A_640, %parallel_loop3A_641], %parallel_loop3A_639 {strides = array<i32>} : memref<512x32xf32, #tpu.memory_space<vmem>>, vector<16xf32>,
        %parallel_loop3A_643 = vector.extract_strided_slice %parallel_loop3A_440 {offsets = [10], sizes = [1], strides = [1]} : vector<16xf32> to vector<1xf32>
        %parallel_loop3A_644 = vector.extract %parallel_loop3A_643[0] : f32 from vector<1xf32>
        %parallel_loop3A_645 = arith.constant 10 : i32
        %parallel_loop3A_646 = arith.addi %parallel_loop3A_442, %parallel_loop3A_645 : i32
        %parallel_loop3A_647 = arith.index_cast %parallel_loop3A_646 : i32 to index
        %parallel_loop3A_648 = arith.constant 0 : index
        %parallel_loop3A_649 = tpu.vector_load %arg16[%parallel_loop3A_647, %parallel_loop3A_648] {strides = array<i32>} : memref<512x32xf32, #tpu.memory_space<vmem>>, vector<16xf32>,
        %parallel_loop3A_650 = vector.broadcast %parallel_loop3A_644 : f32 to vector<16xf32>
        %parallel_loop3A_651 = arith.mulf %parallel_loop3A_649, %parallel_loop3A_650 : vector<16xf32>
        %parallel_loop3A_652 = arith.index_cast %parallel_loop3A_646 : i32 to index
        %parallel_loop3A_653 = arith.constant 0 : index
        %parallel_loop3A_654 = tpu.vector_load %arg16[%parallel_loop3A_652, %parallel_loop3A_653] {strides = array<i32>} : memref<512x32xf32, #tpu.memory_space<vmem>>, vector<16xf32>,
        tpu.vector_store %arg16[%parallel_loop3A_652, %parallel_loop3A_653], %parallel_loop3A_651 {strides = array<i32>} : memref<512x32xf32, #tpu.memory_space<vmem>>, vector<16xf32>,
        %parallel_loop3A_655 = arith.index_cast %parallel_loop3A_646 : i32 to index
        %parallel_loop3A_656 = arith.constant 16 : index
        %parallel_loop3A_657 = tpu.vector_load %arg16[%parallel_loop3A_655, %parallel_loop3A_656] {strides = array<i32>} : memref<512x32xf32, #tpu.memory_space<vmem>>, vector<16xf32>,
        %parallel_loop3A_658 = vector.broadcast %parallel_loop3A_644 : f32 to vector<16xf32>
        %parallel_loop3A_659 = arith.mulf %parallel_loop3A_657, %parallel_loop3A_658 : vector<16xf32>
        %parallel_loop3A_660 = arith.index_cast %parallel_loop3A_646 : i32 to index
        %parallel_loop3A_661 = arith.constant 16 : index
        %parallel_loop3A_662 = tpu.vector_load %arg16[%parallel_loop3A_660, %parallel_loop3A_661] {strides = array<i32>} : memref<512x32xf32, #tpu.memory_space<vmem>>, vector<16xf32>,
        tpu.vector_store %arg16[%parallel_loop3A_660, %parallel_loop3A_661], %parallel_loop3A_659 {strides = array<i32>} : memref<512x32xf32, #tpu.memory_space<vmem>>, vector<16xf32>,
        %parallel_loop3A_663 = vector.extract_strided_slice %parallel_loop3A_440 {offsets = [11], sizes = [1], strides = [1]} : vector<16xf32> to vector<1xf32>
        %parallel_loop3A_664 = vector.extract %parallel_loop3A_663[0] : f32 from vector<1xf32>
        %parallel_loop3A_665 = arith.constant 11 : i32
        %parallel_loop3A_666 = arith.addi %parallel_loop3A_442, %parallel_loop3A_665 : i32
        %parallel_loop3A_667 = arith.index_cast %parallel_loop3A_666 : i32 to index
        %parallel_loop3A_668 = arith.constant 0 : index
        %parallel_loop3A_669 = tpu.vector_load %arg16[%parallel_loop3A_667, %parallel_loop3A_668] {strides = array<i32>} : memref<512x32xf32, #tpu.memory_space<vmem>>, vector<16xf32>,
        %parallel_loop3A_670 = vector.broadcast %parallel_loop3A_664 : f32 to vector<16xf32>
        %parallel_loop3A_671 = arith.mulf %parallel_loop3A_669, %parallel_loop3A_670 : vector<16xf32>
        %parallel_loop3A_672 = arith.index_cast %parallel_loop3A_666 : i32 to index
        %parallel_loop3A_673 = arith.constant 0 : index
        %parallel_loop3A_674 = tpu.vector_load %arg16[%parallel_loop3A_672, %parallel_loop3A_673] {strides = array<i32>} : memref<512x32xf32, #tpu.memory_space<vmem>>, vector<16xf32>,
        tpu.vector_store %arg16[%parallel_loop3A_672, %parallel_loop3A_673], %parallel_loop3A_671 {strides = array<i32>} : memref<512x32xf32, #tpu.memory_space<vmem>>, vector<16xf32>,
        %parallel_loop3A_675 = arith.index_cast %parallel_loop3A_666 : i32 to index
        %parallel_loop3A_676 = arith.constant 16 : index
        %parallel_loop3A_677 = tpu.vector_load %arg16[%parallel_loop3A_675, %parallel_loop3A_676] {strides = array<i32>} : memref<512x32xf32, #tpu.memory_space<vmem>>, vector<16xf32>,
        %parallel_loop3A_678 = vector.broadcast %parallel_loop3A_664 : f32 to vector<16xf32>
        %parallel_loop3A_679 = arith.mulf %parallel_loop3A_677, %parallel_loop3A_678 : vector<16xf32>
        %parallel_loop3A_680 = arith.index_cast %parallel_loop3A_666 : i32 to index
        %parallel_loop3A_681 = arith.constant 16 : index
        %parallel_loop3A_682 = tpu.vector_load %arg16[%parallel_loop3A_680, %parallel_loop3A_681] {strides = array<i32>} : memref<512x32xf32, #tpu.memory_space<vmem>>, vector<16xf32>,
        tpu.vector_store %arg16[%parallel_loop3A_680, %parallel_loop3A_681], %parallel_loop3A_679 {strides = array<i32>} : memref<512x32xf32, #tpu.memory_space<vmem>>, vector<16xf32>,
        %parallel_loop3A_683 = vector.extract_strided_slice %parallel_loop3A_440 {offsets = [12], sizes = [1], strides = [1]} : vector<16xf32> to vector<1xf32>
        %parallel_loop3A_684 = vector.extract %parallel_loop3A_683[0] : f32 from vector<1xf32>
        %parallel_loop3A_685 = arith.constant 12 : i32
        %parallel_loop3A_686 = arith.addi %parallel_loop3A_442, %parallel_loop3A_685 : i32
        %parallel_loop3A_687 = arith.index_cast %parallel_loop3A_686 : i32 to index
        %parallel_loop3A_688 = arith.constant 0 : index
        %parallel_loop3A_689 = tpu.vector_load %arg16[%parallel_loop3A_687, %parallel_loop3A_688] {strides = array<i32>} : memref<512x32xf32, #tpu.memory_space<vmem>>, vector<16xf32>,
        %parallel_loop3A_690 = vector.broadcast %parallel_loop3A_684 : f32 to vector<16xf32>
        %parallel_loop3A_691 = arith.mulf %parallel_loop3A_689, %parallel_loop3A_690 : vector<16xf32>
        %parallel_loop3A_692 = arith.index_cast %parallel_loop3A_686 : i32 to index
        %parallel_loop3A_693 = arith.constant 0 : index
        %parallel_loop3A_694 = tpu.vector_load %arg16[%parallel_loop3A_692, %parallel_loop3A_693] {strides = array<i32>} : memref<512x32xf32, #tpu.memory_space<vmem>>, vector<16xf32>,
        tpu.vector_store %arg16[%parallel_loop3A_692, %parallel_loop3A_693], %parallel_loop3A_691 {strides = array<i32>} : memref<512x32xf32, #tpu.memory_space<vmem>>, vector<16xf32>,
        %parallel_loop3A_695 = arith.index_cast %parallel_loop3A_686 : i32 to index
        %parallel_loop3A_696 = arith.constant 16 : index
        %parallel_loop3A_697 = tpu.vector_load %arg16[%parallel_loop3A_695, %parallel_loop3A_696] {strides = array<i32>} : memref<512x32xf32, #tpu.memory_space<vmem>>, vector<16xf32>,
        %parallel_loop3A_698 = vector.broadcast %parallel_loop3A_684 : f32 to vector<16xf32>
        %parallel_loop3A_699 = arith.mulf %parallel_loop3A_697, %parallel_loop3A_698 : vector<16xf32>
        %parallel_loop3A_700 = arith.index_cast %parallel_loop3A_686 : i32 to index
        %parallel_loop3A_701 = arith.constant 16 : index
        %parallel_loop3A_702 = tpu.vector_load %arg16[%parallel_loop3A_700, %parallel_loop3A_701] {strides = array<i32>} : memref<512x32xf32, #tpu.memory_space<vmem>>, vector<16xf32>,
        tpu.vector_store %arg16[%parallel_loop3A_700, %parallel_loop3A_701], %parallel_loop3A_699 {strides = array<i32>} : memref<512x32xf32, #tpu.memory_space<vmem>>, vector<16xf32>,
        %parallel_loop3A_703 = vector.extract_strided_slice %parallel_loop3A_440 {offsets = [13], sizes = [1], strides = [1]} : vector<16xf32> to vector<1xf32>
        %parallel_loop3A_704 = vector.extract %parallel_loop3A_703[0] : f32 from vector<1xf32>
        %parallel_loop3A_705 = arith.constant 13 : i32
        %parallel_loop3A_706 = arith.addi %parallel_loop3A_442, %parallel_loop3A_705 : i32
        %parallel_loop3A_707 = arith.index_cast %parallel_loop3A_706 : i32 to index
        %parallel_loop3A_708 = arith.constant 0 : index
        %parallel_loop3A_709 = tpu.vector_load %arg16[%parallel_loop3A_707, %parallel_loop3A_708] {strides = array<i32>} : memref<512x32xf32, #tpu.memory_space<vmem>>, vector<16xf32>,
        %parallel_loop3A_710 = vector.broadcast %parallel_loop3A_704 : f32 to vector<16xf32>
        %parallel_loop3A_711 = arith.mulf %parallel_loop3A_709, %parallel_loop3A_710 : vector<16xf32>
        %parallel_loop3A_712 = arith.index_cast %parallel_loop3A_706 : i32 to index
        %parallel_loop3A_713 = arith.constant 0 : index
        %parallel_loop3A_714 = tpu.vector_load %arg16[%parallel_loop3A_712, %parallel_loop3A_713] {strides = array<i32>} : memref<512x32xf32, #tpu.memory_space<vmem>>, vector<16xf32>,
        tpu.vector_store %arg16[%parallel_loop3A_712, %parallel_loop3A_713], %parallel_loop3A_711 {strides = array<i32>} : memref<512x32xf32, #tpu.memory_space<vmem>>, vector<16xf32>,
        %parallel_loop3A_715 = arith.index_cast %parallel_loop3A_706 : i32 to index
        %parallel_loop3A_716 = arith.constant 16 : index
        %parallel_loop3A_717 = tpu.vector_load %arg16[%parallel_loop3A_715, %parallel_loop3A_716] {strides = array<i32>} : memref<512x32xf32, #tpu.memory_space<vmem>>, vector<16xf32>,
        %parallel_loop3A_718 = vector.broadcast %parallel_loop3A_704 : f32 to vector<16xf32>
        %parallel_loop3A_719 = arith.mulf %parallel_loop3A_717, %parallel_loop3A_718 : vector<16xf32>
        %parallel_loop3A_720 = arith.index_cast %parallel_loop3A_706 : i32 to index
        %parallel_loop3A_721 = arith.constant 16 : index
        %parallel_loop3A_722 = tpu.vector_load %arg16[%parallel_loop3A_720, %parallel_loop3A_721] {strides = array<i32>} : memref<512x32xf32, #tpu.memory_space<vmem>>, vector<16xf32>,
        tpu.vector_store %arg16[%parallel_loop3A_720, %parallel_loop3A_721], %parallel_loop3A_719 {strides = array<i32>} : memref<512x32xf32, #tpu.memory_space<vmem>>, vector<16xf32>,
        %parallel_loop3A_723 = vector.extract_strided_slice %parallel_loop3A_440 {offsets = [14], sizes = [1], strides = [1]} : vector<16xf32> to vector<1xf32>
        %parallel_loop3A_724 = vector.extract %parallel_loop3A_723[0] : f32 from vector<1xf32>
        %parallel_loop3A_725 = arith.constant 14 : i32
        %parallel_loop3A_726 = arith.addi %parallel_loop3A_442, %parallel_loop3A_725 : i32
        %parallel_loop3A_727 = arith.index_cast %parallel_loop3A_726 : i32 to index
        %parallel_loop3A_728 = arith.constant 0 : index
        %parallel_loop3A_729 = tpu.vector_load %arg16[%parallel_loop3A_727, %parallel_loop3A_728] {strides = array<i32>} : memref<512x32xf32, #tpu.memory_space<vmem>>, vector<16xf32>,
        %parallel_loop3A_730 = vector.broadcast %parallel_loop3A_724 : f32 to vector<16xf32>
        %parallel_loop3A_731 = arith.mulf %parallel_loop3A_729, %parallel_loop3A_730 : vector<16xf32>
        %parallel_loop3A_732 = arith.index_cast %parallel_loop3A_726 : i32 to index
        %parallel_loop3A_733 = arith.constant 0 : index
        %parallel_loop3A_734 = tpu.vector_load %arg16[%parallel_loop3A_732, %parallel_loop3A_733] {strides = array<i32>} : memref<512x32xf32, #tpu.memory_space<vmem>>, vector<16xf32>,
        tpu.vector_store %arg16[%parallel_loop3A_732, %parallel_loop3A_733], %parallel_loop3A_731 {strides = array<i32>} : memref<512x32xf32, #tpu.memory_space<vmem>>, vector<16xf32>,
        %parallel_loop3A_735 = arith.index_cast %parallel_loop3A_726 : i32 to index
        %parallel_loop3A_736 = arith.constant 16 : index
        %parallel_loop3A_737 = tpu.vector_load %arg16[%parallel_loop3A_735, %parallel_loop3A_736] {strides = array<i32>} : memref<512x32xf32, #tpu.memory_space<vmem>>, vector<16xf32>,
        %parallel_loop3A_738 = vector.broadcast %parallel_loop3A_724 : f32 to vector<16xf32>
        %parallel_loop3A_739 = arith.mulf %parallel_loop3A_737, %parallel_loop3A_738 : vector<16xf32>
        %parallel_loop3A_740 = arith.index_cast %parallel_loop3A_726 : i32 to index
        %parallel_loop3A_741 = arith.constant 16 : index
        %parallel_loop3A_742 = tpu.vector_load %arg16[%parallel_loop3A_740, %parallel_loop3A_741] {strides = array<i32>} : memref<512x32xf32, #tpu.memory_space<vmem>>, vector<16xf32>,
        tpu.vector_store %arg16[%parallel_loop3A_740, %parallel_loop3A_741], %parallel_loop3A_739 {strides = array<i32>} : memref<512x32xf32, #tpu.memory_space<vmem>>, vector<16xf32>,
        %parallel_loop3A_743 = vector.extract_strided_slice %parallel_loop3A_440 {offsets = [15], sizes = [1], strides = [1]} : vector<16xf32> to vector<1xf32>
        %parallel_loop3A_744 = vector.extract %parallel_loop3A_743[0] : f32 from vector<1xf32>
        %parallel_loop3A_745 = arith.constant 15 : i32
        %parallel_loop3A_746 = arith.addi %parallel_loop3A_442, %parallel_loop3A_745 : i32
        %parallel_loop3A_747 = arith.index_cast %parallel_loop3A_746 : i32 to index
        %parallel_loop3A_748 = arith.constant 0 : index
        %parallel_loop3A_749 = tpu.vector_load %arg16[%parallel_loop3A_747, %parallel_loop3A_748] {strides = array<i32>} : memref<512x32xf32, #tpu.memory_space<vmem>>, vector<16xf32>,
        %parallel_loop3A_750 = vector.broadcast %parallel_loop3A_744 : f32 to vector<16xf32>
        %parallel_loop3A_751 = arith.mulf %parallel_loop3A_749, %parallel_loop3A_750 : vector<16xf32>
        %parallel_loop3A_752 = arith.index_cast %parallel_loop3A_746 : i32 to index
        %parallel_loop3A_753 = arith.constant 0 : index
        %parallel_loop3A_754 = tpu.vector_load %arg16[%parallel_loop3A_752, %parallel_loop3A_753] {strides = array<i32>} : memref<512x32xf32, #tpu.memory_space<vmem>>, vector<16xf32>,
        tpu.vector_store %arg16[%parallel_loop3A_752, %parallel_loop3A_753], %parallel_loop3A_751 {strides = array<i32>} : memref<512x32xf32, #tpu.memory_space<vmem>>, vector<16xf32>,
        %parallel_loop3A_755 = arith.index_cast %parallel_loop3A_746 : i32 to index
        %parallel_loop3A_756 = arith.constant 16 : index
        %parallel_loop3A_757 = tpu.vector_load %arg16[%parallel_loop3A_755, %parallel_loop3A_756] {strides = array<i32>} : memref<512x32xf32, #tpu.memory_space<vmem>>, vector<16xf32>,
        %parallel_loop3A_758 = vector.broadcast %parallel_loop3A_744 : f32 to vector<16xf32>
        %parallel_loop3A_759 = arith.mulf %parallel_loop3A_757, %parallel_loop3A_758 : vector<16xf32>
        %parallel_loop3A_760 = arith.index_cast %parallel_loop3A_746 : i32 to index
        %parallel_loop3A_761 = arith.constant 16 : index
        %parallel_loop3A_762 = tpu.vector_load %arg16[%parallel_loop3A_760, %parallel_loop3A_761] {strides = array<i32>} : memref<512x32xf32, #tpu.memory_space<vmem>>, vector<16xf32>,
        tpu.vector_store %arg16[%parallel_loop3A_760, %parallel_loop3A_761], %parallel_loop3A_759 {strides = array<i32>} : memref<512x32xf32, #tpu.memory_space<vmem>>, vector<16xf32>,
      } {sc.loop_unroll_factor = 2 : i64, sc.parallel_access}
      %dma_start3A_389 = arith.constant 2 : i32
      %dma_start3A_390 = arith.constant 2 : i32
      %dma_start3A_391 = arith.constant 0 : i32
      %dma_start3A_392 = tpu.memref_slice %arg15[%rem3A_218, %dma_start3A_389, %dma_start3A_391] : memref<2x4x128xf32, #tpu.memory_space<vmem>> -> memref<1x1x128xf32, #tpu.memory_space<vmem>>
      %dma_start3A_393 = tpu.memref_squeeze %dma_start3A_392 : memref<1x1x128xf32, #tpu.memory_space<vmem>> -> memref<128xf32, #tpu.memory_space<vmem>>
      %dma_start3A_394 = arith.constant 0 : i32
      %dma_start3A_395 = tpu.memref_slice %arg13[%rem3A_218, %dma_start3A_390, %dma_start3A_394] : memref<2x4x128xi32, #tpu.memory_space<vmem>> -> memref<1x1x128xi32, #tpu.memory_space<vmem>>
      %dma_start3A_396 = tpu.memref_squeeze %dma_start3A_395 : memref<1x1x128xi32, #tpu.memory_space<vmem>> -> memref<128xi32, #tpu.memory_space<vmem>>
      %dma_start3A_397 = arith.constant 0 : i32
      %dma_start3A_398 = tpu.memref_slice %arg12[%dma_start3A_397] : memref<51200xf32, #tpu.memory_space<vmem_shared>> -> memref<51200xf32, #tpu.memory_space<vmem_shared>>
      tpu.enqueue_indirect_dma source(%dma_start3A_393 : memref<128xf32, #tpu.memory_space<vmem>>) target(%dma_start3A_398 : memref<51200xf32, #tpu.memory_space<vmem_shared>>) offsets(%dma_start3A_396 : memref<128xi32, #tpu.memory_space<vmem>>) semaphore(%arg20 : memref<!tpu.dma_semaphore, #tpu.memory_space<semaphore_mem>>) {add = true}
      %dma_start3A_399 = arith.constant 2 : i32
      %dma_start3A_400 = arith.constant 256 : i32
      %dma_start3A_401 = arith.constant 0 : i32
      %dma_start3A_402 = tpu.memref_slice %arg16[%dma_start3A_400, %dma_start3A_401] : memref<512x32xf32, #tpu.memory_space<vmem>> -> memref<128x32xf32, #tpu.memory_space<vmem>>
      %dma_start3A_403 = arith.constant 0 : i32
      %dma_start3A_404 = tpu.memref_slice %arg13[%rem3A_218, %dma_start3A_399, %dma_start3A_403] : memref<2x4x128xi32, #tpu.memory_space<vmem>> -> memref<1x1x128xi32, #tpu.memory_space<vmem>>
      %dma_start3A_405 = tpu.memref_squeeze %dma_start3A_404 : memref<1x1x128xi32, #tpu.memory_space<vmem>> -> memref<128xi32, #tpu.memory_space<vmem>>
      %dma_start3A_406 = arith.constant 0 : i32
      %dma_start3A_407 = arith.constant 0 : i32
      %dma_start3A_408 = tpu.memref_slice %arg11[%dma_start3A_406, %dma_start3A_407] : memref<51200x32xf32, #tpu.memory_space<vmem_shared>> -> memref<51200x32xf32, #tpu.memory_space<vmem_shared>>
      tpu.enqueue_indirect_dma source(%dma_start3A_402 : memref<128x32xf32, #tpu.memory_space<vmem>>) target(%dma_start3A_408 : memref<51200x32xf32, #tpu.memory_space<vmem_shared>>) offsets(%dma_start3A_405 : memref<128xi32, #tpu.memory_space<vmem>>) semaphore(%arg20 : memref<!tpu.dma_semaphore, #tpu.memory_space<semaphore_mem>>) {add = true}
      %dma_start3A_409 = arith.constant 3 : i32
      %dma_start3A_410 = arith.constant 3 : i32
      %dma_start3A_411 = arith.constant 0 : i32
      %dma_start3A_412 = tpu.memref_slice %arg15[%rem3A_218, %dma_start3A_409, %dma_start3A_411] : memref<2x4x128xf32, #tpu.memory_space<vmem>> -> memref<1x1x128xf32, #tpu.memory_space<vmem>>
      %dma_start3A_413 = tpu.memref_squeeze %dma_start3A_412 : memref<1x1x128xf32, #tpu.memory_space<vmem>> -> memref<128xf32, #tpu.memory_space<vmem>>
      %dma_start3A_414 = arith.constant 0 : i32
      %dma_start3A_415 = tpu.memref_slice %arg13[%rem3A_218, %dma_start3A_410, %dma_start3A_414] : memref<2x4x128xi32, #tpu.memory_space<vmem>> -> memref<1x1x128xi32, #tpu.memory_space<vmem>>
      %dma_start3A_416 = tpu.memref_squeeze %dma_start3A_415 : memref<1x1x128xi32, #tpu.memory_space<vmem>> -> memref<128xi32, #tpu.memory_space<vmem>>
      %dma_start3A_417 = arith.constant 0 : i32
      %dma_start3A_418 = tpu.memref_slice %arg12[%dma_start3A_417] : memref<51200xf32, #tpu.memory_space<vmem_shared>> -> memref<51200xf32, #tpu.memory_space<vmem_shared>>
      tpu.enqueue_indirect_dma source(%dma_start3A_413 : memref<128xf32, #tpu.memory_space<vmem>>) target(%dma_start3A_418 : memref<51200xf32, #tpu.memory_space<vmem_shared>>) offsets(%dma_start3A_416 : memref<128xi32, #tpu.memory_space<vmem>>) semaphore(%arg20 : memref<!tpu.dma_semaphore, #tpu.memory_space<semaphore_mem>>) {add = true}
      %dma_start3A_419 = arith.constant 3 : i32
      %dma_start3A_420 = arith.constant 384 : i32
      %dma_start3A_421 = arith.constant 0 : i32
      %dma_start3A_422 = tpu.memref_slice %arg16[%dma_start3A_420, %dma_start3A_421] : memref<512x32xf32, #tpu.memory_space<vmem>> -> memref<128x32xf32, #tpu.memory_space<vmem>>
      %dma_start3A_423 = arith.constant 0 : i32
      %dma_start3A_424 = tpu.memref_slice %arg13[%rem3A_218, %dma_start3A_419, %dma_start3A_423] : memref<2x4x128xi32, #tpu.memory_space<vmem>> -> memref<1x1x128xi32, #tpu.memory_space<vmem>>
      %dma_start3A_425 = tpu.memref_squeeze %dma_start3A_424 : memref<1x1x128xi32, #tpu.memory_space<vmem>> -> memref<128xi32, #tpu.memory_space<vmem>>
      %dma_start3A_426 = arith.constant 0 : i32
      %dma_start3A_427 = arith.constant 0 : i32
      %dma_start3A_428 = tpu.memref_slice %arg11[%dma_start3A_426, %dma_start3A_427] : memref<51200x32xf32, #tpu.memory_space<vmem_shared>> -> memref<51200x32xf32, #tpu.memory_space<vmem_shared>>
      tpu.enqueue_indirect_dma source(%dma_start3A_422 : memref<128x32xf32, #tpu.memory_space<vmem>>) target(%dma_start3A_428 : memref<51200x32xf32, #tpu.memory_space<vmem_shared>>) offsets(%dma_start3A_425 : memref<128xi32, #tpu.memory_space<vmem>>) semaphore(%arg20 : memref<!tpu.dma_semaphore, #tpu.memory_space<semaphore_mem>>) {add = true}
      %while3A_429 = arith.constant 0 : i32
      scf.yield %while3A_429 : i32
    }
    %sub3A = arith.constant 1 : i32
    %sub3A_164 = arith.subi %select_n3A_18, %sub3A : i32
    %rem3A = arith.constant 2 : i32
    %rem3A_165 = arith.remsi %sub3A_164, %rem3A : i32
    %dma_wait3A_166 = arith.constant 2 : i32
    %dma_wait3A_167 = arith.constant 2 : i32
    %dma_wait3A_168 = arith.constant 0 : i32
    %dma_wait3A_169 = tpu.memref_slice %arg15[%rem3A_165, %dma_wait3A_166, %dma_wait3A_168] : memref<2x4x128xf32, #tpu.memory_space<vmem>> -> memref<1x1x128xf32, #tpu.memory_space<vmem>>
    %dma_wait3A_170 = tpu.memref_squeeze %dma_wait3A_169 : memref<1x1x128xf32, #tpu.memory_space<vmem>> -> memref<128xf32, #tpu.memory_space<vmem>>
    %dma_wait3A_171 = arith.constant 0 : i32
    %dma_wait3A_172 = tpu.memref_slice %arg13[%rem3A_165, %dma_wait3A_167, %dma_wait3A_171] : memref<2x4x128xi32, #tpu.memory_space<vmem>> -> memref<1x1x128xi32, #tpu.memory_space<vmem>>
    %dma_wait3A_173 = tpu.memref_squeeze %dma_wait3A_172 : memref<1x1x128xi32, #tpu.memory_space<vmem>> -> memref<128xi32, #tpu.memory_space<vmem>>
    %dma_wait3A_174 = arith.constant 0 : i32
    %dma_wait3A_175 = tpu.memref_slice %arg12[%dma_wait3A_174] : memref<51200xf32, #tpu.memory_space<vmem_shared>> -> memref<51200xf32, #tpu.memory_space<vmem_shared>>
    tpu.wait_indirect_dma semaphore(%arg20 : memref<!tpu.dma_semaphore, #tpu.memory_space<semaphore_mem>>) src(%dma_wait3A_170 : memref<128xf32, #tpu.memory_space<vmem>>) dst(%dma_wait3A_175 : memref<51200xf32, #tpu.memory_space<vmem_shared>>)
    %dma_wait3A_176 = arith.constant 2 : i32
    %dma_wait3A_177 = arith.constant 256 : i32
    %dma_wait3A_178 = arith.constant 0 : i32
    %dma_wait3A_179 = tpu.memref_slice %arg16[%dma_wait3A_177, %dma_wait3A_178] : memref<512x32xf32, #tpu.memory_space<vmem>> -> memref<128x32xf32, #tpu.memory_space<vmem>>
    %dma_wait3A_180 = arith.constant 0 : i32
    %dma_wait3A_181 = tpu.memref_slice %arg13[%rem3A_165, %dma_wait3A_176, %dma_wait3A_180] : memref<2x4x128xi32, #tpu.memory_space<vmem>> -> memref<1x1x128xi32, #tpu.memory_space<vmem>>
    %dma_wait3A_182 = tpu.memref_squeeze %dma_wait3A_181 : memref<1x1x128xi32, #tpu.memory_space<vmem>> -> memref<128xi32, #tpu.memory_space<vmem>>
    %dma_wait3A_183 = arith.constant 0 : i32
    %dma_wait3A_184 = arith.constant 0 : i32
    %dma_wait3A_185 = tpu.memref_slice %arg11[%dma_wait3A_183, %dma_wait3A_184] : memref<51200x32xf32, #tpu.memory_space<vmem_shared>> -> memref<51200x32xf32, #tpu.memory_space<vmem_shared>>
    tpu.wait_indirect_dma semaphore(%arg20 : memref<!tpu.dma_semaphore, #tpu.memory_space<semaphore_mem>>) src(%dma_wait3A_179 : memref<128x32xf32, #tpu.memory_space<vmem>>) dst(%dma_wait3A_185 : memref<51200x32xf32, #tpu.memory_space<vmem_shared>>)
    %dma_wait3A_186 = arith.constant 3 : i32
    %dma_wait3A_187 = arith.constant 3 : i32
    %dma_wait3A_188 = arith.constant 0 : i32
    %dma_wait3A_189 = tpu.memref_slice %arg15[%rem3A_165, %dma_wait3A_186, %dma_wait3A_188] : memref<2x4x128xf32, #tpu.memory_space<vmem>> -> memref<1x1x128xf32, #tpu.memory_space<vmem>>
    %dma_wait3A_190 = tpu.memref_squeeze %dma_wait3A_189 : memref<1x1x128xf32, #tpu.memory_space<vmem>> -> memref<128xf32, #tpu.memory_space<vmem>>
    %dma_wait3A_191 = arith.constant 0 : i32
    %dma_wait3A_192 = tpu.memref_slice %arg13[%rem3A_165, %dma_wait3A_187, %dma_wait3A_191] : memref<2x4x128xi32, #tpu.memory_space<vmem>> -> memref<1x1x128xi32, #tpu.memory_space<vmem>>
    %dma_wait3A_193 = tpu.memref_squeeze %dma_wait3A_192 : memref<1x1x128xi32, #tpu.memory_space<vmem>> -> memref<128xi32, #tpu.memory_space<vmem>>
    %dma_wait3A_194 = arith.constant 0 : i32
    %dma_wait3A_195 = tpu.memref_slice %arg12[%dma_wait3A_194] : memref<51200xf32, #tpu.memory_space<vmem_shared>> -> memref<51200xf32, #tpu.memory_space<vmem_shared>>
    tpu.wait_indirect_dma semaphore(%arg20 : memref<!tpu.dma_semaphore, #tpu.memory_space<semaphore_mem>>) src(%dma_wait3A_190 : memref<128xf32, #tpu.memory_space<vmem>>) dst(%dma_wait3A_195 : memref<51200xf32, #tpu.memory_space<vmem_shared>>)
    %dma_wait3A_196 = arith.constant 3 : i32
    %dma_wait3A_197 = arith.constant 384 : i32
    %dma_wait3A_198 = arith.constant 0 : i32
    %dma_wait3A_199 = tpu.memref_slice %arg16[%dma_wait3A_197, %dma_wait3A_198] : memref<512x32xf32, #tpu.memory_space<vmem>> -> memref<128x32xf32, #tpu.memory_space<vmem>>
    %dma_wait3A_200 = arith.constant 0 : i32
    %dma_wait3A_201 = tpu.memref_slice %arg13[%rem3A_165, %dma_wait3A_196, %dma_wait3A_200] : memref<2x4x128xi32, #tpu.memory_space<vmem>> -> memref<1x1x128xi32, #tpu.memory_space<vmem>>
    %dma_wait3A_202 = tpu.memref_squeeze %dma_wait3A_201 : memref<1x1x128xi32, #tpu.memory_space<vmem>> -> memref<128xi32, #tpu.memory_space<vmem>>
    %dma_wait3A_203 = arith.constant 0 : i32
    %dma_wait3A_204 = arith.constant 0 : i32
    %dma_wait3A_205 = tpu.memref_slice %arg11[%dma_wait3A_203, %dma_wait3A_204] : memref<51200x32xf32, #tpu.memory_space<vmem_shared>> -> memref<51200x32xf32, #tpu.memory_space<vmem_shared>>
    tpu.wait_indirect_dma semaphore(%arg20 : memref<!tpu.dma_semaphore, #tpu.memory_space<semaphore_mem>>) src(%dma_wait3A_199 : memref<128x32xf32, #tpu.memory_space<vmem>>) dst(%dma_wait3A_205 : memref<51200x32xf32, #tpu.memory_space<vmem_shared>>)
    %barrier3A_206 = arith.constant 0 : index
    tpu.barrier barrier_id(%barrier3A_206)
    %mul3A_207 = arith.constant 3200 : i32
    %mul3A_208 = arith.muli %arg1, %mul3A_207 : i32
    %mul3A_209 = arith.constant 3200 : i32
    %mul3A_210 = arith.muli %arg1, %mul3A_209 : i32
    "tpu.region"() ({
      %run_scoped3A = tpu.sem_alloc : memref<!tpu.dma_semaphore, #tpu.memory_space<semaphore_mem>>
      %dma_start3A_215 = arith.constant 0 : i32
      %dma_start3A_216 = tpu.memref_slice %arg9[%arg0, %mul3A_210, %dma_start3A_215] : memref<2x51200x32xf32, #tpu.memory_space<hbm>> -> memref<1x3200x32xf32, #tpu.memory_space<hbm>>
      %dma_start3A_217 = tpu.memref_squeeze %dma_start3A_216 : memref<1x3200x32xf32, #tpu.memory_space<hbm>> -> memref<3200x32xf32, #tpu.memory_space<hbm>>
      %dma_start3A_218 = arith.constant 0 : i32
      %dma_start3A_219 = tpu.memref_slice %arg11[%mul3A_208, %dma_start3A_218] : memref<51200x32xf32, #tpu.memory_space<vmem_shared>> -> memref<3200x32xf32, #tpu.memory_space<vmem_shared>>
      tpu.enqueue_dma source(%dma_start3A_219 : memref<3200x32xf32, #tpu.memory_space<vmem_shared>>) target(%dma_start3A_217 : memref<3200x32xf32, #tpu.memory_space<hbm>>) target_semaphore(%run_scoped3A : memref<!tpu.dma_semaphore, #tpu.memory_space<semaphore_mem>>)
      %dma_wait3A_220 = arith.constant 0 : i32
      %dma_wait3A_221 = tpu.memref_slice %arg9[%arg0, %mul3A_210, %dma_wait3A_220] : memref<2x51200x32xf32, #tpu.memory_space<hbm>> -> memref<1x3200x32xf32, #tpu.memory_space<hbm>>
      %dma_wait3A_222 = tpu.memref_squeeze %dma_wait3A_221 : memref<1x3200x32xf32, #tpu.memory_space<hbm>> -> memref<3200x32xf32, #tpu.memory_space<hbm>>
      %dma_wait3A_223 = arith.constant 0 : i32
      %dma_wait3A_224 = tpu.memref_slice %arg11[%mul3A_208, %dma_wait3A_223] : memref<51200x32xf32, #tpu.memory_space<vmem_shared>> -> memref<3200x32xf32, #tpu.memory_space<vmem_shared>>
      tpu.wait_dma2 semaphore(%run_scoped3A : memref<!tpu.dma_semaphore, #tpu.memory_space<semaphore_mem>>) src(%dma_wait3A_224 : memref<3200x32xf32, #tpu.memory_space<vmem_shared>>) dst(%dma_wait3A_222 : memref<3200x32xf32, #tpu.memory_space<hbm>>)
      tpu.yield
    }) : () -> ()
    %mul3A_211 = arith.constant 3200 : i32
    %mul3A_212 = arith.muli %arg1, %mul3A_211 : i32
    %mul3A_213 = arith.constant 3200 : i32
    %mul3A_214 = arith.muli %arg1, %mul3A_213 : i32
    "tpu.region"() ({
      %run_scoped3A = tpu.sem_alloc : memref<!tpu.dma_semaphore, #tpu.memory_space<semaphore_mem>>
      %dma_start3A_215 = tpu.memref_slice %arg10[%arg0, %mul3A_214] : memref<2x51200xf32, #tpu.memory_space<hbm>> -> memref<1x3200xf32, #tpu.memory_space<hbm>>
      %dma_start3A_216 = tpu.memref_squeeze %dma_start3A_215 : memref<1x3200xf32, #tpu.memory_space<hbm>> -> memref<3200xf32, #tpu.memory_space<hbm>>
      %dma_start3A_217 = tpu.memref_slice %arg12[%mul3A_212] : memref<51200xf32, #tpu.memory_space<vmem_shared>> -> memref<3200xf32, #tpu.memory_space<vmem_shared>>
      tpu.enqueue_dma source(%dma_start3A_217 : memref<3200xf32, #tpu.memory_space<vmem_shared>>) target(%dma_start3A_216 : memref<3200xf32, #tpu.memory_space<hbm>>) target_semaphore(%run_scoped3A : memref<!tpu.dma_semaphore, #tpu.memory_space<semaphore_mem>>)
      %dma_wait3A_218 = tpu.memref_slice %arg10[%arg0, %mul3A_214] : memref<2x51200xf32, #tpu.memory_space<hbm>> -> memref<1x3200xf32, #tpu.memory_space<hbm>>
      %dma_wait3A_219 = tpu.memref_squeeze %dma_wait3A_218 : memref<1x3200xf32, #tpu.memory_space<hbm>> -> memref<3200xf32, #tpu.memory_space<hbm>>
      %dma_wait3A_220 = tpu.memref_slice %arg12[%mul3A_212] : memref<51200xf32, #tpu.memory_space<vmem_shared>> -> memref<3200xf32, #tpu.memory_space<vmem_shared>>
      tpu.wait_dma2 semaphore(%run_scoped3A : memref<!tpu.dma_semaphore, #tpu.memory_space<semaphore_mem>>) src(%dma_wait3A_220 : memref<3200xf32, #tpu.memory_space<vmem_shared>>) dst(%dma_wait3A_219 : memref<3200xf32, #tpu.memory_space<hbm>>)
      tpu.yield
    }) : () -> ()
    return
  }
}

module attributes {stable_mosaic.version = 14 : i64} {
  func.func @_mlp_body(%arg0: i32, %arg1: memref<4x1x8x2048xf32, #tpu.memory_space<vmem>>, %arg2: memref<4x10xf32, #tpu.memory_space<smem>>, %arg3: memref<10xf32, #tpu.memory_space<smem>>, %arg4: memref<10x2xf32, #tpu.memory_space<smem>>, %arg5: memref<2xf32, #tpu.memory_space<smem>>, %arg6: memref<1xf32, #tpu.memory_space<smem>>, %arg7: memref<1x8x2048xf32, #tpu.memory_space<vmem>>, %arg8: memref<1x8x2048xf32, #tpu.memory_space<vmem>>) attributes {dimension_semantics = [#tpu.dimension_semantics<arbitrary>], iteration_bounds = array<i64: 98>, scalar_prefetch = 0 : i64, scratch_operands = 0 : i64, tpu.core_type = #tpu.core_type<tc>, window_params = [{transform_indices = @transform_0, window_bounds = array<i64: 4, 1, 8, 2048>}, {transform_indices = @transform_1, window_bounds = array<i64: 4, 10>}, {transform_indices = @transform_2, window_bounds = array<i64: 10>}, {transform_indices = @transform_3, window_bounds = array<i64: 10, 2>}, {transform_indices = @transform_4, window_bounds = array<i64: 2>}, {transform_indices = @transform_5, window_bounds = array<i64: 1>}, {transform_indices = @transform_6, window_bounds = array<i64: 1, 8, 2048>}, {transform_indices = @transform_7, window_bounds = array<i64: 1, 8, 2048>}]} {
    %get3A = arith.constant 0 : index
    %get3A_0 = arith.constant 0 : index
    %get3A_1 = arith.constant 0 : index
    %get3A_2 = arith.constant 0 : index
    %get3A_3 = vector.load %arg1[%get3A, %get3A_0, %get3A_1, %get3A_2] : memref<4x1x8x2048xf32, #tpu.memory_space<vmem>>, vector<4x1x8x2048xf32>
    %squeeze3A = vector.shape_cast %get3A_3 : vector<4x1x8x2048xf32> to vector<4x8x2048xf32>
    %convert_element_type3A = arith.truncf %squeeze3A : vector<4x8x2048xf32> to vector<4x8x2048xbf16>
    %convert_element_type3A_4 = arith.extf %convert_element_type3A : vector<4x8x2048xbf16> to vector<4x8x2048xf32>
    %get3A_5 = arith.constant 0 : index
    %get3A_6 = memref.load %arg3[%get3A_5] : memref<10xf32, #tpu.memory_space<smem>>
    %slice3A = vector.extract_strided_slice %convert_element_type3A_4 {offsets = [0, 0, 0], sizes = [1, 8, 2048], strides = [1, 1, 1]} : vector<4x8x2048xf32> to vector<1x8x2048xf32>
    %squeeze3A_7 = vector.shape_cast %slice3A : vector<1x8x2048xf32> to vector<8x2048xf32>
    %get3A_8 = arith.constant 0 : index
    %get3A_9 = arith.constant 0 : index
    %get3A_10 = memref.load %arg2[%get3A_8, %get3A_9] : memref<4x10xf32, #tpu.memory_space<smem>>
    %convert_element_type3A_11 = arith.truncf %get3A_10 : f32 to bf16
    %convert_element_type3A_12 = arith.extf %convert_element_type3A_11 : bf16 to f32
    %mul3A = vector.broadcast %convert_element_type3A_12 : f32 to vector<8x2048xf32>
    %mul3A_13 = arith.mulf %squeeze3A_7, %mul3A : vector<8x2048xf32>
    %add3A = vector.broadcast %get3A_6 : f32 to vector<8x2048xf32>
    %add3A_14 = arith.addf %add3A, %mul3A_13 : vector<8x2048xf32>
    %slice3A_15 = vector.extract_strided_slice %convert_element_type3A_4 {offsets = [1, 0, 0], sizes = [1, 8, 2048], strides = [1, 1, 1]} : vector<4x8x2048xf32> to vector<1x8x2048xf32>
    %squeeze3A_16 = vector.shape_cast %slice3A_15 : vector<1x8x2048xf32> to vector<8x2048xf32>
    %get3A_17 = arith.constant 1 : index
    %get3A_18 = arith.constant 0 : index
    %get3A_19 = memref.load %arg2[%get3A_17, %get3A_18] : memref<4x10xf32, #tpu.memory_space<smem>>
    %convert_element_type3A_20 = arith.truncf %get3A_19 : f32 to bf16
    %convert_element_type3A_21 = arith.extf %convert_element_type3A_20 : bf16 to f32
    %mul3A_22 = vector.broadcast %convert_element_type3A_21 : f32 to vector<8x2048xf32>
    %mul3A_23 = arith.mulf %squeeze3A_16, %mul3A_22 : vector<8x2048xf32>
    %add3A_24 = arith.addf %add3A_14, %mul3A_23 : vector<8x2048xf32>
    %slice3A_25 = vector.extract_strided_slice %convert_element_type3A_4 {offsets = [2, 0, 0], sizes = [1, 8, 2048], strides = [1, 1, 1]} : vector<4x8x2048xf32> to vector<1x8x2048xf32>
    %squeeze3A_26 = vector.shape_cast %slice3A_25 : vector<1x8x2048xf32> to vector<8x2048xf32>
    %get3A_27 = arith.constant 2 : index
    %get3A_28 = arith.constant 0 : index
    %get3A_29 = memref.load %arg2[%get3A_27, %get3A_28] : memref<4x10xf32, #tpu.memory_space<smem>>
    %convert_element_type3A_30 = arith.truncf %get3A_29 : f32 to bf16
    %convert_element_type3A_31 = arith.extf %convert_element_type3A_30 : bf16 to f32
    %mul3A_32 = vector.broadcast %convert_element_type3A_31 : f32 to vector<8x2048xf32>
    %mul3A_33 = arith.mulf %squeeze3A_26, %mul3A_32 : vector<8x2048xf32>
    %add3A_34 = arith.addf %add3A_24, %mul3A_33 : vector<8x2048xf32>
    %slice3A_35 = vector.extract_strided_slice %convert_element_type3A_4 {offsets = [3, 0, 0], sizes = [1, 8, 2048], strides = [1, 1, 1]} : vector<4x8x2048xf32> to vector<1x8x2048xf32>
    %squeeze3A_36 = vector.shape_cast %slice3A_35 : vector<1x8x2048xf32> to vector<8x2048xf32>
    %get3A_37 = arith.constant 3 : index
    %get3A_38 = arith.constant 0 : index
    %get3A_39 = memref.load %arg2[%get3A_37, %get3A_38] : memref<4x10xf32, #tpu.memory_space<smem>>
    %convert_element_type3A_40 = arith.truncf %get3A_39 : f32 to bf16
    %convert_element_type3A_41 = arith.extf %convert_element_type3A_40 : bf16 to f32
    %mul3A_42 = vector.broadcast %convert_element_type3A_41 : f32 to vector<8x2048xf32>
    %mul3A_43 = arith.mulf %squeeze3A_36, %mul3A_42 : vector<8x2048xf32>
    %add3A_44 = arith.addf %add3A_34, %mul3A_43 : vector<8x2048xf32>
    %max3A = arith.constant 0.000000e+00 : f32
    %max3A_45 = vector.broadcast %max3A : f32 to vector<8x2048xf32>
    %max3A_46 = arith.maximumf %add3A_44, %max3A_45 : vector<8x2048xf32>
    %convert_element_type3A_47 = arith.truncf %max3A_46 : vector<8x2048xf32> to vector<8x2048xbf16>
    %convert_element_type3A_48 = arith.extf %convert_element_type3A_47 : vector<8x2048xbf16> to vector<8x2048xf32>
    %get3A_49 = arith.constant 1 : index
    %get3A_50 = memref.load %arg3[%get3A_49] : memref<10xf32, #tpu.memory_space<smem>>
    %slice3A_51 = vector.extract_strided_slice %convert_element_type3A_4 {offsets = [0, 0, 0], sizes = [1, 8, 2048], strides = [1, 1, 1]} : vector<4x8x2048xf32> to vector<1x8x2048xf32>
    %squeeze3A_52 = vector.shape_cast %slice3A_51 : vector<1x8x2048xf32> to vector<8x2048xf32>
    %get3A_53 = arith.constant 0 : index
    %get3A_54 = arith.constant 1 : index
    %get3A_55 = memref.load %arg2[%get3A_53, %get3A_54] : memref<4x10xf32, #tpu.memory_space<smem>>
    %convert_element_type3A_56 = arith.truncf %get3A_55 : f32 to bf16
    %convert_element_type3A_57 = arith.extf %convert_element_type3A_56 : bf16 to f32
    %mul3A_58 = vector.broadcast %convert_element_type3A_57 : f32 to vector<8x2048xf32>
    %mul3A_59 = arith.mulf %squeeze3A_52, %mul3A_58 : vector<8x2048xf32>
    %add3A_60 = vector.broadcast %get3A_50 : f32 to vector<8x2048xf32>
    %add3A_61 = arith.addf %add3A_60, %mul3A_59 : vector<8x2048xf32>
    %slice3A_62 = vector.extract_strided_slice %convert_element_type3A_4 {offsets = [1, 0, 0], sizes = [1, 8, 2048], strides = [1, 1, 1]} : vector<4x8x2048xf32> to vector<1x8x2048xf32>
    %squeeze3A_63 = vector.shape_cast %slice3A_62 : vector<1x8x2048xf32> to vector<8x2048xf32>
    %get3A_64 = arith.constant 1 : index
    %get3A_65 = arith.constant 1 : index
    %get3A_66 = memref.load %arg2[%get3A_64, %get3A_65] : memref<4x10xf32, #tpu.memory_space<smem>>
    %convert_element_type3A_67 = arith.truncf %get3A_66 : f32 to bf16
    %convert_element_type3A_68 = arith.extf %convert_element_type3A_67 : bf16 to f32
    %mul3A_69 = vector.broadcast %convert_element_type3A_68 : f32 to vector<8x2048xf32>
    %mul3A_70 = arith.mulf %squeeze3A_63, %mul3A_69 : vector<8x2048xf32>
    %add3A_71 = arith.addf %add3A_61, %mul3A_70 : vector<8x2048xf32>
    %slice3A_72 = vector.extract_strided_slice %convert_element_type3A_4 {offsets = [2, 0, 0], sizes = [1, 8, 2048], strides = [1, 1, 1]} : vector<4x8x2048xf32> to vector<1x8x2048xf32>
    %squeeze3A_73 = vector.shape_cast %slice3A_72 : vector<1x8x2048xf32> to vector<8x2048xf32>
    %get3A_74 = arith.constant 2 : index
    %get3A_75 = arith.constant 1 : index
    %get3A_76 = memref.load %arg2[%get3A_74, %get3A_75] : memref<4x10xf32, #tpu.memory_space<smem>>
    %convert_element_type3A_77 = arith.truncf %get3A_76 : f32 to bf16
    %convert_element_type3A_78 = arith.extf %convert_element_type3A_77 : bf16 to f32
    %mul3A_79 = vector.broadcast %convert_element_type3A_78 : f32 to vector<8x2048xf32>
    %mul3A_80 = arith.mulf %squeeze3A_73, %mul3A_79 : vector<8x2048xf32>
    %add3A_81 = arith.addf %add3A_71, %mul3A_80 : vector<8x2048xf32>
    %slice3A_82 = vector.extract_strided_slice %convert_element_type3A_4 {offsets = [3, 0, 0], sizes = [1, 8, 2048], strides = [1, 1, 1]} : vector<4x8x2048xf32> to vector<1x8x2048xf32>
    %squeeze3A_83 = vector.shape_cast %slice3A_82 : vector<1x8x2048xf32> to vector<8x2048xf32>
    %get3A_84 = arith.constant 3 : index
    %get3A_85 = arith.constant 1 : index
    %get3A_86 = memref.load %arg2[%get3A_84, %get3A_85] : memref<4x10xf32, #tpu.memory_space<smem>>
    %convert_element_type3A_87 = arith.truncf %get3A_86 : f32 to bf16
    %convert_element_type3A_88 = arith.extf %convert_element_type3A_87 : bf16 to f32
    %mul3A_89 = vector.broadcast %convert_element_type3A_88 : f32 to vector<8x2048xf32>
    %mul3A_90 = arith.mulf %squeeze3A_83, %mul3A_89 : vector<8x2048xf32>
    %add3A_91 = arith.addf %add3A_81, %mul3A_90 : vector<8x2048xf32>
    %max3A_92 = arith.constant 0.000000e+00 : f32
    %max3A_93 = vector.broadcast %max3A_92 : f32 to vector<8x2048xf32>
    %max3A_94 = arith.maximumf %add3A_91, %max3A_93 : vector<8x2048xf32>
    %convert_element_type3A_95 = arith.truncf %max3A_94 : vector<8x2048xf32> to vector<8x2048xbf16>
    %convert_element_type3A_96 = arith.extf %convert_element_type3A_95 : vector<8x2048xbf16> to vector<8x2048xf32>
    %get3A_97 = arith.constant 2 : index
    %get3A_98 = memref.load %arg3[%get3A_97] : memref<10xf32, #tpu.memory_space<smem>>
    %slice3A_99 = vector.extract_strided_slice %convert_element_type3A_4 {offsets = [0, 0, 0], sizes = [1, 8, 2048], strides = [1, 1, 1]} : vector<4x8x2048xf32> to vector<1x8x2048xf32>
    %squeeze3A_100 = vector.shape_cast %slice3A_99 : vector<1x8x2048xf32> to vector<8x2048xf32>
    %get3A_101 = arith.constant 0 : index
    %get3A_102 = arith.constant 2 : index
    %get3A_103 = memref.load %arg2[%get3A_101, %get3A_102] : memref<4x10xf32, #tpu.memory_space<smem>>
    %convert_element_type3A_104 = arith.truncf %get3A_103 : f32 to bf16
    %convert_element_type3A_105 = arith.extf %convert_element_type3A_104 : bf16 to f32
    %mul3A_106 = vector.broadcast %convert_element_type3A_105 : f32 to vector<8x2048xf32>
    %mul3A_107 = arith.mulf %squeeze3A_100, %mul3A_106 : vector<8x2048xf32>
    %add3A_108 = vector.broadcast %get3A_98 : f32 to vector<8x2048xf32>
    %add3A_109 = arith.addf %add3A_108, %mul3A_107 : vector<8x2048xf32>
    %slice3A_110 = vector.extract_strided_slice %convert_element_type3A_4 {offsets = [1, 0, 0], sizes = [1, 8, 2048], strides = [1, 1, 1]} : vector<4x8x2048xf32> to vector<1x8x2048xf32>
    %squeeze3A_111 = vector.shape_cast %slice3A_110 : vector<1x8x2048xf32> to vector<8x2048xf32>
    %get3A_112 = arith.constant 1 : index
    %get3A_113 = arith.constant 2 : index
    %get3A_114 = memref.load %arg2[%get3A_112, %get3A_113] : memref<4x10xf32, #tpu.memory_space<smem>>
    %convert_element_type3A_115 = arith.truncf %get3A_114 : f32 to bf16
    %convert_element_type3A_116 = arith.extf %convert_element_type3A_115 : bf16 to f32
    %mul3A_117 = vector.broadcast %convert_element_type3A_116 : f32 to vector<8x2048xf32>
    %mul3A_118 = arith.mulf %squeeze3A_111, %mul3A_117 : vector<8x2048xf32>
    %add3A_119 = arith.addf %add3A_109, %mul3A_118 : vector<8x2048xf32>
    %slice3A_120 = vector.extract_strided_slice %convert_element_type3A_4 {offsets = [2, 0, 0], sizes = [1, 8, 2048], strides = [1, 1, 1]} : vector<4x8x2048xf32> to vector<1x8x2048xf32>
    %squeeze3A_121 = vector.shape_cast %slice3A_120 : vector<1x8x2048xf32> to vector<8x2048xf32>
    %get3A_122 = arith.constant 2 : index
    %get3A_123 = arith.constant 2 : index
    %get3A_124 = memref.load %arg2[%get3A_122, %get3A_123] : memref<4x10xf32, #tpu.memory_space<smem>>
    %convert_element_type3A_125 = arith.truncf %get3A_124 : f32 to bf16
    %convert_element_type3A_126 = arith.extf %convert_element_type3A_125 : bf16 to f32
    %mul3A_127 = vector.broadcast %convert_element_type3A_126 : f32 to vector<8x2048xf32>
    %mul3A_128 = arith.mulf %squeeze3A_121, %mul3A_127 : vector<8x2048xf32>
    %add3A_129 = arith.addf %add3A_119, %mul3A_128 : vector<8x2048xf32>
    %slice3A_130 = vector.extract_strided_slice %convert_element_type3A_4 {offsets = [3, 0, 0], sizes = [1, 8, 2048], strides = [1, 1, 1]} : vector<4x8x2048xf32> to vector<1x8x2048xf32>
    %squeeze3A_131 = vector.shape_cast %slice3A_130 : vector<1x8x2048xf32> to vector<8x2048xf32>
    %get3A_132 = arith.constant 3 : index
    %get3A_133 = arith.constant 2 : index
    %get3A_134 = memref.load %arg2[%get3A_132, %get3A_133] : memref<4x10xf32, #tpu.memory_space<smem>>
    %convert_element_type3A_135 = arith.truncf %get3A_134 : f32 to bf16
    %convert_element_type3A_136 = arith.extf %convert_element_type3A_135 : bf16 to f32
    %mul3A_137 = vector.broadcast %convert_element_type3A_136 : f32 to vector<8x2048xf32>
    %mul3A_138 = arith.mulf %squeeze3A_131, %mul3A_137 : vector<8x2048xf32>
    %add3A_139 = arith.addf %add3A_129, %mul3A_138 : vector<8x2048xf32>
    %max3A_140 = arith.constant 0.000000e+00 : f32
    %max3A_141 = vector.broadcast %max3A_140 : f32 to vector<8x2048xf32>
    %max3A_142 = arith.maximumf %add3A_139, %max3A_141 : vector<8x2048xf32>
    %convert_element_type3A_143 = arith.truncf %max3A_142 : vector<8x2048xf32> to vector<8x2048xbf16>
    %convert_element_type3A_144 = arith.extf %convert_element_type3A_143 : vector<8x2048xbf16> to vector<8x2048xf32>
    %get3A_145 = arith.constant 3 : index
    %get3A_146 = memref.load %arg3[%get3A_145] : memref<10xf32, #tpu.memory_space<smem>>
    %slice3A_147 = vector.extract_strided_slice %convert_element_type3A_4 {offsets = [0, 0, 0], sizes = [1, 8, 2048], strides = [1, 1, 1]} : vector<4x8x2048xf32> to vector<1x8x2048xf32>
    %squeeze3A_148 = vector.shape_cast %slice3A_147 : vector<1x8x2048xf32> to vector<8x2048xf32>
    %get3A_149 = arith.constant 0 : index
    %get3A_150 = arith.constant 3 : index
    %get3A_151 = memref.load %arg2[%get3A_149, %get3A_150] : memref<4x10xf32, #tpu.memory_space<smem>>
    %convert_element_type3A_152 = arith.truncf %get3A_151 : f32 to bf16
    %convert_element_type3A_153 = arith.extf %convert_element_type3A_152 : bf16 to f32
    %mul3A_154 = vector.broadcast %convert_element_type3A_153 : f32 to vector<8x2048xf32>
    %mul3A_155 = arith.mulf %squeeze3A_148, %mul3A_154 : vector<8x2048xf32>
    %add3A_156 = vector.broadcast %get3A_146 : f32 to vector<8x2048xf32>
    %add3A_157 = arith.addf %add3A_156, %mul3A_155 : vector<8x2048xf32>
    %slice3A_158 = vector.extract_strided_slice %convert_element_type3A_4 {offsets = [1, 0, 0], sizes = [1, 8, 2048], strides = [1, 1, 1]} : vector<4x8x2048xf32> to vector<1x8x2048xf32>
    %squeeze3A_159 = vector.shape_cast %slice3A_158 : vector<1x8x2048xf32> to vector<8x2048xf32>
    %get3A_160 = arith.constant 1 : index
    %get3A_161 = arith.constant 3 : index
    %get3A_162 = memref.load %arg2[%get3A_160, %get3A_161] : memref<4x10xf32, #tpu.memory_space<smem>>
    %convert_element_type3A_163 = arith.truncf %get3A_162 : f32 to bf16
    %convert_element_type3A_164 = arith.extf %convert_element_type3A_163 : bf16 to f32
    %mul3A_165 = vector.broadcast %convert_element_type3A_164 : f32 to vector<8x2048xf32>
    %mul3A_166 = arith.mulf %squeeze3A_159, %mul3A_165 : vector<8x2048xf32>
    %add3A_167 = arith.addf %add3A_157, %mul3A_166 : vector<8x2048xf32>
    %slice3A_168 = vector.extract_strided_slice %convert_element_type3A_4 {offsets = [2, 0, 0], sizes = [1, 8, 2048], strides = [1, 1, 1]} : vector<4x8x2048xf32> to vector<1x8x2048xf32>
    %squeeze3A_169 = vector.shape_cast %slice3A_168 : vector<1x8x2048xf32> to vector<8x2048xf32>
    %get3A_170 = arith.constant 2 : index
    %get3A_171 = arith.constant 3 : index
    %get3A_172 = memref.load %arg2[%get3A_170, %get3A_171] : memref<4x10xf32, #tpu.memory_space<smem>>
    %convert_element_type3A_173 = arith.truncf %get3A_172 : f32 to bf16
    %convert_element_type3A_174 = arith.extf %convert_element_type3A_173 : bf16 to f32
    %mul3A_175 = vector.broadcast %convert_element_type3A_174 : f32 to vector<8x2048xf32>
    %mul3A_176 = arith.mulf %squeeze3A_169, %mul3A_175 : vector<8x2048xf32>
    %add3A_177 = arith.addf %add3A_167, %mul3A_176 : vector<8x2048xf32>
    %slice3A_178 = vector.extract_strided_slice %convert_element_type3A_4 {offsets = [3, 0, 0], sizes = [1, 8, 2048], strides = [1, 1, 1]} : vector<4x8x2048xf32> to vector<1x8x2048xf32>
    %squeeze3A_179 = vector.shape_cast %slice3A_178 : vector<1x8x2048xf32> to vector<8x2048xf32>
    %get3A_180 = arith.constant 3 : index
    %get3A_181 = arith.constant 3 : index
    %get3A_182 = memref.load %arg2[%get3A_180, %get3A_181] : memref<4x10xf32, #tpu.memory_space<smem>>
    %convert_element_type3A_183 = arith.truncf %get3A_182 : f32 to bf16
    %convert_element_type3A_184 = arith.extf %convert_element_type3A_183 : bf16 to f32
    %mul3A_185 = vector.broadcast %convert_element_type3A_184 : f32 to vector<8x2048xf32>
    %mul3A_186 = arith.mulf %squeeze3A_179, %mul3A_185 : vector<8x2048xf32>
    %add3A_187 = arith.addf %add3A_177, %mul3A_186 : vector<8x2048xf32>
    %max3A_188 = arith.constant 0.000000e+00 : f32
    %max3A_189 = vector.broadcast %max3A_188 : f32 to vector<8x2048xf32>
    %max3A_190 = arith.maximumf %add3A_187, %max3A_189 : vector<8x2048xf32>
    %convert_element_type3A_191 = arith.truncf %max3A_190 : vector<8x2048xf32> to vector<8x2048xbf16>
    %convert_element_type3A_192 = arith.extf %convert_element_type3A_191 : vector<8x2048xbf16> to vector<8x2048xf32>
    %get3A_193 = arith.constant 4 : index
    %get3A_194 = memref.load %arg3[%get3A_193] : memref<10xf32, #tpu.memory_space<smem>>
    %slice3A_195 = vector.extract_strided_slice %convert_element_type3A_4 {offsets = [0, 0, 0], sizes = [1, 8, 2048], strides = [1, 1, 1]} : vector<4x8x2048xf32> to vector<1x8x2048xf32>
    %squeeze3A_196 = vector.shape_cast %slice3A_195 : vector<1x8x2048xf32> to vector<8x2048xf32>
    %get3A_197 = arith.constant 0 : index
    %get3A_198 = arith.constant 4 : index
    %get3A_199 = memref.load %arg2[%get3A_197, %get3A_198] : memref<4x10xf32, #tpu.memory_space<smem>>
    %convert_element_type3A_200 = arith.truncf %get3A_199 : f32 to bf16
    %convert_element_type3A_201 = arith.extf %convert_element_type3A_200 : bf16 to f32
    %mul3A_202 = vector.broadcast %convert_element_type3A_201 : f32 to vector<8x2048xf32>
    %mul3A_203 = arith.mulf %squeeze3A_196, %mul3A_202 : vector<8x2048xf32>
    %add3A_204 = vector.broadcast %get3A_194 : f32 to vector<8x2048xf32>
    %add3A_205 = arith.addf %add3A_204, %mul3A_203 : vector<8x2048xf32>
    %slice3A_206 = vector.extract_strided_slice %convert_element_type3A_4 {offsets = [1, 0, 0], sizes = [1, 8, 2048], strides = [1, 1, 1]} : vector<4x8x2048xf32> to vector<1x8x2048xf32>
    %squeeze3A_207 = vector.shape_cast %slice3A_206 : vector<1x8x2048xf32> to vector<8x2048xf32>
    %get3A_208 = arith.constant 1 : index
    %get3A_209 = arith.constant 4 : index
    %get3A_210 = memref.load %arg2[%get3A_208, %get3A_209] : memref<4x10xf32, #tpu.memory_space<smem>>
    %convert_element_type3A_211 = arith.truncf %get3A_210 : f32 to bf16
    %convert_element_type3A_212 = arith.extf %convert_element_type3A_211 : bf16 to f32
    %mul3A_213 = vector.broadcast %convert_element_type3A_212 : f32 to vector<8x2048xf32>
    %mul3A_214 = arith.mulf %squeeze3A_207, %mul3A_213 : vector<8x2048xf32>
    %add3A_215 = arith.addf %add3A_205, %mul3A_214 : vector<8x2048xf32>
    %slice3A_216 = vector.extract_strided_slice %convert_element_type3A_4 {offsets = [2, 0, 0], sizes = [1, 8, 2048], strides = [1, 1, 1]} : vector<4x8x2048xf32> to vector<1x8x2048xf32>
    %squeeze3A_217 = vector.shape_cast %slice3A_216 : vector<1x8x2048xf32> to vector<8x2048xf32>
    %get3A_218 = arith.constant 2 : index
    %get3A_219 = arith.constant 4 : index
    %get3A_220 = memref.load %arg2[%get3A_218, %get3A_219] : memref<4x10xf32, #tpu.memory_space<smem>>
    %convert_element_type3A_221 = arith.truncf %get3A_220 : f32 to bf16
    %convert_element_type3A_222 = arith.extf %convert_element_type3A_221 : bf16 to f32
    %mul3A_223 = vector.broadcast %convert_element_type3A_222 : f32 to vector<8x2048xf32>
    %mul3A_224 = arith.mulf %squeeze3A_217, %mul3A_223 : vector<8x2048xf32>
    %add3A_225 = arith.addf %add3A_215, %mul3A_224 : vector<8x2048xf32>
    %slice3A_226 = vector.extract_strided_slice %convert_element_type3A_4 {offsets = [3, 0, 0], sizes = [1, 8, 2048], strides = [1, 1, 1]} : vector<4x8x2048xf32> to vector<1x8x2048xf32>
    %squeeze3A_227 = vector.shape_cast %slice3A_226 : vector<1x8x2048xf32> to vector<8x2048xf32>
    %get3A_228 = arith.constant 3 : index
    %get3A_229 = arith.constant 4 : index
    %get3A_230 = memref.load %arg2[%get3A_228, %get3A_229] : memref<4x10xf32, #tpu.memory_space<smem>>
    %convert_element_type3A_231 = arith.truncf %get3A_230 : f32 to bf16
    %convert_element_type3A_232 = arith.extf %convert_element_type3A_231 : bf16 to f32
    %mul3A_233 = vector.broadcast %convert_element_type3A_232 : f32 to vector<8x2048xf32>
    %mul3A_234 = arith.mulf %squeeze3A_227, %mul3A_233 : vector<8x2048xf32>
    %add3A_235 = arith.addf %add3A_225, %mul3A_234 : vector<8x2048xf32>
    %max3A_236 = arith.constant 0.000000e+00 : f32
    %max3A_237 = vector.broadcast %max3A_236 : f32 to vector<8x2048xf32>
    %max3A_238 = arith.maximumf %add3A_235, %max3A_237 : vector<8x2048xf32>
    %convert_element_type3A_239 = arith.truncf %max3A_238 : vector<8x2048xf32> to vector<8x2048xbf16>
    %convert_element_type3A_240 = arith.extf %convert_element_type3A_239 : vector<8x2048xbf16> to vector<8x2048xf32>
    %get3A_241 = arith.constant 5 : index
    %get3A_242 = memref.load %arg3[%get3A_241] : memref<10xf32, #tpu.memory_space<smem>>
    %slice3A_243 = vector.extract_strided_slice %convert_element_type3A_4 {offsets = [0, 0, 0], sizes = [1, 8, 2048], strides = [1, 1, 1]} : vector<4x8x2048xf32> to vector<1x8x2048xf32>
    %squeeze3A_244 = vector.shape_cast %slice3A_243 : vector<1x8x2048xf32> to vector<8x2048xf32>
    %get3A_245 = arith.constant 0 : index
    %get3A_246 = arith.constant 5 : index
    %get3A_247 = memref.load %arg2[%get3A_245, %get3A_246] : memref<4x10xf32, #tpu.memory_space<smem>>
    %convert_element_type3A_248 = arith.truncf %get3A_247 : f32 to bf16
    %convert_element_type3A_249 = arith.extf %convert_element_type3A_248 : bf16 to f32
    %mul3A_250 = vector.broadcast %convert_element_type3A_249 : f32 to vector<8x2048xf32>
    %mul3A_251 = arith.mulf %squeeze3A_244, %mul3A_250 : vector<8x2048xf32>
    %add3A_252 = vector.broadcast %get3A_242 : f32 to vector<8x2048xf32>
    %add3A_253 = arith.addf %add3A_252, %mul3A_251 : vector<8x2048xf32>
    %slice3A_254 = vector.extract_strided_slice %convert_element_type3A_4 {offsets = [1, 0, 0], sizes = [1, 8, 2048], strides = [1, 1, 1]} : vector<4x8x2048xf32> to vector<1x8x2048xf32>
    %squeeze3A_255 = vector.shape_cast %slice3A_254 : vector<1x8x2048xf32> to vector<8x2048xf32>
    %get3A_256 = arith.constant 1 : index
    %get3A_257 = arith.constant 5 : index
    %get3A_258 = memref.load %arg2[%get3A_256, %get3A_257] : memref<4x10xf32, #tpu.memory_space<smem>>
    %convert_element_type3A_259 = arith.truncf %get3A_258 : f32 to bf16
    %convert_element_type3A_260 = arith.extf %convert_element_type3A_259 : bf16 to f32
    %mul3A_261 = vector.broadcast %convert_element_type3A_260 : f32 to vector<8x2048xf32>
    %mul3A_262 = arith.mulf %squeeze3A_255, %mul3A_261 : vector<8x2048xf32>
    %add3A_263 = arith.addf %add3A_253, %mul3A_262 : vector<8x2048xf32>
    %slice3A_264 = vector.extract_strided_slice %convert_element_type3A_4 {offsets = [2, 0, 0], sizes = [1, 8, 2048], strides = [1, 1, 1]} : vector<4x8x2048xf32> to vector<1x8x2048xf32>
    %squeeze3A_265 = vector.shape_cast %slice3A_264 : vector<1x8x2048xf32> to vector<8x2048xf32>
    %get3A_266 = arith.constant 2 : index
    %get3A_267 = arith.constant 5 : index
    %get3A_268 = memref.load %arg2[%get3A_266, %get3A_267] : memref<4x10xf32, #tpu.memory_space<smem>>
    %convert_element_type3A_269 = arith.truncf %get3A_268 : f32 to bf16
    %convert_element_type3A_270 = arith.extf %convert_element_type3A_269 : bf16 to f32
    %mul3A_271 = vector.broadcast %convert_element_type3A_270 : f32 to vector<8x2048xf32>
    %mul3A_272 = arith.mulf %squeeze3A_265, %mul3A_271 : vector<8x2048xf32>
    %add3A_273 = arith.addf %add3A_263, %mul3A_272 : vector<8x2048xf32>
    %slice3A_274 = vector.extract_strided_slice %convert_element_type3A_4 {offsets = [3, 0, 0], sizes = [1, 8, 2048], strides = [1, 1, 1]} : vector<4x8x2048xf32> to vector<1x8x2048xf32>
    %squeeze3A_275 = vector.shape_cast %slice3A_274 : vector<1x8x2048xf32> to vector<8x2048xf32>
    %get3A_276 = arith.constant 3 : index
    %get3A_277 = arith.constant 5 : index
    %get3A_278 = memref.load %arg2[%get3A_276, %get3A_277] : memref<4x10xf32, #tpu.memory_space<smem>>
    %convert_element_type3A_279 = arith.truncf %get3A_278 : f32 to bf16
    %convert_element_type3A_280 = arith.extf %convert_element_type3A_279 : bf16 to f32
    %mul3A_281 = vector.broadcast %convert_element_type3A_280 : f32 to vector<8x2048xf32>
    %mul3A_282 = arith.mulf %squeeze3A_275, %mul3A_281 : vector<8x2048xf32>
    %add3A_283 = arith.addf %add3A_273, %mul3A_282 : vector<8x2048xf32>
    %max3A_284 = arith.constant 0.000000e+00 : f32
    %max3A_285 = vector.broadcast %max3A_284 : f32 to vector<8x2048xf32>
    %max3A_286 = arith.maximumf %add3A_283, %max3A_285 : vector<8x2048xf32>
    %convert_element_type3A_287 = arith.truncf %max3A_286 : vector<8x2048xf32> to vector<8x2048xbf16>
    %convert_element_type3A_288 = arith.extf %convert_element_type3A_287 : vector<8x2048xbf16> to vector<8x2048xf32>
    %get3A_289 = arith.constant 6 : index
    %get3A_290 = memref.load %arg3[%get3A_289] : memref<10xf32, #tpu.memory_space<smem>>
    %slice3A_291 = vector.extract_strided_slice %convert_element_type3A_4 {offsets = [0, 0, 0], sizes = [1, 8, 2048], strides = [1, 1, 1]} : vector<4x8x2048xf32> to vector<1x8x2048xf32>
    %squeeze3A_292 = vector.shape_cast %slice3A_291 : vector<1x8x2048xf32> to vector<8x2048xf32>
    %get3A_293 = arith.constant 0 : index
    %get3A_294 = arith.constant 6 : index
    %get3A_295 = memref.load %arg2[%get3A_293, %get3A_294] : memref<4x10xf32, #tpu.memory_space<smem>>
    %convert_element_type3A_296 = arith.truncf %get3A_295 : f32 to bf16
    %convert_element_type3A_297 = arith.extf %convert_element_type3A_296 : bf16 to f32
    %mul3A_298 = vector.broadcast %convert_element_type3A_297 : f32 to vector<8x2048xf32>
    %mul3A_299 = arith.mulf %squeeze3A_292, %mul3A_298 : vector<8x2048xf32>
    %add3A_300 = vector.broadcast %get3A_290 : f32 to vector<8x2048xf32>
    %add3A_301 = arith.addf %add3A_300, %mul3A_299 : vector<8x2048xf32>
    %slice3A_302 = vector.extract_strided_slice %convert_element_type3A_4 {offsets = [1, 0, 0], sizes = [1, 8, 2048], strides = [1, 1, 1]} : vector<4x8x2048xf32> to vector<1x8x2048xf32>
    %squeeze3A_303 = vector.shape_cast %slice3A_302 : vector<1x8x2048xf32> to vector<8x2048xf32>
    %get3A_304 = arith.constant 1 : index
    %get3A_305 = arith.constant 6 : index
    %get3A_306 = memref.load %arg2[%get3A_304, %get3A_305] : memref<4x10xf32, #tpu.memory_space<smem>>
    %convert_element_type3A_307 = arith.truncf %get3A_306 : f32 to bf16
    %convert_element_type3A_308 = arith.extf %convert_element_type3A_307 : bf16 to f32
    %mul3A_309 = vector.broadcast %convert_element_type3A_308 : f32 to vector<8x2048xf32>
    %mul3A_310 = arith.mulf %squeeze3A_303, %mul3A_309 : vector<8x2048xf32>
    %add3A_311 = arith.addf %add3A_301, %mul3A_310 : vector<8x2048xf32>
    %slice3A_312 = vector.extract_strided_slice %convert_element_type3A_4 {offsets = [2, 0, 0], sizes = [1, 8, 2048], strides = [1, 1, 1]} : vector<4x8x2048xf32> to vector<1x8x2048xf32>
    %squeeze3A_313 = vector.shape_cast %slice3A_312 : vector<1x8x2048xf32> to vector<8x2048xf32>
    %get3A_314 = arith.constant 2 : index
    %get3A_315 = arith.constant 6 : index
    %get3A_316 = memref.load %arg2[%get3A_314, %get3A_315] : memref<4x10xf32, #tpu.memory_space<smem>>
    %convert_element_type3A_317 = arith.truncf %get3A_316 : f32 to bf16
    %convert_element_type3A_318 = arith.extf %convert_element_type3A_317 : bf16 to f32
    %mul3A_319 = vector.broadcast %convert_element_type3A_318 : f32 to vector<8x2048xf32>
    %mul3A_320 = arith.mulf %squeeze3A_313, %mul3A_319 : vector<8x2048xf32>
    %add3A_321 = arith.addf %add3A_311, %mul3A_320 : vector<8x2048xf32>
    %slice3A_322 = vector.extract_strided_slice %convert_element_type3A_4 {offsets = [3, 0, 0], sizes = [1, 8, 2048], strides = [1, 1, 1]} : vector<4x8x2048xf32> to vector<1x8x2048xf32>
    %squeeze3A_323 = vector.shape_cast %slice3A_322 : vector<1x8x2048xf32> to vector<8x2048xf32>
    %get3A_324 = arith.constant 3 : index
    %get3A_325 = arith.constant 6 : index
    %get3A_326 = memref.load %arg2[%get3A_324, %get3A_325] : memref<4x10xf32, #tpu.memory_space<smem>>
    %convert_element_type3A_327 = arith.truncf %get3A_326 : f32 to bf16
    %convert_element_type3A_328 = arith.extf %convert_element_type3A_327 : bf16 to f32
    %mul3A_329 = vector.broadcast %convert_element_type3A_328 : f32 to vector<8x2048xf32>
    %mul3A_330 = arith.mulf %squeeze3A_323, %mul3A_329 : vector<8x2048xf32>
    %add3A_331 = arith.addf %add3A_321, %mul3A_330 : vector<8x2048xf32>
    %max3A_332 = arith.constant 0.000000e+00 : f32
    %max3A_333 = vector.broadcast %max3A_332 : f32 to vector<8x2048xf32>
    %max3A_334 = arith.maximumf %add3A_331, %max3A_333 : vector<8x2048xf32>
    %convert_element_type3A_335 = arith.truncf %max3A_334 : vector<8x2048xf32> to vector<8x2048xbf16>
    %convert_element_type3A_336 = arith.extf %convert_element_type3A_335 : vector<8x2048xbf16> to vector<8x2048xf32>
    %get3A_337 = arith.constant 7 : index
    %get3A_338 = memref.load %arg3[%get3A_337] : memref<10xf32, #tpu.memory_space<smem>>
    %slice3A_339 = vector.extract_strided_slice %convert_element_type3A_4 {offsets = [0, 0, 0], sizes = [1, 8, 2048], strides = [1, 1, 1]} : vector<4x8x2048xf32> to vector<1x8x2048xf32>
    %squeeze3A_340 = vector.shape_cast %slice3A_339 : vector<1x8x2048xf32> to vector<8x2048xf32>
    %get3A_341 = arith.constant 0 : index
    %get3A_342 = arith.constant 7 : index
    %get3A_343 = memref.load %arg2[%get3A_341, %get3A_342] : memref<4x10xf32, #tpu.memory_space<smem>>
    %convert_element_type3A_344 = arith.truncf %get3A_343 : f32 to bf16
    %convert_element_type3A_345 = arith.extf %convert_element_type3A_344 : bf16 to f32
    %mul3A_346 = vector.broadcast %convert_element_type3A_345 : f32 to vector<8x2048xf32>
    %mul3A_347 = arith.mulf %squeeze3A_340, %mul3A_346 : vector<8x2048xf32>
    %add3A_348 = vector.broadcast %get3A_338 : f32 to vector<8x2048xf32>
    %add3A_349 = arith.addf %add3A_348, %mul3A_347 : vector<8x2048xf32>
    %slice3A_350 = vector.extract_strided_slice %convert_element_type3A_4 {offsets = [1, 0, 0], sizes = [1, 8, 2048], strides = [1, 1, 1]} : vector<4x8x2048xf32> to vector<1x8x2048xf32>
    %squeeze3A_351 = vector.shape_cast %slice3A_350 : vector<1x8x2048xf32> to vector<8x2048xf32>
    %get3A_352 = arith.constant 1 : index
    %get3A_353 = arith.constant 7 : index
    %get3A_354 = memref.load %arg2[%get3A_352, %get3A_353] : memref<4x10xf32, #tpu.memory_space<smem>>
    %convert_element_type3A_355 = arith.truncf %get3A_354 : f32 to bf16
    %convert_element_type3A_356 = arith.extf %convert_element_type3A_355 : bf16 to f32
    %mul3A_357 = vector.broadcast %convert_element_type3A_356 : f32 to vector<8x2048xf32>
    %mul3A_358 = arith.mulf %squeeze3A_351, %mul3A_357 : vector<8x2048xf32>
    %add3A_359 = arith.addf %add3A_349, %mul3A_358 : vector<8x2048xf32>
    %slice3A_360 = vector.extract_strided_slice %convert_element_type3A_4 {offsets = [2, 0, 0], sizes = [1, 8, 2048], strides = [1, 1, 1]} : vector<4x8x2048xf32> to vector<1x8x2048xf32>
    %squeeze3A_361 = vector.shape_cast %slice3A_360 : vector<1x8x2048xf32> to vector<8x2048xf32>
    %get3A_362 = arith.constant 2 : index
    %get3A_363 = arith.constant 7 : index
    %get3A_364 = memref.load %arg2[%get3A_362, %get3A_363] : memref<4x10xf32, #tpu.memory_space<smem>>
    %convert_element_type3A_365 = arith.truncf %get3A_364 : f32 to bf16
    %convert_element_type3A_366 = arith.extf %convert_element_type3A_365 : bf16 to f32
    %mul3A_367 = vector.broadcast %convert_element_type3A_366 : f32 to vector<8x2048xf32>
    %mul3A_368 = arith.mulf %squeeze3A_361, %mul3A_367 : vector<8x2048xf32>
    %add3A_369 = arith.addf %add3A_359, %mul3A_368 : vector<8x2048xf32>
    %slice3A_370 = vector.extract_strided_slice %convert_element_type3A_4 {offsets = [3, 0, 0], sizes = [1, 8, 2048], strides = [1, 1, 1]} : vector<4x8x2048xf32> to vector<1x8x2048xf32>
    %squeeze3A_371 = vector.shape_cast %slice3A_370 : vector<1x8x2048xf32> to vector<8x2048xf32>
    %get3A_372 = arith.constant 3 : index
    %get3A_373 = arith.constant 7 : index
    %get3A_374 = memref.load %arg2[%get3A_372, %get3A_373] : memref<4x10xf32, #tpu.memory_space<smem>>
    %convert_element_type3A_375 = arith.truncf %get3A_374 : f32 to bf16
    %convert_element_type3A_376 = arith.extf %convert_element_type3A_375 : bf16 to f32
    %mul3A_377 = vector.broadcast %convert_element_type3A_376 : f32 to vector<8x2048xf32>
    %mul3A_378 = arith.mulf %squeeze3A_371, %mul3A_377 : vector<8x2048xf32>
    %add3A_379 = arith.addf %add3A_369, %mul3A_378 : vector<8x2048xf32>
    %max3A_380 = arith.constant 0.000000e+00 : f32
    %max3A_381 = vector.broadcast %max3A_380 : f32 to vector<8x2048xf32>
    %max3A_382 = arith.maximumf %add3A_379, %max3A_381 : vector<8x2048xf32>
    %convert_element_type3A_383 = arith.truncf %max3A_382 : vector<8x2048xf32> to vector<8x2048xbf16>
    %convert_element_type3A_384 = arith.extf %convert_element_type3A_383 : vector<8x2048xbf16> to vector<8x2048xf32>
    %get3A_385 = arith.constant 8 : index
    %get3A_386 = memref.load %arg3[%get3A_385] : memref<10xf32, #tpu.memory_space<smem>>
    %slice3A_387 = vector.extract_strided_slice %convert_element_type3A_4 {offsets = [0, 0, 0], sizes = [1, 8, 2048], strides = [1, 1, 1]} : vector<4x8x2048xf32> to vector<1x8x2048xf32>
    %squeeze3A_388 = vector.shape_cast %slice3A_387 : vector<1x8x2048xf32> to vector<8x2048xf32>
    %get3A_389 = arith.constant 0 : index
    %get3A_390 = arith.constant 8 : index
    %get3A_391 = memref.load %arg2[%get3A_389, %get3A_390] : memref<4x10xf32, #tpu.memory_space<smem>>
    %convert_element_type3A_392 = arith.truncf %get3A_391 : f32 to bf16
    %convert_element_type3A_393 = arith.extf %convert_element_type3A_392 : bf16 to f32
    %mul3A_394 = vector.broadcast %convert_element_type3A_393 : f32 to vector<8x2048xf32>
    %mul3A_395 = arith.mulf %squeeze3A_388, %mul3A_394 : vector<8x2048xf32>
    %add3A_396 = vector.broadcast %get3A_386 : f32 to vector<8x2048xf32>
    %add3A_397 = arith.addf %add3A_396, %mul3A_395 : vector<8x2048xf32>
    %slice3A_398 = vector.extract_strided_slice %convert_element_type3A_4 {offsets = [1, 0, 0], sizes = [1, 8, 2048], strides = [1, 1, 1]} : vector<4x8x2048xf32> to vector<1x8x2048xf32>
    %squeeze3A_399 = vector.shape_cast %slice3A_398 : vector<1x8x2048xf32> to vector<8x2048xf32>
    %get3A_400 = arith.constant 1 : index
    %get3A_401 = arith.constant 8 : index
    %get3A_402 = memref.load %arg2[%get3A_400, %get3A_401] : memref<4x10xf32, #tpu.memory_space<smem>>
    %convert_element_type3A_403 = arith.truncf %get3A_402 : f32 to bf16
    %convert_element_type3A_404 = arith.extf %convert_element_type3A_403 : bf16 to f32
    %mul3A_405 = vector.broadcast %convert_element_type3A_404 : f32 to vector<8x2048xf32>
    %mul3A_406 = arith.mulf %squeeze3A_399, %mul3A_405 : vector<8x2048xf32>
    %add3A_407 = arith.addf %add3A_397, %mul3A_406 : vector<8x2048xf32>
    %slice3A_408 = vector.extract_strided_slice %convert_element_type3A_4 {offsets = [2, 0, 0], sizes = [1, 8, 2048], strides = [1, 1, 1]} : vector<4x8x2048xf32> to vector<1x8x2048xf32>
    %squeeze3A_409 = vector.shape_cast %slice3A_408 : vector<1x8x2048xf32> to vector<8x2048xf32>
    %get3A_410 = arith.constant 2 : index
    %get3A_411 = arith.constant 8 : index
    %get3A_412 = memref.load %arg2[%get3A_410, %get3A_411] : memref<4x10xf32, #tpu.memory_space<smem>>
    %convert_element_type3A_413 = arith.truncf %get3A_412 : f32 to bf16
    %convert_element_type3A_414 = arith.extf %convert_element_type3A_413 : bf16 to f32
    %mul3A_415 = vector.broadcast %convert_element_type3A_414 : f32 to vector<8x2048xf32>
    %mul3A_416 = arith.mulf %squeeze3A_409, %mul3A_415 : vector<8x2048xf32>
    %add3A_417 = arith.addf %add3A_407, %mul3A_416 : vector<8x2048xf32>
    %slice3A_418 = vector.extract_strided_slice %convert_element_type3A_4 {offsets = [3, 0, 0], sizes = [1, 8, 2048], strides = [1, 1, 1]} : vector<4x8x2048xf32> to vector<1x8x2048xf32>
    %squeeze3A_419 = vector.shape_cast %slice3A_418 : vector<1x8x2048xf32> to vector<8x2048xf32>
    %get3A_420 = arith.constant 3 : index
    %get3A_421 = arith.constant 8 : index
    %get3A_422 = memref.load %arg2[%get3A_420, %get3A_421] : memref<4x10xf32, #tpu.memory_space<smem>>
    %convert_element_type3A_423 = arith.truncf %get3A_422 : f32 to bf16
    %convert_element_type3A_424 = arith.extf %convert_element_type3A_423 : bf16 to f32
    %mul3A_425 = vector.broadcast %convert_element_type3A_424 : f32 to vector<8x2048xf32>
    %mul3A_426 = arith.mulf %squeeze3A_419, %mul3A_425 : vector<8x2048xf32>
    %add3A_427 = arith.addf %add3A_417, %mul3A_426 : vector<8x2048xf32>
    %max3A_428 = arith.constant 0.000000e+00 : f32
    %max3A_429 = vector.broadcast %max3A_428 : f32 to vector<8x2048xf32>
    %max3A_430 = arith.maximumf %add3A_427, %max3A_429 : vector<8x2048xf32>
    %convert_element_type3A_431 = arith.truncf %max3A_430 : vector<8x2048xf32> to vector<8x2048xbf16>
    %convert_element_type3A_432 = arith.extf %convert_element_type3A_431 : vector<8x2048xbf16> to vector<8x2048xf32>
    %get3A_433 = arith.constant 9 : index
    %get3A_434 = memref.load %arg3[%get3A_433] : memref<10xf32, #tpu.memory_space<smem>>
    %slice3A_435 = vector.extract_strided_slice %convert_element_type3A_4 {offsets = [0, 0, 0], sizes = [1, 8, 2048], strides = [1, 1, 1]} : vector<4x8x2048xf32> to vector<1x8x2048xf32>
    %squeeze3A_436 = vector.shape_cast %slice3A_435 : vector<1x8x2048xf32> to vector<8x2048xf32>
    %get3A_437 = arith.constant 0 : index
    %get3A_438 = arith.constant 9 : index
    %get3A_439 = memref.load %arg2[%get3A_437, %get3A_438] : memref<4x10xf32, #tpu.memory_space<smem>>
    %convert_element_type3A_440 = arith.truncf %get3A_439 : f32 to bf16
    %convert_element_type3A_441 = arith.extf %convert_element_type3A_440 : bf16 to f32
    %mul3A_442 = vector.broadcast %convert_element_type3A_441 : f32 to vector<8x2048xf32>
    %mul3A_443 = arith.mulf %squeeze3A_436, %mul3A_442 : vector<8x2048xf32>
    %add3A_444 = vector.broadcast %get3A_434 : f32 to vector<8x2048xf32>
    %add3A_445 = arith.addf %add3A_444, %mul3A_443 : vector<8x2048xf32>
    %slice3A_446 = vector.extract_strided_slice %convert_element_type3A_4 {offsets = [1, 0, 0], sizes = [1, 8, 2048], strides = [1, 1, 1]} : vector<4x8x2048xf32> to vector<1x8x2048xf32>
    %squeeze3A_447 = vector.shape_cast %slice3A_446 : vector<1x8x2048xf32> to vector<8x2048xf32>
    %get3A_448 = arith.constant 1 : index
    %get3A_449 = arith.constant 9 : index
    %get3A_450 = memref.load %arg2[%get3A_448, %get3A_449] : memref<4x10xf32, #tpu.memory_space<smem>>
    %convert_element_type3A_451 = arith.truncf %get3A_450 : f32 to bf16
    %convert_element_type3A_452 = arith.extf %convert_element_type3A_451 : bf16 to f32
    %mul3A_453 = vector.broadcast %convert_element_type3A_452 : f32 to vector<8x2048xf32>
    %mul3A_454 = arith.mulf %squeeze3A_447, %mul3A_453 : vector<8x2048xf32>
    %add3A_455 = arith.addf %add3A_445, %mul3A_454 : vector<8x2048xf32>
    %slice3A_456 = vector.extract_strided_slice %convert_element_type3A_4 {offsets = [2, 0, 0], sizes = [1, 8, 2048], strides = [1, 1, 1]} : vector<4x8x2048xf32> to vector<1x8x2048xf32>
    %squeeze3A_457 = vector.shape_cast %slice3A_456 : vector<1x8x2048xf32> to vector<8x2048xf32>
    %get3A_458 = arith.constant 2 : index
    %get3A_459 = arith.constant 9 : index
    %get3A_460 = memref.load %arg2[%get3A_458, %get3A_459] : memref<4x10xf32, #tpu.memory_space<smem>>
    %convert_element_type3A_461 = arith.truncf %get3A_460 : f32 to bf16
    %convert_element_type3A_462 = arith.extf %convert_element_type3A_461 : bf16 to f32
    %mul3A_463 = vector.broadcast %convert_element_type3A_462 : f32 to vector<8x2048xf32>
    %mul3A_464 = arith.mulf %squeeze3A_457, %mul3A_463 : vector<8x2048xf32>
    %add3A_465 = arith.addf %add3A_455, %mul3A_464 : vector<8x2048xf32>
    %slice3A_466 = vector.extract_strided_slice %convert_element_type3A_4 {offsets = [3, 0, 0], sizes = [1, 8, 2048], strides = [1, 1, 1]} : vector<4x8x2048xf32> to vector<1x8x2048xf32>
    %squeeze3A_467 = vector.shape_cast %slice3A_466 : vector<1x8x2048xf32> to vector<8x2048xf32>
    %get3A_468 = arith.constant 3 : index
    %get3A_469 = arith.constant 9 : index
    %get3A_470 = memref.load %arg2[%get3A_468, %get3A_469] : memref<4x10xf32, #tpu.memory_space<smem>>
    %convert_element_type3A_471 = arith.truncf %get3A_470 : f32 to bf16
    %convert_element_type3A_472 = arith.extf %convert_element_type3A_471 : bf16 to f32
    %mul3A_473 = vector.broadcast %convert_element_type3A_472 : f32 to vector<8x2048xf32>
    %mul3A_474 = arith.mulf %squeeze3A_467, %mul3A_473 : vector<8x2048xf32>
    %add3A_475 = arith.addf %add3A_465, %mul3A_474 : vector<8x2048xf32>
    %max3A_476 = arith.constant 0.000000e+00 : f32
    %max3A_477 = vector.broadcast %max3A_476 : f32 to vector<8x2048xf32>
    %max3A_478 = arith.maximumf %add3A_475, %max3A_477 : vector<8x2048xf32>
    %convert_element_type3A_479 = arith.truncf %max3A_478 : vector<8x2048xf32> to vector<8x2048xbf16>
    %convert_element_type3A_480 = arith.extf %convert_element_type3A_479 : vector<8x2048xbf16> to vector<8x2048xf32>
    %get3A_481 = arith.constant 0 : index
    %get3A_482 = memref.load %arg5[%get3A_481] : memref<2xf32, #tpu.memory_space<smem>>
    %get3A_483 = arith.constant 1 : index
    %get3A_484 = memref.load %arg5[%get3A_483] : memref<2xf32, #tpu.memory_space<smem>>
    %get3A_485 = arith.constant 0 : index
    %get3A_486 = arith.constant 0 : index
    %get3A_487 = memref.load %arg4[%get3A_485, %get3A_486] : memref<10x2xf32, #tpu.memory_space<smem>>
    %convert_element_type3A_488 = arith.truncf %get3A_487 : f32 to bf16
    %convert_element_type3A_489 = arith.extf %convert_element_type3A_488 : bf16 to f32
    %mul3A_490 = vector.broadcast %convert_element_type3A_489 : f32 to vector<8x2048xf32>
    %mul3A_491 = arith.mulf %convert_element_type3A_48, %mul3A_490 : vector<8x2048xf32>
    %add3A_492 = vector.broadcast %get3A_482 : f32 to vector<8x2048xf32>
    %add3A_493 = arith.addf %add3A_492, %mul3A_491 : vector<8x2048xf32>
    %get3A_494 = arith.constant 0 : index
    %get3A_495 = arith.constant 1 : index
    %get3A_496 = memref.load %arg4[%get3A_494, %get3A_495] : memref<10x2xf32, #tpu.memory_space<smem>>
    %convert_element_type3A_497 = arith.truncf %get3A_496 : f32 to bf16
    %convert_element_type3A_498 = arith.extf %convert_element_type3A_497 : bf16 to f32
    %mul3A_499 = vector.broadcast %convert_element_type3A_498 : f32 to vector<8x2048xf32>
    %mul3A_500 = arith.mulf %convert_element_type3A_48, %mul3A_499 : vector<8x2048xf32>
    %add3A_501 = vector.broadcast %get3A_484 : f32 to vector<8x2048xf32>
    %add3A_502 = arith.addf %add3A_501, %mul3A_500 : vector<8x2048xf32>
    %get3A_503 = arith.constant 1 : index
    %get3A_504 = arith.constant 0 : index
    %get3A_505 = memref.load %arg4[%get3A_503, %get3A_504] : memref<10x2xf32, #tpu.memory_space<smem>>
    %convert_element_type3A_506 = arith.truncf %get3A_505 : f32 to bf16
    %convert_element_type3A_507 = arith.extf %convert_element_type3A_506 : bf16 to f32
    %mul3A_508 = vector.broadcast %convert_element_type3A_507 : f32 to vector<8x2048xf32>
    %mul3A_509 = arith.mulf %convert_element_type3A_96, %mul3A_508 : vector<8x2048xf32>
    %add3A_510 = arith.addf %add3A_493, %mul3A_509 : vector<8x2048xf32>
    %get3A_511 = arith.constant 1 : index
    %get3A_512 = arith.constant 1 : index
    %get3A_513 = memref.load %arg4[%get3A_511, %get3A_512] : memref<10x2xf32, #tpu.memory_space<smem>>
    %convert_element_type3A_514 = arith.truncf %get3A_513 : f32 to bf16
    %convert_element_type3A_515 = arith.extf %convert_element_type3A_514 : bf16 to f32
    %mul3A_516 = vector.broadcast %convert_element_type3A_515 : f32 to vector<8x2048xf32>
    %mul3A_517 = arith.mulf %convert_element_type3A_96, %mul3A_516 : vector<8x2048xf32>
    %add3A_518 = arith.addf %add3A_502, %mul3A_517 : vector<8x2048xf32>
    %get3A_519 = arith.constant 2 : index
    %get3A_520 = arith.constant 0 : index
    %get3A_521 = memref.load %arg4[%get3A_519, %get3A_520] : memref<10x2xf32, #tpu.memory_space<smem>>
    %convert_element_type3A_522 = arith.truncf %get3A_521 : f32 to bf16
    %convert_element_type3A_523 = arith.extf %convert_element_type3A_522 : bf16 to f32
    %mul3A_524 = vector.broadcast %convert_element_type3A_523 : f32 to vector<8x2048xf32>
    %mul3A_525 = arith.mulf %convert_element_type3A_144, %mul3A_524 : vector<8x2048xf32>
    %add3A_526 = arith.addf %add3A_510, %mul3A_525 : vector<8x2048xf32>
    %get3A_527 = arith.constant 2 : index
    %get3A_528 = arith.constant 1 : index
    %get3A_529 = memref.load %arg4[%get3A_527, %get3A_528] : memref<10x2xf32, #tpu.memory_space<smem>>
    %convert_element_type3A_530 = arith.truncf %get3A_529 : f32 to bf16
    %convert_element_type3A_531 = arith.extf %convert_element_type3A_530 : bf16 to f32
    %mul3A_532 = vector.broadcast %convert_element_type3A_531 : f32 to vector<8x2048xf32>
    %mul3A_533 = arith.mulf %convert_element_type3A_144, %mul3A_532 : vector<8x2048xf32>
    %add3A_534 = arith.addf %add3A_518, %mul3A_533 : vector<8x2048xf32>
    %get3A_535 = arith.constant 3 : index
    %get3A_536 = arith.constant 0 : index
    %get3A_537 = memref.load %arg4[%get3A_535, %get3A_536] : memref<10x2xf32, #tpu.memory_space<smem>>
    %convert_element_type3A_538 = arith.truncf %get3A_537 : f32 to bf16
    %convert_element_type3A_539 = arith.extf %convert_element_type3A_538 : bf16 to f32
    %mul3A_540 = vector.broadcast %convert_element_type3A_539 : f32 to vector<8x2048xf32>
    %mul3A_541 = arith.mulf %convert_element_type3A_192, %mul3A_540 : vector<8x2048xf32>
    %add3A_542 = arith.addf %add3A_526, %mul3A_541 : vector<8x2048xf32>
    %get3A_543 = arith.constant 3 : index
    %get3A_544 = arith.constant 1 : index
    %get3A_545 = memref.load %arg4[%get3A_543, %get3A_544] : memref<10x2xf32, #tpu.memory_space<smem>>
    %convert_element_type3A_546 = arith.truncf %get3A_545 : f32 to bf16
    %convert_element_type3A_547 = arith.extf %convert_element_type3A_546 : bf16 to f32
    %mul3A_548 = vector.broadcast %convert_element_type3A_547 : f32 to vector<8x2048xf32>
    %mul3A_549 = arith.mulf %convert_element_type3A_192, %mul3A_548 : vector<8x2048xf32>
    %add3A_550 = arith.addf %add3A_534, %mul3A_549 : vector<8x2048xf32>
    %get3A_551 = arith.constant 4 : index
    %get3A_552 = arith.constant 0 : index
    %get3A_553 = memref.load %arg4[%get3A_551, %get3A_552] : memref<10x2xf32, #tpu.memory_space<smem>>
    %convert_element_type3A_554 = arith.truncf %get3A_553 : f32 to bf16
    %convert_element_type3A_555 = arith.extf %convert_element_type3A_554 : bf16 to f32
    %mul3A_556 = vector.broadcast %convert_element_type3A_555 : f32 to vector<8x2048xf32>
    %mul3A_557 = arith.mulf %convert_element_type3A_240, %mul3A_556 : vector<8x2048xf32>
    %add3A_558 = arith.addf %add3A_542, %mul3A_557 : vector<8x2048xf32>
    %get3A_559 = arith.constant 4 : index
    %get3A_560 = arith.constant 1 : index
    %get3A_561 = memref.load %arg4[%get3A_559, %get3A_560] : memref<10x2xf32, #tpu.memory_space<smem>>
    %convert_element_type3A_562 = arith.truncf %get3A_561 : f32 to bf16
    %convert_element_type3A_563 = arith.extf %convert_element_type3A_562 : bf16 to f32
    %mul3A_564 = vector.broadcast %convert_element_type3A_563 : f32 to vector<8x2048xf32>
    %mul3A_565 = arith.mulf %convert_element_type3A_240, %mul3A_564 : vector<8x2048xf32>
    %add3A_566 = arith.addf %add3A_550, %mul3A_565 : vector<8x2048xf32>
    %get3A_567 = arith.constant 5 : index
    %get3A_568 = arith.constant 0 : index
    %get3A_569 = memref.load %arg4[%get3A_567, %get3A_568] : memref<10x2xf32, #tpu.memory_space<smem>>
    %convert_element_type3A_570 = arith.truncf %get3A_569 : f32 to bf16
    %convert_element_type3A_571 = arith.extf %convert_element_type3A_570 : bf16 to f32
    %mul3A_572 = vector.broadcast %convert_element_type3A_571 : f32 to vector<8x2048xf32>
    %mul3A_573 = arith.mulf %convert_element_type3A_288, %mul3A_572 : vector<8x2048xf32>
    %add3A_574 = arith.addf %add3A_558, %mul3A_573 : vector<8x2048xf32>
    %get3A_575 = arith.constant 5 : index
    %get3A_576 = arith.constant 1 : index
    %get3A_577 = memref.load %arg4[%get3A_575, %get3A_576] : memref<10x2xf32, #tpu.memory_space<smem>>
    %convert_element_type3A_578 = arith.truncf %get3A_577 : f32 to bf16
    %convert_element_type3A_579 = arith.extf %convert_element_type3A_578 : bf16 to f32
    %mul3A_580 = vector.broadcast %convert_element_type3A_579 : f32 to vector<8x2048xf32>
    %mul3A_581 = arith.mulf %convert_element_type3A_288, %mul3A_580 : vector<8x2048xf32>
    %add3A_582 = arith.addf %add3A_566, %mul3A_581 : vector<8x2048xf32>
    %get3A_583 = arith.constant 6 : index
    %get3A_584 = arith.constant 0 : index
    %get3A_585 = memref.load %arg4[%get3A_583, %get3A_584] : memref<10x2xf32, #tpu.memory_space<smem>>
    %convert_element_type3A_586 = arith.truncf %get3A_585 : f32 to bf16
    %convert_element_type3A_587 = arith.extf %convert_element_type3A_586 : bf16 to f32
    %mul3A_588 = vector.broadcast %convert_element_type3A_587 : f32 to vector<8x2048xf32>
    %mul3A_589 = arith.mulf %convert_element_type3A_336, %mul3A_588 : vector<8x2048xf32>
    %add3A_590 = arith.addf %add3A_574, %mul3A_589 : vector<8x2048xf32>
    %get3A_591 = arith.constant 6 : index
    %get3A_592 = arith.constant 1 : index
    %get3A_593 = memref.load %arg4[%get3A_591, %get3A_592] : memref<10x2xf32, #tpu.memory_space<smem>>
    %convert_element_type3A_594 = arith.truncf %get3A_593 : f32 to bf16
    %convert_element_type3A_595 = arith.extf %convert_element_type3A_594 : bf16 to f32
    %mul3A_596 = vector.broadcast %convert_element_type3A_595 : f32 to vector<8x2048xf32>
    %mul3A_597 = arith.mulf %convert_element_type3A_336, %mul3A_596 : vector<8x2048xf32>
    %add3A_598 = arith.addf %add3A_582, %mul3A_597 : vector<8x2048xf32>
    %get3A_599 = arith.constant 7 : index
    %get3A_600 = arith.constant 0 : index
    %get3A_601 = memref.load %arg4[%get3A_599, %get3A_600] : memref<10x2xf32, #tpu.memory_space<smem>>
    %convert_element_type3A_602 = arith.truncf %get3A_601 : f32 to bf16
    %convert_element_type3A_603 = arith.extf %convert_element_type3A_602 : bf16 to f32
    %mul3A_604 = vector.broadcast %convert_element_type3A_603 : f32 to vector<8x2048xf32>
    %mul3A_605 = arith.mulf %convert_element_type3A_384, %mul3A_604 : vector<8x2048xf32>
    %add3A_606 = arith.addf %add3A_590, %mul3A_605 : vector<8x2048xf32>
    %get3A_607 = arith.constant 7 : index
    %get3A_608 = arith.constant 1 : index
    %get3A_609 = memref.load %arg4[%get3A_607, %get3A_608] : memref<10x2xf32, #tpu.memory_space<smem>>
    %convert_element_type3A_610 = arith.truncf %get3A_609 : f32 to bf16
    %convert_element_type3A_611 = arith.extf %convert_element_type3A_610 : bf16 to f32
    %mul3A_612 = vector.broadcast %convert_element_type3A_611 : f32 to vector<8x2048xf32>
    %mul3A_613 = arith.mulf %convert_element_type3A_384, %mul3A_612 : vector<8x2048xf32>
    %add3A_614 = arith.addf %add3A_598, %mul3A_613 : vector<8x2048xf32>
    %get3A_615 = arith.constant 8 : index
    %get3A_616 = arith.constant 0 : index
    %get3A_617 = memref.load %arg4[%get3A_615, %get3A_616] : memref<10x2xf32, #tpu.memory_space<smem>>
    %convert_element_type3A_618 = arith.truncf %get3A_617 : f32 to bf16
    %convert_element_type3A_619 = arith.extf %convert_element_type3A_618 : bf16 to f32
    %mul3A_620 = vector.broadcast %convert_element_type3A_619 : f32 to vector<8x2048xf32>
    %mul3A_621 = arith.mulf %convert_element_type3A_432, %mul3A_620 : vector<8x2048xf32>
    %add3A_622 = arith.addf %add3A_606, %mul3A_621 : vector<8x2048xf32>
    %get3A_623 = arith.constant 8 : index
    %get3A_624 = arith.constant 1 : index
    %get3A_625 = memref.load %arg4[%get3A_623, %get3A_624] : memref<10x2xf32, #tpu.memory_space<smem>>
    %convert_element_type3A_626 = arith.truncf %get3A_625 : f32 to bf16
    %convert_element_type3A_627 = arith.extf %convert_element_type3A_626 : bf16 to f32
    %mul3A_628 = vector.broadcast %convert_element_type3A_627 : f32 to vector<8x2048xf32>
    %mul3A_629 = arith.mulf %convert_element_type3A_432, %mul3A_628 : vector<8x2048xf32>
    %add3A_630 = arith.addf %add3A_614, %mul3A_629 : vector<8x2048xf32>
    %get3A_631 = arith.constant 9 : index
    %get3A_632 = arith.constant 0 : index
    %get3A_633 = memref.load %arg4[%get3A_631, %get3A_632] : memref<10x2xf32, #tpu.memory_space<smem>>
    %convert_element_type3A_634 = arith.truncf %get3A_633 : f32 to bf16
    %convert_element_type3A_635 = arith.extf %convert_element_type3A_634 : bf16 to f32
    %mul3A_636 = vector.broadcast %convert_element_type3A_635 : f32 to vector<8x2048xf32>
    %mul3A_637 = arith.mulf %convert_element_type3A_480, %mul3A_636 : vector<8x2048xf32>
    %add3A_638 = arith.addf %add3A_622, %mul3A_637 : vector<8x2048xf32>
    %get3A_639 = arith.constant 9 : index
    %get3A_640 = arith.constant 1 : index
    %get3A_641 = memref.load %arg4[%get3A_639, %get3A_640] : memref<10x2xf32, #tpu.memory_space<smem>>
    %convert_element_type3A_642 = arith.truncf %get3A_641 : f32 to bf16
    %convert_element_type3A_643 = arith.extf %convert_element_type3A_642 : bf16 to f32
    %mul3A_644 = vector.broadcast %convert_element_type3A_643 : f32 to vector<8x2048xf32>
    %mul3A_645 = arith.mulf %convert_element_type3A_480, %mul3A_644 : vector<8x2048xf32>
    %add3A_646 = arith.addf %add3A_630, %mul3A_645 : vector<8x2048xf32>
    %get3A_647 = arith.constant 0 : index
    %get3A_648 = memref.load %arg6[%get3A_647] : memref<1xf32, #tpu.memory_space<smem>>
    %get3A_649 = arith.constant 0 : index
    %get3A_650 = memref.load %arg6[%get3A_649] : memref<1xf32, #tpu.memory_space<smem>>
    %mul3A_651 = arith.mulf %get3A_648, %get3A_650 : f32
    %tanh3A = math.tanh %add3A_638 : vector<8x2048xf32>
    %add3A_652 = vector.broadcast %mul3A_651 : f32 to vector<8x2048xf32>
    %add3A_653 = arith.addf %tanh3A, %add3A_652 : vector<8x2048xf32>
    %broadcast_in_dim3A = vector.shape_cast %add3A_653 : vector<8x2048xf32> to vector<1x8x2048xf32>
    %swap3A = arith.constant 0 : index
    %swap3A_654 = arith.constant 0 : index
    %swap3A_655 = arith.constant 0 : index
    %swap3A_656 = vector.load %arg7[%swap3A, %swap3A_654, %swap3A_655] : memref<1x8x2048xf32, #tpu.memory_space<vmem>>, vector<1x8x2048xf32>
    tpu.vector_store %arg7[%swap3A, %swap3A_654, %swap3A_655], %broadcast_in_dim3A {strides = array<i32>} : memref<1x8x2048xf32, #tpu.memory_space<vmem>>, vector<1x8x2048xf32>,
    %tanh3A_657 = math.tanh %add3A_646 : vector<8x2048xf32>
    %sub3A = vector.broadcast %mul3A_651 : f32 to vector<8x2048xf32>
    %sub3A_658 = arith.subf %tanh3A_657, %sub3A : vector<8x2048xf32>
    %broadcast_in_dim3A_659 = vector.shape_cast %sub3A_658 : vector<8x2048xf32> to vector<1x8x2048xf32>
    %swap3A_660 = arith.constant 0 : index
    %swap3A_661 = arith.constant 0 : index
    %swap3A_662 = arith.constant 0 : index
    %swap3A_663 = vector.load %arg8[%swap3A_660, %swap3A_661, %swap3A_662] : memref<1x8x2048xf32, #tpu.memory_space<vmem>>, vector<1x8x2048xf32>
    tpu.vector_store %arg8[%swap3A_660, %swap3A_661, %swap3A_662], %broadcast_in_dim3A_659 {strides = array<i32>} : memref<1x8x2048xf32, #tpu.memory_space<vmem>>, vector<1x8x2048xf32>,
    return
  }
  func.func @transform_0(%arg0: i32) -> (i32, i32, i32, i32) {
    %c0_i32 = arith.constant 0 : i32
    %c0_i32_0 = arith.constant 0 : i32
    %c0_i32_1 = arith.constant 0 : i32
    %c0_i32_2 = arith.constant 0 : i32
    return %c0_i32, %arg0, %c0_i32_0, %c0_i32_1 : i32, i32, i32, i32
  }
  func.func @transform_1(%arg0: i32) -> (i32, i32) {
    %c0_i32 = arith.constant 0 : i32
    %c0_i32_0 = arith.constant 0 : i32
    %c0_i32_1 = arith.constant 0 : i32
    return %c0_i32, %c0_i32_0 : i32, i32
  }
  func.func @transform_2(%arg0: i32) -> i32 {
    %c0_i32 = arith.constant 0 : i32
    %c0_i32_0 = arith.constant 0 : i32
    return %c0_i32 : i32
  }
  func.func @transform_3(%arg0: i32) -> (i32, i32) {
    %c0_i32 = arith.constant 0 : i32
    %c0_i32_0 = arith.constant 0 : i32
    %c0_i32_1 = arith.constant 0 : i32
    return %c0_i32, %c0_i32_0 : i32, i32
  }
  func.func @transform_4(%arg0: i32) -> i32 {
    %c0_i32 = arith.constant 0 : i32
    %c0_i32_0 = arith.constant 0 : i32
    return %c0_i32 : i32
  }
  func.func @transform_5(%arg0: i32) -> i32 {
    %c0_i32 = arith.constant 0 : i32
    %c0_i32_0 = arith.constant 0 : i32
    return %c0_i32 : i32
  }
  func.func @transform_6(%arg0: i32) -> (i32, i32, i32) {
    %c0_i32 = arith.constant 0 : i32
    %c0_i32_0 = arith.constant 0 : i32
    %c0_i32_1 = arith.constant 0 : i32
    return %arg0, %c0_i32, %c0_i32_0 : i32, i32, i32
  }
  func.func @transform_7(%arg0: i32) -> (i32, i32, i32) {
    %c0_i32 = arith.constant 0 : i32
    %c0_i32_0 = arith.constant 0 : i32
    %c0_i32_1 = arith.constant 0 : i32
    return %arg0, %c0_i32, %c0_i32_0 : i32, i32, i32
  }
}

module attributes {stable_mosaic.version = 14 : i64} {
  func.func @_combine_body(%arg0: i32, %arg1: memref<32x1024xf32, #tpu.memory_space<vmem>>, %arg2: memref<2x1024xf32, #tpu.memory_space<vmem>>, %arg3: memref<2x1024x32xf32, #tpu.memory_space<vmem>>, %arg4: memref<32x1024xf32, #tpu.memory_space<vmem>>) attributes {dimension_semantics = [#tpu.dimension_semantics<arbitrary>], iteration_bounds = array<i64: 49>, scalar_prefetch = 0 : i64, scratch_operands = 0 : i64, tpu.core_type = #tpu.core_type<tc>, window_params = [{transform_indices = @transform_0, window_bounds = array<i64: 32, 1024>}, {transform_indices = @transform_1, window_bounds = array<i64: 2, 1024>}, {transform_indices = @transform_2, window_bounds = array<i64: 2, 1024, 32>}, {transform_indices = @transform_3, window_bounds = array<i64: 32, 1024>}]} {
    %get3A = arith.constant 0 : index
    %get3A_0 = arith.constant 0 : index
    %get3A_1 = arith.constant 0 : index
    %get3A_2 = vector.load %arg3[%get3A, %get3A_0, %get3A_1] : memref<2x1024x32xf32, #tpu.memory_space<vmem>>, vector<1x1024x32xf32>
    %get3A_3 = vector.shape_cast %get3A_2 : vector<1x1024x32xf32> to vector<1024x32xf32>
    %get3A_4 = arith.constant 1 : index
    %get3A_5 = arith.constant 0 : index
    %get3A_6 = arith.constant 0 : index
    %get3A_7 = vector.load %arg3[%get3A_4, %get3A_5, %get3A_6] : memref<2x1024x32xf32, #tpu.memory_space<vmem>>, vector<1x1024x32xf32>
    %get3A_8 = vector.shape_cast %get3A_7 : vector<1x1024x32xf32> to vector<1024x32xf32>
    %add3A = arith.addf %get3A_3, %get3A_8 : vector<1024x32xf32>
    %iota3A = tpu.iota {dimensions = array<i32: 0>} : vector<32x32xi32>
    %iota3A_9 = tpu.iota {dimensions = array<i32: 1>} : vector<32x32xi32>
    %eq3A = arith.cmpi eq, %iota3A, %iota3A_9 : vector<32x32xi32>
    %jit3A = arith.constant 1.000000e+00 : f32
    %jit3A_10 = arith.constant 0.000000e+00 : f32
    %broadcast_in_dim3A = vector.broadcast %jit3A : f32 to vector<32x32xf32>
    %broadcast_in_dim3A_11 = vector.broadcast %jit3A_10 : f32 to vector<32x32xf32>
    %select_n3A = arith.select %eq3A, %broadcast_in_dim3A, %broadcast_in_dim3A_11 : vector<32x32xi1>, vector<32x32xf32>
    %dot_general3A = arith.constant dense<0.000000e+00> : vector<32x1024xf32>
    %dot_general3A_12 = tpu.matmul %select_n3A, %add3A, %dot_general3A {dimension_numbers = #tpu.dot_dimension_numbers<[1], [1], [0], [0], [0, 0, 1, 0], [], []>, precision = #tpu.contract_precision<fp32>, transpose_lhs_hint = false} : vector<32x32xf32>, vector<1024x32xf32>, vector<32x1024xf32> -> vector<32x1024xf32>
    %get3A_13 = arith.constant 0 : index
    %get3A_14 = arith.constant 0 : index
    %get3A_15 = vector.load %arg2[%get3A_13, %get3A_14] : memref<2x1024xf32, #tpu.memory_space<vmem>>, vector<2x1024xf32>
    %reduce_sum3A = arith.constant dense<0.000000e+00> : vector<1024xf32>
    %reduce_sum3A_16 = vector.multi_reduction <add>, %get3A_15, %reduce_sum3A [0] : vector<2x1024xf32> to vector<1024xf32>
    %broadcast_in_dim3A_17 = vector.shape_cast %reduce_sum3A_16 : vector<1024xf32> to vector<1x1024xf32>
    %get3A_18 = arith.constant 0 : index
    %get3A_19 = arith.constant 0 : index
    %get3A_20 = vector.load %arg1[%get3A_18, %get3A_19] : memref<32x1024xf32, #tpu.memory_space<vmem>>, vector<32x1024xf32>
    %add3A_21 = arith.constant 1.000000e+00 : f32
    %add3A_22 = vector.broadcast %add3A_21 : f32 to vector<1x1024xf32>
    %add3A_23 = arith.addf %add3A_22, %broadcast_in_dim3A_17 : vector<1x1024xf32>
    %mul3A = vector.broadcast %add3A_23 : vector<1x1024xf32> to vector<32x1024xf32>
    %mul3A_24 = arith.mulf %get3A_20, %mul3A : vector<32x1024xf32>
    %add3A_25 = arith.addf %mul3A_24, %dot_general3A_12 : vector<32x1024xf32>
    %swap3A = arith.constant 0 : index
    %swap3A_26 = arith.constant 0 : index
    %swap3A_27 = vector.load %arg4[%swap3A, %swap3A_26] : memref<32x1024xf32, #tpu.memory_space<vmem>>, vector<32x1024xf32>
    tpu.vector_store %arg4[%swap3A, %swap3A_26], %add3A_25 {strides = array<i32>} : memref<32x1024xf32, #tpu.memory_space<vmem>>, vector<32x1024xf32>,
    return
  }
  func.func @transform_0(%arg0: i32) -> (i32, i32) {
    %c0_i32 = arith.constant 0 : i32
    %c0_i32_0 = arith.constant 0 : i32
    return %c0_i32, %arg0 : i32, i32
  }
  func.func @transform_1(%arg0: i32) -> (i32, i32) {
    %c0_i32 = arith.constant 0 : i32
    %c0_i32_0 = arith.constant 0 : i32
    return %c0_i32, %arg0 : i32, i32
  }
  func.func @transform_2(%arg0: i32) -> (i32, i32, i32) {
    %c0_i32 = arith.constant 0 : i32
    %c0_i32_0 = arith.constant 0 : i32
    %c0_i32_1 = arith.constant 0 : i32
    return %c0_i32, %arg0, %c0_i32_0 : i32, i32, i32
  }
  func.func @transform_3(%arg0: i32) -> (i32, i32) {
    %c0_i32 = arith.constant 0 : i32
    %c0_i32_0 = arith.constant 0 : i32
    return %c0_i32, %arg0 : i32, i32
  }
}

</mosaic_0001>

<sc_bundles>
// kernel: kernel.5.cloned.1.call-start
scs
__scs_entry_jumppad:
0x0: {  	(pc) =	sbr.rel $0x88, $3  }
0x1: {  	(tag) =	ssettag $0x0;
	lr =	simm.s32 $0x1  }
0x2: {  	[smem:$0x3F99] =	sst lr;
	_ =	strace $0xD0000000  }
0x3: {  	_ = 	snop  }
0x4: {  	_ = 	snop  }
0x5: {  	_ = 	snop  }
0x6: {  	_ = 	snop  }
0x7: {  	_ = 	snop  }
__scs_overlays_trampoline_lowered:
0x8: {  	[smem:$0x3FA8] =	sst s0  }
0x9: {  	[smem:$0x3FA9] =	sst s1  }
0xa: {  	[smem:$0x3FAA] =	sst s2  }
0xb: {  	[smem:$0x3FAB] =	sst s3  }
0xc: {  	[smem:$0x3FAC] =	sst s4  }
0xd: {  	[smem:$0x3FAD] =	sst s5  }
0xe: {  	[smem:$0x3FAE] =	sst s6  }
0xf: {  	[smem:$0x3FAF] =	sst s7  }
0x10: {  	[smem:$0x3FB0] =	sst s8  }
0x11: {  	[smem:$0x3FB1] =	sst s9;
	s0 =	simm.s32 @!p0 $0x0  }
0x12: {  	s1 =	sld [smem:$0x3F97];
	s0 =	simm.s32 @p0 $0x1  }
0x13: {  	[smem:$0x3FB2] =	sst s0;
	s0 =	simm.s32 @!p1 $0x0  }
0x14: {  	s2 =	sld [smem:$0x3F96];
	s0 =	simm.s32 @p1 $0x1  }
0x15: {  	[smem:$0x3FB3] =	sst s0;
	s0 =	simm.s32 @!p2 $0x0  }
0x16: {  	s3 =	sld [smem:$0x3FDB];
	s0 =	simm.s32 @p2 $0x1  }
0x17: {  	s4 =	simm.s32 $0x1BF5;
	[smem:$0x3FB5] =	sst s0  }
0x18: {  	s0 =	sld [smem:$0x3F98];
	_ =	swait.ge [sflag:s4], $0x0  }
0x19: {  	s7 =	sld [smem:$0x3F99]  }
0x1a: {  	s8 =	sadd.s32 $0xFFFFE003, lr  }
0x1b: {  	s9 =	sadd.s32 $0xFFFFFEF7, lr;
	s5 =	simm.s32 $0xFFFFFFFF;
	p2 =	slt.u32 s8, $0xFFFFF086  }
0x1c: {  	p1 =	slt.u32 s9, $0xF7A;
	s5 =	simm.s32 @!p2 $0x0  }
0x1d: {  	s5 =	simm.s32 @p1 $0x1;
	p0 =	seq.s32 s7, s2  }
0x1e: {  	s7 =	smul.u32 @!p0 $0xF7A, s2;
	p2 =	seq.s32 @!p0 s5, $0x0  }
0x1f: {  	s9 =	smul.u32 $0xF7A, s1;
	s8 =	simm.s32 @!p0 $0x1BF5;
	p2 =	por !p2, p0  }
0x20: {  	[sflag:s8] =	ssyncset.s32 @!p0 $0xFFFFF086;
	s6 =	sadd.s32 @!p0 s3, s7;
	s7 =	simm.s32 @!p0 $0x108  }
0x21: {  	s3 =	sadd.s32 s3, s9;
	s6 =	sadd.s32 @!p0 $0x88, s6;
	s7 =	simm.s32 @p2 $0x1082  }
0x22: {  	[simem:s7], [sflag:s8] =	dma.local @!p0 [hbm:s6], $0xF7A  }
0x23: {  	s9 =	sor.u32 $0xD0000000, s2;
	s6 =	simm.s32 $0x108;
	_ =	swait.ge @!p0 [sflag:s8], $0x0  }
0x24: {  	s3 =	sadd.s32 $0x88, s3;
	s6 =	simm.s32 @!p1 $0x1082;
	[sflag:s4] =	ssyncset.s32 $0xFFFFF086  }
0x25: {  	[simem:s6], [sflag:s4] =	dma.local [hbm:s3], $0xF7A  }
0x26: {  	[smem:$0x3F99] =	sst s1;
	(tag) =	ssettag s2;
	_ =	strace s9  }
0x27: {  	s1 =	sld [smem:$0x3FA9]  }
0x28: {  	s2 =	sld [smem:$0x3FAA]  }
0x29: {  	s4 =	sld [smem:$0x3FAC]  }
0x2a: {  	p0 =	seq.s32 s5, $0x0;
	s5 =	sld [smem:$0x3FAD]  }
0x2b: {  	s6 =	sld [smem:$0x3FAE]  }
0x2c: {  	s7 =	sld [smem:$0x3FAF]  }
0x2d: {  	s3 =	simm.s32 $0x108;
	s8 =	sld [smem:$0x3FB0]  }
0x2e: {  	s3 =	simm.s32 @!p0 $0x1082;
	s9 =	sld [smem:$0x3FB1]  }
0x2f: {  	lr =	sadd.s32 s0, s3;
	s0 =	sld [smem:$0x3FA8]  }
0x30: {  	s3 =	sld [smem:$0x3FAB]  }
0x31: {  	[smem:$0x3FB4] =	sst s10  }
0x32: {  	s10 =	sld [smem:$0x3FB2];
	_ =	sdelay $0x3  }
0x33: {  	p0 =	seq.s32 s10, $0x1;
	s10 =	sld [smem:$0x3FB4];
	_ =	sdelay $0x3  }
0x34: {  	[smem:$0x3FB4] =	sst s10  }
0x35: {  	s10 =	sld [smem:$0x3FB3];
	_ =	sdelay $0x3  }
0x36: {  	p1 =	seq.s32 s10, $0x1;
	s10 =	sld [smem:$0x3FB4];
	_ =	sdelay $0x3  }
0x37: {  	[smem:$0x3FB4] =	sst s10  }
0x38: {  	s10 =	sld [smem:$0x3FB5]  }
0x39: {  	_ = 	snop;
	(pc) =	sbr.ind lr, $3  }
0x3a: {  	_ = 	snop  }
0x3b: {  	_ = 	snop  }
0x3c: {  	p2 =	seq.s32 s10, $0x1;
	s10 =	sld [smem:$0x3FB4]  }
0x3d: {  	_ =	shalt  }
0x3e: {  	_ =	shalt  }
0x3f: {  	_ =	shalt  }
0x40: {  	_ =	shalt  }
0x41: {  	_ =	shalt  }
0x42: {  	_ =	shalt  }
0x43: {  	_ =	shalt  }
0x44: {  	_ =	shalt  }
0x45: {  	_ =	shalt  }
0x46: {  	_ =	shalt  }
0x47: {  	_ =	shalt  }
0x48: {  	_ =	shalt  }
0x49: {  	_ =	shalt  }
0x4a: {  	_ =	shalt  }
0x4b: {  	_ =	shalt  }
0x4c: {  	_ =	shalt  }
0x4d: {  	_ =	shalt  }
0x4e: {  	_ =	shalt  }
0x4f: {  	_ =	shalt  }
0x50: {  	_ =	shalt  }
0x51: {  	_ =	shalt  }
0x52: {  	_ =	shalt  }
0x53: {  	_ =	shalt  }
0x54: {  	_ =	shalt  }
0x55: {  	_ =	shalt  }
0x56: {  	_ =	shalt  }
0x57: {  	_ =	shalt  }
0x58: {  	_ =	shalt  }
0x59: {  	_ =	shalt  }
0x5a: {  	_ =	shalt  }
0x5b: {  	_ =	shalt  }
0x5c: {  	_ =	shalt  }
0x5d: {  	_ =	shalt  }
0x5e: {  	_ =	shalt  }
0x5f: {  	_ =	shalt  }
0x60: {  	_ =	shalt  }
0x61: {  	_ =	shalt  }
0x62: {  	_ =	shalt  }
0x63: {  	_ =	shalt  }
0x64: {  	_ =	shalt  }
0x65: {  	_ =	shalt  }
0x66: {  	_ =	shalt  }
0x67: {  	_ =	shalt  }
0x68: {  	_ =	shalt  }
0x69: {  	_ =	shalt  }
0x6a: {  	_ =	shalt  }
0x6b: {  	_ =	shalt  }
0x6c: {  	_ =	shalt  }
0x6d: {  	_ =	shalt  }
0x6e: {  	_ =	shalt  }
0x6f: {  	_ =	shalt  }
0x70: {  	_ =	shalt  }
0x71: {  	_ =	shalt  }
0x72: {  	_ =	shalt  }
0x73: {  	_ =	shalt  }
0x74: {  	_ =	shalt  }
0x75: {  	_ =	shalt  }
0x76: {  	_ =	shalt  }
0x77: {  	_ =	shalt  }
0x78: {  	_ =	shalt  }
0x79: {  	_ =	shalt  }
0x7a: {  	_ =	shalt  }
0x7b: {  	_ =	shalt  }
0x7c: {  	_ =	shalt  }
0x7d: {  	_ =	shalt  }
0x7e: {  	_ =	shalt  }
0x7f: {  	_ =	shalt  }
0x80: {  	_ =	shalt  }
0x81: {  	_ =	shalt  }
0x82: {  	_ =	shalt  }
0x83: {  	_ =	shalt  }
0x84: {  	_ =	shalt  }
0x85: {  	_ =	shalt  }
0x86: {  	_ =	shalt  }
0x87: {  	_ =	shalt  }
.Lfunc_end0:
.L_simem_size_0:
called_computation_lowered:
.L_overlay_start_0:
0x88: {  	s2 =	sld [smem:$0x3FD9]  }
0x89: {  	s3 =	sld [smem:$0x3FFE];
	_ =	sdelay $0x1  }
0x8a: {  	s1 =	srdreg.scid  }
0x8b: {  	s0 =	sand.u32 $0x1, s1  }
0x8c: {  	s17 =	sshll.u32 s0, $0xA;
	s2 =	sadd.s32 s3, s2  }
0x8d: {  	s2 =	sadd.s32 s2, s17  }
0x8e: {  	[smem:$0x3FC0] =	sst s2  }
0x8f: {  	_ = 	snop  }
0x90: {  	s2 =	sld [smem:$0x3FD0];
	(tm) =	ssettm $0x1  }
0x91: {  	s18 =	sld [smem:$0x3FFB];
	_ =	sdelay $0x3  }
0x92: {  	_ =	strace s18  }
0x93: {  	s3 =	sld [smem:$0x3FFC];
	_ =	sdelay $0x3  }
0x94: {  	_ =	strace s3  }
0x95: {  	s3 =	sld [smem:$0x3FFD];
	_ =	sdelay $0x3  }
0x96: {  	_ =	strace s3  }
0x97: {  	_ =	strace $0x8FFFFFFF  }
0x98: {  	s19 =	sld [smem:$0x3FDB];
	_ =	sdelay $0x1  }
0x99: {  	s4 =	simm.s32 $_scs_section_size  }
0x9a: {  	s5 =	simm.s32 $_size__tile_overlayer_lowered;
	s6 =	simm.s32 $_tile_overlayer_lowered  }
0x9b: {  	s22 =	simm.s32 $0x1BFF;
	s21 =	sshll.u32 s6, $0x1;
	s3 =	sadd.s32 s4, s19  }
0x9c: {  	s7 =	simm.s32 $0x0;
	s20 =	sshll.u32 s5, $0x1;
	s5 =	sadd.s32 s21, s3  }
0x9d: {  	[timem:s7], [sflag:s22] =	dma.local [hbm:s5], s20  }
0x9e: {  	_ =	swait.ge [sflag:s22], s20  }
0x9f: {  	s4 =	ssub.s32 $0x0, s20;
	[sflag:s22] =	ssyncset.done $0x0  }
0xa0: {  	[sflag:s22] =	ssyncadd.s32 s4;
	_ =	sdelay $0x1  }
0xa1: {  	s23 =	simm.s32 $0x1B8B  }
0xa2: {  	_ =	swait.ge [sflag:s23], $0x1  }
0xa3: {  	[sflag:s23] =	ssyncset.done $0x0  }
0xa4: {  	s25 =	simm.s32 $0x1B8E;
	s24 =	sld [smem:$0x3FFE];
	[sflag:s23] =	ssyncadd.s32 $0xFFFFFFFF  }
0xa5: {  	s26 =	simm.s32 $execute0_lowered;
	[smem:$0x3FD2] =	sst s25  }
0xa6: {  	s5 =	sshll.u32 s26, $0x1;
	_ =	strace $0x80000046;
	[dreg:$0x1] =	wrdreg $0xFFFFFFFF  }
0xa7: {  	s28 =	simm.s32 $_size_execute0_lowered;
	s3 =	sadd.s32 s3, s5;
	[dreg:$0x0] =	wrdreg $0x0  }
0xa8: {  	s5 =	sshll.u32 s28, $0x1;
	[dreg:$0x2] =	wrdreg s3  }
0xa9: {  	[dreg:$0x3] =	wrdreg s5  }
0xaa: {  	[dreg:$0x4] =	wrdreg $0xC0  }
0xab: {  	_ =	task [dreg:s7], $0x5FFFF  }
0xac: {  	[dreg:$0x1] =	wrdreg $0xFFFFFFFF  }
0xad: {  	[dreg:$0x0] =	wrdreg $0x60  }
0xae: {  	[dreg:$0x2] =	wrdreg s24  }
0xaf: {  	[dreg:$0x3] =	wrdreg s2  }
0xb0: {  	[dreg:$0x4] =	wrdreg $0x0  }
0xb1: {  	[dreg:$0x5] =	wrdreg $0x190000  }
0xb2: {  	[dreg:$0x6] =	wrdreg $0x9  }
0xb3: {  	_ =	task.clear_ibuf [dreg:s7], $0x7FFFF;
	_ =	strace $0x90000046  }
0xb4: {  	s29 =	simm.s32 $0x9;
	_ =	strace $0x80000048  }
0xb5: {  	_ =	swait.ge [sflag:s29], $0x1  }
0xb6: {  	[sflag:s29] =	ssyncadd.s32 $0xFFFFFFFF  }
0xb7: {  	_ =	strace $0x90000048  }
0xb8: {  	_ =	sfence  }
0xb9: {  	s30 =	sld [smem:$0x0];
	_ =	sdelay $0x2  }
0xba: {  	s31 =	sshll.u32 s1, $0xD;
	s1 =	sshrl.u32 s1, $0x2  }
0xbb: {  	s3 =	sand.u32 $0x4000, s31;
	s1 =	sadd.s32 s1, s30  }
0xbc: {  	s0 =	sor.u32 s3, s0;
	s1 =	sshll.u32 s1, $0x11  }
0xbd: {  	s0 =	sor.u32 s1, s0  }
0xbe: {  	s0 =	sadd.s32 $0x8F2B, s0  }
0xbf: {  	[sflag:s0] =	ssyncadd.remote.s32 $0x1  }
0xc0: {  	_ =	sfence.sel $0xFFFF  }
0xc1: {  	[dreg:$0x0] =	wrdreg $0xFFFFFFFF;
	(pc) =	sbr.abs _section_cstart, $3  }
0xc2: {  	[dreg:$0x1] =	wrdreg $0xFFFFFFFF  }
0xc3: {  	_ =	task.clear_ibuf [dreg:s7], $0x2FFFF;
	_ =	strace $0x9FFFFFFF  }
0xc4: {  	(tm) =	ssettm $0x7FFFFFFF  }
0xc5: {  	_ =	shalt  }
tec
execute0_lowered:
.L_overlay_start_1:
0x0: {  	(tag) =	ssettag $0x1  }
0x1: {  	s0 =	rddreg [dreg:$0x0]  }
0x2: {  	s2 =	rddreg [dreg:$0x2]  }
0x3: {  	s4 =	rddreg [dreg:$0x3];
	s1 =	simm.s32 $0x0  }
0x4: {  	s16 =	stileid.u32;
	s3 =	srdreg.scid;
	s31 =	simm.s32 $0x80  }
0x5: {  	s28 =	simm.s32 $0x1C880;
	s29 =	simm.s32 $0x1D880;
	s18 =	smul.u32 $0xC80, s16  }
0x6: {  	[smem:$0x7FF] =	sst s1;
	s3 =	sand.u32 $0x1, s3;
	s5 =	smul.u32 $0x19000, s16  }
0x7: {  	s6 =	sadd.s32 $0x2200, s0;
	s7 =	sadd.s32 $0xC7000, s0;
	s8 =	sadd.s32 $0xF8000, s0  }
0x8: {  	s9 =	sadd.s32 $0x65000, s0;
	s10 =	sadd.s32 $0x96000, s0;
	s15 =	smul.u32 $0x154, s16  }
0x9: {  	s20 =	sshll.u32 s16, $0x6;
	_ =	strace $0x80000047;
	s11 =	smul.u32 $0x190000, s3  }
0xa: {  	s12 =	smul.u32 $0xC800, s3;
	s14 =	ssub.s32 $0x2, s3;
	p0 =	seq.s32 s3, $0x0  }
0xb: {  	s13 =	sshrl.u32 s18, $0x3;
	s19 =	sshrl.u32 s14, $0x1;
	s3 =	sadd.s32 $0x1BC0, s15  }
0xc: {  	s1 =	sadd.s32 s18, s4;
	s15 =	simm.s32 $0x6F;
	s11 =	sadd.s32 s5, s11  }
0xd: {  	s13 =	sadd.s32 s13, s0;
	s12 =	sadd.s32 s18, s12;
	s14 =	ssub.s32 s14, s19  }
0xe: {  	s5 =	sadd.s32 s5, s2;
	[dreg:$0x7] =	wrdreg s1;
	s15 =	simm.s32 @!p0 $0x55  }
0xf: {  	s11 =	sshrl.u32 s11, $0x3;
	s12 =	sshrl.u32 s12, $0x3;
	[dreg:$0x5] =	wrdreg s5  }
0x10: {  	s5 =	smul.u32 $0x1BC, s16;
	s21 =	sadd.s32 $0x34200, s13;
	s30 =	smax.u32 s14, $0x1  }
0x11: {  	s13 =	simm.s32 $0x4;
	s11 =	sadd.s32 s11, s0;
	[dreg:$0x8] =	wrdreg s21  }
0x12: {  	s0 =	sadd.s32 s12, s0;
	s12 =	sor.u32 $0x1C04, s20;
	[dreg:$0xf] =	wrdreg s30  }
0x13: {  	s3 =	smov.u32 @p0 s5;
	s26 =	sadd.s32 $0x129000, s11;
	[dreg:$0x6] =	wrdreg s12  }
0x14: {  	s0 =	sadd.s32 $0x35C00, s0;
	s22 =	sshll.u32 s3, $0x4;
	[dreg:$0xd] =	wrdreg s26  }
0x15: {  	s11 =	simm.s32 $0x0;
	[dreg:$0xe] =	wrdreg s0;
	s23 =	sadd.s32 s7, s22  }
0x16: {  	s20 =	sshll.u32 s3, $0x7;
	s24 =	sadd.s32 s8, s22;
	[dreg:$0x9] =	wrdreg s23  }
0x17: {  	s0 =	simm.s32 $0x1A880;
	s25 =	sadd.s32 s10, s22;
	[dreg:$0xa] =	wrdreg s24  }
0x18: {  	s3 =	simm.s32 $0x3;
	s1 =	sadd.s32 s9, s22;
	[dreg:$0xb] =	wrdreg s25  }
0x19: {  	[dreg:$0xc] =	wrdreg s1;
	s1 =	simm.s32 $0x1B880;
	s25 =	simm.s32 $0x1  }
.LBB2_1:
0x1a: {  	s5 =	rddreg [dreg:$0x5]  }
0x1b: {  	s22 =	rddreg [dreg:$0x1];
	s14 =	sshrl.u32 s5, $0x3  }
0x1c: {  	[dreg:$0x10] =	wrdreg s14  }
0x1d: {  	[spmem:s14], [sflag:s12] =	dma.local [hbm:s22], $0x3200  }
0x1e: {  	_ =	swait.ge [sflag:s13], $0x3200  }
0x1f: {  	s23 =	rddreg [dreg:$0x7]  }
0x20: {  	[sflag:s13] =	ssyncset.done $0x0;
	s26 =	rddreg [dreg:$0x8];
	s24 =	sshrl.u32 s23, $0x3  }
0x21: {  	[sflag:s13] =	ssyncadd.s32 $0xFFFFCE00;
	[dreg:$0x11] =	wrdreg s24  }
0x22: {  	[spmem:s24], [sflag:s12] =	dma.local [hbm:s26], $0x190  }
0x23: {  	_ =	swait.ge [sflag:s13], $0x190  }
0x24: {  	[sflag:s13] =	ssyncset.done $0x0  }
0x25: {  	[sflag:s13] =	ssyncadd.s32 $0xFFFFFE70  }
0x26: {  	[bflag:$0x0] =	sbarrier.arrive $0xFFFF  }
0x27: {  	s30 =	simm.s32 $0x0;
	s17 =	simm.s32 $0x19C80;
	s16 =	rddreg [dreg:$0x9]  }
0x28: {  	[tilespmem:s17], [sflag:$0x2] =	stream.linear.gather [hbm4b:s16+s30], $0x200, $0x38;
	[tilespmem:$0x1EC80] =	vst v63  }
0x29: {  	s19 =	simm.s32 $0x1A080;
	s18 =	rddreg [dreg:$0xa]  }
0x2a: {  	[tilespmem:s19], [sflag:$0x2] =	stream.linear.gather [hbm4b:s18+s30], $0x200, $0x38;
	[tilespmem:$0x1EC80] =	vst v63  }
0x2b: {  	s22 =	simm.s32 $0x1A480;
	s21 =	rddreg [dreg:$0xb]  }
0x2c: {  	[tilespmem:s22], [sflag:$0x2] =	stream.linear.gather [hbm4b:s21+s30], $0x200, $0x38;
	[tilespmem:$0x1EC80] =	vst v63  }
0x2d: {  	s24 =	simm.s32 $0x1E880;
	s26 =	simm.s32 $0x2;
	s23 =	rddreg [dreg:$0xc]  }
0x2e: {  	[tilespmem:s24], [sflag:$0x2] =	stream.linear.gather [hbm4b:s23+s30], $0x200, $0x38;
	[tilespmem:$0x1EC80] =	vst v63  }
0x2f: {  	_ =	swait.ge [sflag:s26], $0x200  }
0x30: {  	[sflag:s26] =	ssyncset.done $0x0  }
0x31: {  	[sflag:s26] =	ssyncadd.s32 $0xFFFFFE00  }
0x32: {  	_ =	swait.ge [sflag:s26], $0x200  }
0x33: {  	[sflag:s26] =	ssyncset.done $0x0  }
0x34: {  	[sflag:s26] =	ssyncadd.s32 $0xFFFFFE00  }
0x35: {  	_ =	swait.ge [sflag:s26], $0x200  }
0x36: {  	[sflag:s26] =	ssyncset.done $0x0  }
0x37: {  	[sflag:s26] =	ssyncadd.s32 $0xFFFFFE00  }
0x38: {  	_ =	swait.ge [sflag:s26], $0x200  }
0x39: {  	[sflag:s26] =	ssyncset.done $0x0  }
0x3a: {  	[sflag:s26] =	ssyncadd.s32 $0xFFFFFE00  }
0x3b: {  	[tilespmem:s0], [sflag:$0x1] =	stream.indirect.gather [hbm4b:s6+s31], $0x20, s19, s31, $0xb8;
	[tilespmem:$0x1EC80] =	vst v63  }
0x3c: {  	s14 =	simm.s32 $0x0;
	s30 =	simm.s32 $0x1A100  }
0x3d: {  	[tilespmem:s1], [sflag:$0x1] =	stream.indirect.gather [hbm4b:s6+s31], $0x20, s30, s31, $0xb8;
	[tilespmem:$0x1EC80] =	vst v63  }
.LBB2_2:
0x3e: {  	s5 =	smov.u32 s14;
	s14 =	sadd.s32 $0x1, s14  }
0x3f: {  	p0 =	sge.u32 s14, s15  }
0x40: {  	s13 =	sshll.u32 @!p0 s14, $0x9  }
0x41: {  	s16 =	sand.u32 $0x1, s14;
	s13 =	sadd.s32 @!p0 s20, s13  }
0x42: {  	s19 =	sshll.u32 @!p0 s16, $0x9;
	s13 =	sshrl.u32 @!p0 s13, $0x3  }
0x43: {  	s18 =	simm.s32 @!p0 $0x0;
	s16 =	sor.u32 @!p0 $0x19C80, s19;
	s17 =	sadd.s32 @!p0 s7, s13  }
0x44: {  	[tilespmem:s16], [sflag:$0x2] =	stream.linear.gather @!p0 [hbm4b:s17+s18], $0x200, $0x38;
	[tilespmem:$0x1EC80] =	vst v63  }
0x45: {  	s21 =	sor.u32 @!p0 $0x1A080, s19;
	s16 =	sadd.s32 @!p0 s8, s13  }
0x46: {  	[tilespmem:s21], [sflag:$0x2] =	stream.linear.gather @!p0 [hbm4b:s16+s18], $0x200, $0x38;
	[tilespmem:$0x1EC80] =	vst v63  }
0x47: {  	s17 =	sadd.s32 @!p0 s10, s13;
	s16 =	sor.u32 @!p0 $0x1A480, s19  }
0x48: {  	[tilespmem:s16], [sflag:$0x2] =	stream.linear.gather @!p0 [hbm4b:s17+s18], $0x200, $0x38;
	[tilespmem:$0x1EC80] =	vst v63  }
0x49: {  	s13 =	sadd.s32 @!p0 s9, s13;
	s16 =	sor.u32 @!p0 $0x1E880, s19  }
0x4a: {  	[tilespmem:s16], [sflag:$0x2] =	stream.linear.gather @!p0 [hbm4b:s13+s18], $0x200, $0x38;
	[tilespmem:$0x1EC80] =	vst v63  }
0x4b: {  	_ =	swait.ge [sflag:s25], $0x1000  }
0x4c: {  	[sflag:s25] =	ssyncset.done $0x0  }
0x4d: {  	[sflag:s25] =	ssyncadd.s32 $0xFFFFF000  }
0x4e: {  	_ =	swait.ge [sflag:s25], $0x1000  }
0x4f: {  	p1 =	seq.s32 s5, $0x0;
	[sflag:s25] =	ssyncset.done $0x0  }
0x50: {  	s13 =	simm.s32 @!p1 $0x3;
	[sflag:s25] =	ssyncadd.s32 $0xFFFFF000  }
0x51: {  	_ =	swait.ge @!p1 [sflag:s13], $0x80  }
0x52: {  	[sflag:s13] =	ssyncset.done @!p1 $0x0  }
0x53: {  	[sflag:s13] =	ssyncadd.s32 @!p1 $0xFFFFFF80  }
0x54: {  	_ =	swait.ge @!p1 [sflag:s13], $0x1000  }
0x55: {  	[sflag:s13] =	ssyncset.done @!p1 $0x0  }
0x56: {  	[sflag:s13] =	ssyncadd.s32 @!p1 $0xFFFFF000  }
0x57: {  	_ =	swait.ge @!p1 [sflag:s13], $0x80  }
0x58: {  	[sflag:s13] =	ssyncset.done @!p1 $0x0  }
0x59: {  	[sflag:s13] =	ssyncadd.s32 @!p1 $0xFFFFFF80  }
0x5a: {  	s24 =	simm.s32 $0x0;
	s5 =	sshll.u32 s5, $0x9;
	_ =	swait.ge @!p1 [sflag:s13], $0x1000  }
0x5b: {  	s26 =	sand.u32 $0x80, s24;
	s22 =	sand.u32 $0x200, s5;
	[sflag:s13] =	ssyncset.done @!p1 $0x0  }
0x5c: {  	s5 =	sor.u32 $0x1A180, s22;
	s16 =	sor.u32 $0x1E880, s22;
	[sflag:s13] =	ssyncadd.s32 @!p1 $0xFFFFF000  }
0x5d: {  	[tilespmem:s28], [sflag:$0x1] =	stream.indirect.gather [hbm4b:s6+s31], $0x20, s5, s31, $0xb8;
	[tilespmem:$0x1EC80] =	vst v63  }
0x5e: {  	s13 =	sadd.s32 s26, s16;
	s5 =	sand.u32 $0x60, s24  }
0x5f: {  	s23 =	sadd.s32 $0x1A200, s22;
	s5 =	sadd.s32 s5, s13  }
0x60: {  	[tilespmem:s29], [sflag:$0x1] =	stream.indirect.gather [hbm4b:s6+s31], $0x20, s23, s31, $0xb8;
	[tilespmem:$0x1EC80] =	vst v63  }
0x61: {  	s23 =	simm.s32 $0x1AA80;
	v1 =	vld [tilespmem:s5+$0x0]  }
0x62: {  	v0 =	vld [tilespmem:s23+$0xFFFFFE00]  }
0x63: {  	v2 =	vld [tilespmem:s23+$0xFFFFFE10]  }
0x64: {  	v3 =	vld [tilespmem:s23+$0xFFFFFE20]  }
0x65: {  	v4 =	vld [tilespmem:s23+$0xFFFFFE30]  }
0x66: {  	v5 =	vld [tilespmem:s23+$0xFFFFFE40]  }
0x67: {  	v6 =	vld [tilespmem:s23+$0xFFFFFE50]  }
0x68: {  	v7 =	vld [tilespmem:s23+$0xFFFFFE60]  }
0x69: {  	v8 =	vld [tilespmem:s23+$0xFFFFFE70]  }
0x6a: {  	v9 =	vld [tilespmem:s23+$0xFFFFFE80]  }
0x6b: {  	v10 =	vld [tilespmem:s23+$0xFFFFFE90]  }
0x6c: {  	v11 =	vld [tilespmem:s23+$0xFFFFFEA0]  }
0x6d: {  	v12 =	vld [tilespmem:s23+$0xFFFFFEB0]  }
0x6e: {  	v13 =	vld [tilespmem:s23+$0xFFFFFEC0]  }
0x6f: {  	v14 =	vld [tilespmem:s23+$0xFFFFFED0]  }
0x70: {  	v15 =	vld [tilespmem:s23+$0xFFFFFEE0]  }
0x71: {  	v16 =	vld [tilespmem:s23+$0xFFFFFEF0]  }
0x72: {  	v18 =	vld [tilespmem:s23+$0xFFFFFF00]  }
0x73: {  	v19 =	vld [tilespmem:s23+$0xFFFFFF10];
	v17 =	vbroadcast v1, $0x0  }
0x74: {  	v20 =	vld [tilespmem:s23+$0xFFFFFF20];
	v22 =	vbroadcast v1, $0x1  }
0x75: {  	v21 =	vld [tilespmem:s23+$0xFFFFFF30];
	v24 =	vbroadcast v1, $0x5;
	v0 =	vmul.f32 v17, v0  }
0x76: {  	v25 =	vld [tilespmem:s23+$0xFFFFFFD0];
	v26 =	vbroadcast v1, $0x6;
	v2 =	vmul.f32 v2, v17  }
0x77: {  	v27 =	vld [tilespmem:s23+$0x20];
	v28 =	vbroadcast v1, $0x7;
	v4 =	vmul.f32 v4, v22;
	[tilespmem:s23+$0xFFFFFE00] =	vst v0  }
0x78: {  	v30 =	vld [tilespmem:s23+$0x30];
	v29 =	vbroadcast v1, $0x8;
	v11 =	vmul.f32 v11, v24;
	[tilespmem:s23+$0xFFFFFE10] =	vst v2  }
0x79: {  	v33 =	vld [tilespmem:s23+$0x40];
	v31 =	vbroadcast v1, $0x9;
	v13 =	vmul.f32 v13, v26;
	[tilespmem:s23+$0xFFFFFE30] =	vst v4  }
0x7a: {  	s30 =	simm.s32 $0x10;
	v36 =	vld [tilespmem:s23+$0x50];
	v32 =	vbroadcast v1, $0xA;
	v14 =	vmul.f32 v14, v26;
	[tilespmem:s23+$0xFFFFFEA0] =	vst v11  }
0x7b: {  	s5 =	sand.u32 $0x70, s30;
	v38 =	vld [tilespmem:s23+$0x60];
	v34 =	vbroadcast v1, $0xB;
	v16 =	vmul.f32 v16, v28;
	[tilespmem:s23+$0xFFFFFEC0] =	vst v13  }
0x7c: {  	v41 =	vld [tilespmem:s23+$0xA0];
	s5 =	sadd.s32 s5, s13;
	v35 =	vbroadcast v1, $0xC;
	v18 =	vmul.f32 v18, v29;
	[tilespmem:s23+$0xFFFFFED0] =	vst v14  }
0x7d: {  	v23 =	vld [tilespmem:s5+$0x0];
	v0 =	vmul.f32 v3, v22;
	v3 =	vbroadcast v1, $0x2;
	[tilespmem:s23+$0xFFFFFEF0] =	vst v16  }
0x7e: {  	v43 =	vld [tilespmem:s23+$0xC0];
	v37 =	vbroadcast v1, $0xD;
	[tilespmem:s23+$0xFFFFFF00] =	vst v18;
	v18 =	vmul.f32 v21, v31  }
0x7f: {  	v2 =	vld [tilespmem:s23+$0xFFFFFF50];
	[tilespmem:s23+$0xFFFFFE20] =	vst v0;
	v0 =	vmul.f32 v5, v3;
	v5 =	vbroadcast v1, $0x3  }
0x80: {  	v39 =	vbroadcast v1, $0xE;
	v22 =	vld [tilespmem:s23+$0xFFFFFF60];
	v3 =	vmul.f32 v6, v3;
	[tilespmem:s23+$0xFFFFFF30] =	vst v18  }
0x81: {  	v61 =	vld [tilespmem:s23+$0xD0];
	v40 =	vbroadcast v1, $0xF;
	[tilespmem:s23+$0xFFFFFE40] =	vst v0;
	v0 =	vmul.f32 v7, v5  }
0x82: {  	v62 =	vld [tilespmem:s23+$0xF0];
	v59 =	vbroadcast v23, $0x2;
	[tilespmem:s23+$0xFFFFFE50] =	vst v3;
	v5 =	vmul.f32 v8, v5  }
0x83: {  	v48 =	vld [tilespmem:s23+$0x100];
	v3 =	vbroadcast v1, $0x4;
	v1 =	vmul.f32 v15, v28;
	[tilespmem:s23+$0xFFFFFE60] =	vst v0  }
0x84: {  	v63 =	vld [tilespmem:s23+$0x110];
	v42 =	vbroadcast v23, $0x3;
	v2 =	vmul.f32 v2, v32;
	[tilespmem:s23+$0xFFFFFE70] =	vst v5  }
0x85: {  	v60 =	vbroadcast v23, $0x4;
	v6 =	vld [tilespmem:s23+$0xFFFFFF80];
	v18 =	vmul.f32 v22, v34;
	[tilespmem:s23+$0xFFFFFEE0] =	vst v1  }
0x86: {  	v17 =	vld [tilespmem:s23+$0xFFFFFF40];
	v44 =	vbroadcast v23, $0x5;
	v0 =	vmul.f32 v9, v3;
	[tilespmem:s23+$0xFFFFFF50] =	vst v2  }
0x87: {  	v26 =	vld [tilespmem:s23+$0x70];
	v45 =	vbroadcast v23, $0x6;
	v3 =	vmul.f32 v10, v3;
	[tilespmem:s23+$0xFFFFFF60] =	vst v18  }
0x88: {  	v46 =	vbroadcast v23, $0x7;
	v4 =	vld [tilespmem:s23+$0xFFFFFF70];
	v1 =	vmul.f32 v19, v29;
	[tilespmem:s23+$0xFFFFFE80] =	vst v0  }
0x89: {  	v13 =	vld [tilespmem:s23+$0x80];
	v15 =	vbroadcast v23, $0x1;
	v19 =	vmul.f32 v20, v31;
	[tilespmem:s23+$0xFFFFFE90] =	vst v3  }
0x8a: {  	v47 =	vbroadcast v23, $0x8;
	v7 =	vld [tilespmem:s23+$0xFFFFFF90];
	v6 =	vmul.f32 v6, v35;
	[tilespmem:s23+$0xFFFFFF10] =	vst v1  }
0x8b: {  	v49 =	vbroadcast v23, $0x9;
	v8 =	vld [tilespmem:s23+$0xFFFFFFA0];
	v18 =	vmul.f32 v27, v15;
	[tilespmem:s23+$0xFFFFFF20] =	vst v19  }
0x8c: {  	v50 =	vbroadcast v23, $0xA;
	v14 =	vld [tilespmem:s23+$0x90];
	v27 =	vmul.f32 v38, v42;
	[tilespmem:s23+$0xFFFFFF80] =	vst v6  }
0x8d: {  	v9 =	vld [tilespmem:s23+$0x1F0];
	v0 =	vbroadcast v23, $0xF;
	v3 =	vmul.f32 v12, v24;
	[tilespmem:s23+$0x20] =	vst v18  }
0x8e: {  	v10 =	vld [tilespmem:s23+$0xFFFFFFC0];
	v24 =	vbroadcast v23, $0x0;
	v1 =	vmul.f32 v17, v32;
	[tilespmem:s23+$0x60] =	vst v27  }
0x8f: {  	v5 =	vld [tilespmem:s23+$0xFFFFFFB0];
	v19 =	vmul.f32 v13, v60;
	v7 =	vmul.f32 v7, v35;
	[tilespmem:s23+$0xFFFFFEB0] =	vst v3  }
0x90: {  	v12 =	vld [tilespmem:s23+$0x10];
	v13 =	vmul.f32 v61, v45;
	v8 =	vmul.f32 v8, v37;
	[tilespmem:s23+$0xFFFFFF40] =	vst v1  }
0x91: {  	v16 =	vld [tilespmem:s23+$0xB0];
	v18 =	vmul.f32 v14, v60;
	v1 =	vmul.f32 v4, v34;
	[tilespmem:s23+$0xFFFFFF90] =	vst v7  }
0x92: {  	v17 =	vld [tilespmem:s23+$0xE0];
	v4 =	vbroadcast v23, $0xB;
	v9 =	vmul.f32 v9, v0;
	[tilespmem:s23+$0xFFFFFFA0] =	vst v8  }
0x93: {  	v52 =	vld [tilespmem:s23+$0x130];
	v7 =	vmul.f32 v10, v39;
	v10 =	vmul.f32 v30, v15;
	[tilespmem:s23+$0xFFFFFF70] =	vst v1  }
0x94: {  	v3 =	vld [tilespmem:s23+$0x0];
	v5 =	vmul.f32 v5, v37;
	v15 =	vmul.f32 v25, v39;
	[tilespmem:s23+$0x1F0] =	vst v9  }
0x95: {  	v6 =	vld [tilespmem:s23+$0x140];
	v1 =	vbroadcast v23, $0xE;
	v12 =	vmul.f32 v12, v24;
	[tilespmem:s23+$0x30] =	vst v10  }
0x96: {  	v11 =	vld [tilespmem:s23+$0xFFFFFFE0];
	v10 =	vmul.f32 v36, v59;
	[tilespmem:s23+$0xFFFFFFB0] =	vst v5;
	v5 =	vmul.f32 v26, v42  }
0x97: {  	v9 =	vld [tilespmem:s23+$0xFFFFFFF0];
	[tilespmem:s23+$0xFFFFFFC0] =	vst v7;
	v7 =	vmul.f32 v16, v44;
	v14 =	vmul.f32 v17, v46  }
0x98: {  	v51 =	vld [tilespmem:s23+$0x120];
	[tilespmem:s23+$0xFFFFFFD0] =	vst v15;
	v16 =	vmul.f32 v62, v46;
	v15 =	vmul.f32 v63, v47  }
0x99: {  	v25 =	vld [tilespmem:s23+$0x160];
	v17 =	vmul.f32 v52, v49;
	v2 =	vmul.f32 v24, v3;
	[tilespmem:s23+$0x10] =	vst v12  }
0x9a: {  	v6 =	vmul.f32 v6, v50;
	v3 =	vbroadcast v23, $0xC;
	v24 =	vld [tilespmem:s23+$0x150];
	[tilespmem:s23+$0x50] =	vst v10  }
0x9b: {  	v20 =	vld [tilespmem:s23+$0x170];
	[tilespmem:s23+$0x0] =	vst v2;
	v2 =	vbroadcast v23, $0xD;
	v23 =	vmul.f32 v11, v40  }
0x9c: {  	v21 =	vld [tilespmem:s23+$0x180];
	[tilespmem:s23+$0x70] =	vst v5;
	v8 =	vmul.f32 v9, v40;
	v9 =	vmul.f32 v33, v59  }
0x9d: {  	v22 =	vld [tilespmem:s23+$0x190];
	v12 =	vmul.f32 v41, v44;
	v10 =	vmul.f32 v51, v49;
	[tilespmem:s23+$0xFFFFFFE0] =	vst v23  }
0x9e: {  	s17 =	sor.u32 $0x180, s22;
	s18 =	sor.u32 $0x100, s22;
	v5 =	vmul.f32 v25, v4;
	v11 =	vmul.f32 v43, v45;
	v23 =	vld [tilespmem:s23+$0x1A0];
	[tilespmem:s23+$0x40] =	vst v9  }
0x9f: {  	s26 =	simm.s32 $0x0;
	s13 =	simm.s32 $0x20;
	s5 =	simm.s32 $0x1AA80;
	v9 =	vmul.f32 v48, v47;
	[tilespmem:s23+$0xFFFFFFF0] =	vst v8;
	v8 =	vmul.f32 v24, v50;
	v24 =	vld [tilespmem:s23+$0x1B0]  }
.LBB2_3:
0xa0: {  	s12 =	sand.u32 $0x80, s13;
	s24 =	sadd.s32 $0x10, s13;
	s26 =	sadd.s32 $0x2, s26;
	[tilespmem:s23+$0x80] =	vst v19;
	v4 =	vmul.f32 v20, v4;
	v19 =	vld [tilespmem:s23+$0x1C0]  }
0xa1: {  	s12 =	sadd.s32 s12, s16;
	s24 =	sand.u32 $0x70, s24;
	p1 =	slt.u32 s26, $0xE;
	[tilespmem:s23+$0x90] =	vst v18;
	v18 =	vmul.f32 v21, v3;
	v20 =	vld [tilespmem:s23+$0x1D0]  }
0xa2: {  	s30 =	sand.u32 $0x60, s13;
	s24 =	sadd.s32 s24, s12;
	[tilespmem:s23+$0xA0] =	vst v12;
	v3 =	vmul.f32 v22, v3;
	v12 =	vld [tilespmem:s23+$0x1E0]  }
0xa3: {  	s12 =	sadd.s32 s30, s12;
	v21 =	vld [tilespmem:s24+$0x0];
	[tilespmem:s23+$0xB0] =	vst v7;
	v22 =	vmul.f32 v23, v2  }
0xa4: {  	s23 =	sadd.s32 $0x400, s23;
	v23 =	vld [tilespmem:s12+$0x0];
	[tilespmem:s5+$0xC0] =	vst v11;
	v2 =	vmul.f32 v24, v2  }
0xa5: {  	v11 =	vld [tilespmem:s23+$0x1F0];
	[tilespmem:s5+$0xD0] =	vst v13;
	v19 =	vmul.f32 v19, v1  }
0xa6: {  	v24 =	vld [tilespmem:s23+$0xFFFFFE00];
	[tilespmem:s5+$0xE0] =	vst v14;
	v1 =	vmul.f32 v20, v1  }
0xa7: {  	v20 =	vld [tilespmem:s23+$0xFFFFFE10];
	[tilespmem:s5+$0xF0] =	vst v16;
	v16 =	vmul.f32 v12, v0  }
0xa8: {  	v25 =	vld [tilespmem:s23+$0xFFFFFE20];
	v7 =	vbroadcast v21, $0x0;
	v0 =	vbroadcast v21, $0xF;
	[tilespmem:s5+$0x100] =	vst v9  }
0xa9: {  	v26 =	vbroadcast v23, $0x0;
	v27 =	vbroadcast v23, $0x1;
	v28 =	vld [tilespmem:s23+$0xFFFFFE30];
	[tilespmem:s5+$0x110] =	vst v15  }
0xaa: {  	v30 =	vbroadcast v23, $0x2;
	v29 =	vld [tilespmem:s23+$0xFFFFFE40];
	v9 =	vmul.f32 v11, v0;
	[tilespmem:s5+$0x120] =	vst v10  }
0xab: {  	v32 =	vbroadcast v23, $0x3;
	v33 =	vbroadcast v23, $0x4;
	v31 =	vld [tilespmem:s23+$0xFFFFFE50];
	[tilespmem:s5+$0x130] =	vst v17  }
0xac: {  	v34 =	vbroadcast v23, $0x5;
	v35 =	vbroadcast v23, $0x6;
	v17 =	vld [tilespmem:s23+$0xFFFFFE60];
	[tilespmem:s23+$0x1F0] =	vst v9  }
0xad: {  	v37 =	vbroadcast v23, $0x7;
	v38 =	vbroadcast v23, $0x8;
	v36 =	vld [tilespmem:s23+$0xFFFFFE70];
	[tilespmem:s5+$0x140] =	vst v6  }
0xae: {  	v40 =	vbroadcast v23, $0x9;
	v41 =	vbroadcast v23, $0xA;
	v39 =	vld [tilespmem:s23+$0xFFFFFE80];
	[tilespmem:s5+$0x150] =	vst v8  }
0xaf: {  	v43 =	vbroadcast v23, $0xB;
	v44 =	vbroadcast v23, $0xC;
	v42 =	vld [tilespmem:s23+$0xFFFFFE90];
	[tilespmem:s5+$0x160] =	vst v5  }
0xb0: {  	v46 =	vbroadcast v23, $0xD;
	v47 =	vbroadcast v23, $0xE;
	v45 =	vld [tilespmem:s23+$0xFFFFFEA0];
	[tilespmem:s5+$0x170] =	vst v4  }
0xb1: {  	v23 =	vbroadcast v23, $0xF;
	v15 =	vbroadcast v21, $0x1;
	v48 =	vld [tilespmem:s23+$0xFFFFFEB0];
	[tilespmem:s5+$0x180] =	vst v18  }
0xb2: {  	v14 =	vbroadcast v21, $0x2;
	v13 =	vbroadcast v21, $0x3;
	v18 =	vld [tilespmem:s23+$0xFFFFFEC0];
	[tilespmem:s5+$0x190] =	vst v3  }
0xb3: {  	v12 =	vbroadcast v21, $0x4;
	v11 =	vbroadcast v21, $0x5;
	v49 =	vld [tilespmem:s23+$0xFFFFFED0];
	[tilespmem:s5+$0x1A0] =	vst v22  }
0xb4: {  	v10 =	vbroadcast v21, $0x6;
	v9 =	vbroadcast v21, $0x7;
	v22 =	vld [tilespmem:s23+$0xFFFFFEE0];
	[tilespmem:s5+$0x1B0] =	vst v2  }
0xb5: {  	v6 =	vbroadcast v21, $0x9;
	v8 =	vbroadcast v21, $0x8;
	v50 =	vld [tilespmem:s23+$0xFFFFFEF0];
	[tilespmem:s5+$0x1C0] =	vst v19  }
0xb6: {  	v5 =	vbroadcast v21, $0xA;
	v4 =	vbroadcast v21, $0xB;
	v19 =	vld [tilespmem:s23+$0xFFFFFF00];
	[tilespmem:s5+$0x1D0] =	vst v1  }
0xb7: {  	v3 =	vbroadcast v21, $0xC;
	v2 =	vbroadcast v21, $0xD;
	v51 =	vld [tilespmem:s23+$0xFFFFFF10];
	[tilespmem:s5+$0x1E0] =	vst v16;
	s5 =	smov.u32 s23  }
0xb8: {  	v1 =	vbroadcast v21, $0xE;
	v16 =	vmul.f32 v26, v24;
	v24 =	vld [tilespmem:s23+$0xFFFFFF20]  }
0xb9: {  	v20 =	vmul.f32 v20, v26;
	v21 =	vmul.f32 v25, v27;
	v25 =	vld [tilespmem:s23+$0xFFFFFF30]  }
0xba: {  	v26 =	vmul.f32 v29, v30;
	[tilespmem:s23+$0xFFFFFE00] =	vst v16;
	v16 =	vmul.f32 v28, v27;
	v27 =	vld [tilespmem:s23+$0xFFFFFF40]  }
0xbb: {  	v17 =	vmul.f32 v17, v32;
	[tilespmem:s23+$0xFFFFFE10] =	vst v20;
	v20 =	vmul.f32 v31, v30;
	v28 =	vld [tilespmem:s23+$0xFFFFFF50]  }
0xbc: {  	v29 =	vmul.f32 v39, v33;
	[tilespmem:s23+$0xFFFFFE20] =	vst v21;
	v21 =	vmul.f32 v36, v32;
	v30 =	vld [tilespmem:s23+$0xFFFFFF60]  }
0xbd: {  	v31 =	vmul.f32 v45, v34;
	[tilespmem:s23+$0xFFFFFE30] =	vst v16;
	v16 =	vmul.f32 v42, v33;
	v32 =	vld [tilespmem:s23+$0xFFFFFF70]  }
0xbe: {  	v18 =	vmul.f32 v18, v35;
	[tilespmem:s23+$0xFFFFFE40] =	vst v26;
	v26 =	vmul.f32 v48, v34;
	v33 =	vld [tilespmem:s23+$0xFFFFFF80]  }
0xbf: {  	v22 =	vmul.f32 v22, v37;
	[tilespmem:s23+$0xFFFFFE50] =	vst v20;
	v20 =	vmul.f32 v49, v35;
	v34 =	vld [tilespmem:s23+$0xFFFFFF90]  }
0xc0: {  	v19 =	vmul.f32 v19, v38;
	[tilespmem:s23+$0xFFFFFE60] =	vst v17;
	v17 =	vmul.f32 v50, v37;
	v35 =	vld [tilespmem:s23+$0xFFFFFFA0]  }
0xc1: {  	v24 =	vmul.f32 v24, v40;
	[tilespmem:s23+$0xFFFFFE70] =	vst v21;
	v21 =	vmul.f32 v51, v38;
	v36 =	vld [tilespmem:s23+$0xFFFFFFB0]  }
0xc2: {  	v25 =	vmul.f32 v25, v40;
	v27 =	vmul.f32 v27, v41;
	[tilespmem:s23+$0xFFFFFE80] =	vst v29;
	v29 =	vld [tilespmem:s23+$0xFFFFFFC0]  }
0xc3: {  	[tilespmem:s23+$0xFFFFFE90] =	vst v16;
	v16 =	vmul.f32 v28, v41;
	v28 =	vmul.f32 v30, v43;
	v30 =	vld [tilespmem:s23+$0xFFFFFFD0]  }
0xc4: {  	[tilespmem:s23+$0xFFFFFEA0] =	vst v31;
	v31 =	vmul.f32 v32, v43;
	v32 =	vmul.f32 v33, v44;
	v33 =	vld [tilespmem:s23+$0xFFFFFFE0]  }
0xc5: {  	[tilespmem:s23+$0xFFFFFEB0] =	vst v26;
	v26 =	vmul.f32 v34, v44;
	v34 =	vmul.f32 v35, v46;
	v35 =	vld [tilespmem:s23+$0xFFFFFFF0]  }
0xc6: {  	[tilespmem:s23+$0xFFFFFEC0] =	vst v18;
	v36 =	vmul.f32 v36, v46;
	v18 =	vld [tilespmem:s23+$0x0]  }
0xc7: {  	[tilespmem:s23+$0xFFFFFED0] =	vst v20;
	v20 =	vmul.f32 v29, v47;
	v29 =	vld [tilespmem:s23+$0x10]  }
0xc8: {  	[tilespmem:s23+$0xFFFFFEE0] =	vst v22;
	v22 =	vmul.f32 v30, v47;
	v30 =	vld [tilespmem:s23+$0x20]  }
0xc9: {  	[tilespmem:s23+$0xFFFFFEF0] =	vst v17;
	v17 =	vmul.f32 v33, v23;
	v33 =	vld [tilespmem:s23+$0x30]  }
0xca: {  	[tilespmem:s23+$0xFFFFFF00] =	vst v19;
	v23 =	vmul.f32 v35, v23;
	v19 =	vld [tilespmem:s23+$0x40]  }
0xcb: {  	[tilespmem:s23+$0xFFFFFF10] =	vst v21;
	v21 =	vmul.f32 v7, v18;
	v18 =	vld [tilespmem:s23+$0x50]  }
0xcc: {  	[tilespmem:s23+$0xFFFFFF20] =	vst v24;
	v24 =	vmul.f32 v29, v7;
	v7 =	vld [tilespmem:s23+$0x60]  }
0xcd: {  	[tilespmem:s23+$0xFFFFFF30] =	vst v25;
	v25 =	vmul.f32 v30, v15;
	v29 =	vld [tilespmem:s23+$0x70]  }
0xce: {  	[tilespmem:s23+$0xFFFFFF40] =	vst v27;
	v27 =	vmul.f32 v33, v15;
	v15 =	vld [tilespmem:s23+$0x80]  }
0xcf: {  	[tilespmem:s23+$0xFFFFFF50] =	vst v16;
	v30 =	vmul.f32 v19, v14;
	v16 =	vld [tilespmem:s23+$0x90]  }
0xd0: {  	[tilespmem:s23+$0xFFFFFF60] =	vst v28;
	v28 =	vmul.f32 v18, v14;
	v14 =	vld [tilespmem:s23+$0xA0]  }
0xd1: {  	[tilespmem:s23+$0xFFFFFF70] =	vst v31;
	v31 =	vmul.f32 v7, v13;
	v7 =	vld [tilespmem:s23+$0xB0]  }
0xd2: {  	[tilespmem:s23+$0xFFFFFF80] =	vst v32;
	v29 =	vmul.f32 v29, v13;
	v13 =	vld [tilespmem:s23+$0xC0]  }
0xd3: {  	[tilespmem:s23+$0xFFFFFF90] =	vst v26;
	v19 =	vmul.f32 v15, v12;
	v15 =	vld [tilespmem:s23+$0xD0]  }
0xd4: {  	[tilespmem:s23+$0xFFFFFFA0] =	vst v34;
	v18 =	vmul.f32 v16, v12;
	v16 =	vld [tilespmem:s23+$0xE0]  }
0xd5: {  	[tilespmem:s23+$0xFFFFFFB0] =	vst v36;
	v12 =	vmul.f32 v14, v11;
	v26 =	vld [tilespmem:s23+$0xF0]  }
0xd6: {  	[tilespmem:s23+$0xFFFFFFC0] =	vst v20;
	v7 =	vmul.f32 v7, v11;
	v20 =	vld [tilespmem:s23+$0x100]  }
0xd7: {  	[tilespmem:s23+$0xFFFFFFD0] =	vst v22;
	v11 =	vmul.f32 v13, v10;
	v22 =	vld [tilespmem:s23+$0x110]  }
0xd8: {  	[tilespmem:s23+$0xFFFFFFE0] =	vst v17;
	v13 =	vmul.f32 v15, v10;
	v10 =	vld [tilespmem:s23+$0x120]  }
0xd9: {  	[tilespmem:s23+$0xFFFFFFF0] =	vst v23;
	v14 =	vmul.f32 v16, v9;
	v17 =	vld [tilespmem:s23+$0x130]  }
0xda: {  	[tilespmem:s23+$0x0] =	vst v21;
	v16 =	vmul.f32 v26, v9;
	v23 =	vld [tilespmem:s23+$0x140]  }
0xdb: {  	[tilespmem:s23+$0x10] =	vst v24;
	v9 =	vmul.f32 v20, v8;
	v24 =	vld [tilespmem:s23+$0x150]  }
0xdc: {  	[tilespmem:s23+$0x20] =	vst v25;
	v15 =	vmul.f32 v22, v8;
	v25 =	vld [tilespmem:s23+$0x160]  }
.Ltmp0:
0xdd: {  	[tilespmem:s23+$0x30] =	vst v27;
	v10 =	vmul.f32 v10, v6;
	v20 =	vld [tilespmem:s23+$0x170];
	(pc) =	sbr.rel @p1 .LBB2_3-.Ltmp0, $4  }
0xde: {  	[tilespmem:s23+$0x40] =	vst v30;
	v17 =	vmul.f32 v17, v6;
	v21 =	vld [tilespmem:s23+$0x180]  }
0xdf: {  	[tilespmem:s23+$0x50] =	vst v28;
	v6 =	vmul.f32 v23, v5;
	v22 =	vld [tilespmem:s23+$0x190]  }
0xe0: {  	[tilespmem:s23+$0x60] =	vst v31;
	v8 =	vmul.f32 v24, v5;
	v23 =	vld [tilespmem:s23+$0x1A0]  }
0xe1: {  	s13 =	sadd.s32 $0x20, s13;
	[tilespmem:s23+$0x70] =	vst v29;
	v5 =	vmul.f32 v25, v4;
	v24 =	vld [tilespmem:s23+$0x1B0]  }
0xe2: {  	[tilespmem:s23+$0x80] =	vst v19  }
0xe3: {  	[tilespmem:s23+$0x90] =	vst v18  }
0xe4: {  	v19 =	vld [tilespmem:s23+$0x1C0];
	[tilespmem:s23+$0xA0] =	vst v12  }
0xe5: {  	v18 =	vld [tilespmem:s23+$0x1D0];
	[tilespmem:s23+$0xB0] =	vst v7  }
0xe6: {  	v12 =	vld [tilespmem:s23+$0x1E0];
	[tilespmem:s5+$0xC0] =	vst v11  }
0xe7: {  	[tilespmem:s5+$0xD0] =	vst v13  }
0xe8: {  	[tilespmem:s5+$0xE0] =	vst v14  }
0xe9: {  	[tilespmem:s5+$0xF0] =	vst v16  }
0xea: {  	[tilespmem:s5+$0x100] =	vst v9  }
0xeb: {  	[tilespmem:s5+$0x110] =	vst v15  }
0xec: {  	[tilespmem:s5+$0x120] =	vst v10  }
0xed: {  	[tilespmem:s5+$0x130] =	vst v17  }
0xee: {  	[tilespmem:s5+$0x140] =	vst v6  }
0xef: {  	v4 =	vmul.f32 v20, v4;
	[tilespmem:s5+$0x150] =	vst v8  }
0xf0: {  	v6 =	vmul.f32 v21, v3;
	[tilespmem:s5+$0x160] =	vst v5  }
0xf1: {  	v3 =	vmul.f32 v22, v3;
	[tilespmem:s5+$0x170] =	vst v4  }
0xf2: {  	v4 =	vmul.f32 v23, v2;
	[tilespmem:s5+$0x180] =	vst v6  }
0xf3: {  	v2 =	vmul.f32 v24, v2;
	[tilespmem:s5+$0x190] =	vst v3  }
0xf4: {  	v3 =	vmul.f32 v19, v1;
	[tilespmem:s5+$0x1A0] =	vst v4  }
0xf5: {  	v1 =	vmul.f32 v18, v1;
	[tilespmem:s5+$0x1B0] =	vst v2  }
0xf6: {  	v0 =	vmul.f32 v12, v0;
	[tilespmem:s5+$0x1C0] =	vst v3  }
0xf7: {  	[tilespmem:s5+$0x1D0] =	vst v1  }
0xf8: {  	s30 =	sadd.s32 $0x1A480, s22;
	s12 =	sadd.s32 $0x19C80, s22;
	[tilespmem:s5+$0x1E0] =	vst v0  }
0xf9: {  	[spmem:s4] =	stream.indirect.scatter.add.f32 [tilespmem:s30], [sflag:$0x3], $0x1, s12, s31, $0xb8;
	[tilespmem:$0x1EC80] =	vst v63  }
0xfa: {  	_ = 	snop  }
0xfb: {  	[spmem:s2] =	stream.indirect.scatter.add.f32 [tilespmem:s0], [sflag:$0x3], $0x20, s12, s31, $0xb8;
	[tilespmem:$0x1EC80] =	vst v63  }
0xfc: {  	s13 =	sadd.s32 $0x1A500, s22;
	s23 =	sadd.s32 $0x19D00, s22  }
0xfd: {  	[spmem:s4] =	stream.indirect.scatter.add.f32 [tilespmem:s13], [sflag:$0x3], $0x1, s23, s31, $0xb8;
	[tilespmem:$0x1EC80] =	vst v63  }
0xfe: {  	_ = 	snop  }
0xff: {  	[spmem:s2] =	stream.indirect.scatter.add.f32 [tilespmem:s1], [sflag:$0x3], $0x20, s23, s31, $0xb8;
	[tilespmem:$0x1EC80] =	vst v63  }
0x100: {  	_ =	swait.ge [sflag:s25], $0x1000  }
0x101: {  	[sflag:s25] =	ssyncset.done $0x0  }
0x102: {  	[sflag:s25] =	ssyncadd.s32 $0xFFFFF000  }
0x103: {  	_ =	swait.ge [sflag:s25], $0x1000  }
0x104: {  	[sflag:s25] =	ssyncset.done $0x0  }
0x105: {  	[sflag:s25] =	ssyncadd.s32 $0xFFFFF000  }
0x106: {  	_ =	swait.ge [sflag:s3], $0x80  }
0x107: {  	[sflag:s3] =	ssyncset.done $0x0  }
0x108: {  	[sflag:s3] =	ssyncadd.s32 $0xFFFFFF80  }
0x109: {  	_ =	swait.ge [sflag:s3], $0x1000  }
0x10a: {  	[sflag:s3] =	ssyncset.done $0x0  }
0x10b: {  	[sflag:s3] =	ssyncadd.s32 $0xFFFFF000  }
0x10c: {  	_ =	swait.ge [sflag:s3], $0x80  }
0x10d: {  	[sflag:s3] =	ssyncset.done $0x0  }
0x10e: {  	[sflag:s3] =	ssyncadd.s32 $0xFFFFFF80  }
0x10f: {  	_ =	swait.ge [sflag:s3], $0x1000  }
0x110: {  	[sflag:s3] =	ssyncset.done $0x0  }
0x111: {  	s5 =	simm.s32 @!p0 $0x2;
	[sflag:s3] =	ssyncadd.s32 $0xFFFFF000  }
0x112: {  	_ =	swait.ge @!p0 [sflag:s5], $0x200  }
0x113: {  	[sflag:s5] =	ssyncset.done @!p0 $0x0  }
0x114: {  	[sflag:s5] =	ssyncadd.s32 @!p0 $0xFFFFFE00  }
0x115: {  	_ =	swait.ge @!p0 [sflag:s5], $0x200  }
0x116: {  	[sflag:s5] =	ssyncset.done @!p0 $0x0  }
0x117: {  	[sflag:s5] =	ssyncadd.s32 @!p0 $0xFFFFFE00  }
0x118: {  	_ =	swait.ge @!p0 [sflag:s5], $0x200  }
0x119: {  	[sflag:s5] =	ssyncset.done @!p0 $0x0  }
0x11a: {  	[sflag:s5] =	ssyncadd.s32 @!p0 $0xFFFFFE00  }
0x11b: {  	_ =	swait.ge @!p0 [sflag:s5], $0x200  }
0x11c: {  	[sflag:s5] =	ssyncset.done @!p0 $0x0  }
0x11d: {  	s12 =	simm.s32 @!p0 $0x1A880;
	[sflag:s5] =	ssyncadd.s32 @!p0 $0xFFFFFE00;
	s5 =	simm.s32 @!p0 $0x80  }
0x11e: {  	[tilespmem:s12], [sflag:$0x1] =	stream.indirect.gather @!p0 [hbm4b:s6+s5], $0x20, s21, s5, $0xb8;
	[tilespmem:$0x1EC80] =	vst v63  }
0x11f: {  	s13 =	simm.s32 @!p0 $0x1B880;
	s12 =	sor.u32 @!p0 $0x1A100, s19;
	s19 =	simm.s32 $0x1CC70  }
0x120: {  	[tilespmem:s13], [sflag:$0x1] =	stream.indirect.gather @!p0 [hbm4b:s6+s5], $0x20, s12, s5, $0xb8;
	[tilespmem:$0x1EC80] =	vst v63  }
0x121: {  	v0 =	vld [tilespmem:s19+$0xFFFFFC10]  }
0x122: {  	v2 =	vld [tilespmem:s19+$0xFFFFFC20]  }
0x123: {  	v3 =	vld [tilespmem:s19+$0xFFFFFC30]  }
0x124: {  	v4 =	vld [tilespmem:s19+$0xFFFFFC40]  }
0x125: {  	v5 =	vld [tilespmem:s19+$0xFFFFFC50]  }
0x126: {  	v6 =	vld [tilespmem:s19+$0xFFFFFC60]  }
0x127: {  	v7 =	vld [tilespmem:s19+$0xFFFFFC70]  }
0x128: {  	v8 =	vld [tilespmem:s19+$0xFFFFFC80]  }
0x129: {  	v9 =	vld [tilespmem:s19+$0xFFFFFC90]  }
0x12a: {  	s24 =	simm.s32 $0x100;
	v10 =	vld [tilespmem:s19+$0xFFFFFCA0]  }
0x12b: {  	s26 =	sand.u32 $0x180, s24;
	v11 =	vld [tilespmem:s19+$0xFFFFFCB0]  }
0x12c: {  	s12 =	sadd.s32 s26, s16;
	s5 =	sand.u32 $0x60, s24;
	v12 =	vld [tilespmem:s19+$0xFFFFFCC0]  }
0x12d: {  	s5 =	sadd.s32 s5, s12;
	v13 =	vld [tilespmem:s19+$0xFFFFFCD0]  }
0x12e: {  	v1 =	vld [tilespmem:s5+$0x0]  }
0x12f: {  	v14 =	vld [tilespmem:s19+$0xFFFFFCE0]  }
0x130: {  	v15 =	vld [tilespmem:s19+$0xFFFFFCF0]  }
0x131: {  	v16 =	vld [tilespmem:s19+$0xFFFFFD00]  }
0x132: {  	v18 =	vld [tilespmem:s19+$0xFFFFFD10]  }
0x133: {  	v19 =	vld [tilespmem:s19+$0xFFFFFD20];
	v17 =	vbroadcast v1, $0x0  }
0x134: {  	v20 =	vld [tilespmem:s19+$0xFFFFFD30];
	v22 =	vbroadcast v1, $0x1  }
0x135: {  	v21 =	vld [tilespmem:s19+$0xFFFFFD40];
	v24 =	vbroadcast v1, $0x5;
	v0 =	vmul.f32 v17, v0  }
0x136: {  	v25 =	vld [tilespmem:s19+$0xFFFFFDE0];
	v26 =	vbroadcast v1, $0x6;
	v2 =	vmul.f32 v2, v17  }
0x137: {  	v27 =	vld [tilespmem:s19+$0xFFFFFE30];
	v28 =	vbroadcast v1, $0x7;
	v4 =	vmul.f32 v4, v22;
	[tilespmem:s19+$0xFFFFFC10] =	vst v0  }
0x138: {  	v30 =	vld [tilespmem:s19+$0xFFFFFE40];
	v29 =	vbroadcast v1, $0x8;
	v11 =	vmul.f32 v11, v24;
	[tilespmem:s19+$0xFFFFFC20] =	vst v2  }
0x139: {  	v33 =	vld [tilespmem:s19+$0xFFFFFE50];
	v31 =	vbroadcast v1, $0x9;
	v13 =	vmul.f32 v13, v26;
	[tilespmem:s19+$0xFFFFFC40] =	vst v4  }
0x13a: {  	s30 =	simm.s32 $0x110;
	v36 =	vld [tilespmem:s19+$0xFFFFFE60];
	v32 =	vbroadcast v1, $0xA;
	v14 =	vmul.f32 v14, v26;
	[tilespmem:s19+$0xFFFFFCB0] =	vst v11  }
0x13b: {  	v38 =	vld [tilespmem:s19+$0xFFFFFE70];
	s5 =	sand.u32 $0x70, s30;
	v34 =	vbroadcast v1, $0xB;
	v16 =	vmul.f32 v16, v28;
	[tilespmem:s19+$0xFFFFFCD0] =	vst v13  }
0x13c: {  	v41 =	vld [tilespmem:s19+$0xFFFFFEB0];
	s5 =	sadd.s32 s5, s12;
	v35 =	vbroadcast v1, $0xC;
	v18 =	vmul.f32 v18, v29;
	[tilespmem:s19+$0xFFFFFCE0] =	vst v14  }
0x13d: {  	v23 =	vld [tilespmem:s5+$0x0];
	v0 =	vmul.f32 v3, v22;
	v3 =	vbroadcast v1, $0x2;
	[tilespmem:s19+$0xFFFFFD00] =	vst v16  }
0x13e: {  	v43 =	vld [tilespmem:s19+$0xFFFFFED0];
	v37 =	vbroadcast v1, $0xD;
	[tilespmem:s19+$0xFFFFFD10] =	vst v18;
	v18 =	vmul.f32 v21, v31  }
0x13f: {  	v2 =	vld [tilespmem:s19+$0xFFFFFD60];
	[tilespmem:s19+$0xFFFFFC30] =	vst v0;
	v0 =	vmul.f32 v5, v3;
	v5 =	vbroadcast v1, $0x3  }
0x140: {  	v39 =	vbroadcast v1, $0xE;
	v22 =	vld [tilespmem:s19+$0xFFFFFD70];
	v3 =	vmul.f32 v6, v3;
	[tilespmem:s19+$0xFFFFFD40] =	vst v18  }
0x141: {  	v61 =	vld [tilespmem:s19+$0xFFFFFEE0];
	v40 =	vbroadcast v1, $0xF;
	[tilespmem:s19+$0xFFFFFC50] =	vst v0;
	v0 =	vmul.f32 v7, v5  }
0x142: {  	v62 =	vld [tilespmem:s19+$0xFFFFFF00];
	v59 =	vbroadcast v23, $0x2;
	[tilespmem:s19+$0xFFFFFC60] =	vst v3;
	v5 =	vmul.f32 v8, v5  }
0x143: {  	v48 =	vld [tilespmem:s19+$0xFFFFFF10];
	v3 =	vbroadcast v1, $0x4;
	v1 =	vmul.f32 v15, v28;
	[tilespmem:s19+$0xFFFFFC70] =	vst v0  }
0x144: {  	v63 =	vld [tilespmem:s19+$0xFFFFFF20];
	v42 =	vbroadcast v23, $0x3;
	v2 =	vmul.f32 v2, v32;
	[tilespmem:s19+$0xFFFFFC80] =	vst v5  }
0x145: {  	v60 =	vbroadcast v23, $0x4;
	v6 =	vld [tilespmem:s19+$0xFFFFFD90];
	v18 =	vmul.f32 v22, v34;
	[tilespmem:s19+$0xFFFFFCF0] =	vst v1  }
0x146: {  	v17 =	vld [tilespmem:s19+$0xFFFFFD50];
	v44 =	vbroadcast v23, $0x5;
	v0 =	vmul.f32 v9, v3;
	[tilespmem:s19+$0xFFFFFD60] =	vst v2  }
0x147: {  	v26 =	vld [tilespmem:s19+$0xFFFFFE80];
	v45 =	vbroadcast v23, $0x6;
	v3 =	vmul.f32 v10, v3;
	[tilespmem:s19+$0xFFFFFD70] =	vst v18  }
0x148: {  	v46 =	vbroadcast v23, $0x7;
	v4 =	vld [tilespmem:s19+$0xFFFFFD80];
	v1 =	vmul.f32 v19, v29;
	[tilespmem:s19+$0xFFFFFC90] =	vst v0  }
0x149: {  	v13 =	vld [tilespmem:s19+$0xFFFFFE90];
	v15 =	vbroadcast v23, $0x1;
	v19 =	vmul.f32 v20, v31;
	[tilespmem:s19+$0xFFFFFCA0] =	vst v3  }
0x14a: {  	v47 =	vbroadcast v23, $0x8;
	v7 =	vld [tilespmem:s19+$0xFFFFFDA0];
	v6 =	vmul.f32 v6, v35;
	[tilespmem:s19+$0xFFFFFD20] =	vst v1  }
0x14b: {  	v49 =	vbroadcast v23, $0x9;
	v8 =	vld [tilespmem:s19+$0xFFFFFDB0];
	v18 =	vmul.f32 v27, v15;
	[tilespmem:s19+$0xFFFFFD30] =	vst v19  }
0x14c: {  	v50 =	vbroadcast v23, $0xA;
	v14 =	vld [tilespmem:s19+$0xFFFFFEA0];
	v27 =	vmul.f32 v38, v42;
	[tilespmem:s19+$0xFFFFFD90] =	vst v6  }
0x14d: {  	v9 =	vld [tilespmem:s19+$0x0];
	v0 =	vbroadcast v23, $0xF;
	v3 =	vmul.f32 v12, v24;
	[tilespmem:s19+$0xFFFFFE30] =	vst v18  }
0x14e: {  	v10 =	vld [tilespmem:s19+$0xFFFFFDD0];
	v24 =	vbroadcast v23, $0x0;
	v1 =	vmul.f32 v17, v32;
	[tilespmem:s19+$0xFFFFFE70] =	vst v27  }
0x14f: {  	v5 =	vld [tilespmem:s19+$0xFFFFFDC0];
	v19 =	vmul.f32 v13, v60;
	v7 =	vmul.f32 v7, v35;
	[tilespmem:s19+$0xFFFFFCC0] =	vst v3  }
0x150: {  	v12 =	vld [tilespmem:s19+$0xFFFFFE20];
	v13 =	vmul.f32 v41, v44;
	v8 =	vmul.f32 v8, v37;
	[tilespmem:s19+$0xFFFFFD50] =	vst v1  }
0x151: {  	v16 =	vld [tilespmem:s19+$0xFFFFFEC0];
	v18 =	vmul.f32 v14, v60;
	v1 =	vmul.f32 v4, v34;
	[tilespmem:s19+$0xFFFFFDA0] =	vst v7  }
0x152: {  	v17 =	vld [tilespmem:s19+$0xFFFFFEF0];
	v14 =	vmul.f32 v61, v45;
	v9 =	vmul.f32 v9, v0;
	[tilespmem:s19+$0xFFFFFDB0] =	vst v8  }
0x153: {  	v6 =	vld [tilespmem:s19+$0xFFFFFF50];
	v7 =	vmul.f32 v10, v39;
	v10 =	vmul.f32 v30, v15;
	[tilespmem:s19+$0xFFFFFD80] =	vst v1  }
0x154: {  	v3 =	vld [tilespmem:s19+$0xFFFFFE10];
	v4 =	vbroadcast v23, $0xB;
	v5 =	vmul.f32 v5, v37;
	[tilespmem:s19+$0x0] =	vst v9  }
0x155: {  	v51 =	vld [tilespmem:s19+$0xFFFFFF30];
	v1 =	vbroadcast v23, $0xE;
	v12 =	vmul.f32 v12, v24;
	[tilespmem:s19+$0xFFFFFE40] =	vst v10  }
0x156: {  	v11 =	vld [tilespmem:s19+$0xFFFFFDF0];
	v10 =	vmul.f32 v36, v59;
	[tilespmem:s19+$0xFFFFFDC0] =	vst v5;
	v5 =	vmul.f32 v26, v42  }
0x157: {  	v9 =	vld [tilespmem:s19+$0xFFFFFE00];
	[tilespmem:s19+$0xFFFFFDD0] =	vst v7;
	v7 =	vmul.f32 v16, v44;
	v15 =	vmul.f32 v17, v46  }
0x158: {  	v52 =	vld [tilespmem:s19+$0xFFFFFF40];
	v17 =	vmul.f32 v62, v46;
	v16 =	vmul.f32 v63, v47;
	[tilespmem:s19+$0xFFFFFE20] =	vst v12  }
0x159: {  	v6 =	vmul.f32 v6, v50;
	v2 =	vmul.f32 v24, v3;
	v24 =	vld [tilespmem:s19+$0xFFFFFF60];
	[tilespmem:s19+$0xFFFFFE60] =	vst v10  }
0x15a: {  	v3 =	vbroadcast v23, $0xC;
	v12 =	vmul.f32 v25, v39;
	v25 =	vld [tilespmem:s19+$0xFFFFFF70];
	[tilespmem:s19+$0xFFFFFE80] =	vst v5  }
0x15b: {  	v20 =	vld [tilespmem:s19+$0xFFFFFF80];
	[tilespmem:s19+$0xFFFFFE10] =	vst v2;
	v2 =	vbroadcast v23, $0xD;
	v23 =	vmul.f32 v11, v40  }
0x15c: {  	v21 =	vld [tilespmem:s19+$0xFFFFFF90];
	[tilespmem:s19+$0xFFFFFDE0] =	vst v12;
	v8 =	vmul.f32 v9, v40;
	v9 =	vmul.f32 v33, v59  }
0x15d: {  	v22 =	vld [tilespmem:s19+$0xFFFFFFA0];
	v10 =	vmul.f32 v51, v49;
	v11 =	vmul.f32 v43, v45;
	[tilespmem:s19+$0xFFFFFDF0] =	vst v23  }
0x15e: {  	v12 =	vmul.f32 v52, v49;
	v23 =	vld [tilespmem:s19+$0xFFFFFFB0];
	[tilespmem:s19+$0xFFFFFE50] =	vst v9;
	v9 =	vmul.f32 v48, v47  }
0x15f: {  	s21 =	simm.s32 $0x10;
	s13 =	simm.s32 $0x120;
	s5 =	simm.s32 $0x1CC70;
	[tilespmem:s19+$0xFFFFFE00] =	vst v8;
	v8 =	vmul.f32 v24, v50;
	v5 =	vmul.f32 v25, v4;
	v24 =	vld [tilespmem:s19+$0xFFFFFFC0]  }
.LBB2_5:
0x160: {  	s12 =	sand.u32 $0x180, s13;
	s22 =	sadd.s32 $0x10, s13;
	s21 =	sadd.s32 $0x2, s21;
	[tilespmem:s19+$0xFFFFFE90] =	vst v19;
	v4 =	vmul.f32 v20, v4;
	v19 =	vld [tilespmem:s19+$0xFFFFFFD0]  }
0x161: {  	s12 =	sadd.s32 s12, s16;
	s22 =	sand.u32 $0x70, s22;
	p0 =	slt.u32 s21, $0x1E;
	[tilespmem:s19+$0xFFFFFEA0] =	vst v18;
	v18 =	vmul.f32 v21, v3;
	v20 =	vld [tilespmem:s19+$0xFFFFFFE0]  }
0x162: {  	s23 =	sand.u32 $0x60, s13;
	s22 =	sadd.s32 s22, s12;
	[tilespmem:s19+$0xFFFFFEB0] =	vst v13;
	v3 =	vmul.f32 v22, v3;
	v13 =	vld [tilespmem:s19+$0xFFFFFFF0]  }
0x163: {  	s12 =	sadd.s32 s23, s12;
	v21 =	vld [tilespmem:s22+$0x0];
	[tilespmem:s19+$0xFFFFFEC0] =	vst v7;
	v22 =	vmul.f32 v23, v2  }
0x164: {  	s19 =	sadd.s32 $0x400, s19;
	v23 =	vld [tilespmem:s12+$0x0];
	[tilespmem:s5+$0xFFFFFED0] =	vst v11;
	v2 =	vmul.f32 v24, v2  }
0x165: {  	v11 =	vld [tilespmem:s19+$0x0];
	[tilespmem:s5+$0xFFFFFEE0] =	vst v14;
	v19 =	vmul.f32 v19, v1  }
0x166: {  	v24 =	vld [tilespmem:s19+$0xFFFFFC10];
	[tilespmem:s5+$0xFFFFFEF0] =	vst v15;
	v1 =	vmul.f32 v20, v1  }
0x167: {  	v20 =	vld [tilespmem:s19+$0xFFFFFC20];
	[tilespmem:s5+$0xFFFFFF00] =	vst v17;
	v17 =	vmul.f32 v13, v0  }
0x168: {  	v25 =	vld [tilespmem:s19+$0xFFFFFC30];
	v7 =	vbroadcast v21, $0x0;
	v0 =	vbroadcast v21, $0xF;
	[tilespmem:s5+$0xFFFFFF10] =	vst v9  }
0x169: {  	v26 =	vbroadcast v23, $0x0;
	v27 =	vbroadcast v23, $0x1;
	v28 =	vld [tilespmem:s19+$0xFFFFFC40];
	[tilespmem:s5+$0xFFFFFF20] =	vst v16  }
0x16a: {  	v29 =	vbroadcast v23, $0x2;
	v16 =	vld [tilespmem:s19+$0xFFFFFC50];
	v9 =	vmul.f32 v11, v0;
	[tilespmem:s5+$0xFFFFFF30] =	vst v10  }
0x16b: {  	v31 =	vbroadcast v23, $0x3;
	v32 =	vbroadcast v23, $0x4;
	v30 =	vld [tilespmem:s19+$0xFFFFFC60];
	[tilespmem:s5+$0xFFFFFF40] =	vst v12  }
0x16c: {  	v34 =	vbroadcast v23, $0x5;
	v35 =	vbroadcast v23, $0x6;
	v33 =	vld [tilespmem:s19+$0xFFFFFC70];
	[tilespmem:s19+$0x0] =	vst v9  }
0x16d: {  	v37 =	vbroadcast v23, $0x7;
	v38 =	vbroadcast v23, $0x8;
	v36 =	vld [tilespmem:s19+$0xFFFFFC80];
	[tilespmem:s5+$0xFFFFFF50] =	vst v6  }
0x16e: {  	v40 =	vbroadcast v23, $0x9;
	v41 =	vbroadcast v23, $0xA;
	v39 =	vld [tilespmem:s19+$0xFFFFFC90];
	[tilespmem:s5+$0xFFFFFF60] =	vst v8  }
0x16f: {  	v43 =	vbroadcast v23, $0xB;
	v44 =	vbroadcast v23, $0xC;
	v42 =	vld [tilespmem:s19+$0xFFFFFCA0];
	[tilespmem:s5+$0xFFFFFF70] =	vst v5  }
0x170: {  	v46 =	vbroadcast v23, $0xD;
	v47 =	vbroadcast v23, $0xE;
	v45 =	vld [tilespmem:s19+$0xFFFFFCB0];
	[tilespmem:s5+$0xFFFFFF80] =	vst v4  }
0x171: {  	v15 =	vbroadcast v21, $0x1;
	v23 =	vbroadcast v23, $0xF;
	v48 =	vld [tilespmem:s19+$0xFFFFFCC0];
	[tilespmem:s5+$0xFFFFFF90] =	vst v18  }
0x172: {  	v14 =	vbroadcast v21, $0x2;
	v13 =	vbroadcast v21, $0x3;
	v18 =	vld [tilespmem:s19+$0xFFFFFCD0];
	[tilespmem:s5+$0xFFFFFFA0] =	vst v3  }
0x173: {  	v11 =	vbroadcast v21, $0x5;
	v12 =	vbroadcast v21, $0x4;
	v49 =	vld [tilespmem:s19+$0xFFFFFCE0];
	[tilespmem:s5+$0xFFFFFFB0] =	vst v22  }
0x174: {  	v10 =	vbroadcast v21, $0x6;
	v9 =	vbroadcast v21, $0x7;
	v22 =	vld [tilespmem:s19+$0xFFFFFCF0];
	[tilespmem:s5+$0xFFFFFFC0] =	vst v2  }
0x175: {  	v6 =	vbroadcast v21, $0x9;
	v8 =	vbroadcast v21, $0x8;
	v50 =	vld [tilespmem:s19+$0xFFFFFD00];
	[tilespmem:s5+$0xFFFFFFD0] =	vst v19  }
0x176: {  	v5 =	vbroadcast v21, $0xA;
	v4 =	vbroadcast v21, $0xB;
	v19 =	vld [tilespmem:s19+$0xFFFFFD10];
	[tilespmem:s5+$0xFFFFFFE0] =	vst v1  }
0x177: {  	v3 =	vbroadcast v21, $0xC;
	v2 =	vbroadcast v21, $0xD;
	v51 =	vld [tilespmem:s19+$0xFFFFFD20];
	[tilespmem:s5+$0xFFFFFFF0] =	vst v17;
	s5 =	smov.u32 s19  }
0x178: {  	v1 =	vbroadcast v21, $0xE;
	v17 =	vmul.f32 v26, v24;
	v24 =	vld [tilespmem:s19+$0xFFFFFD30]  }
0x179: {  	v20 =	vmul.f32 v20, v26;
	v21 =	vmul.f32 v25, v27;
	v25 =	vld [tilespmem:s19+$0xFFFFFD40]  }
0x17a: {  	v16 =	vmul.f32 v16, v29;
	[tilespmem:s19+$0xFFFFFC10] =	vst v17;
	v17 =	vmul.f32 v28, v27;
	v26 =	vld [tilespmem:s19+$0xFFFFFD50]  }
0x17b: {  	v27 =	vmul.f32 v33, v31;
	[tilespmem:s19+$0xFFFFFC20] =	vst v20;
	v20 =	vmul.f32 v30, v29;
	v28 =	vld [tilespmem:s19+$0xFFFFFD60]  }
0x17c: {  	v29 =	vmul.f32 v39, v32;
	[tilespmem:s19+$0xFFFFFC30] =	vst v21;
	v21 =	vmul.f32 v36, v31;
	v30 =	vld [tilespmem:s19+$0xFFFFFD70]  }
0x17d: {  	v31 =	vmul.f32 v45, v34;
	[tilespmem:s19+$0xFFFFFC40] =	vst v17;
	v17 =	vmul.f32 v42, v32;
	v32 =	vld [tilespmem:s19+$0xFFFFFD80]  }
0x17e: {  	v18 =	vmul.f32 v18, v35;
	[tilespmem:s19+$0xFFFFFC50] =	vst v16;
	v16 =	vmul.f32 v48, v34;
	v33 =	vld [tilespmem:s19+$0xFFFFFD90]  }
0x17f: {  	v22 =	vmul.f32 v22, v37;
	[tilespmem:s19+$0xFFFFFC60] =	vst v20;
	v20 =	vmul.f32 v49, v35;
	v34 =	vld [tilespmem:s19+$0xFFFFFDA0]  }
0x180: {  	v19 =	vmul.f32 v19, v38;
	[tilespmem:s19+$0xFFFFFC70] =	vst v27;
	v27 =	vmul.f32 v50, v37;
	v35 =	vld [tilespmem:s19+$0xFFFFFDB0]  }
0x181: {  	v24 =	vmul.f32 v24, v40;
	[tilespmem:s19+$0xFFFFFC80] =	vst v21;
	v21 =	vmul.f32 v51, v38;
	v36 =	vld [tilespmem:s19+$0xFFFFFDC0]  }
0x182: {  	v25 =	vmul.f32 v25, v40;
	v26 =	vmul.f32 v26, v41;
	[tilespmem:s19+$0xFFFFFC90] =	vst v29;
	v29 =	vld [tilespmem:s19+$0xFFFFFDD0]  }
0x183: {  	[tilespmem:s19+$0xFFFFFCA0] =	vst v17;
	v17 =	vmul.f32 v28, v41;
	v28 =	vmul.f32 v30, v43;
	v30 =	vld [tilespmem:s19+$0xFFFFFDE0]  }
0x184: {  	[tilespmem:s19+$0xFFFFFCB0] =	vst v31;
	v31 =	vmul.f32 v32, v43;
	v32 =	vmul.f32 v33, v44;
	v33 =	vld [tilespmem:s19+$0xFFFFFDF0]  }
0x185: {  	[tilespmem:s19+$0xFFFFFCC0] =	vst v16;
	v16 =	vmul.f32 v34, v44;
	v34 =	vmul.f32 v35, v46;
	v35 =	vld [tilespmem:s19+$0xFFFFFE00]  }
0x186: {  	[tilespmem:s19+$0xFFFFFCD0] =	vst v18;
	v36 =	vmul.f32 v36, v46;
	v18 =	vld [tilespmem:s19+$0xFFFFFE10]  }
0x187: {  	[tilespmem:s19+$0xFFFFFCE0] =	vst v20;
	v20 =	vmul.f32 v29, v47;
	v29 =	vld [tilespmem:s19+$0xFFFFFE20]  }
0x188: {  	[tilespmem:s19+$0xFFFFFCF0] =	vst v22;
	v22 =	vmul.f32 v30, v47;
	v30 =	vld [tilespmem:s19+$0xFFFFFE30]  }
0x189: {  	[tilespmem:s19+$0xFFFFFD00] =	vst v27;
	v27 =	vmul.f32 v33, v23;
	v33 =	vld [tilespmem:s19+$0xFFFFFE40]  }
0x18a: {  	[tilespmem:s19+$0xFFFFFD10] =	vst v19;
	v23 =	vmul.f32 v35, v23;
	v19 =	vld [tilespmem:s19+$0xFFFFFE50]  }
0x18b: {  	[tilespmem:s19+$0xFFFFFD20] =	vst v21;
	v21 =	vmul.f32 v7, v18;
	v18 =	vld [tilespmem:s19+$0xFFFFFE60]  }
0x18c: {  	[tilespmem:s19+$0xFFFFFD30] =	vst v24;
	v24 =	vmul.f32 v29, v7;
	v7 =	vld [tilespmem:s19+$0xFFFFFE70]  }
0x18d: {  	[tilespmem:s19+$0xFFFFFD40] =	vst v25;
	v25 =	vmul.f32 v30, v15;
	v29 =	vld [tilespmem:s19+$0xFFFFFE80]  }
0x18e: {  	[tilespmem:s19+$0xFFFFFD50] =	vst v26;
	v26 =	vmul.f32 v33, v15;
	v15 =	vld [tilespmem:s19+$0xFFFFFE90]  }
0x18f: {  	[tilespmem:s19+$0xFFFFFD60] =	vst v17;
	v30 =	vmul.f32 v19, v14;
	v17 =	vld [tilespmem:s19+$0xFFFFFEA0]  }
0x190: {  	[tilespmem:s19+$0xFFFFFD70] =	vst v28;
	v28 =	vmul.f32 v18, v14;
	v14 =	vld [tilespmem:s19+$0xFFFFFEB0]  }
0x191: {  	[tilespmem:s19+$0xFFFFFD80] =	vst v31;
	v31 =	vmul.f32 v7, v13;
	v7 =	vld [tilespmem:s19+$0xFFFFFEC0]  }
0x192: {  	[tilespmem:s19+$0xFFFFFD90] =	vst v32;
	v29 =	vmul.f32 v29, v13;
	v32 =	vld [tilespmem:s19+$0xFFFFFED0]  }
0x193: {  	[tilespmem:s19+$0xFFFFFDA0] =	vst v16;
	v19 =	vmul.f32 v15, v12;
	v15 =	vld [tilespmem:s19+$0xFFFFFEE0]  }
0x194: {  	[tilespmem:s19+$0xFFFFFDB0] =	vst v34;
	v18 =	vmul.f32 v17, v12;
	v12 =	vld [tilespmem:s19+$0xFFFFFEF0]  }
0x195: {  	[tilespmem:s19+$0xFFFFFDC0] =	vst v36;
	v13 =	vmul.f32 v14, v11;
	v16 =	vld [tilespmem:s19+$0xFFFFFF00]  }
0x196: {  	[tilespmem:s19+$0xFFFFFDD0] =	vst v20;
	v7 =	vmul.f32 v7, v11;
	v20 =	vld [tilespmem:s19+$0xFFFFFF10]  }
0x197: {  	[tilespmem:s19+$0xFFFFFDE0] =	vst v22;
	v11 =	vmul.f32 v32, v10;
	v22 =	vld [tilespmem:s19+$0xFFFFFF20]  }
0x198: {  	[tilespmem:s19+$0xFFFFFDF0] =	vst v27;
	v14 =	vmul.f32 v15, v10;
	v10 =	vld [tilespmem:s19+$0xFFFFFF30]  }
0x199: {  	[tilespmem:s19+$0xFFFFFE00] =	vst v23;
	v15 =	vmul.f32 v12, v9;
	v12 =	vld [tilespmem:s19+$0xFFFFFF40]  }
0x19a: {  	[tilespmem:s19+$0xFFFFFE10] =	vst v21;
	v17 =	vmul.f32 v16, v9;
	v23 =	vld [tilespmem:s19+$0xFFFFFF50]  }
0x19b: {  	[tilespmem:s19+$0xFFFFFE20] =	vst v24;
	v9 =	vmul.f32 v20, v8;
	v24 =	vld [tilespmem:s19+$0xFFFFFF60]  }
0x19c: {  	[tilespmem:s19+$0xFFFFFE30] =	vst v25;
	v16 =	vmul.f32 v22, v8;
	v25 =	vld [tilespmem:s19+$0xFFFFFF70]  }
.Ltmp1:
0x19d: {  	[tilespmem:s19+$0xFFFFFE40] =	vst v26;
	v10 =	vmul.f32 v10, v6;
	v20 =	vld [tilespmem:s19+$0xFFFFFF80];
	(pc) =	sbr.rel @p0 .LBB2_5-.Ltmp1, $4  }
0x19e: {  	[tilespmem:s19+$0xFFFFFE50] =	vst v30;
	v12 =	vmul.f32 v12, v6;
	v21 =	vld [tilespmem:s19+$0xFFFFFF90]  }
0x19f: {  	[tilespmem:s19+$0xFFFFFE60] =	vst v28;
	v6 =	vmul.f32 v23, v5;
	v22 =	vld [tilespmem:s19+$0xFFFFFFA0]  }
0x1a0: {  	[tilespmem:s19+$0xFFFFFE70] =	vst v31;
	v8 =	vmul.f32 v24, v5;
	v23 =	vld [tilespmem:s19+$0xFFFFFFB0]  }
0x1a1: {  	s13 =	sadd.s32 $0x20, s13;
	[tilespmem:s19+$0xFFFFFE80] =	vst v29;
	v5 =	vmul.f32 v25, v4;
	v24 =	vld [tilespmem:s19+$0xFFFFFFC0]  }
0x1a2: {  	[tilespmem:s19+$0xFFFFFE90] =	vst v19  }
0x1a3: {  	[tilespmem:s19+$0xFFFFFEA0] =	vst v18  }
0x1a4: {  	v55 =	vld [tilespmem:s19+$0xFFFFFFD0];
	[tilespmem:s19+$0xFFFFFEB0] =	vst v13  }
0x1a5: {  	v56 =	vld [tilespmem:s19+$0xFFFFFFE0];
	[tilespmem:s19+$0xFFFFFEC0] =	vst v7  }
0x1a6: {  	v57 =	vld [tilespmem:s19+$0xFFFFFFF0];
	[tilespmem:s5+$0xFFFFFED0] =	vst v11  }
0x1a7: {  	[tilespmem:s5+$0xFFFFFEE0] =	vst v14  }
0x1a8: {  	[tilespmem:s5+$0xFFFFFEF0] =	vst v15  }
0x1a9: {  	[tilespmem:s5+$0xFFFFFF00] =	vst v17  }
0x1aa: {  	[tilespmem:s5+$0xFFFFFF10] =	vst v9  }
0x1ab: {  	[tilespmem:s5+$0xFFFFFF20] =	vst v16  }
0x1ac: {  	[tilespmem:s5+$0xFFFFFF30] =	vst v10  }
0x1ad: {  	[tilespmem:s5+$0xFFFFFF40] =	vst v12  }
0x1ae: {  	[tilespmem:s5+$0xFFFFFF50] =	vst v6  }
0x1af: {  	v4 =	vmul.f32 v20, v4;
	[tilespmem:s5+$0xFFFFFF60] =	vst v8  }
0x1b0: {  	v58 =	vmul.f32 v21, v3;
	[tilespmem:s5+$0xFFFFFF70] =	vst v5  }
0x1b1: {  	v59 =	vmul.f32 v22, v3;
	[tilespmem:s5+$0xFFFFFF80] =	vst v4  }
0x1b2: {  	v60 =	vmul.f32 v23, v2;
	[tilespmem:s5+$0xFFFFFF90] =	vst v58  }
0x1b3: {  	v61 =	vmul.f32 v24, v2;
	[tilespmem:s5+$0xFFFFFFA0] =	vst v59  }
0x1b4: {  	v62 =	vmul.f32 v55, v1;
	[tilespmem:s5+$0xFFFFFFB0] =	vst v60  }
0x1b5: {  	v63 =	vmul.f32 v56, v1;
	[tilespmem:s5+$0xFFFFFFC0] =	vst v61  }
0x1b6: {  	v0 =	vmul.f32 v57, v0;
	[tilespmem:s5+$0xFFFFFFD0] =	vst v62  }
0x1b7: {  	[tilespmem:s5+$0xFFFFFFE0] =	vst v63  }
0x1b8: {  	s24 =	sadd.s32 $0x1A480, s18;
	s12 =	sadd.s32 $0x19C80, s18;
	[tilespmem:s5+$0xFFFFFFF0] =	vst v0  }
0x1b9: {  	[spmem:s4] =	stream.indirect.scatter.add.f32 [tilespmem:s24], [sflag:$0x3], $0x1, s12, s31, $0xb8;
	[tilespmem:$0x1EC80] =	vst v63  }
0x1ba: {  	p0 =	sne.s32 s14, s15  }
0x1bb: {  	[spmem:s2] =	stream.indirect.scatter.add.f32 [tilespmem:s28], [sflag:$0x3], $0x20, s12, s31, $0xb8;
	[tilespmem:$0x1EC80] =	vst v63  }
.Ltmp2:
0x1bc: {  	_ = 	snop;
	(pc) =	sbr.rel @p0 .LBB2_2-.Ltmp2, $4  }
0x1bd: {  	s26 =	sadd.s32 $0x1A480, s17;
	s30 =	sadd.s32 $0x19C80, s17  }
0x1be: {  	[spmem:s4] =	stream.indirect.scatter.add.f32 [tilespmem:s26], [sflag:$0x3], $0x1, s30, s31, $0xb8;
	[tilespmem:$0x1EC80] =	vst v63  }
0x1bf: {  	_ = 	snop  }
0x1c0: {  	[spmem:s2] =	stream.indirect.scatter.add.f32 [tilespmem:s29], [sflag:$0x3], $0x20, s30, s31, $0xb8;
	[tilespmem:$0x1EC80] =	vst v63  }
0x1c1: {  	_ =	swait.ge [sflag:s3], $0x80  }
0x1c2: {  	[sflag:s3] =	ssyncset.done $0x0  }
0x1c3: {  	[sflag:s3] =	ssyncadd.s32 $0xFFFFFF80  }
0x1c4: {  	_ =	swait.ge [sflag:s3], $0x1000  }
0x1c5: {  	[sflag:s3] =	ssyncset.done $0x0  }
0x1c6: {  	[sflag:s3] =	ssyncadd.s32 $0xFFFFF000  }
0x1c7: {  	_ =	swait.ge [sflag:s3], $0x80  }
0x1c8: {  	[sflag:s3] =	ssyncset.done $0x0  }
0x1c9: {  	[sflag:s3] =	ssyncadd.s32 $0xFFFFFF80  }
0x1ca: {  	_ =	swait.ge [sflag:s3], $0x1000  }
0x1cb: {  	[sflag:s3] =	ssyncset.done $0x0  }
0x1cc: {  	[sflag:s3] =	ssyncadd.s32 $0xFFFFF000  }
0x1cd: {  	[bflag:$0x0] =	sbarrier.arrive $0xFFFF  }
0x1ce: {  	s12 =	rddreg [dreg:$0x6]  }
0x1cf: {  	s5 =	rddreg [dreg:$0xd]  }
0x1d0: {  	s13 =	rddreg [dreg:$0x10]  }
0x1d1: {  	[hbm:s5], [sflag:s12] =	dma.local [spmem:s13], $0x3200  }
0x1d2: {  	s13 =	simm.s32 $0x4  }
0x1d3: {  	_ =	swait.ge [sflag:s13], $0x3200  }
0x1d4: {  	[sflag:s13] =	ssyncset.done $0x0;
	s26 =	rddreg [dreg:$0xe]  }
0x1d5: {  	s14 =	rddreg [dreg:$0x11];
	[sflag:s13] =	ssyncadd.s32 $0xFFFFCE00  }
0x1d6: {  	[hbm:s26], [sflag:s12] =	dma.local [spmem:s14], $0x190  }
0x1d7: {  	_ =	swait.ge [sflag:s13], $0x190  }
0x1d8: {  	s11 =	sadd.s32 $0x1, s11;
	s30 =	rddreg [dreg:$0xf]  }
0x1d9: {  	p0 =	sne.s32 s11, s30  }
.Ltmp3:
0x1da: {  	_ = 	snop;
	(pc) =	sbr.rel @p0 .LBB2_1-.Ltmp3, $3  }
0x1db: {  	_ =	sdelay $0x1  }
0x1dc: {  	[sflag:s13] =	ssyncset.done $0x0  }
0x1dd: {  	[sflag:s13] =	ssyncadd.s32 $0xFFFFFE70  }
0x1de: {  	_ =	sfence.sel $0x180000  }
0x1df: {  	[bflag:$0x0] =	sbarrier.arrive $0xFFFF  }
0x1e0: {  	_ =	strace $0x90000047  }
0x1e1: {  	s0 =	stileid.u32;
	[bflag:$0x2] =	sbarrier.arrive $0xFFFF  }
0x1e2: {  	p0 =	sne.s32 s0, $0x0;
	s0 =	rddreg [dreg:$0x4]  }
0x1e3: {  	s0 =	sadd.s32 @!p0 $0x100000, s0  }
0x1e4: {  	[sflag:s0] =	ssyncadd.tile.s32 @!p0 $0x1;
	_ =	shalt  }
.Lfunc_end2:
_tile_overlayer_lowered:
.L_overlay_start_2:
0x1e5: {  	(tag) =	ssettag $0x2  }
0x1e6: {  	s0 =	rddreg [dreg:$0x0];
	s2 =	stileid.u32  }
0x1e7: {  	s1 =	rddreg [dreg:$0x1];
	p0 =	sne.s32 s2, $0x0  }
0x1e8: {  	s3 =	rddreg [dreg:$0x2];
	[bflag:$0x3] =	sbarrier.arrive $0xFFFF;
	s2 =	simm.s32 @!p0 $0x1C04  }
0x1e9: {  	[timem:s3], [sflag:s2] =	dma.local @!p0 [hbm:s0], s1  }
0x1ea: {  	s0 =	simm.s32 @!p0 $0x4  }
0x1eb: {  	_ =	swait.ge @!p0 [sflag:s0], s1  }
0x1ec: {  	s1 =	ssub.s32 @!p0 $0x0, s1;
	[sflag:s0] =	ssyncset.done @!p0 $0x0  }
0x1ed: {  	[sflag:s0] =	ssyncadd.s32 @!p0 s1  }
0x1ee: {  	[bflag:$0x3] =	sbarrier.arrive $0xFFFF  }
0x1ef: {  	_ =	shalt  }

</sc_bundles>
